<compile_context>
chip_gen: v7x
topology: tpu7x:2x2x1
jax: 0.10.2.dev20260603
libtpu: 0.0.44.dev20260713+nightly
codegen_flags: <defaults>
</compile_context>

<pallas_src>
import functools

import jax
import jax.numpy as jnp
from jax import lax
from jax.experimental import pallas as pl
from jax.experimental.pallas import tpu as pltpu
from jax.experimental.pallas import tpu_sc as plsc

N_MOD = 4
BATCH = 16384
D_IN = 64
EMBRACE = 64

BB = 1024
NW = 32
CW = 128
SC_COLS = NW * CW
SPLIT = BATCH - SC_COLS

_K0 = 0
_K1 = 42
_K2 = _K0 ^ _K1 ^ 0x1BD11BDA
_KS = (_K0, _K1, _K2)
_ROT = ((13, 15, 26, 6), (17, 29, 16, 24))


def _i32(v):
    v &= 0xFFFFFFFF
    return jnp.int32(v - 0x100000000 if v >= 0x80000000 else v)


def _threefry_bits(x1_keyed):
    x1 = x1_keyed
    x0 = None
    for i in range(5):
        for r in _ROT[i % 2]:
            x0 = x1 if x0 is None else x0 + x1
            x1 = (x1 << r) | lax.shift_right_logical(x1, 32 - r)
            x1 = x1 ^ x0
        x0 = x0 + _i32(_KS[(i + 1) % 3])
        x1 = x1 + _i32(_KS[(i + 2) % 3] + i + 1)
    return x0 ^ x1


def _docked(x_ref, w_ref, b_ref):
    docked = []
    for m in range(N_MOD):
        d = lax.dot_general(
            w_ref[m], x_ref[m],
            dimension_numbers=(((0,), (0,)), ((), ())),
            preferred_element_type=jnp.float32,
        )
        docked.append(jnp.maximum(d + b_ref[m][:, None], 0.0))
    return docked


def _tc_sample_kernel(x_ref, w_ref, b_ref, o_ref):
    docked = _docked(x_ref, w_ref, b_ref)

    c0 = pl.program_id(0) * BB
    feats = lax.broadcasted_iota(jnp.int32, (EMBRACE, BB), 0)
    cols = lax.broadcasted_iota(jnp.int32, (EMBRACE, BB), 1) + c0
    base = cols * (EMBRACE * N_MOD) + feats * N_MOD + _i32(_K1)

    best = lax.shift_right_logical(_threefry_bits(base), 9)
    res = docked[0]
    for m in range(1, N_MOD):
        v = lax.shift_right_logical(_threefry_bits(base + m), 9)
        take = v > best
        res = jnp.where(take, docked[m], res)
        best = jnp.maximum(v, best)

    o_ref[...] = res


def _tc_gather_kernel(x_ref, w_ref, b_ref, idx_ref, alias_ref, o_ref):
    del alias_ref
    docked = _docked(x_ref, w_ref, b_ref)
    idx = idx_ref[...]
    o_ref[...] = jnp.where(
        idx < 2,
        jnp.where(idx == 0, docked[0], docked[1]),
        jnp.where(idx == 2, docked[2], docked[3]),
    )


def _sc_body(o_ref, scratch_ref):
    wid = lax.axis_index("c") * 16 + lax.axis_index("s")
    lanes = lax.broadcasted_iota(jnp.int32, (16,), 0)
    rows_per = EMBRACE // NW

    for r in range(rows_per):
        e = wid * rows_per + r

        def step(cc, carry, e=e, r=r):
            col = SPLIT + cc * 16 + lanes
            base = col * (EMBRACE * N_MOD) + e * N_MOD + _i32(_K1)
            best = lax.shift_right_logical(_threefry_bits(base), 9)
            idx = jnp.zeros((16,), jnp.int32)
            for m in range(1, N_MOD):
                v = lax.shift_right_logical(_threefry_bits(base + m), 9)
                take = v > best
                idx = jnp.where(take, m, idx)
                best = jnp.maximum(v, best)
            scratch_ref[r, pl.ds(cc * 16, 16)] = idx
            return carry

        lax.fori_loop(0, SC_COLS // 16, step, 0)

    pltpu.sync_copy(scratch_ref, o_ref.at[pl.ds(wid * rows_per, rows_per)])


def _sc_idx():
    run = pl.kernel(
        _sc_body,
        out_type=jax.ShapeDtypeStruct((EMBRACE, SC_COLS), jnp.int32),
        mesh=plsc.VectorSubcoreMesh(core_axis_name="c", subcore_axis_name="s"),
        scratch_types=[pltpu.VMEM((EMBRACE // NW, SC_COLS), jnp.int32)],
    )
    return run()


@jax.jit
def kernel(outputs1, outputs2, available, W, b):
    del outputs2, available
    x_t = jnp.transpose(outputs1, (0, 2, 1))

    idx_sc = _sc_idx()

    head = pl.pallas_call(
        _tc_sample_kernel,
        grid=(SPLIT // BB,),
        in_specs=[
            pl.BlockSpec((N_MOD, D_IN, BB), lambda i: (0, 0, i)),
            pl.BlockSpec((N_MOD, D_IN, EMBRACE), lambda i: (0, 0, 0)),
            pl.BlockSpec((N_MOD, EMBRACE), lambda i: (0, 0)),
        ],
        out_specs=pl.BlockSpec((EMBRACE, BB), lambda i: (0, i)),
        out_shape=jax.ShapeDtypeStruct((EMBRACE, BATCH), jnp.float32),
    )(x_t, W, b)

    tail_blocks = BATCH // SC_COLS - 1
    out_t = pl.pallas_call(
        _tc_gather_kernel,
        grid=(1,),
        in_specs=[
            pl.BlockSpec((N_MOD, D_IN, SC_COLS), lambda i: (0, 0, tail_blocks)),
            pl.BlockSpec((N_MOD, D_IN, EMBRACE), lambda i: (0, 0, 0)),
            pl.BlockSpec((N_MOD, EMBRACE), lambda i: (0, 0)),
            pl.BlockSpec((EMBRACE, SC_COLS), lambda i: (0, 0)),
            pl.BlockSpec((8, 128), lambda i: (0, 0)),
        ],
        out_specs=pl.BlockSpec((EMBRACE, SC_COLS), lambda i: (0, tail_blocks)),
        out_shape=jax.ShapeDtypeStruct((EMBRACE, BATCH), jnp.float32),
        input_output_aliases={4: 0},
    )(x_t, W, b, idx_sc, head)
    return out_t.T

# --- scband reference (transcript-rebuilt; emitter-appended) ---
"""Pipeline reference for scband-model-one-15083925143791 (READ-ONLY COPY).

The authoritative reference and input builder live on the scoring server;
editing this copy changes nothing except your own understanding.
"""

import jax, jax.numpy as jnp
import numpy as np

N_MOD = 4
BATCH = 16384
D_IN = 64
EMBRACE = 64


def setup_inputs(seed: int = 0) -> dict:
    key = jax.random.key(seed)
    k1, k2, k3 = jax.random.split(key, 3)
    outputs1 = jax.random.normal(k1, (N_MOD, BATCH, D_IN), dtype=jnp.float32)
    outputs2 = jax.random.normal(k2, (N_MOD, BATCH, D_IN), dtype=jnp.float32)
    available = jnp.ones((N_MOD,), dtype=jnp.float32)
    # EmbraceNet docking layers: one Linear(D_IN -> EMBRACE) per modality
    W = jax.random.normal(k3, (N_MOD, D_IN, EMBRACE), dtype=jnp.float32) * 0.05
    b = jnp.zeros((N_MOD, EMBRACE), dtype=jnp.float32)
    return {"outputs1": outputs1, "outputs2": outputs2, "available": available, "W": W, "b": b}


def _embracenet_forward(inputs, W, b, probabilities, sample_key):
    # docking: per-modality linear + relu -> [M, B, E]
    docked = jax.nn.relu(jnp.einsum('mbd,mde->mbe', inputs, W) + b[:, None, :])
    B = docked.shape[1]
    # multinomial sampling of a modality index for every embracement feature
    logits = jnp.log(probabilities)  # [M]
    logits_b = jnp.broadcast_to(logits[None, None, :], (B, EMBRACE, N_MOD))
    modality_indices = jax.random.categorical(sample_key, logits_b, axis=-1)  # [B, E]
    modality_toggles = jax.nn.one_hot(modality_indices, N_MOD, dtype=docked.dtype)  # [B, E, M]
    docking_stack = jnp.transpose(docked, (1, 2, 0))  # [B, E, M]
    embracement = jnp.sum(docking_stack * modality_toggles, axis=-1)  # [B, E]
    return embracement


def reference(outputs1, outputs2, available, W, b):
    # Faithful to the torch code: the availability loop uses '==' (comparison, not
    # assignment), so availabilities remain all ones; forward also uses self.p,
    # the fixed uniform probabilities, not the trainable Parameter P.
    probabilities = jnp.ones((N_MOD,), dtype=jnp.float32) / N_MOD
    # FinalOut=False -> outputs1 is fused; outputs2 is unused.
    out = _embracenet_forward(outputs1, W, b, probabilities, jax.random.key(42))
    # use_ll=False and num_classes == embrace_size -> no LL head; torch returns (out, None)
    return out


if False:  # reference __main__ guard neutralized (emitter)
    inp = setup_inputs()
    o = reference(**inp)
    print(o.shape, o.dtype)

if __name__ == "__main__":
    import jax
    _d = setup_inputs()
    print(jax.jit(kernel)(*tuple(_d.values())))

</pallas_src>

<mosaic_0001>
#map = affine_map<(d0, d1) -> (0, 0)>
module attributes {stable_mosaic.version = 14 : i64} {
  func.func @_sc_body(%arg0: i32, %arg1: i32, %arg2: memref<64x4096xi32, #tpu.memory_space<hbm>>, %arg3: memref<2x4096xi32, #tpu.memory_space<vmem>>) attributes {dimension_semantics = [#tpu.dimension_semantics<core_parallel>, #tpu.dimension_semantics<subcore_parallel>], iteration_bounds = array<i64: 2, 16>, scalar_prefetch = 0 : i64, scratch_operands = 1 : i64, tpu.core_type = #tpu.core_type<sc_vector_subcore>, window_params = [{transform_indices = #map}]} {
    %mul3A = arith.constant 16 : i32
    %mul3A_0 = arith.muli %arg0, %mul3A : i32
    %add3A = arith.addi %mul3A_0, %arg1 : i32
    %iota3A = tpu.iota {dimensions = array<i32: 0>} : vector<16xi32>
    %mul3A_1 = arith.constant 2 : i32
    %mul3A_2 = arith.muli %add3A, %mul3A_1 : i32
    %add3A_3 = arith.constant 0 : i32
    %add3A_4 = arith.addi %mul3A_2, %add3A_3 : i32
    %scan3A = arith.constant 0 : i32
    %scan3A_5 = arith.constant 0 : i32
    %scan3A_6 = arith.constant 256 : i32
    %scan3A_7 = arith.addi %scan3A_5, %scan3A_6 : i32
    %scan3A_8 = arith.constant 1 : i32
    scf.for %scan3A_22 = %scan3A_5 to %scan3A_7 step %scan3A_8  : i32 {
      %mul3A_23 = arith.constant 16 : i32
      %mul3A_24 = arith.muli %scan3A_22, %mul3A_23 : i32
      %add3A_25 = arith.constant 12288 : i32
      %add3A_26 = arith.addi %add3A_25, %mul3A_24 : i32
      %add3A_27 = vector.broadcast %add3A_26 : i32 to vector<16xi32>
      %add3A_28 = arith.addi %add3A_27, %iota3A : vector<16xi32>
      %mul3A_29 = arith.constant 256 : i32
      %mul3A_30 = vector.broadcast %mul3A_29 : i32 to vector<16xi32>
      %mul3A_31 = arith.muli %add3A_28, %mul3A_30 : vector<16xi32>
      %mul3A_32 = arith.constant 4 : i32
      %mul3A_33 = arith.muli %add3A_4, %mul3A_32 : i32
      %add3A_34 = vector.broadcast %mul3A_33 : i32 to vector<16xi32>
      %add3A_35 = arith.addi %mul3A_31, %add3A_34 : vector<16xi32>
      %add3A_36 = arith.constant 42 : i32
      %add3A_37 = vector.broadcast %add3A_36 : i32 to vector<16xi32>
      %add3A_38 = arith.addi %add3A_35, %add3A_37 : vector<16xi32>
      %shift_left3A = arith.constant 13 : i32
      %shift_left3A_39 = vector.broadcast %shift_left3A : i32 to vector<16xi32>
      %shift_left3A_40 = arith.shli %add3A_38, %shift_left3A_39 : vector<16xi32>
      %shift_right_logical3A = arith.constant 19 : i32
      %shift_right_logical3A_41 = vector.broadcast %shift_right_logical3A : i32 to vector<16xi32>
      %shift_right_logical3A_42 = arith.shrui %add3A_38, %shift_right_logical3A_41 : vector<16xi32>
      %or3A = arith.ori %shift_left3A_40, %shift_right_logical3A_42 : vector<16xi32>
      %xor3A = arith.xori %or3A, %add3A_38 : vector<16xi32>
      %add3A_43 = arith.addi %add3A_38, %xor3A : vector<16xi32>
      %shift_left3A_44 = arith.constant 15 : i32
      %shift_left3A_45 = vector.broadcast %shift_left3A_44 : i32 to vector<16xi32>
      %shift_left3A_46 = arith.shli %xor3A, %shift_left3A_45 : vector<16xi32>
      %shift_right_logical3A_47 = arith.constant 17 : i32
      %shift_right_logical3A_48 = vector.broadcast %shift_right_logical3A_47 : i32 to vector<16xi32>
      %shift_right_logical3A_49 = arith.shrui %xor3A, %shift_right_logical3A_48 : vector<16xi32>
      %or3A_50 = arith.ori %shift_left3A_46, %shift_right_logical3A_49 : vector<16xi32>
      %xor3A_51 = arith.xori %or3A_50, %add3A_43 : vector<16xi32>
      %add3A_52 = arith.addi %add3A_43, %xor3A_51 : vector<16xi32>
      %shift_left3A_53 = arith.constant 26 : i32
      %shift_left3A_54 = vector.broadcast %shift_left3A_53 : i32 to vector<16xi32>
      %shift_left3A_55 = arith.shli %xor3A_51, %shift_left3A_54 : vector<16xi32>
      %shift_right_logical3A_56 = arith.constant 6 : i32
      %shift_right_logical3A_57 = vector.broadcast %shift_right_logical3A_56 : i32 to vector<16xi32>
      %shift_right_logical3A_58 = arith.shrui %xor3A_51, %shift_right_logical3A_57 : vector<16xi32>
      %or3A_59 = arith.ori %shift_left3A_55, %shift_right_logical3A_58 : vector<16xi32>
      %xor3A_60 = arith.xori %or3A_59, %add3A_52 : vector<16xi32>
      %add3A_61 = arith.addi %add3A_52, %xor3A_60 : vector<16xi32>
      %shift_left3A_62 = arith.constant 6 : i32
      %shift_left3A_63 = vector.broadcast %shift_left3A_62 : i32 to vector<16xi32>
      %shift_left3A_64 = arith.shli %xor3A_60, %shift_left3A_63 : vector<16xi32>
      %shift_right_logical3A_65 = arith.constant 26 : i32
      %shift_right_logical3A_66 = vector.broadcast %shift_right_logical3A_65 : i32 to vector<16xi32>
      %shift_right_logical3A_67 = arith.shrui %xor3A_60, %shift_right_logical3A_66 : vector<16xi32>
      %or3A_68 = arith.ori %shift_left3A_64, %shift_right_logical3A_67 : vector<16xi32>
      %xor3A_69 = arith.xori %or3A_68, %add3A_61 : vector<16xi32>
      %add3A_70 = arith.constant 42 : i32
      %add3A_71 = vector.broadcast %add3A_70 : i32 to vector<16xi32>
      %add3A_72 = arith.addi %add3A_61, %add3A_71 : vector<16xi32>
      %add3A_73 = arith.constant 466689009 : i32
      %add3A_74 = vector.broadcast %add3A_73 : i32 to vector<16xi32>
      %add3A_75 = arith.addi %xor3A_69, %add3A_74 : vector<16xi32>
      %add3A_76 = arith.addi %add3A_72, %add3A_75 : vector<16xi32>
      %shift_left3A_77 = arith.constant 17 : i32
      %shift_left3A_78 = vector.broadcast %shift_left3A_77 : i32 to vector<16xi32>
      %shift_left3A_79 = arith.shli %add3A_75, %shift_left3A_78 : vector<16xi32>
      %shift_right_logical3A_80 = arith.constant 15 : i32
      %shift_right_logical3A_81 = vector.broadcast %shift_right_logical3A_80 : i32 to vector<16xi32>
      %shift_right_logical3A_82 = arith.shrui %add3A_75, %shift_right_logical3A_81 : vector<16xi32>
      %or3A_83 = arith.ori %shift_left3A_79, %shift_right_logical3A_82 : vector<16xi32>
      %xor3A_84 = arith.xori %or3A_83, %add3A_76 : vector<16xi32>
      %add3A_85 = arith.addi %add3A_76, %xor3A_84 : vector<16xi32>
      %shift_left3A_86 = arith.constant 29 : i32
      %shift_left3A_87 = vector.broadcast %shift_left3A_86 : i32 to vector<16xi32>
      %shift_left3A_88 = arith.shli %xor3A_84, %shift_left3A_87 : vector<16xi32>
      %shift_right_logical3A_89 = arith.constant 3 : i32
      %shift_right_logical3A_90 = vector.broadcast %shift_right_logical3A_89 : i32 to vector<16xi32>
      %shift_right_logical3A_91 = arith.shrui %xor3A_84, %shift_right_logical3A_90 : vector<16xi32>
      %or3A_92 = arith.ori %shift_left3A_88, %shift_right_logical3A_91 : vector<16xi32>
      %xor3A_93 = arith.xori %or3A_92, %add3A_85 : vector<16xi32>
      %add3A_94 = arith.addi %add3A_85, %xor3A_93 : vector<16xi32>
      %shift_left3A_95 = arith.constant 16 : i32
      %shift_left3A_96 = vector.broadcast %shift_left3A_95 : i32 to vector<16xi32>
      %shift_left3A_97 = arith.shli %xor3A_93, %shift_left3A_96 : vector<16xi32>
      %shift_right_logical3A_98 = arith.constant 16 : i32
      %shift_right_logical3A_99 = vector.broadcast %shift_right_logical3A_98 : i32 to vector<16xi32>
      %shift_right_logical3A_100 = arith.shrui %xor3A_93, %shift_right_logical3A_99 : vector<16xi32>
      %or3A_101 = arith.ori %shift_left3A_97, %shift_right_logical3A_100 : vector<16xi32>
      %xor3A_102 = arith.xori %or3A_101, %add3A_94 : vector<16xi32>
      %add3A_103 = arith.addi %add3A_94, %xor3A_102 : vector<16xi32>
      %shift_left3A_104 = arith.constant 24 : i32
      %shift_left3A_105 = vector.broadcast %shift_left3A_104 : i32 to vector<16xi32>
      %shift_left3A_106 = arith.shli %xor3A_102, %shift_left3A_105 : vector<16xi32>
      %shift_right_logical3A_107 = arith.constant 8 : i32
      %shift_right_logical3A_108 = vector.broadcast %shift_right_logical3A_107 : i32 to vector<16xi32>
      %shift_right_logical3A_109 = arith.shrui %xor3A_102, %shift_right_logical3A_108 : vector<16xi32>
      %or3A_110 = arith.ori %shift_left3A_106, %shift_right_logical3A_109 : vector<16xi32>
      %xor3A_111 = arith.xori %or3A_110, %add3A_103 : vector<16xi32>
      %add3A_112 = arith.constant 466689008 : i32
      %add3A_113 = vector.broadcast %add3A_112 : i32 to vector<16xi32>
      %add3A_114 = arith.addi %add3A_103, %add3A_113 : vector<16xi32>
      %add3A_115 = arith.constant 2 : i32
      %add3A_116 = vector.broadcast %add3A_115 : i32 to vector<16xi32>
      %add3A_117 = arith.addi %xor3A_111, %add3A_116 : vector<16xi32>
      %add3A_118 = arith.addi %add3A_114, %add3A_117 : vector<16xi32>
      %shift_left3A_119 = arith.constant 13 : i32
      %shift_left3A_120 = vector.broadcast %shift_left3A_119 : i32 to vector<16xi32>
      %shift_left3A_121 = arith.shli %add3A_117, %shift_left3A_120 : vector<16xi32>
      %shift_right_logical3A_122 = arith.constant 19 : i32
      %shift_right_logical3A_123 = vector.broadcast %shift_right_logical3A_122 : i32 to vector<16xi32>
      %shift_right_logical3A_124 = arith.shrui %add3A_117, %shift_right_logical3A_123 : vector<16xi32>
      %or3A_125 = arith.ori %shift_left3A_121, %shift_right_logical3A_124 : vector<16xi32>
      %xor3A_126 = arith.xori %or3A_125, %add3A_118 : vector<16xi32>
      %add3A_127 = arith.addi %add3A_118, %xor3A_126 : vector<16xi32>
      %shift_left3A_128 = arith.constant 15 : i32
      %shift_left3A_129 = vector.broadcast %shift_left3A_128 : i32 to vector<16xi32>
      %shift_left3A_130 = arith.shli %xor3A_126, %shift_left3A_129 : vector<16xi32>
      %shift_right_logical3A_131 = arith.constant 17 : i32
      %shift_right_logical3A_132 = vector.broadcast %shift_right_logical3A_131 : i32 to vector<16xi32>
      %shift_right_logical3A_133 = arith.shrui %xor3A_126, %shift_right_logical3A_132 : vector<16xi32>
      %or3A_134 = arith.ori %shift_left3A_130, %shift_right_logical3A_133 : vector<16xi32>
      %xor3A_135 = arith.xori %or3A_134, %add3A_127 : vector<16xi32>
      %add3A_136 = arith.addi %add3A_127, %xor3A_135 : vector<16xi32>
      %shift_left3A_137 = arith.constant 26 : i32
      %shift_left3A_138 = vector.broadcast %shift_left3A_137 : i32 to vector<16xi32>
      %shift_left3A_139 = arith.shli %xor3A_135, %shift_left3A_138 : vector<16xi32>
      %shift_right_logical3A_140 = arith.constant 6 : i32
      %shift_right_logical3A_141 = vector.broadcast %shift_right_logical3A_140 : i32 to vector<16xi32>
      %shift_right_logical3A_142 = arith.shrui %xor3A_135, %shift_right_logical3A_141 : vector<16xi32>
      %or3A_143 = arith.ori %shift_left3A_139, %shift_right_logical3A_142 : vector<16xi32>
      %xor3A_144 = arith.xori %or3A_143, %add3A_136 : vector<16xi32>
      %add3A_145 = arith.addi %add3A_136, %xor3A_144 : vector<16xi32>
      %shift_left3A_146 = arith.constant 6 : i32
      %shift_left3A_147 = vector.broadcast %shift_left3A_146 : i32 to vector<16xi32>
      %shift_left3A_148 = arith.shli %xor3A_144, %shift_left3A_147 : vector<16xi32>
      %shift_right_logical3A_149 = arith.constant 26 : i32
      %shift_right_logical3A_150 = vector.broadcast %shift_right_logical3A_149 : i32 to vector<16xi32>
      %shift_right_logical3A_151 = arith.shrui %xor3A_144, %shift_right_logical3A_150 : vector<16xi32>
      %or3A_152 = arith.ori %shift_left3A_148, %shift_right_logical3A_151 : vector<16xi32>
      %xor3A_153 = arith.xori %or3A_152, %add3A_145 : vector<16xi32>
      %add3A_154 = arith.constant 0 : i32
      %add3A_155 = vector.broadcast %add3A_154 : i32 to vector<16xi32>
      %add3A_156 = arith.addi %add3A_145, %add3A_155 : vector<16xi32>
      %add3A_157 = arith.constant 45 : i32
      %add3A_158 = vector.broadcast %add3A_157 : i32 to vector<16xi32>
      %add3A_159 = arith.addi %xor3A_153, %add3A_158 : vector<16xi32>
      %add3A_160 = arith.addi %add3A_156, %add3A_159 : vector<16xi32>
      %shift_left3A_161 = arith.constant 17 : i32
      %shift_left3A_162 = vector.broadcast %shift_left3A_161 : i32 to vector<16xi32>
      %shift_left3A_163 = arith.shli %add3A_159, %shift_left3A_162 : vector<16xi32>
      %shift_right_logical3A_164 = arith.constant 15 : i32
      %shift_right_logical3A_165 = vector.broadcast %shift_right_logical3A_164 : i32 to vector<16xi32>
      %shift_right_logical3A_166 = arith.shrui %add3A_159, %shift_right_logical3A_165 : vector<16xi32>
      %or3A_167 = arith.ori %shift_left3A_163, %shift_right_logical3A_166 : vector<16xi32>
      %xor3A_168 = arith.xori %or3A_167, %add3A_160 : vector<16xi32>
      %add3A_169 = arith.addi %add3A_160, %xor3A_168 : vector<16xi32>
      %shift_left3A_170 = arith.constant 29 : i32
      %shift_left3A_171 = vector.broadcast %shift_left3A_170 : i32 to vector<16xi32>
      %shift_left3A_172 = arith.shli %xor3A_168, %shift_left3A_171 : vector<16xi32>
      %shift_right_logical3A_173 = arith.constant 3 : i32
      %shift_right_logical3A_174 = vector.broadcast %shift_right_logical3A_173 : i32 to vector<16xi32>
      %shift_right_logical3A_175 = arith.shrui %xor3A_168, %shift_right_logical3A_174 : vector<16xi32>
      %or3A_176 = arith.ori %shift_left3A_172, %shift_right_logical3A_175 : vector<16xi32>
      %xor3A_177 = arith.xori %or3A_176, %add3A_169 : vector<16xi32>
      %add3A_178 = arith.addi %add3A_169, %xor3A_177 : vector<16xi32>
      %shift_left3A_179 = arith.constant 16 : i32
      %shift_left3A_180 = vector.broadcast %shift_left3A_179 : i32 to vector<16xi32>
      %shift_left3A_181 = arith.shli %xor3A_177, %shift_left3A_180 : vector<16xi32>
      %shift_right_logical3A_182 = arith.constant 16 : i32
      %shift_right_logical3A_183 = vector.broadcast %shift_right_logical3A_182 : i32 to vector<16xi32>
      %shift_right_logical3A_184 = arith.shrui %xor3A_177, %shift_right_logical3A_183 : vector<16xi32>
      %or3A_185 = arith.ori %shift_left3A_181, %shift_right_logical3A_184 : vector<16xi32>
      %xor3A_186 = arith.xori %or3A_185, %add3A_178 : vector<16xi32>
      %add3A_187 = arith.addi %add3A_178, %xor3A_186 : vector<16xi32>
      %shift_left3A_188 = arith.constant 24 : i32
      %shift_left3A_189 = vector.broadcast %shift_left3A_188 : i32 to vector<16xi32>
      %shift_left3A_190 = arith.shli %xor3A_186, %shift_left3A_189 : vector<16xi32>
      %shift_right_logical3A_191 = arith.constant 8 : i32
      %shift_right_logical3A_192 = vector.broadcast %shift_right_logical3A_191 : i32 to vector<16xi32>
      %shift_right_logical3A_193 = arith.shrui %xor3A_186, %shift_right_logical3A_192 : vector<16xi32>
      %or3A_194 = arith.ori %shift_left3A_190, %shift_right_logical3A_193 : vector<16xi32>
      %xor3A_195 = arith.xori %or3A_194, %add3A_187 : vector<16xi32>
      %add3A_196 = arith.constant 42 : i32
      %add3A_197 = vector.broadcast %add3A_196 : i32 to vector<16xi32>
      %add3A_198 = arith.addi %add3A_187, %add3A_197 : vector<16xi32>
      %add3A_199 = arith.constant 466689012 : i32
      %add3A_200 = vector.broadcast %add3A_199 : i32 to vector<16xi32>
      %add3A_201 = arith.addi %xor3A_195, %add3A_200 : vector<16xi32>
      %add3A_202 = arith.addi %add3A_198, %add3A_201 : vector<16xi32>
      %shift_left3A_203 = arith.constant 13 : i32
      %shift_left3A_204 = vector.broadcast %shift_left3A_203 : i32 to vector<16xi32>
      %shift_left3A_205 = arith.shli %add3A_201, %shift_left3A_204 : vector<16xi32>
      %shift_right_logical3A_206 = arith.constant 19 : i32
      %shift_right_logical3A_207 = vector.broadcast %shift_right_logical3A_206 : i32 to vector<16xi32>
      %shift_right_logical3A_208 = arith.shrui %add3A_201, %shift_right_logical3A_207 : vector<16xi32>
      %or3A_209 = arith.ori %shift_left3A_205, %shift_right_logical3A_208 : vector<16xi32>
      %xor3A_210 = arith.xori %or3A_209, %add3A_202 : vector<16xi32>
      %add3A_211 = arith.addi %add3A_202, %xor3A_210 : vector<16xi32>
      %shift_left3A_212 = arith.constant 15 : i32
      %shift_left3A_213 = vector.broadcast %shift_left3A_212 : i32 to vector<16xi32>
      %shift_left3A_214 = arith.shli %xor3A_210, %shift_left3A_213 : vector<16xi32>
      %shift_right_logical3A_215 = arith.constant 17 : i32
      %shift_right_logical3A_216 = vector.broadcast %shift_right_logical3A_215 : i32 to vector<16xi32>
      %shift_right_logical3A_217 = arith.shrui %xor3A_210, %shift_right_logical3A_216 : vector<16xi32>
      %or3A_218 = arith.ori %shift_left3A_214, %shift_right_logical3A_217 : vector<16xi32>
      %xor3A_219 = arith.xori %or3A_218, %add3A_211 : vector<16xi32>
      %add3A_220 = arith.addi %add3A_211, %xor3A_219 : vector<16xi32>
      %shift_left3A_221 = arith.constant 26 : i32
      %shift_left3A_222 = vector.broadcast %shift_left3A_221 : i32 to vector<16xi32>
      %shift_left3A_223 = arith.shli %xor3A_219, %shift_left3A_222 : vector<16xi32>
      %shift_right_logical3A_224 = arith.constant 6 : i32
      %shift_right_logical3A_225 = vector.broadcast %shift_right_logical3A_224 : i32 to vector<16xi32>
      %shift_right_logical3A_226 = arith.shrui %xor3A_219, %shift_right_logical3A_225 : vector<16xi32>
      %or3A_227 = arith.ori %shift_left3A_223, %shift_right_logical3A_226 : vector<16xi32>
      %xor3A_228 = arith.xori %or3A_227, %add3A_220 : vector<16xi32>
      %add3A_229 = arith.addi %add3A_220, %xor3A_228 : vector<16xi32>
      %shift_left3A_230 = arith.constant 6 : i32
      %shift_left3A_231 = vector.broadcast %shift_left3A_230 : i32 to vector<16xi32>
      %shift_left3A_232 = arith.shli %xor3A_228, %shift_left3A_231 : vector<16xi32>
      %shift_right_logical3A_233 = arith.constant 26 : i32
      %shift_right_logical3A_234 = vector.broadcast %shift_right_logical3A_233 : i32 to vector<16xi32>
      %shift_right_logical3A_235 = arith.shrui %xor3A_228, %shift_right_logical3A_234 : vector<16xi32>
      %or3A_236 = arith.ori %shift_left3A_232, %shift_right_logical3A_235 : vector<16xi32>
      %xor3A_237 = arith.xori %or3A_236, %add3A_229 : vector<16xi32>
      %add3A_238 = arith.constant 466689008 : i32
      %add3A_239 = vector.broadcast %add3A_238 : i32 to vector<16xi32>
      %add3A_240 = arith.addi %add3A_229, %add3A_239 : vector<16xi32>
      %add3A_241 = arith.constant 5 : i32
      %add3A_242 = vector.broadcast %add3A_241 : i32 to vector<16xi32>
      %add3A_243 = arith.addi %xor3A_237, %add3A_242 : vector<16xi32>
      %xor3A_244 = arith.xori %add3A_240, %add3A_243 : vector<16xi32>
      %shift_right_logical3A_245 = arith.constant 9 : i32
      %shift_right_logical3A_246 = vector.broadcast %shift_right_logical3A_245 : i32 to vector<16xi32>
      %shift_right_logical3A_247 = arith.shrui %xor3A_244, %shift_right_logical3A_246 : vector<16xi32>
      %broadcast_in_dim3A = arith.constant 0 : i32
      %broadcast_in_dim3A_248 = vector.broadcast %broadcast_in_dim3A : i32 to vector<16xi32>
      %add3A_249 = arith.constant 1 : i32
      %add3A_250 = vector.broadcast %add3A_249 : i32 to vector<16xi32>
      %add3A_251 = arith.addi %add3A_38, %add3A_250 : vector<16xi32>
      %shift_left3A_252 = arith.constant 13 : i32
      %shift_left3A_253 = vector.broadcast %shift_left3A_252 : i32 to vector<16xi32>
      %shift_left3A_254 = arith.shli %add3A_251, %shift_left3A_253 : vector<16xi32>
      %shift_right_logical3A_255 = arith.constant 19 : i32
      %shift_right_logical3A_256 = vector.broadcast %shift_right_logical3A_255 : i32 to vector<16xi32>
      %shift_right_logical3A_257 = arith.shrui %add3A_251, %shift_right_logical3A_256 : vector<16xi32>
      %or3A_258 = arith.ori %shift_left3A_254, %shift_right_logical3A_257 : vector<16xi32>
      %xor3A_259 = arith.xori %or3A_258, %add3A_251 : vector<16xi32>
      %add3A_260 = arith.addi %add3A_251, %xor3A_259 : vector<16xi32>
      %shift_left3A_261 = arith.constant 15 : i32
      %shift_left3A_262 = vector.broadcast %shift_left3A_261 : i32 to vector<16xi32>
      %shift_left3A_263 = arith.shli %xor3A_259, %shift_left3A_262 : vector<16xi32>
      %shift_right_logical3A_264 = arith.constant 17 : i32
      %shift_right_logical3A_265 = vector.broadcast %shift_right_logical3A_264 : i32 to vector<16xi32>
      %shift_right_logical3A_266 = arith.shrui %xor3A_259, %shift_right_logical3A_265 : vector<16xi32>
      %or3A_267 = arith.ori %shift_left3A_263, %shift_right_logical3A_266 : vector<16xi32>
      %xor3A_268 = arith.xori %or3A_267, %add3A_260 : vector<16xi32>
      %add3A_269 = arith.addi %add3A_260, %xor3A_268 : vector<16xi32>
      %shift_left3A_270 = arith.constant 26 : i32
      %shift_left3A_271 = vector.broadcast %shift_left3A_270 : i32 to vector<16xi32>
      %shift_left3A_272 = arith.shli %xor3A_268, %shift_left3A_271 : vector<16xi32>
      %shift_right_logical3A_273 = arith.constant 6 : i32
      %shift_right_logical3A_274 = vector.broadcast %shift_right_logical3A_273 : i32 to vector<16xi32>
      %shift_right_logical3A_275 = arith.shrui %xor3A_268, %shift_right_logical3A_274 : vector<16xi32>
      %or3A_276 = arith.ori %shift_left3A_272, %shift_right_logical3A_275 : vector<16xi32>
      %xor3A_277 = arith.xori %or3A_276, %add3A_269 : vector<16xi32>
      %add3A_278 = arith.addi %add3A_269, %xor3A_277 : vector<16xi32>
      %shift_left3A_279 = arith.constant 6 : i32
      %shift_left3A_280 = vector.broadcast %shift_left3A_279 : i32 to vector<16xi32>
      %shift_left3A_281 = arith.shli %xor3A_277, %shift_left3A_280 : vector<16xi32>
      %shift_right_logical3A_282 = arith.constant 26 : i32
      %shift_right_logical3A_283 = vector.broadcast %shift_right_logical3A_282 : i32 to vector<16xi32>
      %shift_right_logical3A_284 = arith.shrui %xor3A_277, %shift_right_logical3A_283 : vector<16xi32>
      %or3A_285 = arith.ori %shift_left3A_281, %shift_right_logical3A_284 : vector<16xi32>
      %xor3A_286 = arith.xori %or3A_285, %add3A_278 : vector<16xi32>
      %add3A_287 = arith.constant 42 : i32
      %add3A_288 = vector.broadcast %add3A_287 : i32 to vector<16xi32>
      %add3A_289 = arith.addi %add3A_278, %add3A_288 : vector<16xi32>
      %add3A_290 = arith.constant 466689009 : i32
      %add3A_291 = vector.broadcast %add3A_290 : i32 to vector<16xi32>
      %add3A_292 = arith.addi %xor3A_286, %add3A_291 : vector<16xi32>
      %add3A_293 = arith.addi %add3A_289, %add3A_292 : vector<16xi32>
      %shift_left3A_294 = arith.constant 17 : i32
      %shift_left3A_295 = vector.broadcast %shift_left3A_294 : i32 to vector<16xi32>
      %shift_left3A_296 = arith.shli %add3A_292, %shift_left3A_295 : vector<16xi32>
      %shift_right_logical3A_297 = arith.constant 15 : i32
      %shift_right_logical3A_298 = vector.broadcast %shift_right_logical3A_297 : i32 to vector<16xi32>
      %shift_right_logical3A_299 = arith.shrui %add3A_292, %shift_right_logical3A_298 : vector<16xi32>
      %or3A_300 = arith.ori %shift_left3A_296, %shift_right_logical3A_299 : vector<16xi32>
      %xor3A_301 = arith.xori %or3A_300, %add3A_293 : vector<16xi32>
      %add3A_302 = arith.addi %add3A_293, %xor3A_301 : vector<16xi32>
      %shift_left3A_303 = arith.constant 29 : i32
      %shift_left3A_304 = vector.broadcast %shift_left3A_303 : i32 to vector<16xi32>
      %shift_left3A_305 = arith.shli %xor3A_301, %shift_left3A_304 : vector<16xi32>
      %shift_right_logical3A_306 = arith.constant 3 : i32
      %shift_right_logical3A_307 = vector.broadcast %shift_right_logical3A_306 : i32 to vector<16xi32>
      %shift_right_logical3A_308 = arith.shrui %xor3A_301, %shift_right_logical3A_307 : vector<16xi32>
      %or3A_309 = arith.ori %shift_left3A_305, %shift_right_logical3A_308 : vector<16xi32>
      %xor3A_310 = arith.xori %or3A_309, %add3A_302 : vector<16xi32>
      %add3A_311 = arith.addi %add3A_302, %xor3A_310 : vector<16xi32>
      %shift_left3A_312 = arith.constant 16 : i32
      %shift_left3A_313 = vector.broadcast %shift_left3A_312 : i32 to vector<16xi32>
      %shift_left3A_314 = arith.shli %xor3A_310, %shift_left3A_313 : vector<16xi32>
      %shift_right_logical3A_315 = arith.constant 16 : i32
      %shift_right_logical3A_316 = vector.broadcast %shift_right_logical3A_315 : i32 to vector<16xi32>
      %shift_right_logical3A_317 = arith.shrui %xor3A_310, %shift_right_logical3A_316 : vector<16xi32>
      %or3A_318 = arith.ori %shift_left3A_314, %shift_right_logical3A_317 : vector<16xi32>
      %xor3A_319 = arith.xori %or3A_318, %add3A_311 : vector<16xi32>
      %add3A_320 = arith.addi %add3A_311, %xor3A_319 : vector<16xi32>
      %shift_left3A_321 = arith.constant 24 : i32
      %shift_left3A_322 = vector.broadcast %shift_left3A_321 : i32 to vector<16xi32>
      %shift_left3A_323 = arith.shli %xor3A_319, %shift_left3A_322 : vector<16xi32>
      %shift_right_logical3A_324 = arith.constant 8 : i32
      %shift_right_logical3A_325 = vector.broadcast %shift_right_logical3A_324 : i32 to vector<16xi32>
      %shift_right_logical3A_326 = arith.shrui %xor3A_319, %shift_right_logical3A_325 : vector<16xi32>
      %or3A_327 = arith.ori %shift_left3A_323, %shift_right_logical3A_326 : vector<16xi32>
      %xor3A_328 = arith.xori %or3A_327, %add3A_320 : vector<16xi32>
      %add3A_329 = arith.constant 466689008 : i32
      %add3A_330 = vector.broadcast %add3A_329 : i32 to vector<16xi32>
      %add3A_331 = arith.addi %add3A_320, %add3A_330 : vector<16xi32>
      %add3A_332 = arith.constant 2 : i32
      %add3A_333 = vector.broadcast %add3A_332 : i32 to vector<16xi32>
      %add3A_334 = arith.addi %xor3A_328, %add3A_333 : vector<16xi32>
      %add3A_335 = arith.addi %add3A_331, %add3A_334 : vector<16xi32>
      %shift_left3A_336 = arith.constant 13 : i32
      %shift_left3A_337 = vector.broadcast %shift_left3A_336 : i32 to vector<16xi32>
      %shift_left3A_338 = arith.shli %add3A_334, %shift_left3A_337 : vector<16xi32>
      %shift_right_logical3A_339 = arith.constant 19 : i32
      %shift_right_logical3A_340 = vector.broadcast %shift_right_logical3A_339 : i32 to vector<16xi32>
      %shift_right_logical3A_341 = arith.shrui %add3A_334, %shift_right_logical3A_340 : vector<16xi32>
      %or3A_342 = arith.ori %shift_left3A_338, %shift_right_logical3A_341 : vector<16xi32>
      %xor3A_343 = arith.xori %or3A_342, %add3A_335 : vector<16xi32>
      %add3A_344 = arith.addi %add3A_335, %xor3A_343 : vector<16xi32>
      %shift_left3A_345 = arith.constant 15 : i32
      %shift_left3A_346 = vector.broadcast %shift_left3A_345 : i32 to vector<16xi32>
      %shift_left3A_347 = arith.shli %xor3A_343, %shift_left3A_346 : vector<16xi32>
      %shift_right_logical3A_348 = arith.constant 17 : i32
      %shift_right_logical3A_349 = vector.broadcast %shift_right_logical3A_348 : i32 to vector<16xi32>
      %shift_right_logical3A_350 = arith.shrui %xor3A_343, %shift_right_logical3A_349 : vector<16xi32>
      %or3A_351 = arith.ori %shift_left3A_347, %shift_right_logical3A_350 : vector<16xi32>
      %xor3A_352 = arith.xori %or3A_351, %add3A_344 : vector<16xi32>
      %add3A_353 = arith.addi %add3A_344, %xor3A_352 : vector<16xi32>
      %shift_left3A_354 = arith.constant 26 : i32
      %shift_left3A_355 = vector.broadcast %shift_left3A_354 : i32 to vector<16xi32>
      %shift_left3A_356 = arith.shli %xor3A_352, %shift_left3A_355 : vector<16xi32>
      %shift_right_logical3A_357 = arith.constant 6 : i32
      %shift_right_logical3A_358 = vector.broadcast %shift_right_logical3A_357 : i32 to vector<16xi32>
      %shift_right_logical3A_359 = arith.shrui %xor3A_352, %shift_right_logical3A_358 : vector<16xi32>
      %or3A_360 = arith.ori %shift_left3A_356, %shift_right_logical3A_359 : vector<16xi32>
      %xor3A_361 = arith.xori %or3A_360, %add3A_353 : vector<16xi32>
      %add3A_362 = arith.addi %add3A_353, %xor3A_361 : vector<16xi32>
      %shift_left3A_363 = arith.constant 6 : i32
      %shift_left3A_364 = vector.broadcast %shift_left3A_363 : i32 to vector<16xi32>
      %shift_left3A_365 = arith.shli %xor3A_361, %shift_left3A_364 : vector<16xi32>
      %shift_right_logical3A_366 = arith.constant 26 : i32
      %shift_right_logical3A_367 = vector.broadcast %shift_right_logical3A_366 : i32 to vector<16xi32>
      %shift_right_logical3A_368 = arith.shrui %xor3A_361, %shift_right_logical3A_367 : vector<16xi32>
      %or3A_369 = arith.ori %shift_left3A_365, %shift_right_logical3A_368 : vector<16xi32>
      %xor3A_370 = arith.xori %or3A_369, %add3A_362 : vector<16xi32>
      %add3A_371 = arith.constant 0 : i32
      %add3A_372 = vector.broadcast %add3A_371 : i32 to vector<16xi32>
      %add3A_373 = arith.addi %add3A_362, %add3A_372 : vector<16xi32>
      %add3A_374 = arith.constant 45 : i32
      %add3A_375 = vector.broadcast %add3A_374 : i32 to vector<16xi32>
      %add3A_376 = arith.addi %xor3A_370, %add3A_375 : vector<16xi32>
      %add3A_377 = arith.addi %add3A_373, %add3A_376 : vector<16xi32>
      %shift_left3A_378 = arith.constant 17 : i32
      %shift_left3A_379 = vector.broadcast %shift_left3A_378 : i32 to vector<16xi32>
      %shift_left3A_380 = arith.shli %add3A_376, %shift_left3A_379 : vector<16xi32>
      %shift_right_logical3A_381 = arith.constant 15 : i32
      %shift_right_logical3A_382 = vector.broadcast %shift_right_logical3A_381 : i32 to vector<16xi32>
      %shift_right_logical3A_383 = arith.shrui %add3A_376, %shift_right_logical3A_382 : vector<16xi32>
      %or3A_384 = arith.ori %shift_left3A_380, %shift_right_logical3A_383 : vector<16xi32>
      %xor3A_385 = arith.xori %or3A_384, %add3A_377 : vector<16xi32>
      %add3A_386 = arith.addi %add3A_377, %xor3A_385 : vector<16xi32>
      %shift_left3A_387 = arith.constant 29 : i32
      %shift_left3A_388 = vector.broadcast %shift_left3A_387 : i32 to vector<16xi32>
      %shift_left3A_389 = arith.shli %xor3A_385, %shift_left3A_388 : vector<16xi32>
      %shift_right_logical3A_390 = arith.constant 3 : i32
      %shift_right_logical3A_391 = vector.broadcast %shift_right_logical3A_390 : i32 to vector<16xi32>
      %shift_right_logical3A_392 = arith.shrui %xor3A_385, %shift_right_logical3A_391 : vector<16xi32>
      %or3A_393 = arith.ori %shift_left3A_389, %shift_right_logical3A_392 : vector<16xi32>
      %xor3A_394 = arith.xori %or3A_393, %add3A_386 : vector<16xi32>
      %add3A_395 = arith.addi %add3A_386, %xor3A_394 : vector<16xi32>
      %shift_left3A_396 = arith.constant 16 : i32
      %shift_left3A_397 = vector.broadcast %shift_left3A_396 : i32 to vector<16xi32>
      %shift_left3A_398 = arith.shli %xor3A_394, %shift_left3A_397 : vector<16xi32>
      %shift_right_logical3A_399 = arith.constant 16 : i32
      %shift_right_logical3A_400 = vector.broadcast %shift_right_logical3A_399 : i32 to vector<16xi32>
      %shift_right_logical3A_401 = arith.shrui %xor3A_394, %shift_right_logical3A_400 : vector<16xi32>
      %or3A_402 = arith.ori %shift_left3A_398, %shift_right_logical3A_401 : vector<16xi32>
      %xor3A_403 = arith.xori %or3A_402, %add3A_395 : vector<16xi32>
      %add3A_404 = arith.addi %add3A_395, %xor3A_403 : vector<16xi32>
      %shift_left3A_405 = arith.constant 24 : i32
      %shift_left3A_406 = vector.broadcast %shift_left3A_405 : i32 to vector<16xi32>
      %shift_left3A_407 = arith.shli %xor3A_403, %shift_left3A_406 : vector<16xi32>
      %shift_right_logical3A_408 = arith.constant 8 : i32
      %shift_right_logical3A_409 = vector.broadcast %shift_right_logical3A_408 : i32 to vector<16xi32>
      %shift_right_logical3A_410 = arith.shrui %xor3A_403, %shift_right_logical3A_409 : vector<16xi32>
      %or3A_411 = arith.ori %shift_left3A_407, %shift_right_logical3A_410 : vector<16xi32>
      %xor3A_412 = arith.xori %or3A_411, %add3A_404 : vector<16xi32>
      %add3A_413 = arith.constant 42 : i32
      %add3A_414 = vector.broadcast %add3A_413 : i32 to vector<16xi32>
      %add3A_415 = arith.addi %add3A_404, %add3A_414 : vector<16xi32>
      %add3A_416 = arith.constant 466689012 : i32
      %add3A_417 = vector.broadcast %add3A_416 : i32 to vector<16xi32>
      %add3A_418 = arith.addi %xor3A_412, %add3A_417 : vector<16xi32>
      %add3A_419 = arith.addi %add3A_415, %add3A_418 : vector<16xi32>
      %shift_left3A_420 = arith.constant 13 : i32
      %shift_left3A_421 = vector.broadcast %shift_left3A_420 : i32 to vector<16xi32>
      %shift_left3A_422 = arith.shli %add3A_418, %shift_left3A_421 : vector<16xi32>
      %shift_right_logical3A_423 = arith.constant 19 : i32
      %shift_right_logical3A_424 = vector.broadcast %shift_right_logical3A_423 : i32 to vector<16xi32>
      %shift_right_logical3A_425 = arith.shrui %add3A_418, %shift_right_logical3A_424 : vector<16xi32>
      %or3A_426 = arith.ori %shift_left3A_422, %shift_right_logical3A_425 : vector<16xi32>
      %xor3A_427 = arith.xori %or3A_426, %add3A_419 : vector<16xi32>
      %add3A_428 = arith.addi %add3A_419, %xor3A_427 : vector<16xi32>
      %shift_left3A_429 = arith.constant 15 : i32
      %shift_left3A_430 = vector.broadcast %shift_left3A_429 : i32 to vector<16xi32>
      %shift_left3A_431 = arith.shli %xor3A_427, %shift_left3A_430 : vector<16xi32>
      %shift_right_logical3A_432 = arith.constant 17 : i32
      %shift_right_logical3A_433 = vector.broadcast %shift_right_logical3A_432 : i32 to vector<16xi32>
      %shift_right_logical3A_434 = arith.shrui %xor3A_427, %shift_right_logical3A_433 : vector<16xi32>
      %or3A_435 = arith.ori %shift_left3A_431, %shift_right_logical3A_434 : vector<16xi32>
      %xor3A_436 = arith.xori %or3A_435, %add3A_428 : vector<16xi32>
      %add3A_437 = arith.addi %add3A_428, %xor3A_436 : vector<16xi32>
      %shift_left3A_438 = arith.constant 26 : i32
      %shift_left3A_439 = vector.broadcast %shift_left3A_438 : i32 to vector<16xi32>
      %shift_left3A_440 = arith.shli %xor3A_436, %shift_left3A_439 : vector<16xi32>
      %shift_right_logical3A_441 = arith.constant 6 : i32
      %shift_right_logical3A_442 = vector.broadcast %shift_right_logical3A_441 : i32 to vector<16xi32>
      %shift_right_logical3A_443 = arith.shrui %xor3A_436, %shift_right_logical3A_442 : vector<16xi32>
      %or3A_444 = arith.ori %shift_left3A_440, %shift_right_logical3A_443 : vector<16xi32>
      %xor3A_445 = arith.xori %or3A_444, %add3A_437 : vector<16xi32>
      %add3A_446 = arith.addi %add3A_437, %xor3A_445 : vector<16xi32>
      %shift_left3A_447 = arith.constant 6 : i32
      %shift_left3A_448 = vector.broadcast %shift_left3A_447 : i32 to vector<16xi32>
      %shift_left3A_449 = arith.shli %xor3A_445, %shift_left3A_448 : vector<16xi32>
      %shift_right_logical3A_450 = arith.constant 26 : i32
      %shift_right_logical3A_451 = vector.broadcast %shift_right_logical3A_450 : i32 to vector<16xi32>
      %shift_right_logical3A_452 = arith.shrui %xor3A_445, %shift_right_logical3A_451 : vector<16xi32>
      %or3A_453 = arith.ori %shift_left3A_449, %shift_right_logical3A_452 : vector<16xi32>
      %xor3A_454 = arith.xori %or3A_453, %add3A_446 : vector<16xi32>
      %add3A_455 = arith.constant 466689008 : i32
      %add3A_456 = vector.broadcast %add3A_455 : i32 to vector<16xi32>
      %add3A_457 = arith.addi %add3A_446, %add3A_456 : vector<16xi32>
      %add3A_458 = arith.constant 5 : i32
      %add3A_459 = vector.broadcast %add3A_458 : i32 to vector<16xi32>
      %add3A_460 = arith.addi %xor3A_454, %add3A_459 : vector<16xi32>
      %xor3A_461 = arith.xori %add3A_457, %add3A_460 : vector<16xi32>
      %shift_right_logical3A_462 = arith.constant 9 : i32
      %shift_right_logical3A_463 = vector.broadcast %shift_right_logical3A_462 : i32 to vector<16xi32>
      %shift_right_logical3A_464 = arith.shrui %xor3A_461, %shift_right_logical3A_463 : vector<16xi32>
      %gt3A = arith.cmpi sgt, %shift_right_logical3A_464, %shift_right_logical3A_247 : vector<16xi32>
      %jit3A = arith.constant 1 : i32
      %broadcast_in_dim3A_465 = vector.broadcast %jit3A : i32 to vector<16xi32>
      %select_n3A = arith.select %gt3A, %broadcast_in_dim3A_465, %broadcast_in_dim3A_248 : vector<16xi1>, vector<16xi32>
      %max3A = arith.maxsi %shift_right_logical3A_464, %shift_right_logical3A_247 : vector<16xi32>
      %add3A_466 = arith.constant 2 : i32
      %add3A_467 = vector.broadcast %add3A_466 : i32 to vector<16xi32>
      %add3A_468 = arith.addi %add3A_38, %add3A_467 : vector<16xi32>
      %shift_left3A_469 = arith.constant 13 : i32
      %shift_left3A_470 = vector.broadcast %shift_left3A_469 : i32 to vector<16xi32>
      %shift_left3A_471 = arith.shli %add3A_468, %shift_left3A_470 : vector<16xi32>
      %shift_right_logical3A_472 = arith.constant 19 : i32
      %shift_right_logical3A_473 = vector.broadcast %shift_right_logical3A_472 : i32 to vector<16xi32>
      %shift_right_logical3A_474 = arith.shrui %add3A_468, %shift_right_logical3A_473 : vector<16xi32>
      %or3A_475 = arith.ori %shift_left3A_471, %shift_right_logical3A_474 : vector<16xi32>
      %xor3A_476 = arith.xori %or3A_475, %add3A_468 : vector<16xi32>
      %add3A_477 = arith.addi %add3A_468, %xor3A_476 : vector<16xi32>
      %shift_left3A_478 = arith.constant 15 : i32
      %shift_left3A_479 = vector.broadcast %shift_left3A_478 : i32 to vector<16xi32>
      %shift_left3A_480 = arith.shli %xor3A_476, %shift_left3A_479 : vector<16xi32>
      %shift_right_logical3A_481 = arith.constant 17 : i32
      %shift_right_logical3A_482 = vector.broadcast %shift_right_logical3A_481 : i32 to vector<16xi32>
      %shift_right_logical3A_483 = arith.shrui %xor3A_476, %shift_right_logical3A_482 : vector<16xi32>
      %or3A_484 = arith.ori %shift_left3A_480, %shift_right_logical3A_483 : vector<16xi32>
      %xor3A_485 = arith.xori %or3A_484, %add3A_477 : vector<16xi32>
      %add3A_486 = arith.addi %add3A_477, %xor3A_485 : vector<16xi32>
      %shift_left3A_487 = arith.constant 26 : i32
      %shift_left3A_488 = vector.broadcast %shift_left3A_487 : i32 to vector<16xi32>
      %shift_left3A_489 = arith.shli %xor3A_485, %shift_left3A_488 : vector<16xi32>
      %shift_right_logical3A_490 = arith.constant 6 : i32
      %shift_right_logical3A_491 = vector.broadcast %shift_right_logical3A_490 : i32 to vector<16xi32>
      %shift_right_logical3A_492 = arith.shrui %xor3A_485, %shift_right_logical3A_491 : vector<16xi32>
      %or3A_493 = arith.ori %shift_left3A_489, %shift_right_logical3A_492 : vector<16xi32>
      %xor3A_494 = arith.xori %or3A_493, %add3A_486 : vector<16xi32>
      %add3A_495 = arith.addi %add3A_486, %xor3A_494 : vector<16xi32>
      %shift_left3A_496 = arith.constant 6 : i32
      %shift_left3A_497 = vector.broadcast %shift_left3A_496 : i32 to vector<16xi32>
      %shift_left3A_498 = arith.shli %xor3A_494, %shift_left3A_497 : vector<16xi32>
      %shift_right_logical3A_499 = arith.constant 26 : i32
      %shift_right_logical3A_500 = vector.broadcast %shift_right_logical3A_499 : i32 to vector<16xi32>
      %shift_right_logical3A_501 = arith.shrui %xor3A_494, %shift_right_logical3A_500 : vector<16xi32>
      %or3A_502 = arith.ori %shift_left3A_498, %shift_right_logical3A_501 : vector<16xi32>
      %xor3A_503 = arith.xori %or3A_502, %add3A_495 : vector<16xi32>
      %add3A_504 = arith.constant 42 : i32
      %add3A_505 = vector.broadcast %add3A_504 : i32 to vector<16xi32>
      %add3A_506 = arith.addi %add3A_495, %add3A_505 : vector<16xi32>
      %add3A_507 = arith.constant 466689009 : i32
      %add3A_508 = vector.broadcast %add3A_507 : i32 to vector<16xi32>
      %add3A_509 = arith.addi %xor3A_503, %add3A_508 : vector<16xi32>
      %add3A_510 = arith.addi %add3A_506, %add3A_509 : vector<16xi32>
      %shift_left3A_511 = arith.constant 17 : i32
      %shift_left3A_512 = vector.broadcast %shift_left3A_511 : i32 to vector<16xi32>
      %shift_left3A_513 = arith.shli %add3A_509, %shift_left3A_512 : vector<16xi32>
      %shift_right_logical3A_514 = arith.constant 15 : i32
      %shift_right_logical3A_515 = vector.broadcast %shift_right_logical3A_514 : i32 to vector<16xi32>
      %shift_right_logical3A_516 = arith.shrui %add3A_509, %shift_right_logical3A_515 : vector<16xi32>
      %or3A_517 = arith.ori %shift_left3A_513, %shift_right_logical3A_516 : vector<16xi32>
      %xor3A_518 = arith.xori %or3A_517, %add3A_510 : vector<16xi32>
      %add3A_519 = arith.addi %add3A_510, %xor3A_518 : vector<16xi32>
      %shift_left3A_520 = arith.constant 29 : i32
      %shift_left3A_521 = vector.broadcast %shift_left3A_520 : i32 to vector<16xi32>
      %shift_left3A_522 = arith.shli %xor3A_518, %shift_left3A_521 : vector<16xi32>
      %shift_right_logical3A_523 = arith.constant 3 : i32
      %shift_right_logical3A_524 = vector.broadcast %shift_right_logical3A_523 : i32 to vector<16xi32>
      %shift_right_logical3A_525 = arith.shrui %xor3A_518, %shift_right_logical3A_524 : vector<16xi32>
      %or3A_526 = arith.ori %shift_left3A_522, %shift_right_logical3A_525 : vector<16xi32>
      %xor3A_527 = arith.xori %or3A_526, %add3A_519 : vector<16xi32>
      %add3A_528 = arith.addi %add3A_519, %xor3A_527 : vector<16xi32>
      %shift_left3A_529 = arith.constant 16 : i32
      %shift_left3A_530 = vector.broadcast %shift_left3A_529 : i32 to vector<16xi32>
      %shift_left3A_531 = arith.shli %xor3A_527, %shift_left3A_530 : vector<16xi32>
      %shift_right_logical3A_532 = arith.constant 16 : i32
      %shift_right_logical3A_533 = vector.broadcast %shift_right_logical3A_532 : i32 to vector<16xi32>
      %shift_right_logical3A_534 = arith.shrui %xor3A_527, %shift_right_logical3A_533 : vector<16xi32>
      %or3A_535 = arith.ori %shift_left3A_531, %shift_right_logical3A_534 : vector<16xi32>
      %xor3A_536 = arith.xori %or3A_535, %add3A_528 : vector<16xi32>
      %add3A_537 = arith.addi %add3A_528, %xor3A_536 : vector<16xi32>
      %shift_left3A_538 = arith.constant 24 : i32
      %shift_left3A_539 = vector.broadcast %shift_left3A_538 : i32 to vector<16xi32>
      %shift_left3A_540 = arith.shli %xor3A_536, %shift_left3A_539 : vector<16xi32>
      %shift_right_logical3A_541 = arith.constant 8 : i32
      %shift_right_logical3A_542 = vector.broadcast %shift_right_logical3A_541 : i32 to vector<16xi32>
      %shift_right_logical3A_543 = arith.shrui %xor3A_536, %shift_right_logical3A_542 : vector<16xi32>
      %or3A_544 = arith.ori %shift_left3A_540, %shift_right_logical3A_543 : vector<16xi32>
      %xor3A_545 = arith.xori %or3A_544, %add3A_537 : vector<16xi32>
      %add3A_546 = arith.constant 466689008 : i32
      %add3A_547 = vector.broadcast %add3A_546 : i32 to vector<16xi32>
      %add3A_548 = arith.addi %add3A_537, %add3A_547 : vector<16xi32>
      %add3A_549 = arith.constant 2 : i32
      %add3A_550 = vector.broadcast %add3A_549 : i32 to vector<16xi32>
      %add3A_551 = arith.addi %xor3A_545, %add3A_550 : vector<16xi32>
      %add3A_552 = arith.addi %add3A_548, %add3A_551 : vector<16xi32>
      %shift_left3A_553 = arith.constant 13 : i32
      %shift_left3A_554 = vector.broadcast %shift_left3A_553 : i32 to vector<16xi32>
      %shift_left3A_555 = arith.shli %add3A_551, %shift_left3A_554 : vector<16xi32>
      %shift_right_logical3A_556 = arith.constant 19 : i32
      %shift_right_logical3A_557 = vector.broadcast %shift_right_logical3A_556 : i32 to vector<16xi32>
      %shift_right_logical3A_558 = arith.shrui %add3A_551, %shift_right_logical3A_557 : vector<16xi32>
      %or3A_559 = arith.ori %shift_left3A_555, %shift_right_logical3A_558 : vector<16xi32>
      %xor3A_560 = arith.xori %or3A_559, %add3A_552 : vector<16xi32>
      %add3A_561 = arith.addi %add3A_552, %xor3A_560 : vector<16xi32>
      %shift_left3A_562 = arith.constant 15 : i32
      %shift_left3A_563 = vector.broadcast %shift_left3A_562 : i32 to vector<16xi32>
      %shift_left3A_564 = arith.shli %xor3A_560, %shift_left3A_563 : vector<16xi32>
      %shift_right_logical3A_565 = arith.constant 17 : i32
      %shift_right_logical3A_566 = vector.broadcast %shift_right_logical3A_565 : i32 to vector<16xi32>
      %shift_right_logical3A_567 = arith.shrui %xor3A_560, %shift_right_logical3A_566 : vector<16xi32>
      %or3A_568 = arith.ori %shift_left3A_564, %shift_right_logical3A_567 : vector<16xi32>
      %xor3A_569 = arith.xori %or3A_568, %add3A_561 : vector<16xi32>
      %add3A_570 = arith.addi %add3A_561, %xor3A_569 : vector<16xi32>
      %shift_left3A_571 = arith.constant 26 : i32
      %shift_left3A_572 = vector.broadcast %shift_left3A_571 : i32 to vector<16xi32>
      %shift_left3A_573 = arith.shli %xor3A_569, %shift_left3A_572 : vector<16xi32>
      %shift_right_logical3A_574 = arith.constant 6 : i32
      %shift_right_logical3A_575 = vector.broadcast %shift_right_logical3A_574 : i32 to vector<16xi32>
      %shift_right_logical3A_576 = arith.shrui %xor3A_569, %shift_right_logical3A_575 : vector<16xi32>
      %or3A_577 = arith.ori %shift_left3A_573, %shift_right_logical3A_576 : vector<16xi32>
      %xor3A_578 = arith.xori %or3A_577, %add3A_570 : vector<16xi32>
      %add3A_579 = arith.addi %add3A_570, %xor3A_578 : vector<16xi32>
      %shift_left3A_580 = arith.constant 6 : i32
      %shift_left3A_581 = vector.broadcast %shift_left3A_580 : i32 to vector<16xi32>
      %shift_left3A_582 = arith.shli %xor3A_578, %shift_left3A_581 : vector<16xi32>
      %shift_right_logical3A_583 = arith.constant 26 : i32
      %shift_right_logical3A_584 = vector.broadcast %shift_right_logical3A_583 : i32 to vector<16xi32>
      %shift_right_logical3A_585 = arith.shrui %xor3A_578, %shift_right_logical3A_584 : vector<16xi32>
      %or3A_586 = arith.ori %shift_left3A_582, %shift_right_logical3A_585 : vector<16xi32>
      %xor3A_587 = arith.xori %or3A_586, %add3A_579 : vector<16xi32>
      %add3A_588 = arith.constant 0 : i32
      %add3A_589 = vector.broadcast %add3A_588 : i32 to vector<16xi32>
      %add3A_590 = arith.addi %add3A_579, %add3A_589 : vector<16xi32>
      %add3A_591 = arith.constant 45 : i32
      %add3A_592 = vector.broadcast %add3A_591 : i32 to vector<16xi32>
      %add3A_593 = arith.addi %xor3A_587, %add3A_592 : vector<16xi32>
      %add3A_594 = arith.addi %add3A_590, %add3A_593 : vector<16xi32>
      %shift_left3A_595 = arith.constant 17 : i32
      %shift_left3A_596 = vector.broadcast %shift_left3A_595 : i32 to vector<16xi32>
      %shift_left3A_597 = arith.shli %add3A_593, %shift_left3A_596 : vector<16xi32>
      %shift_right_logical3A_598 = arith.constant 15 : i32
      %shift_right_logical3A_599 = vector.broadcast %shift_right_logical3A_598 : i32 to vector<16xi32>
      %shift_right_logical3A_600 = arith.shrui %add3A_593, %shift_right_logical3A_599 : vector<16xi32>
      %or3A_601 = arith.ori %shift_left3A_597, %shift_right_logical3A_600 : vector<16xi32>
      %xor3A_602 = arith.xori %or3A_601, %add3A_594 : vector<16xi32>
      %add3A_603 = arith.addi %add3A_594, %xor3A_602 : vector<16xi32>
      %shift_left3A_604 = arith.constant 29 : i32
      %shift_left3A_605 = vector.broadcast %shift_left3A_604 : i32 to vector<16xi32>
      %shift_left3A_606 = arith.shli %xor3A_602, %shift_left3A_605 : vector<16xi32>
      %shift_right_logical3A_607 = arith.constant 3 : i32
      %shift_right_logical3A_608 = vector.broadcast %shift_right_logical3A_607 : i32 to vector<16xi32>
      %shift_right_logical3A_609 = arith.shrui %xor3A_602, %shift_right_logical3A_608 : vector<16xi32>
      %or3A_610 = arith.ori %shift_left3A_606, %shift_right_logical3A_609 : vector<16xi32>
      %xor3A_611 = arith.xori %or3A_610, %add3A_603 : vector<16xi32>
      %add3A_612 = arith.addi %add3A_603, %xor3A_611 : vector<16xi32>
      %shift_left3A_613 = arith.constant 16 : i32
      %shift_left3A_614 = vector.broadcast %shift_left3A_613 : i32 to vector<16xi32>
      %shift_left3A_615 = arith.shli %xor3A_611, %shift_left3A_614 : vector<16xi32>
      %shift_right_logical3A_616 = arith.constant 16 : i32
      %shift_right_logical3A_617 = vector.broadcast %shift_right_logical3A_616 : i32 to vector<16xi32>
      %shift_right_logical3A_618 = arith.shrui %xor3A_611, %shift_right_logical3A_617 : vector<16xi32>
      %or3A_619 = arith.ori %shift_left3A_615, %shift_right_logical3A_618 : vector<16xi32>
      %xor3A_620 = arith.xori %or3A_619, %add3A_612 : vector<16xi32>
      %add3A_621 = arith.addi %add3A_612, %xor3A_620 : vector<16xi32>
      %shift_left3A_622 = arith.constant 24 : i32
      %shift_left3A_623 = vector.broadcast %shift_left3A_622 : i32 to vector<16xi32>
      %shift_left3A_624 = arith.shli %xor3A_620, %shift_left3A_623 : vector<16xi32>
      %shift_right_logical3A_625 = arith.constant 8 : i32
      %shift_right_logical3A_626 = vector.broadcast %shift_right_logical3A_625 : i32 to vector<16xi32>
      %shift_right_logical3A_627 = arith.shrui %xor3A_620, %shift_right_logical3A_626 : vector<16xi32>
      %or3A_628 = arith.ori %shift_left3A_624, %shift_right_logical3A_627 : vector<16xi32>
      %xor3A_629 = arith.xori %or3A_628, %add3A_621 : vector<16xi32>
      %add3A_630 = arith.constant 42 : i32
      %add3A_631 = vector.broadcast %add3A_630 : i32 to vector<16xi32>
      %add3A_632 = arith.addi %add3A_621, %add3A_631 : vector<16xi32>
      %add3A_633 = arith.constant 466689012 : i32
      %add3A_634 = vector.broadcast %add3A_633 : i32 to vector<16xi32>
      %add3A_635 = arith.addi %xor3A_629, %add3A_634 : vector<16xi32>
      %add3A_636 = arith.addi %add3A_632, %add3A_635 : vector<16xi32>
      %shift_left3A_637 = arith.constant 13 : i32
      %shift_left3A_638 = vector.broadcast %shift_left3A_637 : i32 to vector<16xi32>
      %shift_left3A_639 = arith.shli %add3A_635, %shift_left3A_638 : vector<16xi32>
      %shift_right_logical3A_640 = arith.constant 19 : i32
      %shift_right_logical3A_641 = vector.broadcast %shift_right_logical3A_640 : i32 to vector<16xi32>
      %shift_right_logical3A_642 = arith.shrui %add3A_635, %shift_right_logical3A_641 : vector<16xi32>
      %or3A_643 = arith.ori %shift_left3A_639, %shift_right_logical3A_642 : vector<16xi32>
      %xor3A_644 = arith.xori %or3A_643, %add3A_636 : vector<16xi32>
      %add3A_645 = arith.addi %add3A_636, %xor3A_644 : vector<16xi32>
      %shift_left3A_646 = arith.constant 15 : i32
      %shift_left3A_647 = vector.broadcast %shift_left3A_646 : i32 to vector<16xi32>
      %shift_left3A_648 = arith.shli %xor3A_644, %shift_left3A_647 : vector<16xi32>
      %shift_right_logical3A_649 = arith.constant 17 : i32
      %shift_right_logical3A_650 = vector.broadcast %shift_right_logical3A_649 : i32 to vector<16xi32>
      %shift_right_logical3A_651 = arith.shrui %xor3A_644, %shift_right_logical3A_650 : vector<16xi32>
      %or3A_652 = arith.ori %shift_left3A_648, %shift_right_logical3A_651 : vector<16xi32>
      %xor3A_653 = arith.xori %or3A_652, %add3A_645 : vector<16xi32>
      %add3A_654 = arith.addi %add3A_645, %xor3A_653 : vector<16xi32>
      %shift_left3A_655 = arith.constant 26 : i32
      %shift_left3A_656 = vector.broadcast %shift_left3A_655 : i32 to vector<16xi32>
      %shift_left3A_657 = arith.shli %xor3A_653, %shift_left3A_656 : vector<16xi32>
      %shift_right_logical3A_658 = arith.constant 6 : i32
      %shift_right_logical3A_659 = vector.broadcast %shift_right_logical3A_658 : i32 to vector<16xi32>
      %shift_right_logical3A_660 = arith.shrui %xor3A_653, %shift_right_logical3A_659 : vector<16xi32>
      %or3A_661 = arith.ori %shift_left3A_657, %shift_right_logical3A_660 : vector<16xi32>
      %xor3A_662 = arith.xori %or3A_661, %add3A_654 : vector<16xi32>
      %add3A_663 = arith.addi %add3A_654, %xor3A_662 : vector<16xi32>
      %shift_left3A_664 = arith.constant 6 : i32
      %shift_left3A_665 = vector.broadcast %shift_left3A_664 : i32 to vector<16xi32>
      %shift_left3A_666 = arith.shli %xor3A_662, %shift_left3A_665 : vector<16xi32>
      %shift_right_logical3A_667 = arith.constant 26 : i32
      %shift_right_logical3A_668 = vector.broadcast %shift_right_logical3A_667 : i32 to vector<16xi32>
      %shift_right_logical3A_669 = arith.shrui %xor3A_662, %shift_right_logical3A_668 : vector<16xi32>
      %or3A_670 = arith.ori %shift_left3A_666, %shift_right_logical3A_669 : vector<16xi32>
      %xor3A_671 = arith.xori %or3A_670, %add3A_663 : vector<16xi32>
      %add3A_672 = arith.constant 466689008 : i32
      %add3A_673 = vector.broadcast %add3A_672 : i32 to vector<16xi32>
      %add3A_674 = arith.addi %add3A_663, %add3A_673 : vector<16xi32>
      %add3A_675 = arith.constant 5 : i32
      %add3A_676 = vector.broadcast %add3A_675 : i32 to vector<16xi32>
      %add3A_677 = arith.addi %xor3A_671, %add3A_676 : vector<16xi32>
      %xor3A_678 = arith.xori %add3A_674, %add3A_677 : vector<16xi32>
      %shift_right_logical3A_679 = arith.constant 9 : i32
      %shift_right_logical3A_680 = vector.broadcast %shift_right_logical3A_679 : i32 to vector<16xi32>
      %shift_right_logical3A_681 = arith.shrui %xor3A_678, %shift_right_logical3A_680 : vector<16xi32>
      %gt3A_682 = arith.cmpi sgt, %shift_right_logical3A_681, %max3A : vector<16xi32>
      %jit3A_683 = arith.constant 2 : i32
      %broadcast_in_dim3A_684 = vector.broadcast %jit3A_683 : i32 to vector<16xi32>
      %select_n3A_685 = arith.select %gt3A_682, %broadcast_in_dim3A_684, %select_n3A : vector<16xi1>, vector<16xi32>
      %max3A_686 = arith.maxsi %shift_right_logical3A_681, %max3A : vector<16xi32>
      %add3A_687 = arith.constant 3 : i32
      %add3A_688 = vector.broadcast %add3A_687 : i32 to vector<16xi32>
      %add3A_689 = arith.addi %add3A_38, %add3A_688 : vector<16xi32>
      %shift_left3A_690 = arith.constant 13 : i32
      %shift_left3A_691 = vector.broadcast %shift_left3A_690 : i32 to vector<16xi32>
      %shift_left3A_692 = arith.shli %add3A_689, %shift_left3A_691 : vector<16xi32>
      %shift_right_logical3A_693 = arith.constant 19 : i32
      %shift_right_logical3A_694 = vector.broadcast %shift_right_logical3A_693 : i32 to vector<16xi32>
      %shift_right_logical3A_695 = arith.shrui %add3A_689, %shift_right_logical3A_694 : vector<16xi32>
      %or3A_696 = arith.ori %shift_left3A_692, %shift_right_logical3A_695 : vector<16xi32>
      %xor3A_697 = arith.xori %or3A_696, %add3A_689 : vector<16xi32>
      %add3A_698 = arith.addi %add3A_689, %xor3A_697 : vector<16xi32>
      %shift_left3A_699 = arith.constant 15 : i32
      %shift_left3A_700 = vector.broadcast %shift_left3A_699 : i32 to vector<16xi32>
      %shift_left3A_701 = arith.shli %xor3A_697, %shift_left3A_700 : vector<16xi32>
      %shift_right_logical3A_702 = arith.constant 17 : i32
      %shift_right_logical3A_703 = vector.broadcast %shift_right_logical3A_702 : i32 to vector<16xi32>
      %shift_right_logical3A_704 = arith.shrui %xor3A_697, %shift_right_logical3A_703 : vector<16xi32>
      %or3A_705 = arith.ori %shift_left3A_701, %shift_right_logical3A_704 : vector<16xi32>
      %xor3A_706 = arith.xori %or3A_705, %add3A_698 : vector<16xi32>
      %add3A_707 = arith.addi %add3A_698, %xor3A_706 : vector<16xi32>
      %shift_left3A_708 = arith.constant 26 : i32
      %shift_left3A_709 = vector.broadcast %shift_left3A_708 : i32 to vector<16xi32>
      %shift_left3A_710 = arith.shli %xor3A_706, %shift_left3A_709 : vector<16xi32>
      %shift_right_logical3A_711 = arith.constant 6 : i32
      %shift_right_logical3A_712 = vector.broadcast %shift_right_logical3A_711 : i32 to vector<16xi32>
      %shift_right_logical3A_713 = arith.shrui %xor3A_706, %shift_right_logical3A_712 : vector<16xi32>
      %or3A_714 = arith.ori %shift_left3A_710, %shift_right_logical3A_713 : vector<16xi32>
      %xor3A_715 = arith.xori %or3A_714, %add3A_707 : vector<16xi32>
      %add3A_716 = arith.addi %add3A_707, %xor3A_715 : vector<16xi32>
      %shift_left3A_717 = arith.constant 6 : i32
      %shift_left3A_718 = vector.broadcast %shift_left3A_717 : i32 to vector<16xi32>
      %shift_left3A_719 = arith.shli %xor3A_715, %shift_left3A_718 : vector<16xi32>
      %shift_right_logical3A_720 = arith.constant 26 : i32
      %shift_right_logical3A_721 = vector.broadcast %shift_right_logical3A_720 : i32 to vector<16xi32>
      %shift_right_logical3A_722 = arith.shrui %xor3A_715, %shift_right_logical3A_721 : vector<16xi32>
      %or3A_723 = arith.ori %shift_left3A_719, %shift_right_logical3A_722 : vector<16xi32>
      %xor3A_724 = arith.xori %or3A_723, %add3A_716 : vector<16xi32>
      %add3A_725 = arith.constant 42 : i32
      %add3A_726 = vector.broadcast %add3A_725 : i32 to vector<16xi32>
      %add3A_727 = arith.addi %add3A_716, %add3A_726 : vector<16xi32>
      %add3A_728 = arith.constant 466689009 : i32
      %add3A_729 = vector.broadcast %add3A_728 : i32 to vector<16xi32>
      %add3A_730 = arith.addi %xor3A_724, %add3A_729 : vector<16xi32>
      %add3A_731 = arith.addi %add3A_727, %add3A_730 : vector<16xi32>
      %shift_left3A_732 = arith.constant 17 : i32
      %shift_left3A_733 = vector.broadcast %shift_left3A_732 : i32 to vector<16xi32>
      %shift_left3A_734 = arith.shli %add3A_730, %shift_left3A_733 : vector<16xi32>
      %shift_right_logical3A_735 = arith.constant 15 : i32
      %shift_right_logical3A_736 = vector.broadcast %shift_right_logical3A_735 : i32 to vector<16xi32>
      %shift_right_logical3A_737 = arith.shrui %add3A_730, %shift_right_logical3A_736 : vector<16xi32>
      %or3A_738 = arith.ori %shift_left3A_734, %shift_right_logical3A_737 : vector<16xi32>
      %xor3A_739 = arith.xori %or3A_738, %add3A_731 : vector<16xi32>
      %add3A_740 = arith.addi %add3A_731, %xor3A_739 : vector<16xi32>
      %shift_left3A_741 = arith.constant 29 : i32
      %shift_left3A_742 = vector.broadcast %shift_left3A_741 : i32 to vector<16xi32>
      %shift_left3A_743 = arith.shli %xor3A_739, %shift_left3A_742 : vector<16xi32>
      %shift_right_logical3A_744 = arith.constant 3 : i32
      %shift_right_logical3A_745 = vector.broadcast %shift_right_logical3A_744 : i32 to vector<16xi32>
      %shift_right_logical3A_746 = arith.shrui %xor3A_739, %shift_right_logical3A_745 : vector<16xi32>
      %or3A_747 = arith.ori %shift_left3A_743, %shift_right_logical3A_746 : vector<16xi32>
      %xor3A_748 = arith.xori %or3A_747, %add3A_740 : vector<16xi32>
      %add3A_749 = arith.addi %add3A_740, %xor3A_748 : vector<16xi32>
      %shift_left3A_750 = arith.constant 16 : i32
      %shift_left3A_751 = vector.broadcast %shift_left3A_750 : i32 to vector<16xi32>
      %shift_left3A_752 = arith.shli %xor3A_748, %shift_left3A_751 : vector<16xi32>
      %shift_right_logical3A_753 = arith.constant 16 : i32
      %shift_right_logical3A_754 = vector.broadcast %shift_right_logical3A_753 : i32 to vector<16xi32>
      %shift_right_logical3A_755 = arith.shrui %xor3A_748, %shift_right_logical3A_754 : vector<16xi32>
      %or3A_756 = arith.ori %shift_left3A_752, %shift_right_logical3A_755 : vector<16xi32>
      %xor3A_757 = arith.xori %or3A_756, %add3A_749 : vector<16xi32>
      %add3A_758 = arith.addi %add3A_749, %xor3A_757 : vector<16xi32>
      %shift_left3A_759 = arith.constant 24 : i32
      %shift_left3A_760 = vector.broadcast %shift_left3A_759 : i32 to vector<16xi32>
      %shift_left3A_761 = arith.shli %xor3A_757, %shift_left3A_760 : vector<16xi32>
      %shift_right_logical3A_762 = arith.constant 8 : i32
      %shift_right_logical3A_763 = vector.broadcast %shift_right_logical3A_762 : i32 to vector<16xi32>
      %shift_right_logical3A_764 = arith.shrui %xor3A_757, %shift_right_logical3A_763 : vector<16xi32>
      %or3A_765 = arith.ori %shift_left3A_761, %shift_right_logical3A_764 : vector<16xi32>
      %xor3A_766 = arith.xori %or3A_765, %add3A_758 : vector<16xi32>
      %add3A_767 = arith.constant 466689008 : i32
      %add3A_768 = vector.broadcast %add3A_767 : i32 to vector<16xi32>
      %add3A_769 = arith.addi %add3A_758, %add3A_768 : vector<16xi32>
      %add3A_770 = arith.constant 2 : i32
      %add3A_771 = vector.broadcast %add3A_770 : i32 to vector<16xi32>
      %add3A_772 = arith.addi %xor3A_766, %add3A_771 : vector<16xi32>
      %add3A_773 = arith.addi %add3A_769, %add3A_772 : vector<16xi32>
      %shift_left3A_774 = arith.constant 13 : i32
      %shift_left3A_775 = vector.broadcast %shift_left3A_774 : i32 to vector<16xi32>
      %shift_left3A_776 = arith.shli %add3A_772, %shift_left3A_775 : vector<16xi32>
      %shift_right_logical3A_777 = arith.constant 19 : i32
      %shift_right_logical3A_778 = vector.broadcast %shift_right_logical3A_777 : i32 to vector<16xi32>
      %shift_right_logical3A_779 = arith.shrui %add3A_772, %shift_right_logical3A_778 : vector<16xi32>
      %or3A_780 = arith.ori %shift_left3A_776, %shift_right_logical3A_779 : vector<16xi32>
      %xor3A_781 = arith.xori %or3A_780, %add3A_773 : vector<16xi32>
      %add3A_782 = arith.addi %add3A_773, %xor3A_781 : vector<16xi32>
      %shift_left3A_783 = arith.constant 15 : i32
      %shift_left3A_784 = vector.broadcast %shift_left3A_783 : i32 to vector<16xi32>
      %shift_left3A_785 = arith.shli %xor3A_781, %shift_left3A_784 : vector<16xi32>
      %shift_right_logical3A_786 = arith.constant 17 : i32
      %shift_right_logical3A_787 = vector.broadcast %shift_right_logical3A_786 : i32 to vector<16xi32>
      %shift_right_logical3A_788 = arith.shrui %xor3A_781, %shift_right_logical3A_787 : vector<16xi32>
      %or3A_789 = arith.ori %shift_left3A_785, %shift_right_logical3A_788 : vector<16xi32>
      %xor3A_790 = arith.xori %or3A_789, %add3A_782 : vector<16xi32>
      %add3A_791 = arith.addi %add3A_782, %xor3A_790 : vector<16xi32>
      %shift_left3A_792 = arith.constant 26 : i32
      %shift_left3A_793 = vector.broadcast %shift_left3A_792 : i32 to vector<16xi32>
      %shift_left3A_794 = arith.shli %xor3A_790, %shift_left3A_793 : vector<16xi32>
      %shift_right_logical3A_795 = arith.constant 6 : i32
      %shift_right_logical3A_796 = vector.broadcast %shift_right_logical3A_795 : i32 to vector<16xi32>
      %shift_right_logical3A_797 = arith.shrui %xor3A_790, %shift_right_logical3A_796 : vector<16xi32>
      %or3A_798 = arith.ori %shift_left3A_794, %shift_right_logical3A_797 : vector<16xi32>
      %xor3A_799 = arith.xori %or3A_798, %add3A_791 : vector<16xi32>
      %add3A_800 = arith.addi %add3A_791, %xor3A_799 : vector<16xi32>
      %shift_left3A_801 = arith.constant 6 : i32
      %shift_left3A_802 = vector.broadcast %shift_left3A_801 : i32 to vector<16xi32>
      %shift_left3A_803 = arith.shli %xor3A_799, %shift_left3A_802 : vector<16xi32>
      %shift_right_logical3A_804 = arith.constant 26 : i32
      %shift_right_logical3A_805 = vector.broadcast %shift_right_logical3A_804 : i32 to vector<16xi32>
      %shift_right_logical3A_806 = arith.shrui %xor3A_799, %shift_right_logical3A_805 : vector<16xi32>
      %or3A_807 = arith.ori %shift_left3A_803, %shift_right_logical3A_806 : vector<16xi32>
      %xor3A_808 = arith.xori %or3A_807, %add3A_800 : vector<16xi32>
      %add3A_809 = arith.constant 0 : i32
      %add3A_810 = vector.broadcast %add3A_809 : i32 to vector<16xi32>
      %add3A_811 = arith.addi %add3A_800, %add3A_810 : vector<16xi32>
      %add3A_812 = arith.constant 45 : i32
      %add3A_813 = vector.broadcast %add3A_812 : i32 to vector<16xi32>
      %add3A_814 = arith.addi %xor3A_808, %add3A_813 : vector<16xi32>
      %add3A_815 = arith.addi %add3A_811, %add3A_814 : vector<16xi32>
      %shift_left3A_816 = arith.constant 17 : i32
      %shift_left3A_817 = vector.broadcast %shift_left3A_816 : i32 to vector<16xi32>
      %shift_left3A_818 = arith.shli %add3A_814, %shift_left3A_817 : vector<16xi32>
      %shift_right_logical3A_819 = arith.constant 15 : i32
      %shift_right_logical3A_820 = vector.broadcast %shift_right_logical3A_819 : i32 to vector<16xi32>
      %shift_right_logical3A_821 = arith.shrui %add3A_814, %shift_right_logical3A_820 : vector<16xi32>
      %or3A_822 = arith.ori %shift_left3A_818, %shift_right_logical3A_821 : vector<16xi32>
      %xor3A_823 = arith.xori %or3A_822, %add3A_815 : vector<16xi32>
      %add3A_824 = arith.addi %add3A_815, %xor3A_823 : vector<16xi32>
      %shift_left3A_825 = arith.constant 29 : i32
      %shift_left3A_826 = vector.broadcast %shift_left3A_825 : i32 to vector<16xi32>
      %shift_left3A_827 = arith.shli %xor3A_823, %shift_left3A_826 : vector<16xi32>
      %shift_right_logical3A_828 = arith.constant 3 : i32
      %shift_right_logical3A_829 = vector.broadcast %shift_right_logical3A_828 : i32 to vector<16xi32>
      %shift_right_logical3A_830 = arith.shrui %xor3A_823, %shift_right_logical3A_829 : vector<16xi32>
      %or3A_831 = arith.ori %shift_left3A_827, %shift_right_logical3A_830 : vector<16xi32>
      %xor3A_832 = arith.xori %or3A_831, %add3A_824 : vector<16xi32>
      %add3A_833 = arith.addi %add3A_824, %xor3A_832 : vector<16xi32>
      %shift_left3A_834 = arith.constant 16 : i32
      %shift_left3A_835 = vector.broadcast %shift_left3A_834 : i32 to vector<16xi32>
      %shift_left3A_836 = arith.shli %xor3A_832, %shift_left3A_835 : vector<16xi32>
      %shift_right_logical3A_837 = arith.constant 16 : i32
      %shift_right_logical3A_838 = vector.broadcast %shift_right_logical3A_837 : i32 to vector<16xi32>
      %shift_right_logical3A_839 = arith.shrui %xor3A_832, %shift_right_logical3A_838 : vector<16xi32>
      %or3A_840 = arith.ori %shift_left3A_836, %shift_right_logical3A_839 : vector<16xi32>
      %xor3A_841 = arith.xori %or3A_840, %add3A_833 : vector<16xi32>
      %add3A_842 = arith.addi %add3A_833, %xor3A_841 : vector<16xi32>
      %shift_left3A_843 = arith.constant 24 : i32
      %shift_left3A_844 = vector.broadcast %shift_left3A_843 : i32 to vector<16xi32>
      %shift_left3A_845 = arith.shli %xor3A_841, %shift_left3A_844 : vector<16xi32>
      %shift_right_logical3A_846 = arith.constant 8 : i32
      %shift_right_logical3A_847 = vector.broadcast %shift_right_logical3A_846 : i32 to vector<16xi32>
      %shift_right_logical3A_848 = arith.shrui %xor3A_841, %shift_right_logical3A_847 : vector<16xi32>
      %or3A_849 = arith.ori %shift_left3A_845, %shift_right_logical3A_848 : vector<16xi32>
      %xor3A_850 = arith.xori %or3A_849, %add3A_842 : vector<16xi32>
      %add3A_851 = arith.constant 42 : i32
      %add3A_852 = vector.broadcast %add3A_851 : i32 to vector<16xi32>
      %add3A_853 = arith.addi %add3A_842, %add3A_852 : vector<16xi32>
      %add3A_854 = arith.constant 466689012 : i32
      %add3A_855 = vector.broadcast %add3A_854 : i32 to vector<16xi32>
      %add3A_856 = arith.addi %xor3A_850, %add3A_855 : vector<16xi32>
      %add3A_857 = arith.addi %add3A_853, %add3A_856 : vector<16xi32>
      %shift_left3A_858 = arith.constant 13 : i32
      %shift_left3A_859 = vector.broadcast %shift_left3A_858 : i32 to vector<16xi32>
      %shift_left3A_860 = arith.shli %add3A_856, %shift_left3A_859 : vector<16xi32>
      %shift_right_logical3A_861 = arith.constant 19 : i32
      %shift_right_logical3A_862 = vector.broadcast %shift_right_logical3A_861 : i32 to vector<16xi32>
      %shift_right_logical3A_863 = arith.shrui %add3A_856, %shift_right_logical3A_862 : vector<16xi32>
      %or3A_864 = arith.ori %shift_left3A_860, %shift_right_logical3A_863 : vector<16xi32>
      %xor3A_865 = arith.xori %or3A_864, %add3A_857 : vector<16xi32>
      %add3A_866 = arith.addi %add3A_857, %xor3A_865 : vector<16xi32>
      %shift_left3A_867 = arith.constant 15 : i32
      %shift_left3A_868 = vector.broadcast %shift_left3A_867 : i32 to vector<16xi32>
      %shift_left3A_869 = arith.shli %xor3A_865, %shift_left3A_868 : vector<16xi32>
      %shift_right_logical3A_870 = arith.constant 17 : i32
      %shift_right_logical3A_871 = vector.broadcast %shift_right_logical3A_870 : i32 to vector<16xi32>
      %shift_right_logical3A_872 = arith.shrui %xor3A_865, %shift_right_logical3A_871 : vector<16xi32>
      %or3A_873 = arith.ori %shift_left3A_869, %shift_right_logical3A_872 : vector<16xi32>
      %xor3A_874 = arith.xori %or3A_873, %add3A_866 : vector<16xi32>
      %add3A_875 = arith.addi %add3A_866, %xor3A_874 : vector<16xi32>
      %shift_left3A_876 = arith.constant 26 : i32
      %shift_left3A_877 = vector.broadcast %shift_left3A_876 : i32 to vector<16xi32>
      %shift_left3A_878 = arith.shli %xor3A_874, %shift_left3A_877 : vector<16xi32>
      %shift_right_logical3A_879 = arith.constant 6 : i32
      %shift_right_logical3A_880 = vector.broadcast %shift_right_logical3A_879 : i32 to vector<16xi32>
      %shift_right_logical3A_881 = arith.shrui %xor3A_874, %shift_right_logical3A_880 : vector<16xi32>
      %or3A_882 = arith.ori %shift_left3A_878, %shift_right_logical3A_881 : vector<16xi32>
      %xor3A_883 = arith.xori %or3A_882, %add3A_875 : vector<16xi32>
      %add3A_884 = arith.addi %add3A_875, %xor3A_883 : vector<16xi32>
      %shift_left3A_885 = arith.constant 6 : i32
      %shift_left3A_886 = vector.broadcast %shift_left3A_885 : i32 to vector<16xi32>
      %shift_left3A_887 = arith.shli %xor3A_883, %shift_left3A_886 : vector<16xi32>
      %shift_right_logical3A_888 = arith.constant 26 : i32
      %shift_right_logical3A_889 = vector.broadcast %shift_right_logical3A_888 : i32 to vector<16xi32>
      %shift_right_logical3A_890 = arith.shrui %xor3A_883, %shift_right_logical3A_889 : vector<16xi32>
      %or3A_891 = arith.ori %shift_left3A_887, %shift_right_logical3A_890 : vector<16xi32>
      %xor3A_892 = arith.xori %or3A_891, %add3A_884 : vector<16xi32>
      %add3A_893 = arith.constant 466689008 : i32
      %add3A_894 = vector.broadcast %add3A_893 : i32 to vector<16xi32>
      %add3A_895 = arith.addi %add3A_884, %add3A_894 : vector<16xi32>
      %add3A_896 = arith.constant 5 : i32
      %add3A_897 = vector.broadcast %add3A_896 : i32 to vector<16xi32>
      %add3A_898 = arith.addi %xor3A_892, %add3A_897 : vector<16xi32>
      %xor3A_899 = arith.xori %add3A_895, %add3A_898 : vector<16xi32>
      %shift_right_logical3A_900 = arith.constant 9 : i32
      %shift_right_logical3A_901 = vector.broadcast %shift_right_logical3A_900 : i32 to vector<16xi32>
      %shift_right_logical3A_902 = arith.shrui %xor3A_899, %shift_right_logical3A_901 : vector<16xi32>
      %gt3A_903 = arith.cmpi sgt, %shift_right_logical3A_902, %max3A_686 : vector<16xi32>
      %jit3A_904 = arith.constant 3 : i32
      %broadcast_in_dim3A_905 = vector.broadcast %jit3A_904 : i32 to vector<16xi32>
      %select_n3A_906 = arith.select %gt3A_903, %broadcast_in_dim3A_905, %select_n3A_685 : vector<16xi1>, vector<16xi32>
      %max3A_907 = arith.maxsi %shift_right_logical3A_902, %max3A_686 : vector<16xi32>
      %mul3A_908 = arith.constant 16 : i32
      %mul3A_909 = arith.muli %scan3A_22, %mul3A_908 : i32
      %swap3A = arith.constant 0 : i32
      %swap3A_910 = arith.index_cast %swap3A : i32 to index
      %swap3A_911 = arith.index_cast %mul3A_909 : i32 to index
      %swap3A_912 = tpu.vector_load %arg3[%swap3A_910, %swap3A_911] {strides = array<i32>} : memref<2x4096xi32, #tpu.memory_space<vmem>>, vector<1x16xi32>,
      %swap3A_913 = vector.shape_cast %swap3A_912 : vector<1x16xi32> to vector<16xi32>
      %swap3A_914 = vector.shape_cast %select_n3A_906 : vector<16xi32> to vector<1x16xi32>
      tpu.vector_store %arg3[%swap3A_910, %swap3A_911], %swap3A_914 {strides = array<i32>} : memref<2x4096xi32, #tpu.memory_space<vmem>>, vector<1x16xi32>,
    }
    %scan3A_9 = arith.constant 256 : i32
    %mul3A_10 = arith.constant 2 : i32
    %mul3A_11 = arith.muli %add3A, %mul3A_10 : i32
    %add3A_12 = arith.constant 1 : i32
    %add3A_13 = arith.addi %mul3A_11, %add3A_12 : i32
    %scan3A_14 = arith.constant 0 : i32
    %scan3A_15 = arith.constant 0 : i32
    %scan3A_16 = arith.constant 256 : i32
    %scan3A_17 = arith.addi %scan3A_15, %scan3A_16 : i32
    %scan3A_18 = arith.constant 1 : i32
    scf.for %scan3A_22 = %scan3A_15 to %scan3A_17 step %scan3A_18  : i32 {
      %mul3A_23 = arith.constant 16 : i32
      %mul3A_24 = arith.muli %scan3A_22, %mul3A_23 : i32
      %add3A_25 = arith.constant 12288 : i32
      %add3A_26 = arith.addi %add3A_25, %mul3A_24 : i32
      %add3A_27 = vector.broadcast %add3A_26 : i32 to vector<16xi32>
      %add3A_28 = arith.addi %add3A_27, %iota3A : vector<16xi32>
      %mul3A_29 = arith.constant 256 : i32
      %mul3A_30 = vector.broadcast %mul3A_29 : i32 to vector<16xi32>
      %mul3A_31 = arith.muli %add3A_28, %mul3A_30 : vector<16xi32>
      %mul3A_32 = arith.constant 4 : i32
      %mul3A_33 = arith.muli %add3A_13, %mul3A_32 : i32
      %add3A_34 = vector.broadcast %mul3A_33 : i32 to vector<16xi32>
      %add3A_35 = arith.addi %mul3A_31, %add3A_34 : vector<16xi32>
      %add3A_36 = arith.constant 42 : i32
      %add3A_37 = vector.broadcast %add3A_36 : i32 to vector<16xi32>
      %add3A_38 = arith.addi %add3A_35, %add3A_37 : vector<16xi32>
      %shift_left3A = arith.constant 13 : i32
      %shift_left3A_39 = vector.broadcast %shift_left3A : i32 to vector<16xi32>
      %shift_left3A_40 = arith.shli %add3A_38, %shift_left3A_39 : vector<16xi32>
      %shift_right_logical3A = arith.constant 19 : i32
      %shift_right_logical3A_41 = vector.broadcast %shift_right_logical3A : i32 to vector<16xi32>
      %shift_right_logical3A_42 = arith.shrui %add3A_38, %shift_right_logical3A_41 : vector<16xi32>
      %or3A = arith.ori %shift_left3A_40, %shift_right_logical3A_42 : vector<16xi32>
      %xor3A = arith.xori %or3A, %add3A_38 : vector<16xi32>
      %add3A_43 = arith.addi %add3A_38, %xor3A : vector<16xi32>
      %shift_left3A_44 = arith.constant 15 : i32
      %shift_left3A_45 = vector.broadcast %shift_left3A_44 : i32 to vector<16xi32>
      %shift_left3A_46 = arith.shli %xor3A, %shift_left3A_45 : vector<16xi32>
      %shift_right_logical3A_47 = arith.constant 17 : i32
      %shift_right_logical3A_48 = vector.broadcast %shift_right_logical3A_47 : i32 to vector<16xi32>
      %shift_right_logical3A_49 = arith.shrui %xor3A, %shift_right_logical3A_48 : vector<16xi32>
      %or3A_50 = arith.ori %shift_left3A_46, %shift_right_logical3A_49 : vector<16xi32>
      %xor3A_51 = arith.xori %or3A_50, %add3A_43 : vector<16xi32>
      %add3A_52 = arith.addi %add3A_43, %xor3A_51 : vector<16xi32>
      %shift_left3A_53 = arith.constant 26 : i32
      %shift_left3A_54 = vector.broadcast %shift_left3A_53 : i32 to vector<16xi32>
      %shift_left3A_55 = arith.shli %xor3A_51, %shift_left3A_54 : vector<16xi32>
      %shift_right_logical3A_56 = arith.constant 6 : i32
      %shift_right_logical3A_57 = vector.broadcast %shift_right_logical3A_56 : i32 to vector<16xi32>
      %shift_right_logical3A_58 = arith.shrui %xor3A_51, %shift_right_logical3A_57 : vector<16xi32>
      %or3A_59 = arith.ori %shift_left3A_55, %shift_right_logical3A_58 : vector<16xi32>
      %xor3A_60 = arith.xori %or3A_59, %add3A_52 : vector<16xi32>
      %add3A_61 = arith.addi %add3A_52, %xor3A_60 : vector<16xi32>
      %shift_left3A_62 = arith.constant 6 : i32
      %shift_left3A_63 = vector.broadcast %shift_left3A_62 : i32 to vector<16xi32>
      %shift_left3A_64 = arith.shli %xor3A_60, %shift_left3A_63 : vector<16xi32>
      %shift_right_logical3A_65 = arith.constant 26 : i32
      %shift_right_logical3A_66 = vector.broadcast %shift_right_logical3A_65 : i32 to vector<16xi32>
      %shift_right_logical3A_67 = arith.shrui %xor3A_60, %shift_right_logical3A_66 : vector<16xi32>
      %or3A_68 = arith.ori %shift_left3A_64, %shift_right_logical3A_67 : vector<16xi32>
      %xor3A_69 = arith.xori %or3A_68, %add3A_61 : vector<16xi32>
      %add3A_70 = arith.constant 42 : i32
      %add3A_71 = vector.broadcast %add3A_70 : i32 to vector<16xi32>
      %add3A_72 = arith.addi %add3A_61, %add3A_71 : vector<16xi32>
      %add3A_73 = arith.constant 466689009 : i32
      %add3A_74 = vector.broadcast %add3A_73 : i32 to vector<16xi32>
      %add3A_75 = arith.addi %xor3A_69, %add3A_74 : vector<16xi32>
      %add3A_76 = arith.addi %add3A_72, %add3A_75 : vector<16xi32>
      %shift_left3A_77 = arith.constant 17 : i32
      %shift_left3A_78 = vector.broadcast %shift_left3A_77 : i32 to vector<16xi32>
      %shift_left3A_79 = arith.shli %add3A_75, %shift_left3A_78 : vector<16xi32>
      %shift_right_logical3A_80 = arith.constant 15 : i32
      %shift_right_logical3A_81 = vector.broadcast %shift_right_logical3A_80 : i32 to vector<16xi32>
      %shift_right_logical3A_82 = arith.shrui %add3A_75, %shift_right_logical3A_81 : vector<16xi32>
      %or3A_83 = arith.ori %shift_left3A_79, %shift_right_logical3A_82 : vector<16xi32>
      %xor3A_84 = arith.xori %or3A_83, %add3A_76 : vector<16xi32>
      %add3A_85 = arith.addi %add3A_76, %xor3A_84 : vector<16xi32>
      %shift_left3A_86 = arith.constant 29 : i32
      %shift_left3A_87 = vector.broadcast %shift_left3A_86 : i32 to vector<16xi32>
      %shift_left3A_88 = arith.shli %xor3A_84, %shift_left3A_87 : vector<16xi32>
      %shift_right_logical3A_89 = arith.constant 3 : i32
      %shift_right_logical3A_90 = vector.broadcast %shift_right_logical3A_89 : i32 to vector<16xi32>
      %shift_right_logical3A_91 = arith.shrui %xor3A_84, %shift_right_logical3A_90 : vector<16xi32>
      %or3A_92 = arith.ori %shift_left3A_88, %shift_right_logical3A_91 : vector<16xi32>
      %xor3A_93 = arith.xori %or3A_92, %add3A_85 : vector<16xi32>
      %add3A_94 = arith.addi %add3A_85, %xor3A_93 : vector<16xi32>
      %shift_left3A_95 = arith.constant 16 : i32
      %shift_left3A_96 = vector.broadcast %shift_left3A_95 : i32 to vector<16xi32>
      %shift_left3A_97 = arith.shli %xor3A_93, %shift_left3A_96 : vector<16xi32>
      %shift_right_logical3A_98 = arith.constant 16 : i32
      %shift_right_logical3A_99 = vector.broadcast %shift_right_logical3A_98 : i32 to vector<16xi32>
      %shift_right_logical3A_100 = arith.shrui %xor3A_93, %shift_right_logical3A_99 : vector<16xi32>
      %or3A_101 = arith.ori %shift_left3A_97, %shift_right_logical3A_100 : vector<16xi32>
      %xor3A_102 = arith.xori %or3A_101, %add3A_94 : vector<16xi32>
      %add3A_103 = arith.addi %add3A_94, %xor3A_102 : vector<16xi32>
      %shift_left3A_104 = arith.constant 24 : i32
      %shift_left3A_105 = vector.broadcast %shift_left3A_104 : i32 to vector<16xi32>
      %shift_left3A_106 = arith.shli %xor3A_102, %shift_left3A_105 : vector<16xi32>
      %shift_right_logical3A_107 = arith.constant 8 : i32
      %shift_right_logical3A_108 = vector.broadcast %shift_right_logical3A_107 : i32 to vector<16xi32>
      %shift_right_logical3A_109 = arith.shrui %xor3A_102, %shift_right_logical3A_108 : vector<16xi32>
      %or3A_110 = arith.ori %shift_left3A_106, %shift_right_logical3A_109 : vector<16xi32>
      %xor3A_111 = arith.xori %or3A_110, %add3A_103 : vector<16xi32>
      %add3A_112 = arith.constant 466689008 : i32
      %add3A_113 = vector.broadcast %add3A_112 : i32 to vector<16xi32>
      %add3A_114 = arith.addi %add3A_103, %add3A_113 : vector<16xi32>
      %add3A_115 = arith.constant 2 : i32
      %add3A_116 = vector.broadcast %add3A_115 : i32 to vector<16xi32>
      %add3A_117 = arith.addi %xor3A_111, %add3A_116 : vector<16xi32>
      %add3A_118 = arith.addi %add3A_114, %add3A_117 : vector<16xi32>
      %shift_left3A_119 = arith.constant 13 : i32
      %shift_left3A_120 = vector.broadcast %shift_left3A_119 : i32 to vector<16xi32>
      %shift_left3A_121 = arith.shli %add3A_117, %shift_left3A_120 : vector<16xi32>
      %shift_right_logical3A_122 = arith.constant 19 : i32
      %shift_right_logical3A_123 = vector.broadcast %shift_right_logical3A_122 : i32 to vector<16xi32>
      %shift_right_logical3A_124 = arith.shrui %add3A_117, %shift_right_logical3A_123 : vector<16xi32>
      %or3A_125 = arith.ori %shift_left3A_121, %shift_right_logical3A_124 : vector<16xi32>
      %xor3A_126 = arith.xori %or3A_125, %add3A_118 : vector<16xi32>
      %add3A_127 = arith.addi %add3A_118, %xor3A_126 : vector<16xi32>
      %shift_left3A_128 = arith.constant 15 : i32
      %shift_left3A_129 = vector.broadcast %shift_left3A_128 : i32 to vector<16xi32>
      %shift_left3A_130 = arith.shli %xor3A_126, %shift_left3A_129 : vector<16xi32>
      %shift_right_logical3A_131 = arith.constant 17 : i32
      %shift_right_logical3A_132 = vector.broadcast %shift_right_logical3A_131 : i32 to vector<16xi32>
      %shift_right_logical3A_133 = arith.shrui %xor3A_126, %shift_right_logical3A_132 : vector<16xi32>
      %or3A_134 = arith.ori %shift_left3A_130, %shift_right_logical3A_133 : vector<16xi32>
      %xor3A_135 = arith.xori %or3A_134, %add3A_127 : vector<16xi32>
      %add3A_136 = arith.addi %add3A_127, %xor3A_135 : vector<16xi32>
      %shift_left3A_137 = arith.constant 26 : i32
      %shift_left3A_138 = vector.broadcast %shift_left3A_137 : i32 to vector<16xi32>
      %shift_left3A_139 = arith.shli %xor3A_135, %shift_left3A_138 : vector<16xi32>
      %shift_right_logical3A_140 = arith.constant 6 : i32
      %shift_right_logical3A_141 = vector.broadcast %shift_right_logical3A_140 : i32 to vector<16xi32>
      %shift_right_logical3A_142 = arith.shrui %xor3A_135, %shift_right_logical3A_141 : vector<16xi32>
      %or3A_143 = arith.ori %shift_left3A_139, %shift_right_logical3A_142 : vector<16xi32>
      %xor3A_144 = arith.xori %or3A_143, %add3A_136 : vector<16xi32>
      %add3A_145 = arith.addi %add3A_136, %xor3A_144 : vector<16xi32>
      %shift_left3A_146 = arith.constant 6 : i32
      %shift_left3A_147 = vector.broadcast %shift_left3A_146 : i32 to vector<16xi32>
      %shift_left3A_148 = arith.shli %xor3A_144, %shift_left3A_147 : vector<16xi32>
      %shift_right_logical3A_149 = arith.constant 26 : i32
      %shift_right_logical3A_150 = vector.broadcast %shift_right_logical3A_149 : i32 to vector<16xi32>
      %shift_right_logical3A_151 = arith.shrui %xor3A_144, %shift_right_logical3A_150 : vector<16xi32>
      %or3A_152 = arith.ori %shift_left3A_148, %shift_right_logical3A_151 : vector<16xi32>
      %xor3A_153 = arith.xori %or3A_152, %add3A_145 : vector<16xi32>
      %add3A_154 = arith.constant 0 : i32
      %add3A_155 = vector.broadcast %add3A_154 : i32 to vector<16xi32>
      %add3A_156 = arith.addi %add3A_145, %add3A_155 : vector<16xi32>
      %add3A_157 = arith.constant 45 : i32
      %add3A_158 = vector.broadcast %add3A_157 : i32 to vector<16xi32>
      %add3A_159 = arith.addi %xor3A_153, %add3A_158 : vector<16xi32>
      %add3A_160 = arith.addi %add3A_156, %add3A_159 : vector<16xi32>
      %shift_left3A_161 = arith.constant 17 : i32
      %shift_left3A_162 = vector.broadcast %shift_left3A_161 : i32 to vector<16xi32>
      %shift_left3A_163 = arith.shli %add3A_159, %shift_left3A_162 : vector<16xi32>
      %shift_right_logical3A_164 = arith.constant 15 : i32
      %shift_right_logical3A_165 = vector.broadcast %shift_right_logical3A_164 : i32 to vector<16xi32>
      %shift_right_logical3A_166 = arith.shrui %add3A_159, %shift_right_logical3A_165 : vector<16xi32>
      %or3A_167 = arith.ori %shift_left3A_163, %shift_right_logical3A_166 : vector<16xi32>
      %xor3A_168 = arith.xori %or3A_167, %add3A_160 : vector<16xi32>
      %add3A_169 = arith.addi %add3A_160, %xor3A_168 : vector<16xi32>
      %shift_left3A_170 = arith.constant 29 : i32
      %shift_left3A_171 = vector.broadcast %shift_left3A_170 : i32 to vector<16xi32>
      %shift_left3A_172 = arith.shli %xor3A_168, %shift_left3A_171 : vector<16xi32>
      %shift_right_logical3A_173 = arith.constant 3 : i32
      %shift_right_logical3A_174 = vector.broadcast %shift_right_logical3A_173 : i32 to vector<16xi32>
      %shift_right_logical3A_175 = arith.shrui %xor3A_168, %shift_right_logical3A_174 : vector<16xi32>
      %or3A_176 = arith.ori %shift_left3A_172, %shift_right_logical3A_175 : vector<16xi32>
      %xor3A_177 = arith.xori %or3A_176, %add3A_169 : vector<16xi32>
      %add3A_178 = arith.addi %add3A_169, %xor3A_177 : vector<16xi32>
      %shift_left3A_179 = arith.constant 16 : i32
      %shift_left3A_180 = vector.broadcast %shift_left3A_179 : i32 to vector<16xi32>
      %shift_left3A_181 = arith.shli %xor3A_177, %shift_left3A_180 : vector<16xi32>
      %shift_right_logical3A_182 = arith.constant 16 : i32
      %shift_right_logical3A_183 = vector.broadcast %shift_right_logical3A_182 : i32 to vector<16xi32>
      %shift_right_logical3A_184 = arith.shrui %xor3A_177, %shift_right_logical3A_183 : vector<16xi32>
      %or3A_185 = arith.ori %shift_left3A_181, %shift_right_logical3A_184 : vector<16xi32>
      %xor3A_186 = arith.xori %or3A_185, %add3A_178 : vector<16xi32>
      %add3A_187 = arith.addi %add3A_178, %xor3A_186 : vector<16xi32>
      %shift_left3A_188 = arith.constant 24 : i32
      %shift_left3A_189 = vector.broadcast %shift_left3A_188 : i32 to vector<16xi32>
      %shift_left3A_190 = arith.shli %xor3A_186, %shift_left3A_189 : vector<16xi32>
      %shift_right_logical3A_191 = arith.constant 8 : i32
      %shift_right_logical3A_192 = vector.broadcast %shift_right_logical3A_191 : i32 to vector<16xi32>
      %shift_right_logical3A_193 = arith.shrui %xor3A_186, %shift_right_logical3A_192 : vector<16xi32>
      %or3A_194 = arith.ori %shift_left3A_190, %shift_right_logical3A_193 : vector<16xi32>
      %xor3A_195 = arith.xori %or3A_194, %add3A_187 : vector<16xi32>
      %add3A_196 = arith.constant 42 : i32
      %add3A_197 = vector.broadcast %add3A_196 : i32 to vector<16xi32>
      %add3A_198 = arith.addi %add3A_187, %add3A_197 : vector<16xi32>
      %add3A_199 = arith.constant 466689012 : i32
      %add3A_200 = vector.broadcast %add3A_199 : i32 to vector<16xi32>
      %add3A_201 = arith.addi %xor3A_195, %add3A_200 : vector<16xi32>
      %add3A_202 = arith.addi %add3A_198, %add3A_201 : vector<16xi32>
      %shift_left3A_203 = arith.constant 13 : i32
      %shift_left3A_204 = vector.broadcast %shift_left3A_203 : i32 to vector<16xi32>
      %shift_left3A_205 = arith.shli %add3A_201, %shift_left3A_204 : vector<16xi32>
      %shift_right_logical3A_206 = arith.constant 19 : i32
      %shift_right_logical3A_207 = vector.broadcast %shift_right_logical3A_206 : i32 to vector<16xi32>
      %shift_right_logical3A_208 = arith.shrui %add3A_201, %shift_right_logical3A_207 : vector<16xi32>
      %or3A_209 = arith.ori %shift_left3A_205, %shift_right_logical3A_208 : vector<16xi32>
      %xor3A_210 = arith.xori %or3A_209, %add3A_202 : vector<16xi32>
      %add3A_211 = arith.addi %add3A_202, %xor3A_210 : vector<16xi32>
      %shift_left3A_212 = arith.constant 15 : i32
      %shift_left3A_213 = vector.broadcast %shift_left3A_212 : i32 to vector<16xi32>
      %shift_left3A_214 = arith.shli %xor3A_210, %shift_left3A_213 : vector<16xi32>
      %shift_right_logical3A_215 = arith.constant 17 : i32
      %shift_right_logical3A_216 = vector.broadcast %shift_right_logical3A_215 : i32 to vector<16xi32>
      %shift_right_logical3A_217 = arith.shrui %xor3A_210, %shift_right_logical3A_216 : vector<16xi32>
      %or3A_218 = arith.ori %shift_left3A_214, %shift_right_logical3A_217 : vector<16xi32>
      %xor3A_219 = arith.xori %or3A_218, %add3A_211 : vector<16xi32>
      %add3A_220 = arith.addi %add3A_211, %xor3A_219 : vector<16xi32>
      %shift_left3A_221 = arith.constant 26 : i32
      %shift_left3A_222 = vector.broadcast %shift_left3A_221 : i32 to vector<16xi32>
      %shift_left3A_223 = arith.shli %xor3A_219, %shift_left3A_222 : vector<16xi32>
      %shift_right_logical3A_224 = arith.constant 6 : i32
      %shift_right_logical3A_225 = vector.broadcast %shift_right_logical3A_224 : i32 to vector<16xi32>
      %shift_right_logical3A_226 = arith.shrui %xor3A_219, %shift_right_logical3A_225 : vector<16xi32>
      %or3A_227 = arith.ori %shift_left3A_223, %shift_right_logical3A_226 : vector<16xi32>
      %xor3A_228 = arith.xori %or3A_227, %add3A_220 : vector<16xi32>
      %add3A_229 = arith.addi %add3A_220, %xor3A_228 : vector<16xi32>
      %shift_left3A_230 = arith.constant 6 : i32
      %shift_left3A_231 = vector.broadcast %shift_left3A_230 : i32 to vector<16xi32>
      %shift_left3A_232 = arith.shli %xor3A_228, %shift_left3A_231 : vector<16xi32>
      %shift_right_logical3A_233 = arith.constant 26 : i32
      %shift_right_logical3A_234 = vector.broadcast %shift_right_logical3A_233 : i32 to vector<16xi32>
      %shift_right_logical3A_235 = arith.shrui %xor3A_228, %shift_right_logical3A_234 : vector<16xi32>
      %or3A_236 = arith.ori %shift_left3A_232, %shift_right_logical3A_235 : vector<16xi32>
      %xor3A_237 = arith.xori %or3A_236, %add3A_229 : vector<16xi32>
      %add3A_238 = arith.constant 466689008 : i32
      %add3A_239 = vector.broadcast %add3A_238 : i32 to vector<16xi32>
      %add3A_240 = arith.addi %add3A_229, %add3A_239 : vector<16xi32>
      %add3A_241 = arith.constant 5 : i32
      %add3A_242 = vector.broadcast %add3A_241 : i32 to vector<16xi32>
      %add3A_243 = arith.addi %xor3A_237, %add3A_242 : vector<16xi32>
      %xor3A_244 = arith.xori %add3A_240, %add3A_243 : vector<16xi32>
      %shift_right_logical3A_245 = arith.constant 9 : i32
      %shift_right_logical3A_246 = vector.broadcast %shift_right_logical3A_245 : i32 to vector<16xi32>
      %shift_right_logical3A_247 = arith.shrui %xor3A_244, %shift_right_logical3A_246 : vector<16xi32>
      %broadcast_in_dim3A = arith.constant 0 : i32
      %broadcast_in_dim3A_248 = vector.broadcast %broadcast_in_dim3A : i32 to vector<16xi32>
      %add3A_249 = arith.constant 1 : i32
      %add3A_250 = vector.broadcast %add3A_249 : i32 to vector<16xi32>
      %add3A_251 = arith.addi %add3A_38, %add3A_250 : vector<16xi32>
      %shift_left3A_252 = arith.constant 13 : i32
      %shift_left3A_253 = vector.broadcast %shift_left3A_252 : i32 to vector<16xi32>
      %shift_left3A_254 = arith.shli %add3A_251, %shift_left3A_253 : vector<16xi32>
      %shift_right_logical3A_255 = arith.constant 19 : i32
      %shift_right_logical3A_256 = vector.broadcast %shift_right_logical3A_255 : i32 to vector<16xi32>
      %shift_right_logical3A_257 = arith.shrui %add3A_251, %shift_right_logical3A_256 : vector<16xi32>
      %or3A_258 = arith.ori %shift_left3A_254, %shift_right_logical3A_257 : vector<16xi32>
      %xor3A_259 = arith.xori %or3A_258, %add3A_251 : vector<16xi32>
      %add3A_260 = arith.addi %add3A_251, %xor3A_259 : vector<16xi32>
      %shift_left3A_261 = arith.constant 15 : i32
      %shift_left3A_262 = vector.broadcast %shift_left3A_261 : i32 to vector<16xi32>
      %shift_left3A_263 = arith.shli %xor3A_259, %shift_left3A_262 : vector<16xi32>
      %shift_right_logical3A_264 = arith.constant 17 : i32
      %shift_right_logical3A_265 = vector.broadcast %shift_right_logical3A_264 : i32 to vector<16xi32>
      %shift_right_logical3A_266 = arith.shrui %xor3A_259, %shift_right_logical3A_265 : vector<16xi32>
      %or3A_267 = arith.ori %shift_left3A_263, %shift_right_logical3A_266 : vector<16xi32>
      %xor3A_268 = arith.xori %or3A_267, %add3A_260 : vector<16xi32>
      %add3A_269 = arith.addi %add3A_260, %xor3A_268 : vector<16xi32>
      %shift_left3A_270 = arith.constant 26 : i32
      %shift_left3A_271 = vector.broadcast %shift_left3A_270 : i32 to vector<16xi32>
      %shift_left3A_272 = arith.shli %xor3A_268, %shift_left3A_271 : vector<16xi32>
      %shift_right_logical3A_273 = arith.constant 6 : i32
      %shift_right_logical3A_274 = vector.broadcast %shift_right_logical3A_273 : i32 to vector<16xi32>
      %shift_right_logical3A_275 = arith.shrui %xor3A_268, %shift_right_logical3A_274 : vector<16xi32>
      %or3A_276 = arith.ori %shift_left3A_272, %shift_right_logical3A_275 : vector<16xi32>
      %xor3A_277 = arith.xori %or3A_276, %add3A_269 : vector<16xi32>
      %add3A_278 = arith.addi %add3A_269, %xor3A_277 : vector<16xi32>
      %shift_left3A_279 = arith.constant 6 : i32
      %shift_left3A_280 = vector.broadcast %shift_left3A_279 : i32 to vector<16xi32>
      %shift_left3A_281 = arith.shli %xor3A_277, %shift_left3A_280 : vector<16xi32>
      %shift_right_logical3A_282 = arith.constant 26 : i32
      %shift_right_logical3A_283 = vector.broadcast %shift_right_logical3A_282 : i32 to vector<16xi32>
      %shift_right_logical3A_284 = arith.shrui %xor3A_277, %shift_right_logical3A_283 : vector<16xi32>
      %or3A_285 = arith.ori %shift_left3A_281, %shift_right_logical3A_284 : vector<16xi32>
      %xor3A_286 = arith.xori %or3A_285, %add3A_278 : vector<16xi32>
      %add3A_287 = arith.constant 42 : i32
      %add3A_288 = vector.broadcast %add3A_287 : i32 to vector<16xi32>
      %add3A_289 = arith.addi %add3A_278, %add3A_288 : vector<16xi32>
      %add3A_290 = arith.constant 466689009 : i32
      %add3A_291 = vector.broadcast %add3A_290 : i32 to vector<16xi32>
      %add3A_292 = arith.addi %xor3A_286, %add3A_291 : vector<16xi32>
      %add3A_293 = arith.addi %add3A_289, %add3A_292 : vector<16xi32>
      %shift_left3A_294 = arith.constant 17 : i32
      %shift_left3A_295 = vector.broadcast %shift_left3A_294 : i32 to vector<16xi32>
      %shift_left3A_296 = arith.shli %add3A_292, %shift_left3A_295 : vector<16xi32>
      %shift_right_logical3A_297 = arith.constant 15 : i32
      %shift_right_logical3A_298 = vector.broadcast %shift_right_logical3A_297 : i32 to vector<16xi32>
      %shift_right_logical3A_299 = arith.shrui %add3A_292, %shift_right_logical3A_298 : vector<16xi32>
      %or3A_300 = arith.ori %shift_left3A_296, %shift_right_logical3A_299 : vector<16xi32>
      %xor3A_301 = arith.xori %or3A_300, %add3A_293 : vector<16xi32>
      %add3A_302 = arith.addi %add3A_293, %xor3A_301 : vector<16xi32>
      %shift_left3A_303 = arith.constant 29 : i32
      %shift_left3A_304 = vector.broadcast %shift_left3A_303 : i32 to vector<16xi32>
      %shift_left3A_305 = arith.shli %xor3A_301, %shift_left3A_304 : vector<16xi32>
      %shift_right_logical3A_306 = arith.constant 3 : i32
      %shift_right_logical3A_307 = vector.broadcast %shift_right_logical3A_306 : i32 to vector<16xi32>
      %shift_right_logical3A_308 = arith.shrui %xor3A_301, %shift_right_logical3A_307 : vector<16xi32>
      %or3A_309 = arith.ori %shift_left3A_305, %shift_right_logical3A_308 : vector<16xi32>
      %xor3A_310 = arith.xori %or3A_309, %add3A_302 : vector<16xi32>
      %add3A_311 = arith.addi %add3A_302, %xor3A_310 : vector<16xi32>
      %shift_left3A_312 = arith.constant 16 : i32
      %shift_left3A_313 = vector.broadcast %shift_left3A_312 : i32 to vector<16xi32>
      %shift_left3A_314 = arith.shli %xor3A_310, %shift_left3A_313 : vector<16xi32>
      %shift_right_logical3A_315 = arith.constant 16 : i32
      %shift_right_logical3A_316 = vector.broadcast %shift_right_logical3A_315 : i32 to vector<16xi32>
      %shift_right_logical3A_317 = arith.shrui %xor3A_310, %shift_right_logical3A_316 : vector<16xi32>
      %or3A_318 = arith.ori %shift_left3A_314, %shift_right_logical3A_317 : vector<16xi32>
      %xor3A_319 = arith.xori %or3A_318, %add3A_311 : vector<16xi32>
      %add3A_320 = arith.addi %add3A_311, %xor3A_319 : vector<16xi32>
      %shift_left3A_321 = arith.constant 24 : i32
      %shift_left3A_322 = vector.broadcast %shift_left3A_321 : i32 to vector<16xi32>
      %shift_left3A_323 = arith.shli %xor3A_319, %shift_left3A_322 : vector<16xi32>
      %shift_right_logical3A_324 = arith.constant 8 : i32
      %shift_right_logical3A_325 = vector.broadcast %shift_right_logical3A_324 : i32 to vector<16xi32>
      %shift_right_logical3A_326 = arith.shrui %xor3A_319, %shift_right_logical3A_325 : vector<16xi32>
      %or3A_327 = arith.ori %shift_left3A_323, %shift_right_logical3A_326 : vector<16xi32>
      %xor3A_328 = arith.xori %or3A_327, %add3A_320 : vector<16xi32>
      %add3A_329 = arith.constant 466689008 : i32
      %add3A_330 = vector.broadcast %add3A_329 : i32 to vector<16xi32>
      %add3A_331 = arith.addi %add3A_320, %add3A_330 : vector<16xi32>
      %add3A_332 = arith.constant 2 : i32
      %add3A_333 = vector.broadcast %add3A_332 : i32 to vector<16xi32>
      %add3A_334 = arith.addi %xor3A_328, %add3A_333 : vector<16xi32>
      %add3A_335 = arith.addi %add3A_331, %add3A_334 : vector<16xi32>
      %shift_left3A_336 = arith.constant 13 : i32
      %shift_left3A_337 = vector.broadcast %shift_left3A_336 : i32 to vector<16xi32>
      %shift_left3A_338 = arith.shli %add3A_334, %shift_left3A_337 : vector<16xi32>
      %shift_right_logical3A_339 = arith.constant 19 : i32
      %shift_right_logical3A_340 = vector.broadcast %shift_right_logical3A_339 : i32 to vector<16xi32>
      %shift_right_logical3A_341 = arith.shrui %add3A_334, %shift_right_logical3A_340 : vector<16xi32>
      %or3A_342 = arith.ori %shift_left3A_338, %shift_right_logical3A_341 : vector<16xi32>
      %xor3A_343 = arith.xori %or3A_342, %add3A_335 : vector<16xi32>
      %add3A_344 = arith.addi %add3A_335, %xor3A_343 : vector<16xi32>
      %shift_left3A_345 = arith.constant 15 : i32
      %shift_left3A_346 = vector.broadcast %shift_left3A_345 : i32 to vector<16xi32>
      %shift_left3A_347 = arith.shli %xor3A_343, %shift_left3A_346 : vector<16xi32>
      %shift_right_logical3A_348 = arith.constant 17 : i32
      %shift_right_logical3A_349 = vector.broadcast %shift_right_logical3A_348 : i32 to vector<16xi32>
      %shift_right_logical3A_350 = arith.shrui %xor3A_343, %shift_right_logical3A_349 : vector<16xi32>
      %or3A_351 = arith.ori %shift_left3A_347, %shift_right_logical3A_350 : vector<16xi32>
      %xor3A_352 = arith.xori %or3A_351, %add3A_344 : vector<16xi32>
      %add3A_353 = arith.addi %add3A_344, %xor3A_352 : vector<16xi32>
      %shift_left3A_354 = arith.constant 26 : i32
      %shift_left3A_355 = vector.broadcast %shift_left3A_354 : i32 to vector<16xi32>
      %shift_left3A_356 = arith.shli %xor3A_352, %shift_left3A_355 : vector<16xi32>
      %shift_right_logical3A_357 = arith.constant 6 : i32
      %shift_right_logical3A_358 = vector.broadcast %shift_right_logical3A_357 : i32 to vector<16xi32>
      %shift_right_logical3A_359 = arith.shrui %xor3A_352, %shift_right_logical3A_358 : vector<16xi32>
      %or3A_360 = arith.ori %shift_left3A_356, %shift_right_logical3A_359 : vector<16xi32>
      %xor3A_361 = arith.xori %or3A_360, %add3A_353 : vector<16xi32>
      %add3A_362 = arith.addi %add3A_353, %xor3A_361 : vector<16xi32>
      %shift_left3A_363 = arith.constant 6 : i32
      %shift_left3A_364 = vector.broadcast %shift_left3A_363 : i32 to vector<16xi32>
      %shift_left3A_365 = arith.shli %xor3A_361, %shift_left3A_364 : vector<16xi32>
      %shift_right_logical3A_366 = arith.constant 26 : i32
      %shift_right_logical3A_367 = vector.broadcast %shift_right_logical3A_366 : i32 to vector<16xi32>
      %shift_right_logical3A_368 = arith.shrui %xor3A_361, %shift_right_logical3A_367 : vector<16xi32>
      %or3A_369 = arith.ori %shift_left3A_365, %shift_right_logical3A_368 : vector<16xi32>
      %xor3A_370 = arith.xori %or3A_369, %add3A_362 : vector<16xi32>
      %add3A_371 = arith.constant 0 : i32
      %add3A_372 = vector.broadcast %add3A_371 : i32 to vector<16xi32>
      %add3A_373 = arith.addi %add3A_362, %add3A_372 : vector<16xi32>
      %add3A_374 = arith.constant 45 : i32
      %add3A_375 = vector.broadcast %add3A_374 : i32 to vector<16xi32>
      %add3A_376 = arith.addi %xor3A_370, %add3A_375 : vector<16xi32>
      %add3A_377 = arith.addi %add3A_373, %add3A_376 : vector<16xi32>
      %shift_left3A_378 = arith.constant 17 : i32
      %shift_left3A_379 = vector.broadcast %shift_left3A_378 : i32 to vector<16xi32>
      %shift_left3A_380 = arith.shli %add3A_376, %shift_left3A_379 : vector<16xi32>
      %shift_right_logical3A_381 = arith.constant 15 : i32
      %shift_right_logical3A_382 = vector.broadcast %shift_right_logical3A_381 : i32 to vector<16xi32>
      %shift_right_logical3A_383 = arith.shrui %add3A_376, %shift_right_logical3A_382 : vector<16xi32>
      %or3A_384 = arith.ori %shift_left3A_380, %shift_right_logical3A_383 : vector<16xi32>
      %xor3A_385 = arith.xori %or3A_384, %add3A_377 : vector<16xi32>
      %add3A_386 = arith.addi %add3A_377, %xor3A_385 : vector<16xi32>
      %shift_left3A_387 = arith.constant 29 : i32
      %shift_left3A_388 = vector.broadcast %shift_left3A_387 : i32 to vector<16xi32>
      %shift_left3A_389 = arith.shli %xor3A_385, %shift_left3A_388 : vector<16xi32>
      %shift_right_logical3A_390 = arith.constant 3 : i32
      %shift_right_logical3A_391 = vector.broadcast %shift_right_logical3A_390 : i32 to vector<16xi32>
      %shift_right_logical3A_392 = arith.shrui %xor3A_385, %shift_right_logical3A_391 : vector<16xi32>
      %or3A_393 = arith.ori %shift_left3A_389, %shift_right_logical3A_392 : vector<16xi32>
      %xor3A_394 = arith.xori %or3A_393, %add3A_386 : vector<16xi32>
      %add3A_395 = arith.addi %add3A_386, %xor3A_394 : vector<16xi32>
      %shift_left3A_396 = arith.constant 16 : i32
      %shift_left3A_397 = vector.broadcast %shift_left3A_396 : i32 to vector<16xi32>
      %shift_left3A_398 = arith.shli %xor3A_394, %shift_left3A_397 : vector<16xi32>
      %shift_right_logical3A_399 = arith.constant 16 : i32
      %shift_right_logical3A_400 = vector.broadcast %shift_right_logical3A_399 : i32 to vector<16xi32>
      %shift_right_logical3A_401 = arith.shrui %xor3A_394, %shift_right_logical3A_400 : vector<16xi32>
      %or3A_402 = arith.ori %shift_left3A_398, %shift_right_logical3A_401 : vector<16xi32>
      %xor3A_403 = arith.xori %or3A_402, %add3A_395 : vector<16xi32>
      %add3A_404 = arith.addi %add3A_395, %xor3A_403 : vector<16xi32>
      %shift_left3A_405 = arith.constant 24 : i32
      %shift_left3A_406 = vector.broadcast %shift_left3A_405 : i32 to vector<16xi32>
      %shift_left3A_407 = arith.shli %xor3A_403, %shift_left3A_406 : vector<16xi32>
      %shift_right_logical3A_408 = arith.constant 8 : i32
      %shift_right_logical3A_409 = vector.broadcast %shift_right_logical3A_408 : i32 to vector<16xi32>
      %shift_right_logical3A_410 = arith.shrui %xor3A_403, %shift_right_logical3A_409 : vector<16xi32>
      %or3A_411 = arith.ori %shift_left3A_407, %shift_right_logical3A_410 : vector<16xi32>
      %xor3A_412 = arith.xori %or3A_411, %add3A_404 : vector<16xi32>
      %add3A_413 = arith.constant 42 : i32
      %add3A_414 = vector.broadcast %add3A_413 : i32 to vector<16xi32>
      %add3A_415 = arith.addi %add3A_404, %add3A_414 : vector<16xi32>
      %add3A_416 = arith.constant 466689012 : i32
      %add3A_417 = vector.broadcast %add3A_416 : i32 to vector<16xi32>
      %add3A_418 = arith.addi %xor3A_412, %add3A_417 : vector<16xi32>
      %add3A_419 = arith.addi %add3A_415, %add3A_418 : vector<16xi32>
      %shift_left3A_420 = arith.constant 13 : i32
      %shift_left3A_421 = vector.broadcast %shift_left3A_420 : i32 to vector<16xi32>
      %shift_left3A_422 = arith.shli %add3A_418, %shift_left3A_421 : vector<16xi32>
      %shift_right_logical3A_423 = arith.constant 19 : i32
      %shift_right_logical3A_424 = vector.broadcast %shift_right_logical3A_423 : i32 to vector<16xi32>
      %shift_right_logical3A_425 = arith.shrui %add3A_418, %shift_right_logical3A_424 : vector<16xi32>
      %or3A_426 = arith.ori %shift_left3A_422, %shift_right_logical3A_425 : vector<16xi32>
      %xor3A_427 = arith.xori %or3A_426, %add3A_419 : vector<16xi32>
      %add3A_428 = arith.addi %add3A_419, %xor3A_427 : vector<16xi32>
      %shift_left3A_429 = arith.constant 15 : i32
      %shift_left3A_430 = vector.broadcast %shift_left3A_429 : i32 to vector<16xi32>
      %shift_left3A_431 = arith.shli %xor3A_427, %shift_left3A_430 : vector<16xi32>
      %shift_right_logical3A_432 = arith.constant 17 : i32
      %shift_right_logical3A_433 = vector.broadcast %shift_right_logical3A_432 : i32 to vector<16xi32>
      %shift_right_logical3A_434 = arith.shrui %xor3A_427, %shift_right_logical3A_433 : vector<16xi32>
      %or3A_435 = arith.ori %shift_left3A_431, %shift_right_logical3A_434 : vector<16xi32>
      %xor3A_436 = arith.xori %or3A_435, %add3A_428 : vector<16xi32>
      %add3A_437 = arith.addi %add3A_428, %xor3A_436 : vector<16xi32>
      %shift_left3A_438 = arith.constant 26 : i32
      %shift_left3A_439 = vector.broadcast %shift_left3A_438 : i32 to vector<16xi32>
      %shift_left3A_440 = arith.shli %xor3A_436, %shift_left3A_439 : vector<16xi32>
      %shift_right_logical3A_441 = arith.constant 6 : i32
      %shift_right_logical3A_442 = vector.broadcast %shift_right_logical3A_441 : i32 to vector<16xi32>
      %shift_right_logical3A_443 = arith.shrui %xor3A_436, %shift_right_logical3A_442 : vector<16xi32>
      %or3A_444 = arith.ori %shift_left3A_440, %shift_right_logical3A_443 : vector<16xi32>
      %xor3A_445 = arith.xori %or3A_444, %add3A_437 : vector<16xi32>
      %add3A_446 = arith.addi %add3A_437, %xor3A_445 : vector<16xi32>
      %shift_left3A_447 = arith.constant 6 : i32
      %shift_left3A_448 = vector.broadcast %shift_left3A_447 : i32 to vector<16xi32>
      %shift_left3A_449 = arith.shli %xor3A_445, %shift_left3A_448 : vector<16xi32>
      %shift_right_logical3A_450 = arith.constant 26 : i32
      %shift_right_logical3A_451 = vector.broadcast %shift_right_logical3A_450 : i32 to vector<16xi32>
      %shift_right_logical3A_452 = arith.shrui %xor3A_445, %shift_right_logical3A_451 : vector<16xi32>
      %or3A_453 = arith.ori %shift_left3A_449, %shift_right_logical3A_452 : vector<16xi32>
      %xor3A_454 = arith.xori %or3A_453, %add3A_446 : vector<16xi32>
      %add3A_455 = arith.constant 466689008 : i32
      %add3A_456 = vector.broadcast %add3A_455 : i32 to vector<16xi32>
      %add3A_457 = arith.addi %add3A_446, %add3A_456 : vector<16xi32>
      %add3A_458 = arith.constant 5 : i32
      %add3A_459 = vector.broadcast %add3A_458 : i32 to vector<16xi32>
      %add3A_460 = arith.addi %xor3A_454, %add3A_459 : vector<16xi32>
      %xor3A_461 = arith.xori %add3A_457, %add3A_460 : vector<16xi32>
      %shift_right_logical3A_462 = arith.constant 9 : i32
      %shift_right_logical3A_463 = vector.broadcast %shift_right_logical3A_462 : i32 to vector<16xi32>
      %shift_right_logical3A_464 = arith.shrui %xor3A_461, %shift_right_logical3A_463 : vector<16xi32>
      %gt3A = arith.cmpi sgt, %shift_right_logical3A_464, %shift_right_logical3A_247 : vector<16xi32>
      %jit3A = arith.constant 1 : i32
      %broadcast_in_dim3A_465 = vector.broadcast %jit3A : i32 to vector<16xi32>
      %select_n3A = arith.select %gt3A, %broadcast_in_dim3A_465, %broadcast_in_dim3A_248 : vector<16xi1>, vector<16xi32>
      %max3A = arith.maxsi %shift_right_logical3A_464, %shift_right_logical3A_247 : vector<16xi32>
      %add3A_466 = arith.constant 2 : i32
      %add3A_467 = vector.broadcast %add3A_466 : i32 to vector<16xi32>
      %add3A_468 = arith.addi %add3A_38, %add3A_467 : vector<16xi32>
      %shift_left3A_469 = arith.constant 13 : i32
      %shift_left3A_470 = vector.broadcast %shift_left3A_469 : i32 to vector<16xi32>
      %shift_left3A_471 = arith.shli %add3A_468, %shift_left3A_470 : vector<16xi32>
      %shift_right_logical3A_472 = arith.constant 19 : i32
      %shift_right_logical3A_473 = vector.broadcast %shift_right_logical3A_472 : i32 to vector<16xi32>
      %shift_right_logical3A_474 = arith.shrui %add3A_468, %shift_right_logical3A_473 : vector<16xi32>
      %or3A_475 = arith.ori %shift_left3A_471, %shift_right_logical3A_474 : vector<16xi32>
      %xor3A_476 = arith.xori %or3A_475, %add3A_468 : vector<16xi32>
      %add3A_477 = arith.addi %add3A_468, %xor3A_476 : vector<16xi32>
      %shift_left3A_478 = arith.constant 15 : i32
      %shift_left3A_479 = vector.broadcast %shift_left3A_478 : i32 to vector<16xi32>
      %shift_left3A_480 = arith.shli %xor3A_476, %shift_left3A_479 : vector<16xi32>
      %shift_right_logical3A_481 = arith.constant 17 : i32
      %shift_right_logical3A_482 = vector.broadcast %shift_right_logical3A_481 : i32 to vector<16xi32>
      %shift_right_logical3A_483 = arith.shrui %xor3A_476, %shift_right_logical3A_482 : vector<16xi32>
      %or3A_484 = arith.ori %shift_left3A_480, %shift_right_logical3A_483 : vector<16xi32>
      %xor3A_485 = arith.xori %or3A_484, %add3A_477 : vector<16xi32>
      %add3A_486 = arith.addi %add3A_477, %xor3A_485 : vector<16xi32>
      %shift_left3A_487 = arith.constant 26 : i32
      %shift_left3A_488 = vector.broadcast %shift_left3A_487 : i32 to vector<16xi32>
      %shift_left3A_489 = arith.shli %xor3A_485, %shift_left3A_488 : vector<16xi32>
      %shift_right_logical3A_490 = arith.constant 6 : i32
      %shift_right_logical3A_491 = vector.broadcast %shift_right_logical3A_490 : i32 to vector<16xi32>
      %shift_right_logical3A_492 = arith.shrui %xor3A_485, %shift_right_logical3A_491 : vector<16xi32>
      %or3A_493 = arith.ori %shift_left3A_489, %shift_right_logical3A_492 : vector<16xi32>
      %xor3A_494 = arith.xori %or3A_493, %add3A_486 : vector<16xi32>
      %add3A_495 = arith.addi %add3A_486, %xor3A_494 : vector<16xi32>
      %shift_left3A_496 = arith.constant 6 : i32
      %shift_left3A_497 = vector.broadcast %shift_left3A_496 : i32 to vector<16xi32>
      %shift_left3A_498 = arith.shli %xor3A_494, %shift_left3A_497 : vector<16xi32>
      %shift_right_logical3A_499 = arith.constant 26 : i32
      %shift_right_logical3A_500 = vector.broadcast %shift_right_logical3A_499 : i32 to vector<16xi32>
      %shift_right_logical3A_501 = arith.shrui %xor3A_494, %shift_right_logical3A_500 : vector<16xi32>
      %or3A_502 = arith.ori %shift_left3A_498, %shift_right_logical3A_501 : vector<16xi32>
      %xor3A_503 = arith.xori %or3A_502, %add3A_495 : vector<16xi32>
      %add3A_504 = arith.constant 42 : i32
      %add3A_505 = vector.broadcast %add3A_504 : i32 to vector<16xi32>
      %add3A_506 = arith.addi %add3A_495, %add3A_505 : vector<16xi32>
      %add3A_507 = arith.constant 466689009 : i32
      %add3A_508 = vector.broadcast %add3A_507 : i32 to vector<16xi32>
      %add3A_509 = arith.addi %xor3A_503, %add3A_508 : vector<16xi32>
      %add3A_510 = arith.addi %add3A_506, %add3A_509 : vector<16xi32>
      %shift_left3A_511 = arith.constant 17 : i32
      %shift_left3A_512 = vector.broadcast %shift_left3A_511 : i32 to vector<16xi32>
      %shift_left3A_513 = arith.shli %add3A_509, %shift_left3A_512 : vector<16xi32>
      %shift_right_logical3A_514 = arith.constant 15 : i32
      %shift_right_logical3A_515 = vector.broadcast %shift_right_logical3A_514 : i32 to vector<16xi32>
      %shift_right_logical3A_516 = arith.shrui %add3A_509, %shift_right_logical3A_515 : vector<16xi32>
      %or3A_517 = arith.ori %shift_left3A_513, %shift_right_logical3A_516 : vector<16xi32>
      %xor3A_518 = arith.xori %or3A_517, %add3A_510 : vector<16xi32>
      %add3A_519 = arith.addi %add3A_510, %xor3A_518 : vector<16xi32>
      %shift_left3A_520 = arith.constant 29 : i32
      %shift_left3A_521 = vector.broadcast %shift_left3A_520 : i32 to vector<16xi32>
      %shift_left3A_522 = arith.shli %xor3A_518, %shift_left3A_521 : vector<16xi32>
      %shift_right_logical3A_523 = arith.constant 3 : i32
      %shift_right_logical3A_524 = vector.broadcast %shift_right_logical3A_523 : i32 to vector<16xi32>
      %shift_right_logical3A_525 = arith.shrui %xor3A_518, %shift_right_logical3A_524 : vector<16xi32>
      %or3A_526 = arith.ori %shift_left3A_522, %shift_right_logical3A_525 : vector<16xi32>
      %xor3A_527 = arith.xori %or3A_526, %add3A_519 : vector<16xi32>
      %add3A_528 = arith.addi %add3A_519, %xor3A_527 : vector<16xi32>
      %shift_left3A_529 = arith.constant 16 : i32
      %shift_left3A_530 = vector.broadcast %shift_left3A_529 : i32 to vector<16xi32>
      %shift_left3A_531 = arith.shli %xor3A_527, %shift_left3A_530 : vector<16xi32>
      %shift_right_logical3A_532 = arith.constant 16 : i32
      %shift_right_logical3A_533 = vector.broadcast %shift_right_logical3A_532 : i32 to vector<16xi32>
      %shift_right_logical3A_534 = arith.shrui %xor3A_527, %shift_right_logical3A_533 : vector<16xi32>
      %or3A_535 = arith.ori %shift_left3A_531, %shift_right_logical3A_534 : vector<16xi32>
      %xor3A_536 = arith.xori %or3A_535, %add3A_528 : vector<16xi32>
      %add3A_537 = arith.addi %add3A_528, %xor3A_536 : vector<16xi32>
      %shift_left3A_538 = arith.constant 24 : i32
      %shift_left3A_539 = vector.broadcast %shift_left3A_538 : i32 to vector<16xi32>
      %shift_left3A_540 = arith.shli %xor3A_536, %shift_left3A_539 : vector<16xi32>
      %shift_right_logical3A_541 = arith.constant 8 : i32
      %shift_right_logical3A_542 = vector.broadcast %shift_right_logical3A_541 : i32 to vector<16xi32>
      %shift_right_logical3A_543 = arith.shrui %xor3A_536, %shift_right_logical3A_542 : vector<16xi32>
      %or3A_544 = arith.ori %shift_left3A_540, %shift_right_logical3A_543 : vector<16xi32>
      %xor3A_545 = arith.xori %or3A_544, %add3A_537 : vector<16xi32>
      %add3A_546 = arith.constant 466689008 : i32
      %add3A_547 = vector.broadcast %add3A_546 : i32 to vector<16xi32>
      %add3A_548 = arith.addi %add3A_537, %add3A_547 : vector<16xi32>
      %add3A_549 = arith.constant 2 : i32
      %add3A_550 = vector.broadcast %add3A_549 : i32 to vector<16xi32>
      %add3A_551 = arith.addi %xor3A_545, %add3A_550 : vector<16xi32>
      %add3A_552 = arith.addi %add3A_548, %add3A_551 : vector<16xi32>
      %shift_left3A_553 = arith.constant 13 : i32
      %shift_left3A_554 = vector.broadcast %shift_left3A_553 : i32 to vector<16xi32>
      %shift_left3A_555 = arith.shli %add3A_551, %shift_left3A_554 : vector<16xi32>
      %shift_right_logical3A_556 = arith.constant 19 : i32
      %shift_right_logical3A_557 = vector.broadcast %shift_right_logical3A_556 : i32 to vector<16xi32>
      %shift_right_logical3A_558 = arith.shrui %add3A_551, %shift_right_logical3A_557 : vector<16xi32>
      %or3A_559 = arith.ori %shift_left3A_555, %shift_right_logical3A_558 : vector<16xi32>
      %xor3A_560 = arith.xori %or3A_559, %add3A_552 : vector<16xi32>
      %add3A_561 = arith.addi %add3A_552, %xor3A_560 : vector<16xi32>
      %shift_left3A_562 = arith.constant 15 : i32
      %shift_left3A_563 = vector.broadcast %shift_left3A_562 : i32 to vector<16xi32>
      %shift_left3A_564 = arith.shli %xor3A_560, %shift_left3A_563 : vector<16xi32>
      %shift_right_logical3A_565 = arith.constant 17 : i32
      %shift_right_logical3A_566 = vector.broadcast %shift_right_logical3A_565 : i32 to vector<16xi32>
      %shift_right_logical3A_567 = arith.shrui %xor3A_560, %shift_right_logical3A_566 : vector<16xi32>
      %or3A_568 = arith.ori %shift_left3A_564, %shift_right_logical3A_567 : vector<16xi32>
      %xor3A_569 = arith.xori %or3A_568, %add3A_561 : vector<16xi32>
      %add3A_570 = arith.addi %add3A_561, %xor3A_569 : vector<16xi32>
      %shift_left3A_571 = arith.constant 26 : i32
      %shift_left3A_572 = vector.broadcast %shift_left3A_571 : i32 to vector<16xi32>
      %shift_left3A_573 = arith.shli %xor3A_569, %shift_left3A_572 : vector<16xi32>
      %shift_right_logical3A_574 = arith.constant 6 : i32
      %shift_right_logical3A_575 = vector.broadcast %shift_right_logical3A_574 : i32 to vector<16xi32>
      %shift_right_logical3A_576 = arith.shrui %xor3A_569, %shift_right_logical3A_575 : vector<16xi32>
      %or3A_577 = arith.ori %shift_left3A_573, %shift_right_logical3A_576 : vector<16xi32>
      %xor3A_578 = arith.xori %or3A_577, %add3A_570 : vector<16xi32>
      %add3A_579 = arith.addi %add3A_570, %xor3A_578 : vector<16xi32>
      %shift_left3A_580 = arith.constant 6 : i32
      %shift_left3A_581 = vector.broadcast %shift_left3A_580 : i32 to vector<16xi32>
      %shift_left3A_582 = arith.shli %xor3A_578, %shift_left3A_581 : vector<16xi32>
      %shift_right_logical3A_583 = arith.constant 26 : i32
      %shift_right_logical3A_584 = vector.broadcast %shift_right_logical3A_583 : i32 to vector<16xi32>
      %shift_right_logical3A_585 = arith.shrui %xor3A_578, %shift_right_logical3A_584 : vector<16xi32>
      %or3A_586 = arith.ori %shift_left3A_582, %shift_right_logical3A_585 : vector<16xi32>
      %xor3A_587 = arith.xori %or3A_586, %add3A_579 : vector<16xi32>
      %add3A_588 = arith.constant 0 : i32
      %add3A_589 = vector.broadcast %add3A_588 : i32 to vector<16xi32>
      %add3A_590 = arith.addi %add3A_579, %add3A_589 : vector<16xi32>
      %add3A_591 = arith.constant 45 : i32
      %add3A_592 = vector.broadcast %add3A_591 : i32 to vector<16xi32>
      %add3A_593 = arith.addi %xor3A_587, %add3A_592 : vector<16xi32>
      %add3A_594 = arith.addi %add3A_590, %add3A_593 : vector<16xi32>
      %shift_left3A_595 = arith.constant 17 : i32
      %shift_left3A_596 = vector.broadcast %shift_left3A_595 : i32 to vector<16xi32>
      %shift_left3A_597 = arith.shli %add3A_593, %shift_left3A_596 : vector<16xi32>
      %shift_right_logical3A_598 = arith.constant 15 : i32
      %shift_right_logical3A_599 = vector.broadcast %shift_right_logical3A_598 : i32 to vector<16xi32>
      %shift_right_logical3A_600 = arith.shrui %add3A_593, %shift_right_logical3A_599 : vector<16xi32>
      %or3A_601 = arith.ori %shift_left3A_597, %shift_right_logical3A_600 : vector<16xi32>
      %xor3A_602 = arith.xori %or3A_601, %add3A_594 : vector<16xi32>
      %add3A_603 = arith.addi %add3A_594, %xor3A_602 : vector<16xi32>
      %shift_left3A_604 = arith.constant 29 : i32
      %shift_left3A_605 = vector.broadcast %shift_left3A_604 : i32 to vector<16xi32>
      %shift_left3A_606 = arith.shli %xor3A_602, %shift_left3A_605 : vector<16xi32>
      %shift_right_logical3A_607 = arith.constant 3 : i32
      %shift_right_logical3A_608 = vector.broadcast %shift_right_logical3A_607 : i32 to vector<16xi32>
      %shift_right_logical3A_609 = arith.shrui %xor3A_602, %shift_right_logical3A_608 : vector<16xi32>
      %or3A_610 = arith.ori %shift_left3A_606, %shift_right_logical3A_609 : vector<16xi32>
      %xor3A_611 = arith.xori %or3A_610, %add3A_603 : vector<16xi32>
      %add3A_612 = arith.addi %add3A_603, %xor3A_611 : vector<16xi32>
      %shift_left3A_613 = arith.constant 16 : i32
      %shift_left3A_614 = vector.broadcast %shift_left3A_613 : i32 to vector<16xi32>
      %shift_left3A_615 = arith.shli %xor3A_611, %shift_left3A_614 : vector<16xi32>
      %shift_right_logical3A_616 = arith.constant 16 : i32
      %shift_right_logical3A_617 = vector.broadcast %shift_right_logical3A_616 : i32 to vector<16xi32>
      %shift_right_logical3A_618 = arith.shrui %xor3A_611, %shift_right_logical3A_617 : vector<16xi32>
      %or3A_619 = arith.ori %shift_left3A_615, %shift_right_logical3A_618 : vector<16xi32>
      %xor3A_620 = arith.xori %or3A_619, %add3A_612 : vector<16xi32>
      %add3A_621 = arith.addi %add3A_612, %xor3A_620 : vector<16xi32>
      %shift_left3A_622 = arith.constant 24 : i32
      %shift_left3A_623 = vector.broadcast %shift_left3A_622 : i32 to vector<16xi32>
      %shift_left3A_624 = arith.shli %xor3A_620, %shift_left3A_623 : vector<16xi32>
      %shift_right_logical3A_625 = arith.constant 8 : i32
      %shift_right_logical3A_626 = vector.broadcast %shift_right_logical3A_625 : i32 to vector<16xi32>
      %shift_right_logical3A_627 = arith.shrui %xor3A_620, %shift_right_logical3A_626 : vector<16xi32>
      %or3A_628 = arith.ori %shift_left3A_624, %shift_right_logical3A_627 : vector<16xi32>
      %xor3A_629 = arith.xori %or3A_628, %add3A_621 : vector<16xi32>
      %add3A_630 = arith.constant 42 : i32
      %add3A_631 = vector.broadcast %add3A_630 : i32 to vector<16xi32>
      %add3A_632 = arith.addi %add3A_621, %add3A_631 : vector<16xi32>
      %add3A_633 = arith.constant 466689012 : i32
      %add3A_634 = vector.broadcast %add3A_633 : i32 to vector<16xi32>
      %add3A_635 = arith.addi %xor3A_629, %add3A_634 : vector<16xi32>
      %add3A_636 = arith.addi %add3A_632, %add3A_635 : vector<16xi32>
      %shift_left3A_637 = arith.constant 13 : i32
      %shift_left3A_638 = vector.broadcast %shift_left3A_637 : i32 to vector<16xi32>
      %shift_left3A_639 = arith.shli %add3A_635, %shift_left3A_638 : vector<16xi32>
      %shift_right_logical3A_640 = arith.constant 19 : i32
      %shift_right_logical3A_641 = vector.broadcast %shift_right_logical3A_640 : i32 to vector<16xi32>
      %shift_right_logical3A_642 = arith.shrui %add3A_635, %shift_right_logical3A_641 : vector<16xi32>
      %or3A_643 = arith.ori %shift_left3A_639, %shift_right_logical3A_642 : vector<16xi32>
      %xor3A_644 = arith.xori %or3A_643, %add3A_636 : vector<16xi32>
      %add3A_645 = arith.addi %add3A_636, %xor3A_644 : vector<16xi32>
      %shift_left3A_646 = arith.constant 15 : i32
      %shift_left3A_647 = vector.broadcast %shift_left3A_646 : i32 to vector<16xi32>
      %shift_left3A_648 = arith.shli %xor3A_644, %shift_left3A_647 : vector<16xi32>
      %shift_right_logical3A_649 = arith.constant 17 : i32
      %shift_right_logical3A_650 = vector.broadcast %shift_right_logical3A_649 : i32 to vector<16xi32>
      %shift_right_logical3A_651 = arith.shrui %xor3A_644, %shift_right_logical3A_650 : vector<16xi32>
      %or3A_652 = arith.ori %shift_left3A_648, %shift_right_logical3A_651 : vector<16xi32>
      %xor3A_653 = arith.xori %or3A_652, %add3A_645 : vector<16xi32>
      %add3A_654 = arith.addi %add3A_645, %xor3A_653 : vector<16xi32>
      %shift_left3A_655 = arith.constant 26 : i32
      %shift_left3A_656 = vector.broadcast %shift_left3A_655 : i32 to vector<16xi32>
      %shift_left3A_657 = arith.shli %xor3A_653, %shift_left3A_656 : vector<16xi32>
      %shift_right_logical3A_658 = arith.constant 6 : i32
      %shift_right_logical3A_659 = vector.broadcast %shift_right_logical3A_658 : i32 to vector<16xi32>
      %shift_right_logical3A_660 = arith.shrui %xor3A_653, %shift_right_logical3A_659 : vector<16xi32>
      %or3A_661 = arith.ori %shift_left3A_657, %shift_right_logical3A_660 : vector<16xi32>
      %xor3A_662 = arith.xori %or3A_661, %add3A_654 : vector<16xi32>
      %add3A_663 = arith.addi %add3A_654, %xor3A_662 : vector<16xi32>
      %shift_left3A_664 = arith.constant 6 : i32
      %shift_left3A_665 = vector.broadcast %shift_left3A_664 : i32 to vector<16xi32>
      %shift_left3A_666 = arith.shli %xor3A_662, %shift_left3A_665 : vector<16xi32>
      %shift_right_logical3A_667 = arith.constant 26 : i32
      %shift_right_logical3A_668 = vector.broadcast %shift_right_logical3A_667 : i32 to vector<16xi32>
      %shift_right_logical3A_669 = arith.shrui %xor3A_662, %shift_right_logical3A_668 : vector<16xi32>
      %or3A_670 = arith.ori %shift_left3A_666, %shift_right_logical3A_669 : vector<16xi32>
      %xor3A_671 = arith.xori %or3A_670, %add3A_663 : vector<16xi32>
      %add3A_672 = arith.constant 466689008 : i32
      %add3A_673 = vector.broadcast %add3A_672 : i32 to vector<16xi32>
      %add3A_674 = arith.addi %add3A_663, %add3A_673 : vector<16xi32>
      %add3A_675 = arith.constant 5 : i32
      %add3A_676 = vector.broadcast %add3A_675 : i32 to vector<16xi32>
      %add3A_677 = arith.addi %xor3A_671, %add3A_676 : vector<16xi32>
      %xor3A_678 = arith.xori %add3A_674, %add3A_677 : vector<16xi32>
      %shift_right_logical3A_679 = arith.constant 9 : i32
      %shift_right_logical3A_680 = vector.broadcast %shift_right_logical3A_679 : i32 to vector<16xi32>
      %shift_right_logical3A_681 = arith.shrui %xor3A_678, %shift_right_logical3A_680 : vector<16xi32>
      %gt3A_682 = arith.cmpi sgt, %shift_right_logical3A_681, %max3A : vector<16xi32>
      %jit3A_683 = arith.constant 2 : i32
      %broadcast_in_dim3A_684 = vector.broadcast %jit3A_683 : i32 to vector<16xi32>
      %select_n3A_685 = arith.select %gt3A_682, %broadcast_in_dim3A_684, %select_n3A : vector<16xi1>, vector<16xi32>
      %max3A_686 = arith.maxsi %shift_right_logical3A_681, %max3A : vector<16xi32>
      %add3A_687 = arith.constant 3 : i32
      %add3A_688 = vector.broadcast %add3A_687 : i32 to vector<16xi32>
      %add3A_689 = arith.addi %add3A_38, %add3A_688 : vector<16xi32>
      %shift_left3A_690 = arith.constant 13 : i32
      %shift_left3A_691 = vector.broadcast %shift_left3A_690 : i32 to vector<16xi32>
      %shift_left3A_692 = arith.shli %add3A_689, %shift_left3A_691 : vector<16xi32>
      %shift_right_logical3A_693 = arith.constant 19 : i32
      %shift_right_logical3A_694 = vector.broadcast %shift_right_logical3A_693 : i32 to vector<16xi32>
      %shift_right_logical3A_695 = arith.shrui %add3A_689, %shift_right_logical3A_694 : vector<16xi32>
      %or3A_696 = arith.ori %shift_left3A_692, %shift_right_logical3A_695 : vector<16xi32>
      %xor3A_697 = arith.xori %or3A_696, %add3A_689 : vector<16xi32>
      %add3A_698 = arith.addi %add3A_689, %xor3A_697 : vector<16xi32>
      %shift_left3A_699 = arith.constant 15 : i32
      %shift_left3A_700 = vector.broadcast %shift_left3A_699 : i32 to vector<16xi32>
      %shift_left3A_701 = arith.shli %xor3A_697, %shift_left3A_700 : vector<16xi32>
      %shift_right_logical3A_702 = arith.constant 17 : i32
      %shift_right_logical3A_703 = vector.broadcast %shift_right_logical3A_702 : i32 to vector<16xi32>
      %shift_right_logical3A_704 = arith.shrui %xor3A_697, %shift_right_logical3A_703 : vector<16xi32>
      %or3A_705 = arith.ori %shift_left3A_701, %shift_right_logical3A_704 : vector<16xi32>
      %xor3A_706 = arith.xori %or3A_705, %add3A_698 : vector<16xi32>
      %add3A_707 = arith.addi %add3A_698, %xor3A_706 : vector<16xi32>
      %shift_left3A_708 = arith.constant 26 : i32
      %shift_left3A_709 = vector.broadcast %shift_left3A_708 : i32 to vector<16xi32>
      %shift_left3A_710 = arith.shli %xor3A_706, %shift_left3A_709 : vector<16xi32>
      %shift_right_logical3A_711 = arith.constant 6 : i32
      %shift_right_logical3A_712 = vector.broadcast %shift_right_logical3A_711 : i32 to vector<16xi32>
      %shift_right_logical3A_713 = arith.shrui %xor3A_706, %shift_right_logical3A_712 : vector<16xi32>
      %or3A_714 = arith.ori %shift_left3A_710, %shift_right_logical3A_713 : vector<16xi32>
      %xor3A_715 = arith.xori %or3A_714, %add3A_707 : vector<16xi32>
      %add3A_716 = arith.addi %add3A_707, %xor3A_715 : vector<16xi32>
      %shift_left3A_717 = arith.constant 6 : i32
      %shift_left3A_718 = vector.broadcast %shift_left3A_717 : i32 to vector<16xi32>
      %shift_left3A_719 = arith.shli %xor3A_715, %shift_left3A_718 : vector<16xi32>
      %shift_right_logical3A_720 = arith.constant 26 : i32
      %shift_right_logical3A_721 = vector.broadcast %shift_right_logical3A_720 : i32 to vector<16xi32>
      %shift_right_logical3A_722 = arith.shrui %xor3A_715, %shift_right_logical3A_721 : vector<16xi32>
      %or3A_723 = arith.ori %shift_left3A_719, %shift_right_logical3A_722 : vector<16xi32>
      %xor3A_724 = arith.xori %or3A_723, %add3A_716 : vector<16xi32>
      %add3A_725 = arith.constant 42 : i32
      %add3A_726 = vector.broadcast %add3A_725 : i32 to vector<16xi32>
      %add3A_727 = arith.addi %add3A_716, %add3A_726 : vector<16xi32>
      %add3A_728 = arith.constant 466689009 : i32
      %add3A_729 = vector.broadcast %add3A_728 : i32 to vector<16xi32>
      %add3A_730 = arith.addi %xor3A_724, %add3A_729 : vector<16xi32>
      %add3A_731 = arith.addi %add3A_727, %add3A_730 : vector<16xi32>
      %shift_left3A_732 = arith.constant 17 : i32
      %shift_left3A_733 = vector.broadcast %shift_left3A_732 : i32 to vector<16xi32>
      %shift_left3A_734 = arith.shli %add3A_730, %shift_left3A_733 : vector<16xi32>
      %shift_right_logical3A_735 = arith.constant 15 : i32
      %shift_right_logical3A_736 = vector.broadcast %shift_right_logical3A_735 : i32 to vector<16xi32>
      %shift_right_logical3A_737 = arith.shrui %add3A_730, %shift_right_logical3A_736 : vector<16xi32>
      %or3A_738 = arith.ori %shift_left3A_734, %shift_right_logical3A_737 : vector<16xi32>
      %xor3A_739 = arith.xori %or3A_738, %add3A_731 : vector<16xi32>
      %add3A_740 = arith.addi %add3A_731, %xor3A_739 : vector<16xi32>
      %shift_left3A_741 = arith.constant 29 : i32
      %shift_left3A_742 = vector.broadcast %shift_left3A_741 : i32 to vector<16xi32>
      %shift_left3A_743 = arith.shli %xor3A_739, %shift_left3A_742 : vector<16xi32>
      %shift_right_logical3A_744 = arith.constant 3 : i32
      %shift_right_logical3A_745 = vector.broadcast %shift_right_logical3A_744 : i32 to vector<16xi32>
      %shift_right_logical3A_746 = arith.shrui %xor3A_739, %shift_right_logical3A_745 : vector<16xi32>
      %or3A_747 = arith.ori %shift_left3A_743, %shift_right_logical3A_746 : vector<16xi32>
      %xor3A_748 = arith.xori %or3A_747, %add3A_740 : vector<16xi32>
      %add3A_749 = arith.addi %add3A_740, %xor3A_748 : vector<16xi32>
      %shift_left3A_750 = arith.constant 16 : i32
      %shift_left3A_751 = vector.broadcast %shift_left3A_750 : i32 to vector<16xi32>
      %shift_left3A_752 = arith.shli %xor3A_748, %shift_left3A_751 : vector<16xi32>
      %shift_right_logical3A_753 = arith.constant 16 : i32
      %shift_right_logical3A_754 = vector.broadcast %shift_right_logical3A_753 : i32 to vector<16xi32>
      %shift_right_logical3A_755 = arith.shrui %xor3A_748, %shift_right_logical3A_754 : vector<16xi32>
      %or3A_756 = arith.ori %shift_left3A_752, %shift_right_logical3A_755 : vector<16xi32>
      %xor3A_757 = arith.xori %or3A_756, %add3A_749 : vector<16xi32>
      %add3A_758 = arith.addi %add3A_749, %xor3A_757 : vector<16xi32>
      %shift_left3A_759 = arith.constant 24 : i32
      %shift_left3A_760 = vector.broadcast %shift_left3A_759 : i32 to vector<16xi32>
      %shift_left3A_761 = arith.shli %xor3A_757, %shift_left3A_760 : vector<16xi32>
      %shift_right_logical3A_762 = arith.constant 8 : i32
      %shift_right_logical3A_763 = vector.broadcast %shift_right_logical3A_762 : i32 to vector<16xi32>
      %shift_right_logical3A_764 = arith.shrui %xor3A_757, %shift_right_logical3A_763 : vector<16xi32>
      %or3A_765 = arith.ori %shift_left3A_761, %shift_right_logical3A_764 : vector<16xi32>
      %xor3A_766 = arith.xori %or3A_765, %add3A_758 : vector<16xi32>
      %add3A_767 = arith.constant 466689008 : i32
      %add3A_768 = vector.broadcast %add3A_767 : i32 to vector<16xi32>
      %add3A_769 = arith.addi %add3A_758, %add3A_768 : vector<16xi32>
      %add3A_770 = arith.constant 2 : i32
      %add3A_771 = vector.broadcast %add3A_770 : i32 to vector<16xi32>
      %add3A_772 = arith.addi %xor3A_766, %add3A_771 : vector<16xi32>
      %add3A_773 = arith.addi %add3A_769, %add3A_772 : vector<16xi32>
      %shift_left3A_774 = arith.constant 13 : i32
      %shift_left3A_775 = vector.broadcast %shift_left3A_774 : i32 to vector<16xi32>
      %shift_left3A_776 = arith.shli %add3A_772, %shift_left3A_775 : vector<16xi32>
      %shift_right_logical3A_777 = arith.constant 19 : i32
      %shift_right_logical3A_778 = vector.broadcast %shift_right_logical3A_777 : i32 to vector<16xi32>
      %shift_right_logical3A_779 = arith.shrui %add3A_772, %shift_right_logical3A_778 : vector<16xi32>
      %or3A_780 = arith.ori %shift_left3A_776, %shift_right_logical3A_779 : vector<16xi32>
      %xor3A_781 = arith.xori %or3A_780, %add3A_773 : vector<16xi32>
      %add3A_782 = arith.addi %add3A_773, %xor3A_781 : vector<16xi32>
      %shift_left3A_783 = arith.constant 15 : i32
      %shift_left3A_784 = vector.broadcast %shift_left3A_783 : i32 to vector<16xi32>
      %shift_left3A_785 = arith.shli %xor3A_781, %shift_left3A_784 : vector<16xi32>
      %shift_right_logical3A_786 = arith.constant 17 : i32
      %shift_right_logical3A_787 = vector.broadcast %shift_right_logical3A_786 : i32 to vector<16xi32>
      %shift_right_logical3A_788 = arith.shrui %xor3A_781, %shift_right_logical3A_787 : vector<16xi32>
      %or3A_789 = arith.ori %shift_left3A_785, %shift_right_logical3A_788 : vector<16xi32>
      %xor3A_790 = arith.xori %or3A_789, %add3A_782 : vector<16xi32>
      %add3A_791 = arith.addi %add3A_782, %xor3A_790 : vector<16xi32>
      %shift_left3A_792 = arith.constant 26 : i32
      %shift_left3A_793 = vector.broadcast %shift_left3A_792 : i32 to vector<16xi32>
      %shift_left3A_794 = arith.shli %xor3A_790, %shift_left3A_793 : vector<16xi32>
      %shift_right_logical3A_795 = arith.constant 6 : i32
      %shift_right_logical3A_796 = vector.broadcast %shift_right_logical3A_795 : i32 to vector<16xi32>
      %shift_right_logical3A_797 = arith.shrui %xor3A_790, %shift_right_logical3A_796 : vector<16xi32>
      %or3A_798 = arith.ori %shift_left3A_794, %shift_right_logical3A_797 : vector<16xi32>
      %xor3A_799 = arith.xori %or3A_798, %add3A_791 : vector<16xi32>
      %add3A_800 = arith.addi %add3A_791, %xor3A_799 : vector<16xi32>
      %shift_left3A_801 = arith.constant 6 : i32
      %shift_left3A_802 = vector.broadcast %shift_left3A_801 : i32 to vector<16xi32>
      %shift_left3A_803 = arith.shli %xor3A_799, %shift_left3A_802 : vector<16xi32>
      %shift_right_logical3A_804 = arith.constant 26 : i32
      %shift_right_logical3A_805 = vector.broadcast %shift_right_logical3A_804 : i32 to vector<16xi32>
      %shift_right_logical3A_806 = arith.shrui %xor3A_799, %shift_right_logical3A_805 : vector<16xi32>
      %or3A_807 = arith.ori %shift_left3A_803, %shift_right_logical3A_806 : vector<16xi32>
      %xor3A_808 = arith.xori %or3A_807, %add3A_800 : vector<16xi32>
      %add3A_809 = arith.constant 0 : i32
      %add3A_810 = vector.broadcast %add3A_809 : i32 to vector<16xi32>
      %add3A_811 = arith.addi %add3A_800, %add3A_810 : vector<16xi32>
      %add3A_812 = arith.constant 45 : i32
      %add3A_813 = vector.broadcast %add3A_812 : i32 to vector<16xi32>
      %add3A_814 = arith.addi %xor3A_808, %add3A_813 : vector<16xi32>
      %add3A_815 = arith.addi %add3A_811, %add3A_814 : vector<16xi32>
      %shift_left3A_816 = arith.constant 17 : i32
      %shift_left3A_817 = vector.broadcast %shift_left3A_816 : i32 to vector<16xi32>
      %shift_left3A_818 = arith.shli %add3A_814, %shift_left3A_817 : vector<16xi32>
      %shift_right_logical3A_819 = arith.constant 15 : i32
      %shift_right_logical3A_820 = vector.broadcast %shift_right_logical3A_819 : i32 to vector<16xi32>
      %shift_right_logical3A_821 = arith.shrui %add3A_814, %shift_right_logical3A_820 : vector<16xi32>
      %or3A_822 = arith.ori %shift_left3A_818, %shift_right_logical3A_821 : vector<16xi32>
      %xor3A_823 = arith.xori %or3A_822, %add3A_815 : vector<16xi32>
      %add3A_824 = arith.addi %add3A_815, %xor3A_823 : vector<16xi32>
      %shift_left3A_825 = arith.constant 29 : i32
      %shift_left3A_826 = vector.broadcast %shift_left3A_825 : i32 to vector<16xi32>
      %shift_left3A_827 = arith.shli %xor3A_823, %shift_left3A_826 : vector<16xi32>
      %shift_right_logical3A_828 = arith.constant 3 : i32
      %shift_right_logical3A_829 = vector.broadcast %shift_right_logical3A_828 : i32 to vector<16xi32>
      %shift_right_logical3A_830 = arith.shrui %xor3A_823, %shift_right_logical3A_829 : vector<16xi32>
      %or3A_831 = arith.ori %shift_left3A_827, %shift_right_logical3A_830 : vector<16xi32>
      %xor3A_832 = arith.xori %or3A_831, %add3A_824 : vector<16xi32>
      %add3A_833 = arith.addi %add3A_824, %xor3A_832 : vector<16xi32>
      %shift_left3A_834 = arith.constant 16 : i32
      %shift_left3A_835 = vector.broadcast %shift_left3A_834 : i32 to vector<16xi32>
      %shift_left3A_836 = arith.shli %xor3A_832, %shift_left3A_835 : vector<16xi32>
      %shift_right_logical3A_837 = arith.constant 16 : i32
      %shift_right_logical3A_838 = vector.broadcast %shift_right_logical3A_837 : i32 to vector<16xi32>
      %shift_right_logical3A_839 = arith.shrui %xor3A_832, %shift_right_logical3A_838 : vector<16xi32>
      %or3A_840 = arith.ori %shift_left3A_836, %shift_right_logical3A_839 : vector<16xi32>
      %xor3A_841 = arith.xori %or3A_840, %add3A_833 : vector<16xi32>
      %add3A_842 = arith.addi %add3A_833, %xor3A_841 : vector<16xi32>
      %shift_left3A_843 = arith.constant 24 : i32
      %shift_left3A_844 = vector.broadcast %shift_left3A_843 : i32 to vector<16xi32>
      %shift_left3A_845 = arith.shli %xor3A_841, %shift_left3A_844 : vector<16xi32>
      %shift_right_logical3A_846 = arith.constant 8 : i32
      %shift_right_logical3A_847 = vector.broadcast %shift_right_logical3A_846 : i32 to vector<16xi32>
      %shift_right_logical3A_848 = arith.shrui %xor3A_841, %shift_right_logical3A_847 : vector<16xi32>
      %or3A_849 = arith.ori %shift_left3A_845, %shift_right_logical3A_848 : vector<16xi32>
      %xor3A_850 = arith.xori %or3A_849, %add3A_842 : vector<16xi32>
      %add3A_851 = arith.constant 42 : i32
      %add3A_852 = vector.broadcast %add3A_851 : i32 to vector<16xi32>
      %add3A_853 = arith.addi %add3A_842, %add3A_852 : vector<16xi32>
      %add3A_854 = arith.constant 466689012 : i32
      %add3A_855 = vector.broadcast %add3A_854 : i32 to vector<16xi32>
      %add3A_856 = arith.addi %xor3A_850, %add3A_855 : vector<16xi32>
      %add3A_857 = arith.addi %add3A_853, %add3A_856 : vector<16xi32>
      %shift_left3A_858 = arith.constant 13 : i32
      %shift_left3A_859 = vector.broadcast %shift_left3A_858 : i32 to vector<16xi32>
      %shift_left3A_860 = arith.shli %add3A_856, %shift_left3A_859 : vector<16xi32>
      %shift_right_logical3A_861 = arith.constant 19 : i32
      %shift_right_logical3A_862 = vector.broadcast %shift_right_logical3A_861 : i32 to vector<16xi32>
      %shift_right_logical3A_863 = arith.shrui %add3A_856, %shift_right_logical3A_862 : vector<16xi32>
      %or3A_864 = arith.ori %shift_left3A_860, %shift_right_logical3A_863 : vector<16xi32>
      %xor3A_865 = arith.xori %or3A_864, %add3A_857 : vector<16xi32>
      %add3A_866 = arith.addi %add3A_857, %xor3A_865 : vector<16xi32>
      %shift_left3A_867 = arith.constant 15 : i32
      %shift_left3A_868 = vector.broadcast %shift_left3A_867 : i32 to vector<16xi32>
      %shift_left3A_869 = arith.shli %xor3A_865, %shift_left3A_868 : vector<16xi32>
      %shift_right_logical3A_870 = arith.constant 17 : i32
      %shift_right_logical3A_871 = vector.broadcast %shift_right_logical3A_870 : i32 to vector<16xi32>
      %shift_right_logical3A_872 = arith.shrui %xor3A_865, %shift_right_logical3A_871 : vector<16xi32>
      %or3A_873 = arith.ori %shift_left3A_869, %shift_right_logical3A_872 : vector<16xi32>
      %xor3A_874 = arith.xori %or3A_873, %add3A_866 : vector<16xi32>
      %add3A_875 = arith.addi %add3A_866, %xor3A_874 : vector<16xi32>
      %shift_left3A_876 = arith.constant 26 : i32
      %shift_left3A_877 = vector.broadcast %shift_left3A_876 : i32 to vector<16xi32>
      %shift_left3A_878 = arith.shli %xor3A_874, %shift_left3A_877 : vector<16xi32>
      %shift_right_logical3A_879 = arith.constant 6 : i32
      %shift_right_logical3A_880 = vector.broadcast %shift_right_logical3A_879 : i32 to vector<16xi32>
      %shift_right_logical3A_881 = arith.shrui %xor3A_874, %shift_right_logical3A_880 : vector<16xi32>
      %or3A_882 = arith.ori %shift_left3A_878, %shift_right_logical3A_881 : vector<16xi32>
      %xor3A_883 = arith.xori %or3A_882, %add3A_875 : vector<16xi32>
      %add3A_884 = arith.addi %add3A_875, %xor3A_883 : vector<16xi32>
      %shift_left3A_885 = arith.constant 6 : i32
      %shift_left3A_886 = vector.broadcast %shift_left3A_885 : i32 to vector<16xi32>
      %shift_left3A_887 = arith.shli %xor3A_883, %shift_left3A_886 : vector<16xi32>
      %shift_right_logical3A_888 = arith.constant 26 : i32
      %shift_right_logical3A_889 = vector.broadcast %shift_right_logical3A_888 : i32 to vector<16xi32>
      %shift_right_logical3A_890 = arith.shrui %xor3A_883, %shift_right_logical3A_889 : vector<16xi32>
      %or3A_891 = arith.ori %shift_left3A_887, %shift_right_logical3A_890 : vector<16xi32>
      %xor3A_892 = arith.xori %or3A_891, %add3A_884 : vector<16xi32>
      %add3A_893 = arith.constant 466689008 : i32
      %add3A_894 = vector.broadcast %add3A_893 : i32 to vector<16xi32>
      %add3A_895 = arith.addi %add3A_884, %add3A_894 : vector<16xi32>
      %add3A_896 = arith.constant 5 : i32
      %add3A_897 = vector.broadcast %add3A_896 : i32 to vector<16xi32>
      %add3A_898 = arith.addi %xor3A_892, %add3A_897 : vector<16xi32>
      %xor3A_899 = arith.xori %add3A_895, %add3A_898 : vector<16xi32>
      %shift_right_logical3A_900 = arith.constant 9 : i32
      %shift_right_logical3A_901 = vector.broadcast %shift_right_logical3A_900 : i32 to vector<16xi32>
      %shift_right_logical3A_902 = arith.shrui %xor3A_899, %shift_right_logical3A_901 : vector<16xi32>
      %gt3A_903 = arith.cmpi sgt, %shift_right_logical3A_902, %max3A_686 : vector<16xi32>
      %jit3A_904 = arith.constant 3 : i32
      %broadcast_in_dim3A_905 = vector.broadcast %jit3A_904 : i32 to vector<16xi32>
      %select_n3A_906 = arith.select %gt3A_903, %broadcast_in_dim3A_905, %select_n3A_685 : vector<16xi1>, vector<16xi32>
      %max3A_907 = arith.maxsi %shift_right_logical3A_902, %max3A_686 : vector<16xi32>
      %mul3A_908 = arith.constant 16 : i32
      %mul3A_909 = arith.muli %scan3A_22, %mul3A_908 : i32
      %swap3A = arith.constant 1 : i32
      %swap3A_910 = arith.index_cast %swap3A : i32 to index
      %swap3A_911 = arith.index_cast %mul3A_909 : i32 to index
      %swap3A_912 = tpu.vector_load %arg3[%swap3A_910, %swap3A_911] {strides = array<i32>} : memref<2x4096xi32, #tpu.memory_space<vmem>>, vector<1x16xi32>,
      %swap3A_913 = vector.shape_cast %swap3A_912 : vector<1x16xi32> to vector<16xi32>
      %swap3A_914 = vector.shape_cast %select_n3A_906 : vector<16xi32> to vector<1x16xi32>
      tpu.vector_store %arg3[%swap3A_910, %swap3A_911], %swap3A_914 {strides = array<i32>} : memref<2x4096xi32, #tpu.memory_space<vmem>>, vector<1x16xi32>,
    }
    %scan3A_19 = arith.constant 256 : i32
    %mul3A_20 = arith.constant 2 : i32
    %mul3A_21 = arith.muli %add3A, %mul3A_20 : i32
    "tpu.region"() ({
      %run_scoped3A = tpu.sem_alloc : memref<!tpu.dma_semaphore, #tpu.memory_space<semaphore_mem>>
      %dma_start3A = arith.constant 0 : i32
      %dma_start3A_22 = tpu.memref_slice %arg2[%mul3A_21, %dma_start3A] : memref<64x4096xi32, #tpu.memory_space<hbm>> -> memref<2x4096xi32, #tpu.memory_space<hbm>>
      %dma_start3A_23 = arith.constant 0 : i32
      %dma_start3A_24 = tpu.memref_slice %arg2[%mul3A_21, %dma_start3A_23] : memref<64x4096xi32, #tpu.memory_space<hbm>> -> memref<2x4096xi32, #tpu.memory_space<hbm>>
      tpu.enqueue_dma source(%arg3 : memref<2x4096xi32, #tpu.memory_space<vmem>>) target(%dma_start3A_24 : memref<2x4096xi32, #tpu.memory_space<hbm>>) target_semaphore(%run_scoped3A : memref<!tpu.dma_semaphore, #tpu.memory_space<semaphore_mem>>)
      %dma_wait3A = arith.constant 0 : i32
      %dma_wait3A_25 = tpu.memref_slice %arg2[%mul3A_21, %dma_wait3A] : memref<64x4096xi32, #tpu.memory_space<hbm>> -> memref<2x4096xi32, #tpu.memory_space<hbm>>
      %dma_wait3A_26 = arith.constant 0 : i32
      %dma_wait3A_27 = tpu.memref_slice %arg2[%mul3A_21, %dma_wait3A_26] : memref<64x4096xi32, #tpu.memory_space<hbm>> -> memref<2x4096xi32, #tpu.memory_space<hbm>>
      tpu.wait_dma2 semaphore(%run_scoped3A : memref<!tpu.dma_semaphore, #tpu.memory_space<semaphore_mem>>) src(%arg3 : memref<2x4096xi32, #tpu.memory_space<vmem>>) dst(%dma_wait3A_27 : memref<2x4096xi32, #tpu.memory_space<hbm>>)
      tpu.yield
    }) : () -> ()
    return
  }
}

module attributes {stable_mosaic.version = 14 : i64} {
  func.func @_tc_gather_kernel(%arg0: i32, %arg1: memref<4x64x4096xf32, #tpu.memory_space<vmem>>, %arg2: memref<4x64x64xf32, #tpu.memory_space<vmem>>, %arg3: memref<4x64xf32, #tpu.memory_space<vmem>>, %arg4: memref<64x4096xi32, #tpu.memory_space<vmem>>, %arg5: memref<8x128xf32, #tpu.memory_space<vmem>>, %arg6: memref<64x4096xf32, #tpu.memory_space<vmem>>) attributes {dimension_semantics = [#tpu.dimension_semantics<arbitrary>], iteration_bounds = array<i64: 1>, scalar_prefetch = 0 : i64, scratch_operands = 0 : i64, tpu.core_type = #tpu.core_type<tc>, window_params = [{transform_indices = @transform_0, window_bounds = array<i64: 4, 64, 4096>}, {pipeline_mode = #tpu.pipeline_mode<synchronous>, transform_indices = @transform_1, window_bounds = array<i64: 4, 64, 64>}, {pipeline_mode = #tpu.pipeline_mode<synchronous>, transform_indices = @transform_2, window_bounds = array<i64: 4, 64>}, {pipeline_mode = #tpu.pipeline_mode<synchronous>, transform_indices = @transform_3, window_bounds = array<i64: 64, 4096>}, {transform_indices = @transform_4, window_bounds = array<i64: 8, 128>}, {transform_indices = @transform_5, window_bounds = array<i64: 64, 4096>}]} {
    %get3A = arith.constant 0 : index
    %get3A_0 = arith.constant 0 : index
    %get3A_1 = arith.constant 0 : index
    %get3A_2 = vector.load %arg2[%get3A, %get3A_0, %get3A_1] : memref<4x64x64xf32, #tpu.memory_space<vmem>>, vector<1x64x64xf32>
    %get3A_3 = vector.shape_cast %get3A_2 : vector<1x64x64xf32> to vector<64x64xf32>
    %get3A_4 = arith.constant 0 : index
    %get3A_5 = arith.constant 0 : index
    %get3A_6 = arith.constant 0 : index
    %get3A_7 = vector.load %arg1[%get3A_4, %get3A_5, %get3A_6] : memref<4x64x4096xf32, #tpu.memory_space<vmem>>, vector<1x64x4096xf32>
    %get3A_8 = vector.shape_cast %get3A_7 : vector<1x64x4096xf32> to vector<64x4096xf32>
    %dot_general3A = arith.constant dense<0.000000e+00> : vector<64x4096xf32>
    %dot_general3A_9 = tpu.matmul %get3A_3, %get3A_8, %dot_general3A {dimension_numbers = #tpu.dot_dimension_numbers<[0], [0], [1], [1], [0, 1, 1, 1], [], []>, transpose_lhs_hint = false} : vector<64x64xf32>, vector<64x4096xf32>, vector<64x4096xf32> -> vector<64x4096xf32>
    %get3A_10 = arith.constant 0 : index
    %get3A_11 = arith.constant 0 : index
    %get3A_12 = vector.load %arg3[%get3A_10, %get3A_11] : memref<4x64xf32, #tpu.memory_space<vmem>>, vector<1x64xf32>
    %get3A_13 = vector.shape_cast %get3A_12 : vector<1x64xf32> to vector<64xf32>
    %broadcast_in_dim3A = vector.shape_cast %get3A_13 : vector<64xf32> to vector<64x1xf32>
    %add3A = vector.broadcast %broadcast_in_dim3A : vector<64x1xf32> to vector<64x4096xf32>
    %add3A_14 = arith.addf %dot_general3A_9, %add3A : vector<64x4096xf32>
    %max3A = arith.constant 0.000000e+00 : f32
    %max3A_15 = vector.broadcast %max3A : f32 to vector<64x4096xf32>
    %max3A_16 = arith.maximumf %add3A_14, %max3A_15 : vector<64x4096xf32>
    %get3A_17 = arith.constant 1 : index
    %get3A_18 = arith.constant 0 : index
    %get3A_19 = arith.constant 0 : index
    %get3A_20 = vector.load %arg2[%get3A_17, %get3A_18, %get3A_19] : memref<4x64x64xf32, #tpu.memory_space<vmem>>, vector<1x64x64xf32>
    %get3A_21 = vector.shape_cast %get3A_20 : vector<1x64x64xf32> to vector<64x64xf32>
    %get3A_22 = arith.constant 1 : index
    %get3A_23 = arith.constant 0 : index
    %get3A_24 = arith.constant 0 : index
    %get3A_25 = vector.load %arg1[%get3A_22, %get3A_23, %get3A_24] : memref<4x64x4096xf32, #tpu.memory_space<vmem>>, vector<1x64x4096xf32>
    %get3A_26 = vector.shape_cast %get3A_25 : vector<1x64x4096xf32> to vector<64x4096xf32>
    %dot_general3A_27 = arith.constant dense<0.000000e+00> : vector<64x4096xf32>
    %dot_general3A_28 = tpu.matmul %get3A_21, %get3A_26, %dot_general3A_27 {dimension_numbers = #tpu.dot_dimension_numbers<[0], [0], [1], [1], [0, 1, 1, 1], [], []>, transpose_lhs_hint = false} : vector<64x64xf32>, vector<64x4096xf32>, vector<64x4096xf32> -> vector<64x4096xf32>
    %get3A_29 = arith.constant 1 : index
    %get3A_30 = arith.constant 0 : index
    %get3A_31 = vector.load %arg3[%get3A_29, %get3A_30] : memref<4x64xf32, #tpu.memory_space<vmem>>, vector<1x64xf32>
    %get3A_32 = vector.shape_cast %get3A_31 : vector<1x64xf32> to vector<64xf32>
    %broadcast_in_dim3A_33 = vector.shape_cast %get3A_32 : vector<64xf32> to vector<64x1xf32>
    %add3A_34 = vector.broadcast %broadcast_in_dim3A_33 : vector<64x1xf32> to vector<64x4096xf32>
    %add3A_35 = arith.addf %dot_general3A_28, %add3A_34 : vector<64x4096xf32>
    %max3A_36 = arith.constant 0.000000e+00 : f32
    %max3A_37 = vector.broadcast %max3A_36 : f32 to vector<64x4096xf32>
    %max3A_38 = arith.maximumf %add3A_35, %max3A_37 : vector<64x4096xf32>
    %get3A_39 = arith.constant 2 : index
    %get3A_40 = arith.constant 0 : index
    %get3A_41 = arith.constant 0 : index
    %get3A_42 = vector.load %arg2[%get3A_39, %get3A_40, %get3A_41] : memref<4x64x64xf32, #tpu.memory_space<vmem>>, vector<1x64x64xf32>
    %get3A_43 = vector.shape_cast %get3A_42 : vector<1x64x64xf32> to vector<64x64xf32>
    %get3A_44 = arith.constant 2 : index
    %get3A_45 = arith.constant 0 : index
    %get3A_46 = arith.constant 0 : index
    %get3A_47 = vector.load %arg1[%get3A_44, %get3A_45, %get3A_46] : memref<4x64x4096xf32, #tpu.memory_space<vmem>>, vector<1x64x4096xf32>
    %get3A_48 = vector.shape_cast %get3A_47 : vector<1x64x4096xf32> to vector<64x4096xf32>
    %dot_general3A_49 = arith.constant dense<0.000000e+00> : vector<64x4096xf32>
    %dot_general3A_50 = tpu.matmul %get3A_43, %get3A_48, %dot_general3A_49 {dimension_numbers = #tpu.dot_dimension_numbers<[0], [0], [1], [1], [0, 1, 1, 1], [], []>, transpose_lhs_hint = false} : vector<64x64xf32>, vector<64x4096xf32>, vector<64x4096xf32> -> vector<64x4096xf32>
    %get3A_51 = arith.constant 2 : index
    %get3A_52 = arith.constant 0 : index
    %get3A_53 = vector.load %arg3[%get3A_51, %get3A_52] : memref<4x64xf32, #tpu.memory_space<vmem>>, vector<1x64xf32>
    %get3A_54 = vector.shape_cast %get3A_53 : vector<1x64xf32> to vector<64xf32>
    %broadcast_in_dim3A_55 = vector.shape_cast %get3A_54 : vector<64xf32> to vector<64x1xf32>
    %add3A_56 = vector.broadcast %broadcast_in_dim3A_55 : vector<64x1xf32> to vector<64x4096xf32>
    %add3A_57 = arith.addf %dot_general3A_50, %add3A_56 : vector<64x4096xf32>
    %max3A_58 = arith.constant 0.000000e+00 : f32
    %max3A_59 = vector.broadcast %max3A_58 : f32 to vector<64x4096xf32>
    %max3A_60 = arith.maximumf %add3A_57, %max3A_59 : vector<64x4096xf32>
    %get3A_61 = arith.constant 3 : index
    %get3A_62 = arith.constant 0 : index
    %get3A_63 = arith.constant 0 : index
    %get3A_64 = vector.load %arg2[%get3A_61, %get3A_62, %get3A_63] : memref<4x64x64xf32, #tpu.memory_space<vmem>>, vector<1x64x64xf32>
    %get3A_65 = vector.shape_cast %get3A_64 : vector<1x64x64xf32> to vector<64x64xf32>
    %get3A_66 = arith.constant 3 : index
    %get3A_67 = arith.constant 0 : index
    %get3A_68 = arith.constant 0 : index
    %get3A_69 = vector.load %arg1[%get3A_66, %get3A_67, %get3A_68] : memref<4x64x4096xf32, #tpu.memory_space<vmem>>, vector<1x64x4096xf32>
    %get3A_70 = vector.shape_cast %get3A_69 : vector<1x64x4096xf32> to vector<64x4096xf32>
    %dot_general3A_71 = arith.constant dense<0.000000e+00> : vector<64x4096xf32>
    %dot_general3A_72 = tpu.matmul %get3A_65, %get3A_70, %dot_general3A_71 {dimension_numbers = #tpu.dot_dimension_numbers<[0], [0], [1], [1], [0, 1, 1, 1], [], []>, transpose_lhs_hint = false} : vector<64x64xf32>, vector<64x4096xf32>, vector<64x4096xf32> -> vector<64x4096xf32>
    %get3A_73 = arith.constant 3 : index
    %get3A_74 = arith.constant 0 : index
    %get3A_75 = vector.load %arg3[%get3A_73, %get3A_74] : memref<4x64xf32, #tpu.memory_space<vmem>>, vector<1x64xf32>
    %get3A_76 = vector.shape_cast %get3A_75 : vector<1x64xf32> to vector<64xf32>
    %broadcast_in_dim3A_77 = vector.shape_cast %get3A_76 : vector<64xf32> to vector<64x1xf32>
    %add3A_78 = vector.broadcast %broadcast_in_dim3A_77 : vector<64x1xf32> to vector<64x4096xf32>
    %add3A_79 = arith.addf %dot_general3A_72, %add3A_78 : vector<64x4096xf32>
    %max3A_80 = arith.constant 0.000000e+00 : f32
    %max3A_81 = vector.broadcast %max3A_80 : f32 to vector<64x4096xf32>
    %max3A_82 = arith.maximumf %add3A_79, %max3A_81 : vector<64x4096xf32>
    %get3A_83 = arith.constant 0 : index
    %get3A_84 = arith.constant 0 : index
    %get3A_85 = vector.load %arg4[%get3A_83, %get3A_84] : memref<64x4096xi32, #tpu.memory_space<vmem>>, vector<64x4096xi32>
    %lt3A = arith.constant 2 : i32
    %lt3A_86 = vector.broadcast %lt3A : i32 to vector<64x4096xi32>
    %lt3A_87 = arith.cmpi slt, %get3A_85, %lt3A_86 : vector<64x4096xi32>
    %eq3A = arith.constant 0 : i32
    %eq3A_88 = vector.broadcast %eq3A : i32 to vector<64x4096xi32>
    %eq3A_89 = arith.cmpi eq, %get3A_85, %eq3A_88 : vector<64x4096xi32>
    %select_n3A = arith.select %eq3A_89, %max3A_16, %max3A_38 : vector<64x4096xi1>, vector<64x4096xf32>
    %eq3A_90 = arith.constant 2 : i32
    %eq3A_91 = vector.broadcast %eq3A_90 : i32 to vector<64x4096xi32>
    %eq3A_92 = arith.cmpi eq, %get3A_85, %eq3A_91 : vector<64x4096xi32>
    %select_n3A_93 = arith.select %eq3A_92, %max3A_60, %max3A_82 : vector<64x4096xi1>, vector<64x4096xf32>
    %select_n3A_94 = arith.select %lt3A_87, %select_n3A, %select_n3A_93 : vector<64x4096xi1>, vector<64x4096xf32>
    %swap3A = arith.constant 0 : index
    %swap3A_95 = arith.constant 0 : index
    %swap3A_96 = vector.load %arg6[%swap3A, %swap3A_95] : memref<64x4096xf32, #tpu.memory_space<vmem>>, vector<64x4096xf32>
    tpu.vector_store %arg6[%swap3A, %swap3A_95], %select_n3A_94 {strides = array<i32>} : memref<64x4096xf32, #tpu.memory_space<vmem>>, vector<64x4096xf32>,
    return
  }
  func.func @transform_0(%arg0: i32) -> (i32, i32, i32) {
    %c0_i32 = arith.constant 0 : i32
    %c0_i32_0 = arith.constant 0 : i32
    %c3_i32 = arith.constant 3 : i32
    %c0_i32_1 = arith.constant 0 : i32
    return %c0_i32, %c0_i32_0, %c3_i32 : i32, i32, i32
  }
  func.func @transform_1(%arg0: i32) -> (i32, i32, i32) {
    %c0_i32 = arith.constant 0 : i32
    %c0_i32_0 = arith.constant 0 : i32
    %c0_i32_1 = arith.constant 0 : i32
    %c0_i32_2 = arith.constant 0 : i32
    return %c0_i32, %c0_i32_0, %c0_i32_1 : i32, i32, i32
  }
  func.func @transform_2(%arg0: i32) -> (i32, i32) {
    %c0_i32 = arith.constant 0 : i32
    %c0_i32_0 = arith.constant 0 : i32
    %c0_i32_1 = arith.constant 0 : i32
    return %c0_i32, %c0_i32_0 : i32, i32
  }
  func.func @transform_3(%arg0: i32) -> (i32, i32) {
    %c0_i32 = arith.constant 0 : i32
    %c0_i32_0 = arith.constant 0 : i32
    %c0_i32_1 = arith.constant 0 : i32
    return %c0_i32, %c0_i32_0 : i32, i32
  }
  func.func @transform_4(%arg0: i32) -> (i32, i32) {
    %c0_i32 = arith.constant 0 : i32
    %c0_i32_0 = arith.constant 0 : i32
    %c0_i32_1 = arith.constant 0 : i32
    return %c0_i32, %c0_i32_0 : i32, i32
  }
  func.func @transform_5(%arg0: i32) -> (i32, i32) {
    %c0_i32 = arith.constant 0 : i32
    %c3_i32 = arith.constant 3 : i32
    %c0_i32_0 = arith.constant 0 : i32
    return %c0_i32, %c3_i32 : i32, i32
  }
}

module attributes {stable_mosaic.version = 14 : i64} {
  func.func @_tc_sample_kernel(%arg0: i32, %arg1: memref<4x64x1024xf32, #tpu.memory_space<vmem>>, %arg2: memref<4x64x64xf32, #tpu.memory_space<vmem>>, %arg3: memref<4x64xf32, #tpu.memory_space<vmem>>, %arg4: memref<64x1024xf32, #tpu.memory_space<vmem>>) attributes {dimension_semantics = [#tpu.dimension_semantics<arbitrary>], iteration_bounds = array<i64: 12>, scalar_prefetch = 0 : i64, scratch_operands = 0 : i64, tpu.core_type = #tpu.core_type<tc>, window_params = [{transform_indices = @transform_0, window_bounds = array<i64: 4, 64, 1024>}, {pipeline_mode = #tpu.pipeline_mode<synchronous>, transform_indices = @transform_1, window_bounds = array<i64: 4, 64, 64>}, {pipeline_mode = #tpu.pipeline_mode<synchronous>, transform_indices = @transform_2, window_bounds = array<i64: 4, 64>}, {transform_indices = @transform_3, window_bounds = array<i64: 64, 1024>}]} {
    %get3A = arith.constant 0 : index
    %get3A_0 = arith.constant 0 : index
    %get3A_1 = arith.constant 0 : index
    %get3A_2 = vector.load %arg2[%get3A, %get3A_0, %get3A_1] : memref<4x64x64xf32, #tpu.memory_space<vmem>>, vector<1x64x64xf32>
    %get3A_3 = vector.shape_cast %get3A_2 : vector<1x64x64xf32> to vector<64x64xf32>
    %get3A_4 = arith.constant 0 : index
    %get3A_5 = arith.constant 0 : index
    %get3A_6 = arith.constant 0 : index
    %get3A_7 = vector.load %arg1[%get3A_4, %get3A_5, %get3A_6] : memref<4x64x1024xf32, #tpu.memory_space<vmem>>, vector<1x64x1024xf32>
    %get3A_8 = vector.shape_cast %get3A_7 : vector<1x64x1024xf32> to vector<64x1024xf32>
    %dot_general3A = arith.constant dense<0.000000e+00> : vector<64x1024xf32>
    %dot_general3A_9 = tpu.matmul %get3A_3, %get3A_8, %dot_general3A {dimension_numbers = #tpu.dot_dimension_numbers<[0], [0], [1], [1], [0, 1, 1, 1], [], []>, transpose_lhs_hint = false} : vector<64x64xf32>, vector<64x1024xf32>, vector<64x1024xf32> -> vector<64x1024xf32>
    %get3A_10 = arith.constant 0 : index
    %get3A_11 = arith.constant 0 : index
    %get3A_12 = vector.load %arg3[%get3A_10, %get3A_11] : memref<4x64xf32, #tpu.memory_space<vmem>>, vector<1x64xf32>
    %get3A_13 = vector.shape_cast %get3A_12 : vector<1x64xf32> to vector<64xf32>
    %broadcast_in_dim3A = vector.shape_cast %get3A_13 : vector<64xf32> to vector<64x1xf32>
    %add3A = vector.broadcast %broadcast_in_dim3A : vector<64x1xf32> to vector<64x1024xf32>
    %add3A_14 = arith.addf %dot_general3A_9, %add3A : vector<64x1024xf32>
    %max3A = arith.constant 0.000000e+00 : f32
    %max3A_15 = vector.broadcast %max3A : f32 to vector<64x1024xf32>
    %max3A_16 = arith.maximumf %add3A_14, %max3A_15 : vector<64x1024xf32>
    %get3A_17 = arith.constant 1 : index
    %get3A_18 = arith.constant 0 : index
    %get3A_19 = arith.constant 0 : index
    %get3A_20 = vector.load %arg2[%get3A_17, %get3A_18, %get3A_19] : memref<4x64x64xf32, #tpu.memory_space<vmem>>, vector<1x64x64xf32>
    %get3A_21 = vector.shape_cast %get3A_20 : vector<1x64x64xf32> to vector<64x64xf32>
    %get3A_22 = arith.constant 1 : index
    %get3A_23 = arith.constant 0 : index
    %get3A_24 = arith.constant 0 : index
    %get3A_25 = vector.load %arg1[%get3A_22, %get3A_23, %get3A_24] : memref<4x64x1024xf32, #tpu.memory_space<vmem>>, vector<1x64x1024xf32>
    %get3A_26 = vector.shape_cast %get3A_25 : vector<1x64x1024xf32> to vector<64x1024xf32>
    %dot_general3A_27 = arith.constant dense<0.000000e+00> : vector<64x1024xf32>
    %dot_general3A_28 = tpu.matmul %get3A_21, %get3A_26, %dot_general3A_27 {dimension_numbers = #tpu.dot_dimension_numbers<[0], [0], [1], [1], [0, 1, 1, 1], [], []>, transpose_lhs_hint = false} : vector<64x64xf32>, vector<64x1024xf32>, vector<64x1024xf32> -> vector<64x1024xf32>
    %get3A_29 = arith.constant 1 : index
    %get3A_30 = arith.constant 0 : index
    %get3A_31 = vector.load %arg3[%get3A_29, %get3A_30] : memref<4x64xf32, #tpu.memory_space<vmem>>, vector<1x64xf32>
    %get3A_32 = vector.shape_cast %get3A_31 : vector<1x64xf32> to vector<64xf32>
    %broadcast_in_dim3A_33 = vector.shape_cast %get3A_32 : vector<64xf32> to vector<64x1xf32>
    %add3A_34 = vector.broadcast %broadcast_in_dim3A_33 : vector<64x1xf32> to vector<64x1024xf32>
    %add3A_35 = arith.addf %dot_general3A_28, %add3A_34 : vector<64x1024xf32>
    %max3A_36 = arith.constant 0.000000e+00 : f32
    %max3A_37 = vector.broadcast %max3A_36 : f32 to vector<64x1024xf32>
    %max3A_38 = arith.maximumf %add3A_35, %max3A_37 : vector<64x1024xf32>
    %get3A_39 = arith.constant 2 : index
    %get3A_40 = arith.constant 0 : index
    %get3A_41 = arith.constant 0 : index
    %get3A_42 = vector.load %arg2[%get3A_39, %get3A_40, %get3A_41] : memref<4x64x64xf32, #tpu.memory_space<vmem>>, vector<1x64x64xf32>
    %get3A_43 = vector.shape_cast %get3A_42 : vector<1x64x64xf32> to vector<64x64xf32>
    %get3A_44 = arith.constant 2 : index
    %get3A_45 = arith.constant 0 : index
    %get3A_46 = arith.constant 0 : index
    %get3A_47 = vector.load %arg1[%get3A_44, %get3A_45, %get3A_46] : memref<4x64x1024xf32, #tpu.memory_space<vmem>>, vector<1x64x1024xf32>
    %get3A_48 = vector.shape_cast %get3A_47 : vector<1x64x1024xf32> to vector<64x1024xf32>
    %dot_general3A_49 = arith.constant dense<0.000000e+00> : vector<64x1024xf32>
    %dot_general3A_50 = tpu.matmul %get3A_43, %get3A_48, %dot_general3A_49 {dimension_numbers = #tpu.dot_dimension_numbers<[0], [0], [1], [1], [0, 1, 1, 1], [], []>, transpose_lhs_hint = false} : vector<64x64xf32>, vector<64x1024xf32>, vector<64x1024xf32> -> vector<64x1024xf32>
    %get3A_51 = arith.constant 2 : index
    %get3A_52 = arith.constant 0 : index
    %get3A_53 = vector.load %arg3[%get3A_51, %get3A_52] : memref<4x64xf32, #tpu.memory_space<vmem>>, vector<1x64xf32>
    %get3A_54 = vector.shape_cast %get3A_53 : vector<1x64xf32> to vector<64xf32>
    %broadcast_in_dim3A_55 = vector.shape_cast %get3A_54 : vector<64xf32> to vector<64x1xf32>
    %add3A_56 = vector.broadcast %broadcast_in_dim3A_55 : vector<64x1xf32> to vector<64x1024xf32>
    %add3A_57 = arith.addf %dot_general3A_50, %add3A_56 : vector<64x1024xf32>
    %max3A_58 = arith.constant 0.000000e+00 : f32
    %max3A_59 = vector.broadcast %max3A_58 : f32 to vector<64x1024xf32>
    %max3A_60 = arith.maximumf %add3A_57, %max3A_59 : vector<64x1024xf32>
    %get3A_61 = arith.constant 3 : index
    %get3A_62 = arith.constant 0 : index
    %get3A_63 = arith.constant 0 : index
    %get3A_64 = vector.load %arg2[%get3A_61, %get3A_62, %get3A_63] : memref<4x64x64xf32, #tpu.memory_space<vmem>>, vector<1x64x64xf32>
    %get3A_65 = vector.shape_cast %get3A_64 : vector<1x64x64xf32> to vector<64x64xf32>
    %get3A_66 = arith.constant 3 : index
    %get3A_67 = arith.constant 0 : index
    %get3A_68 = arith.constant 0 : index
    %get3A_69 = vector.load %arg1[%get3A_66, %get3A_67, %get3A_68] : memref<4x64x1024xf32, #tpu.memory_space<vmem>>, vector<1x64x1024xf32>
    %get3A_70 = vector.shape_cast %get3A_69 : vector<1x64x1024xf32> to vector<64x1024xf32>
    %dot_general3A_71 = arith.constant dense<0.000000e+00> : vector<64x1024xf32>
    %dot_general3A_72 = tpu.matmul %get3A_65, %get3A_70, %dot_general3A_71 {dimension_numbers = #tpu.dot_dimension_numbers<[0], [0], [1], [1], [0, 1, 1, 1], [], []>, transpose_lhs_hint = false} : vector<64x64xf32>, vector<64x1024xf32>, vector<64x1024xf32> -> vector<64x1024xf32>
    %get3A_73 = arith.constant 3 : index
    %get3A_74 = arith.constant 0 : index
    %get3A_75 = vector.load %arg3[%get3A_73, %get3A_74] : memref<4x64xf32, #tpu.memory_space<vmem>>, vector<1x64xf32>
    %get3A_76 = vector.shape_cast %get3A_75 : vector<1x64xf32> to vector<64xf32>
    %broadcast_in_dim3A_77 = vector.shape_cast %get3A_76 : vector<64xf32> to vector<64x1xf32>
    %add3A_78 = vector.broadcast %broadcast_in_dim3A_77 : vector<64x1xf32> to vector<64x1024xf32>
    %add3A_79 = arith.addf %dot_general3A_72, %add3A_78 : vector<64x1024xf32>
    %max3A_80 = arith.constant 0.000000e+00 : f32
    %max3A_81 = vector.broadcast %max3A_80 : f32 to vector<64x1024xf32>
    %max3A_82 = arith.maximumf %add3A_79, %max3A_81 : vector<64x1024xf32>
    %mul3A = arith.constant 1024 : i32
    %mul3A_83 = arith.muli %arg0, %mul3A : i32
    %iota3A = tpu.iota {dimensions = array<i32: 0>} : vector<64x1024xi32>
    %iota3A_84 = tpu.iota {dimensions = array<i32: 1>} : vector<64x1024xi32>
    %add3A_85 = vector.broadcast %mul3A_83 : i32 to vector<64x1024xi32>
    %add3A_86 = arith.addi %iota3A_84, %add3A_85 : vector<64x1024xi32>
    %mul3A_87 = arith.constant 256 : i32
    %mul3A_88 = vector.broadcast %mul3A_87 : i32 to vector<64x1024xi32>
    %mul3A_89 = arith.muli %add3A_86, %mul3A_88 : vector<64x1024xi32>
    %mul3A_90 = arith.constant 4 : i32
    %mul3A_91 = vector.broadcast %mul3A_90 : i32 to vector<64x1024xi32>
    %mul3A_92 = arith.muli %iota3A, %mul3A_91 : vector<64x1024xi32>
    %add3A_93 = arith.addi %mul3A_89, %mul3A_92 : vector<64x1024xi32>
    %add3A_94 = arith.constant 42 : i32
    %add3A_95 = vector.broadcast %add3A_94 : i32 to vector<64x1024xi32>
    %add3A_96 = arith.addi %add3A_93, %add3A_95 : vector<64x1024xi32>
    %shift_left3A = arith.constant 13 : i32
    %shift_left3A_97 = vector.broadcast %shift_left3A : i32 to vector<64x1024xi32>
    %shift_left3A_98 = arith.shli %add3A_96, %shift_left3A_97 : vector<64x1024xi32>
    %shift_right_logical3A = arith.constant 19 : i32
    %shift_right_logical3A_99 = vector.broadcast %shift_right_logical3A : i32 to vector<64x1024xi32>
    %shift_right_logical3A_100 = arith.shrui %add3A_96, %shift_right_logical3A_99 : vector<64x1024xi32>
    %or3A = arith.ori %shift_left3A_98, %shift_right_logical3A_100 : vector<64x1024xi32>
    %xor3A = arith.xori %or3A, %add3A_96 : vector<64x1024xi32>
    %add3A_101 = arith.addi %add3A_96, %xor3A : vector<64x1024xi32>
    %shift_left3A_102 = arith.constant 15 : i32
    %shift_left3A_103 = vector.broadcast %shift_left3A_102 : i32 to vector<64x1024xi32>
    %shift_left3A_104 = arith.shli %xor3A, %shift_left3A_103 : vector<64x1024xi32>
    %shift_right_logical3A_105 = arith.constant 17 : i32
    %shift_right_logical3A_106 = vector.broadcast %shift_right_logical3A_105 : i32 to vector<64x1024xi32>
    %shift_right_logical3A_107 = arith.shrui %xor3A, %shift_right_logical3A_106 : vector<64x1024xi32>
    %or3A_108 = arith.ori %shift_left3A_104, %shift_right_logical3A_107 : vector<64x1024xi32>
    %xor3A_109 = arith.xori %or3A_108, %add3A_101 : vector<64x1024xi32>
    %add3A_110 = arith.addi %add3A_101, %xor3A_109 : vector<64x1024xi32>
    %shift_left3A_111 = arith.constant 26 : i32
    %shift_left3A_112 = vector.broadcast %shift_left3A_111 : i32 to vector<64x1024xi32>
    %shift_left3A_113 = arith.shli %xor3A_109, %shift_left3A_112 : vector<64x1024xi32>
    %shift_right_logical3A_114 = arith.constant 6 : i32
    %shift_right_logical3A_115 = vector.broadcast %shift_right_logical3A_114 : i32 to vector<64x1024xi32>
    %shift_right_logical3A_116 = arith.shrui %xor3A_109, %shift_right_logical3A_115 : vector<64x1024xi32>
    %or3A_117 = arith.ori %shift_left3A_113, %shift_right_logical3A_116 : vector<64x1024xi32>
    %xor3A_118 = arith.xori %or3A_117, %add3A_110 : vector<64x1024xi32>
    %add3A_119 = arith.addi %add3A_110, %xor3A_118 : vector<64x1024xi32>
    %shift_left3A_120 = arith.constant 6 : i32
    %shift_left3A_121 = vector.broadcast %shift_left3A_120 : i32 to vector<64x1024xi32>
    %shift_left3A_122 = arith.shli %xor3A_118, %shift_left3A_121 : vector<64x1024xi32>
    %shift_right_logical3A_123 = arith.constant 26 : i32
    %shift_right_logical3A_124 = vector.broadcast %shift_right_logical3A_123 : i32 to vector<64x1024xi32>
    %shift_right_logical3A_125 = arith.shrui %xor3A_118, %shift_right_logical3A_124 : vector<64x1024xi32>
    %or3A_126 = arith.ori %shift_left3A_122, %shift_right_logical3A_125 : vector<64x1024xi32>
    %xor3A_127 = arith.xori %or3A_126, %add3A_119 : vector<64x1024xi32>
    %add3A_128 = arith.constant 42 : i32
    %add3A_129 = vector.broadcast %add3A_128 : i32 to vector<64x1024xi32>
    %add3A_130 = arith.addi %add3A_119, %add3A_129 : vector<64x1024xi32>
    %add3A_131 = arith.constant 466689009 : i32
    %add3A_132 = vector.broadcast %add3A_131 : i32 to vector<64x1024xi32>
    %add3A_133 = arith.addi %xor3A_127, %add3A_132 : vector<64x1024xi32>
    %add3A_134 = arith.addi %add3A_130, %add3A_133 : vector<64x1024xi32>
    %shift_left3A_135 = arith.constant 17 : i32
    %shift_left3A_136 = vector.broadcast %shift_left3A_135 : i32 to vector<64x1024xi32>
    %shift_left3A_137 = arith.shli %add3A_133, %shift_left3A_136 : vector<64x1024xi32>
    %shift_right_logical3A_138 = arith.constant 15 : i32
    %shift_right_logical3A_139 = vector.broadcast %shift_right_logical3A_138 : i32 to vector<64x1024xi32>
    %shift_right_logical3A_140 = arith.shrui %add3A_133, %shift_right_logical3A_139 : vector<64x1024xi32>
    %or3A_141 = arith.ori %shift_left3A_137, %shift_right_logical3A_140 : vector<64x1024xi32>
    %xor3A_142 = arith.xori %or3A_141, %add3A_134 : vector<64x1024xi32>
    %add3A_143 = arith.addi %add3A_134, %xor3A_142 : vector<64x1024xi32>
    %shift_left3A_144 = arith.constant 29 : i32
    %shift_left3A_145 = vector.broadcast %shift_left3A_144 : i32 to vector<64x1024xi32>
    %shift_left3A_146 = arith.shli %xor3A_142, %shift_left3A_145 : vector<64x1024xi32>
    %shift_right_logical3A_147 = arith.constant 3 : i32
    %shift_right_logical3A_148 = vector.broadcast %shift_right_logical3A_147 : i32 to vector<64x1024xi32>
    %shift_right_logical3A_149 = arith.shrui %xor3A_142, %shift_right_logical3A_148 : vector<64x1024xi32>
    %or3A_150 = arith.ori %shift_left3A_146, %shift_right_logical3A_149 : vector<64x1024xi32>
    %xor3A_151 = arith.xori %or3A_150, %add3A_143 : vector<64x1024xi32>
    %add3A_152 = arith.addi %add3A_143, %xor3A_151 : vector<64x1024xi32>
    %shift_left3A_153 = arith.constant 16 : i32
    %shift_left3A_154 = vector.broadcast %shift_left3A_153 : i32 to vector<64x1024xi32>
    %shift_left3A_155 = arith.shli %xor3A_151, %shift_left3A_154 : vector<64x1024xi32>
    %shift_right_logical3A_156 = arith.constant 16 : i32
    %shift_right_logical3A_157 = vector.broadcast %shift_right_logical3A_156 : i32 to vector<64x1024xi32>
    %shift_right_logical3A_158 = arith.shrui %xor3A_151, %shift_right_logical3A_157 : vector<64x1024xi32>
    %or3A_159 = arith.ori %shift_left3A_155, %shift_right_logical3A_158 : vector<64x1024xi32>
    %xor3A_160 = arith.xori %or3A_159, %add3A_152 : vector<64x1024xi32>
    %add3A_161 = arith.addi %add3A_152, %xor3A_160 : vector<64x1024xi32>
    %shift_left3A_162 = arith.constant 24 : i32
    %shift_left3A_163 = vector.broadcast %shift_left3A_162 : i32 to vector<64x1024xi32>
    %shift_left3A_164 = arith.shli %xor3A_160, %shift_left3A_163 : vector<64x1024xi32>
    %shift_right_logical3A_165 = arith.constant 8 : i32
    %shift_right_logical3A_166 = vector.broadcast %shift_right_logical3A_165 : i32 to vector<64x1024xi32>
    %shift_right_logical3A_167 = arith.shrui %xor3A_160, %shift_right_logical3A_166 : vector<64x1024xi32>
    %or3A_168 = arith.ori %shift_left3A_164, %shift_right_logical3A_167 : vector<64x1024xi32>
    %xor3A_169 = arith.xori %or3A_168, %add3A_161 : vector<64x1024xi32>
    %add3A_170 = arith.constant 466689008 : i32
    %add3A_171 = vector.broadcast %add3A_170 : i32 to vector<64x1024xi32>
    %add3A_172 = arith.addi %add3A_161, %add3A_171 : vector<64x1024xi32>
    %add3A_173 = arith.constant 2 : i32
    %add3A_174 = vector.broadcast %add3A_173 : i32 to vector<64x1024xi32>
    %add3A_175 = arith.addi %xor3A_169, %add3A_174 : vector<64x1024xi32>
    %add3A_176 = arith.addi %add3A_172, %add3A_175 : vector<64x1024xi32>
    %shift_left3A_177 = arith.constant 13 : i32
    %shift_left3A_178 = vector.broadcast %shift_left3A_177 : i32 to vector<64x1024xi32>
    %shift_left3A_179 = arith.shli %add3A_175, %shift_left3A_178 : vector<64x1024xi32>
    %shift_right_logical3A_180 = arith.constant 19 : i32
    %shift_right_logical3A_181 = vector.broadcast %shift_right_logical3A_180 : i32 to vector<64x1024xi32>
    %shift_right_logical3A_182 = arith.shrui %add3A_175, %shift_right_logical3A_181 : vector<64x1024xi32>
    %or3A_183 = arith.ori %shift_left3A_179, %shift_right_logical3A_182 : vector<64x1024xi32>
    %xor3A_184 = arith.xori %or3A_183, %add3A_176 : vector<64x1024xi32>
    %add3A_185 = arith.addi %add3A_176, %xor3A_184 : vector<64x1024xi32>
    %shift_left3A_186 = arith.constant 15 : i32
    %shift_left3A_187 = vector.broadcast %shift_left3A_186 : i32 to vector<64x1024xi32>
    %shift_left3A_188 = arith.shli %xor3A_184, %shift_left3A_187 : vector<64x1024xi32>
    %shift_right_logical3A_189 = arith.constant 17 : i32
    %shift_right_logical3A_190 = vector.broadcast %shift_right_logical3A_189 : i32 to vector<64x1024xi32>
    %shift_right_logical3A_191 = arith.shrui %xor3A_184, %shift_right_logical3A_190 : vector<64x1024xi32>
    %or3A_192 = arith.ori %shift_left3A_188, %shift_right_logical3A_191 : vector<64x1024xi32>
    %xor3A_193 = arith.xori %or3A_192, %add3A_185 : vector<64x1024xi32>
    %add3A_194 = arith.addi %add3A_185, %xor3A_193 : vector<64x1024xi32>
    %shift_left3A_195 = arith.constant 26 : i32
    %shift_left3A_196 = vector.broadcast %shift_left3A_195 : i32 to vector<64x1024xi32>
    %shift_left3A_197 = arith.shli %xor3A_193, %shift_left3A_196 : vector<64x1024xi32>
    %shift_right_logical3A_198 = arith.constant 6 : i32
    %shift_right_logical3A_199 = vector.broadcast %shift_right_logical3A_198 : i32 to vector<64x1024xi32>
    %shift_right_logical3A_200 = arith.shrui %xor3A_193, %shift_right_logical3A_199 : vector<64x1024xi32>
    %or3A_201 = arith.ori %shift_left3A_197, %shift_right_logical3A_200 : vector<64x1024xi32>
    %xor3A_202 = arith.xori %or3A_201, %add3A_194 : vector<64x1024xi32>
    %add3A_203 = arith.addi %add3A_194, %xor3A_202 : vector<64x1024xi32>
    %shift_left3A_204 = arith.constant 6 : i32
    %shift_left3A_205 = vector.broadcast %shift_left3A_204 : i32 to vector<64x1024xi32>
    %shift_left3A_206 = arith.shli %xor3A_202, %shift_left3A_205 : vector<64x1024xi32>
    %shift_right_logical3A_207 = arith.constant 26 : i32
    %shift_right_logical3A_208 = vector.broadcast %shift_right_logical3A_207 : i32 to vector<64x1024xi32>
    %shift_right_logical3A_209 = arith.shrui %xor3A_202, %shift_right_logical3A_208 : vector<64x1024xi32>
    %or3A_210 = arith.ori %shift_left3A_206, %shift_right_logical3A_209 : vector<64x1024xi32>
    %xor3A_211 = arith.xori %or3A_210, %add3A_203 : vector<64x1024xi32>
    %add3A_212 = arith.constant 0 : i32
    %add3A_213 = vector.broadcast %add3A_212 : i32 to vector<64x1024xi32>
    %add3A_214 = arith.addi %add3A_203, %add3A_213 : vector<64x1024xi32>
    %add3A_215 = arith.constant 45 : i32
    %add3A_216 = vector.broadcast %add3A_215 : i32 to vector<64x1024xi32>
    %add3A_217 = arith.addi %xor3A_211, %add3A_216 : vector<64x1024xi32>
    %add3A_218 = arith.addi %add3A_214, %add3A_217 : vector<64x1024xi32>
    %shift_left3A_219 = arith.constant 17 : i32
    %shift_left3A_220 = vector.broadcast %shift_left3A_219 : i32 to vector<64x1024xi32>
    %shift_left3A_221 = arith.shli %add3A_217, %shift_left3A_220 : vector<64x1024xi32>
    %shift_right_logical3A_222 = arith.constant 15 : i32
    %shift_right_logical3A_223 = vector.broadcast %shift_right_logical3A_222 : i32 to vector<64x1024xi32>
    %shift_right_logical3A_224 = arith.shrui %add3A_217, %shift_right_logical3A_223 : vector<64x1024xi32>
    %or3A_225 = arith.ori %shift_left3A_221, %shift_right_logical3A_224 : vector<64x1024xi32>
    %xor3A_226 = arith.xori %or3A_225, %add3A_218 : vector<64x1024xi32>
    %add3A_227 = arith.addi %add3A_218, %xor3A_226 : vector<64x1024xi32>
    %shift_left3A_228 = arith.constant 29 : i32
    %shift_left3A_229 = vector.broadcast %shift_left3A_228 : i32 to vector<64x1024xi32>
    %shift_left3A_230 = arith.shli %xor3A_226, %shift_left3A_229 : vector<64x1024xi32>
    %shift_right_logical3A_231 = arith.constant 3 : i32
    %shift_right_logical3A_232 = vector.broadcast %shift_right_logical3A_231 : i32 to vector<64x1024xi32>
    %shift_right_logical3A_233 = arith.shrui %xor3A_226, %shift_right_logical3A_232 : vector<64x1024xi32>
    %or3A_234 = arith.ori %shift_left3A_230, %shift_right_logical3A_233 : vector<64x1024xi32>
    %xor3A_235 = arith.xori %or3A_234, %add3A_227 : vector<64x1024xi32>
    %add3A_236 = arith.addi %add3A_227, %xor3A_235 : vector<64x1024xi32>
    %shift_left3A_237 = arith.constant 16 : i32
    %shift_left3A_238 = vector.broadcast %shift_left3A_237 : i32 to vector<64x1024xi32>
    %shift_left3A_239 = arith.shli %xor3A_235, %shift_left3A_238 : vector<64x1024xi32>
    %shift_right_logical3A_240 = arith.constant 16 : i32
    %shift_right_logical3A_241 = vector.broadcast %shift_right_logical3A_240 : i32 to vector<64x1024xi32>
    %shift_right_logical3A_242 = arith.shrui %xor3A_235, %shift_right_logical3A_241 : vector<64x1024xi32>
    %or3A_243 = arith.ori %shift_left3A_239, %shift_right_logical3A_242 : vector<64x1024xi32>
    %xor3A_244 = arith.xori %or3A_243, %add3A_236 : vector<64x1024xi32>
    %add3A_245 = arith.addi %add3A_236, %xor3A_244 : vector<64x1024xi32>
    %shift_left3A_246 = arith.constant 24 : i32
    %shift_left3A_247 = vector.broadcast %shift_left3A_246 : i32 to vector<64x1024xi32>
    %shift_left3A_248 = arith.shli %xor3A_244, %shift_left3A_247 : vector<64x1024xi32>
    %shift_right_logical3A_249 = arith.constant 8 : i32
    %shift_right_logical3A_250 = vector.broadcast %shift_right_logical3A_249 : i32 to vector<64x1024xi32>
    %shift_right_logical3A_251 = arith.shrui %xor3A_244, %shift_right_logical3A_250 : vector<64x1024xi32>
    %or3A_252 = arith.ori %shift_left3A_248, %shift_right_logical3A_251 : vector<64x1024xi32>
    %xor3A_253 = arith.xori %or3A_252, %add3A_245 : vector<64x1024xi32>
    %add3A_254 = arith.constant 42 : i32
    %add3A_255 = vector.broadcast %add3A_254 : i32 to vector<64x1024xi32>
    %add3A_256 = arith.addi %add3A_245, %add3A_255 : vector<64x1024xi32>
    %add3A_257 = arith.constant 466689012 : i32
    %add3A_258 = vector.broadcast %add3A_257 : i32 to vector<64x1024xi32>
    %add3A_259 = arith.addi %xor3A_253, %add3A_258 : vector<64x1024xi32>
    %add3A_260 = arith.addi %add3A_256, %add3A_259 : vector<64x1024xi32>
    %shift_left3A_261 = arith.constant 13 : i32
    %shift_left3A_262 = vector.broadcast %shift_left3A_261 : i32 to vector<64x1024xi32>
    %shift_left3A_263 = arith.shli %add3A_259, %shift_left3A_262 : vector<64x1024xi32>
    %shift_right_logical3A_264 = arith.constant 19 : i32
    %shift_right_logical3A_265 = vector.broadcast %shift_right_logical3A_264 : i32 to vector<64x1024xi32>
    %shift_right_logical3A_266 = arith.shrui %add3A_259, %shift_right_logical3A_265 : vector<64x1024xi32>
    %or3A_267 = arith.ori %shift_left3A_263, %shift_right_logical3A_266 : vector<64x1024xi32>
    %xor3A_268 = arith.xori %or3A_267, %add3A_260 : vector<64x1024xi32>
    %add3A_269 = arith.addi %add3A_260, %xor3A_268 : vector<64x1024xi32>
    %shift_left3A_270 = arith.constant 15 : i32
    %shift_left3A_271 = vector.broadcast %shift_left3A_270 : i32 to vector<64x1024xi32>
    %shift_left3A_272 = arith.shli %xor3A_268, %shift_left3A_271 : vector<64x1024xi32>
    %shift_right_logical3A_273 = arith.constant 17 : i32
    %shift_right_logical3A_274 = vector.broadcast %shift_right_logical3A_273 : i32 to vector<64x1024xi32>
    %shift_right_logical3A_275 = arith.shrui %xor3A_268, %shift_right_logical3A_274 : vector<64x1024xi32>
    %or3A_276 = arith.ori %shift_left3A_272, %shift_right_logical3A_275 : vector<64x1024xi32>
    %xor3A_277 = arith.xori %or3A_276, %add3A_269 : vector<64x1024xi32>
    %add3A_278 = arith.addi %add3A_269, %xor3A_277 : vector<64x1024xi32>
    %shift_left3A_279 = arith.constant 26 : i32
    %shift_left3A_280 = vector.broadcast %shift_left3A_279 : i32 to vector<64x1024xi32>
    %shift_left3A_281 = arith.shli %xor3A_277, %shift_left3A_280 : vector<64x1024xi32>
    %shift_right_logical3A_282 = arith.constant 6 : i32
    %shift_right_logical3A_283 = vector.broadcast %shift_right_logical3A_282 : i32 to vector<64x1024xi32>
    %shift_right_logical3A_284 = arith.shrui %xor3A_277, %shift_right_logical3A_283 : vector<64x1024xi32>
    %or3A_285 = arith.ori %shift_left3A_281, %shift_right_logical3A_284 : vector<64x1024xi32>
    %xor3A_286 = arith.xori %or3A_285, %add3A_278 : vector<64x1024xi32>
    %add3A_287 = arith.addi %add3A_278, %xor3A_286 : vector<64x1024xi32>
    %shift_left3A_288 = arith.constant 6 : i32
    %shift_left3A_289 = vector.broadcast %shift_left3A_288 : i32 to vector<64x1024xi32>
    %shift_left3A_290 = arith.shli %xor3A_286, %shift_left3A_289 : vector<64x1024xi32>
    %shift_right_logical3A_291 = arith.constant 26 : i32
    %shift_right_logical3A_292 = vector.broadcast %shift_right_logical3A_291 : i32 to vector<64x1024xi32>
    %shift_right_logical3A_293 = arith.shrui %xor3A_286, %shift_right_logical3A_292 : vector<64x1024xi32>
    %or3A_294 = arith.ori %shift_left3A_290, %shift_right_logical3A_293 : vector<64x1024xi32>
    %xor3A_295 = arith.xori %or3A_294, %add3A_287 : vector<64x1024xi32>
    %add3A_296 = arith.constant 466689008 : i32
    %add3A_297 = vector.broadcast %add3A_296 : i32 to vector<64x1024xi32>
    %add3A_298 = arith.addi %add3A_287, %add3A_297 : vector<64x1024xi32>
    %add3A_299 = arith.constant 5 : i32
    %add3A_300 = vector.broadcast %add3A_299 : i32 to vector<64x1024xi32>
    %add3A_301 = arith.addi %xor3A_295, %add3A_300 : vector<64x1024xi32>
    %xor3A_302 = arith.xori %add3A_298, %add3A_301 : vector<64x1024xi32>
    %shift_right_logical3A_303 = arith.constant 9 : i32
    %shift_right_logical3A_304 = vector.broadcast %shift_right_logical3A_303 : i32 to vector<64x1024xi32>
    %shift_right_logical3A_305 = arith.shrui %xor3A_302, %shift_right_logical3A_304 : vector<64x1024xi32>
    %add3A_306 = arith.constant 1 : i32
    %add3A_307 = vector.broadcast %add3A_306 : i32 to vector<64x1024xi32>
    %add3A_308 = arith.addi %add3A_96, %add3A_307 : vector<64x1024xi32>
    %shift_left3A_309 = arith.constant 13 : i32
    %shift_left3A_310 = vector.broadcast %shift_left3A_309 : i32 to vector<64x1024xi32>
    %shift_left3A_311 = arith.shli %add3A_308, %shift_left3A_310 : vector<64x1024xi32>
    %shift_right_logical3A_312 = arith.constant 19 : i32
    %shift_right_logical3A_313 = vector.broadcast %shift_right_logical3A_312 : i32 to vector<64x1024xi32>
    %shift_right_logical3A_314 = arith.shrui %add3A_308, %shift_right_logical3A_313 : vector<64x1024xi32>
    %or3A_315 = arith.ori %shift_left3A_311, %shift_right_logical3A_314 : vector<64x1024xi32>
    %xor3A_316 = arith.xori %or3A_315, %add3A_308 : vector<64x1024xi32>
    %add3A_317 = arith.addi %add3A_308, %xor3A_316 : vector<64x1024xi32>
    %shift_left3A_318 = arith.constant 15 : i32
    %shift_left3A_319 = vector.broadcast %shift_left3A_318 : i32 to vector<64x1024xi32>
    %shift_left3A_320 = arith.shli %xor3A_316, %shift_left3A_319 : vector<64x1024xi32>
    %shift_right_logical3A_321 = arith.constant 17 : i32
    %shift_right_logical3A_322 = vector.broadcast %shift_right_logical3A_321 : i32 to vector<64x1024xi32>
    %shift_right_logical3A_323 = arith.shrui %xor3A_316, %shift_right_logical3A_322 : vector<64x1024xi32>
    %or3A_324 = arith.ori %shift_left3A_320, %shift_right_logical3A_323 : vector<64x1024xi32>
    %xor3A_325 = arith.xori %or3A_324, %add3A_317 : vector<64x1024xi32>
    %add3A_326 = arith.addi %add3A_317, %xor3A_325 : vector<64x1024xi32>
    %shift_left3A_327 = arith.constant 26 : i32
    %shift_left3A_328 = vector.broadcast %shift_left3A_327 : i32 to vector<64x1024xi32>
    %shift_left3A_329 = arith.shli %xor3A_325, %shift_left3A_328 : vector<64x1024xi32>
    %shift_right_logical3A_330 = arith.constant 6 : i32
    %shift_right_logical3A_331 = vector.broadcast %shift_right_logical3A_330 : i32 to vector<64x1024xi32>
    %shift_right_logical3A_332 = arith.shrui %xor3A_325, %shift_right_logical3A_331 : vector<64x1024xi32>
    %or3A_333 = arith.ori %shift_left3A_329, %shift_right_logical3A_332 : vector<64x1024xi32>
    %xor3A_334 = arith.xori %or3A_333, %add3A_326 : vector<64x1024xi32>
    %add3A_335 = arith.addi %add3A_326, %xor3A_334 : vector<64x1024xi32>
    %shift_left3A_336 = arith.constant 6 : i32
    %shift_left3A_337 = vector.broadcast %shift_left3A_336 : i32 to vector<64x1024xi32>
    %shift_left3A_338 = arith.shli %xor3A_334, %shift_left3A_337 : vector<64x1024xi32>
    %shift_right_logical3A_339 = arith.constant 26 : i32
    %shift_right_logical3A_340 = vector.broadcast %shift_right_logical3A_339 : i32 to vector<64x1024xi32>
    %shift_right_logical3A_341 = arith.shrui %xor3A_334, %shift_right_logical3A_340 : vector<64x1024xi32>
    %or3A_342 = arith.ori %shift_left3A_338, %shift_right_logical3A_341 : vector<64x1024xi32>
    %xor3A_343 = arith.xori %or3A_342, %add3A_335 : vector<64x1024xi32>
    %add3A_344 = arith.constant 42 : i32
    %add3A_345 = vector.broadcast %add3A_344 : i32 to vector<64x1024xi32>
    %add3A_346 = arith.addi %add3A_335, %add3A_345 : vector<64x1024xi32>
    %add3A_347 = arith.constant 466689009 : i32
    %add3A_348 = vector.broadcast %add3A_347 : i32 to vector<64x1024xi32>
    %add3A_349 = arith.addi %xor3A_343, %add3A_348 : vector<64x1024xi32>
    %add3A_350 = arith.addi %add3A_346, %add3A_349 : vector<64x1024xi32>
    %shift_left3A_351 = arith.constant 17 : i32
    %shift_left3A_352 = vector.broadcast %shift_left3A_351 : i32 to vector<64x1024xi32>
    %shift_left3A_353 = arith.shli %add3A_349, %shift_left3A_352 : vector<64x1024xi32>
    %shift_right_logical3A_354 = arith.constant 15 : i32
    %shift_right_logical3A_355 = vector.broadcast %shift_right_logical3A_354 : i32 to vector<64x1024xi32>
    %shift_right_logical3A_356 = arith.shrui %add3A_349, %shift_right_logical3A_355 : vector<64x1024xi32>
    %or3A_357 = arith.ori %shift_left3A_353, %shift_right_logical3A_356 : vector<64x1024xi32>
    %xor3A_358 = arith.xori %or3A_357, %add3A_350 : vector<64x1024xi32>
    %add3A_359 = arith.addi %add3A_350, %xor3A_358 : vector<64x1024xi32>
    %shift_left3A_360 = arith.constant 29 : i32
    %shift_left3A_361 = vector.broadcast %shift_left3A_360 : i32 to vector<64x1024xi32>
    %shift_left3A_362 = arith.shli %xor3A_358, %shift_left3A_361 : vector<64x1024xi32>
    %shift_right_logical3A_363 = arith.constant 3 : i32
    %shift_right_logical3A_364 = vector.broadcast %shift_right_logical3A_363 : i32 to vector<64x1024xi32>
    %shift_right_logical3A_365 = arith.shrui %xor3A_358, %shift_right_logical3A_364 : vector<64x1024xi32>
    %or3A_366 = arith.ori %shift_left3A_362, %shift_right_logical3A_365 : vector<64x1024xi32>
    %xor3A_367 = arith.xori %or3A_366, %add3A_359 : vector<64x1024xi32>
    %add3A_368 = arith.addi %add3A_359, %xor3A_367 : vector<64x1024xi32>
    %shift_left3A_369 = arith.constant 16 : i32
    %shift_left3A_370 = vector.broadcast %shift_left3A_369 : i32 to vector<64x1024xi32>
    %shift_left3A_371 = arith.shli %xor3A_367, %shift_left3A_370 : vector<64x1024xi32>
    %shift_right_logical3A_372 = arith.constant 16 : i32
    %shift_right_logical3A_373 = vector.broadcast %shift_right_logical3A_372 : i32 to vector<64x1024xi32>
    %shift_right_logical3A_374 = arith.shrui %xor3A_367, %shift_right_logical3A_373 : vector<64x1024xi32>
    %or3A_375 = arith.ori %shift_left3A_371, %shift_right_logical3A_374 : vector<64x1024xi32>
    %xor3A_376 = arith.xori %or3A_375, %add3A_368 : vector<64x1024xi32>
    %add3A_377 = arith.addi %add3A_368, %xor3A_376 : vector<64x1024xi32>
    %shift_left3A_378 = arith.constant 24 : i32
    %shift_left3A_379 = vector.broadcast %shift_left3A_378 : i32 to vector<64x1024xi32>
    %shift_left3A_380 = arith.shli %xor3A_376, %shift_left3A_379 : vector<64x1024xi32>
    %shift_right_logical3A_381 = arith.constant 8 : i32
    %shift_right_logical3A_382 = vector.broadcast %shift_right_logical3A_381 : i32 to vector<64x1024xi32>
    %shift_right_logical3A_383 = arith.shrui %xor3A_376, %shift_right_logical3A_382 : vector<64x1024xi32>
    %or3A_384 = arith.ori %shift_left3A_380, %shift_right_logical3A_383 : vector<64x1024xi32>
    %xor3A_385 = arith.xori %or3A_384, %add3A_377 : vector<64x1024xi32>
    %add3A_386 = arith.constant 466689008 : i32
    %add3A_387 = vector.broadcast %add3A_386 : i32 to vector<64x1024xi32>
    %add3A_388 = arith.addi %add3A_377, %add3A_387 : vector<64x1024xi32>
    %add3A_389 = arith.constant 2 : i32
    %add3A_390 = vector.broadcast %add3A_389 : i32 to vector<64x1024xi32>
    %add3A_391 = arith.addi %xor3A_385, %add3A_390 : vector<64x1024xi32>
    %add3A_392 = arith.addi %add3A_388, %add3A_391 : vector<64x1024xi32>
    %shift_left3A_393 = arith.constant 13 : i32
    %shift_left3A_394 = vector.broadcast %shift_left3A_393 : i32 to vector<64x1024xi32>
    %shift_left3A_395 = arith.shli %add3A_391, %shift_left3A_394 : vector<64x1024xi32>
    %shift_right_logical3A_396 = arith.constant 19 : i32
    %shift_right_logical3A_397 = vector.broadcast %shift_right_logical3A_396 : i32 to vector<64x1024xi32>
    %shift_right_logical3A_398 = arith.shrui %add3A_391, %shift_right_logical3A_397 : vector<64x1024xi32>
    %or3A_399 = arith.ori %shift_left3A_395, %shift_right_logical3A_398 : vector<64x1024xi32>
    %xor3A_400 = arith.xori %or3A_399, %add3A_392 : vector<64x1024xi32>
    %add3A_401 = arith.addi %add3A_392, %xor3A_400 : vector<64x1024xi32>
    %shift_left3A_402 = arith.constant 15 : i32
    %shift_left3A_403 = vector.broadcast %shift_left3A_402 : i32 to vector<64x1024xi32>
    %shift_left3A_404 = arith.shli %xor3A_400, %shift_left3A_403 : vector<64x1024xi32>
    %shift_right_logical3A_405 = arith.constant 17 : i32
    %shift_right_logical3A_406 = vector.broadcast %shift_right_logical3A_405 : i32 to vector<64x1024xi32>
    %shift_right_logical3A_407 = arith.shrui %xor3A_400, %shift_right_logical3A_406 : vector<64x1024xi32>
    %or3A_408 = arith.ori %shift_left3A_404, %shift_right_logical3A_407 : vector<64x1024xi32>
    %xor3A_409 = arith.xori %or3A_408, %add3A_401 : vector<64x1024xi32>
    %add3A_410 = arith.addi %add3A_401, %xor3A_409 : vector<64x1024xi32>
    %shift_left3A_411 = arith.constant 26 : i32
    %shift_left3A_412 = vector.broadcast %shift_left3A_411 : i32 to vector<64x1024xi32>
    %shift_left3A_413 = arith.shli %xor3A_409, %shift_left3A_412 : vector<64x1024xi32>
    %shift_right_logical3A_414 = arith.constant 6 : i32
    %shift_right_logical3A_415 = vector.broadcast %shift_right_logical3A_414 : i32 to vector<64x1024xi32>
    %shift_right_logical3A_416 = arith.shrui %xor3A_409, %shift_right_logical3A_415 : vector<64x1024xi32>
    %or3A_417 = arith.ori %shift_left3A_413, %shift_right_logical3A_416 : vector<64x1024xi32>
    %xor3A_418 = arith.xori %or3A_417, %add3A_410 : vector<64x1024xi32>
    %add3A_419 = arith.addi %add3A_410, %xor3A_418 : vector<64x1024xi32>
    %shift_left3A_420 = arith.constant 6 : i32
    %shift_left3A_421 = vector.broadcast %shift_left3A_420 : i32 to vector<64x1024xi32>
    %shift_left3A_422 = arith.shli %xor3A_418, %shift_left3A_421 : vector<64x1024xi32>
    %shift_right_logical3A_423 = arith.constant 26 : i32
    %shift_right_logical3A_424 = vector.broadcast %shift_right_logical3A_423 : i32 to vector<64x1024xi32>
    %shift_right_logical3A_425 = arith.shrui %xor3A_418, %shift_right_logical3A_424 : vector<64x1024xi32>
    %or3A_426 = arith.ori %shift_left3A_422, %shift_right_logical3A_425 : vector<64x1024xi32>
    %xor3A_427 = arith.xori %or3A_426, %add3A_419 : vector<64x1024xi32>
    %add3A_428 = arith.constant 0 : i32
    %add3A_429 = vector.broadcast %add3A_428 : i32 to vector<64x1024xi32>
    %add3A_430 = arith.addi %add3A_419, %add3A_429 : vector<64x1024xi32>
    %add3A_431 = arith.constant 45 : i32
    %add3A_432 = vector.broadcast %add3A_431 : i32 to vector<64x1024xi32>
    %add3A_433 = arith.addi %xor3A_427, %add3A_432 : vector<64x1024xi32>
    %add3A_434 = arith.addi %add3A_430, %add3A_433 : vector<64x1024xi32>
    %shift_left3A_435 = arith.constant 17 : i32
    %shift_left3A_436 = vector.broadcast %shift_left3A_435 : i32 to vector<64x1024xi32>
    %shift_left3A_437 = arith.shli %add3A_433, %shift_left3A_436 : vector<64x1024xi32>
    %shift_right_logical3A_438 = arith.constant 15 : i32
    %shift_right_logical3A_439 = vector.broadcast %shift_right_logical3A_438 : i32 to vector<64x1024xi32>
    %shift_right_logical3A_440 = arith.shrui %add3A_433, %shift_right_logical3A_439 : vector<64x1024xi32>
    %or3A_441 = arith.ori %shift_left3A_437, %shift_right_logical3A_440 : vector<64x1024xi32>
    %xor3A_442 = arith.xori %or3A_441, %add3A_434 : vector<64x1024xi32>
    %add3A_443 = arith.addi %add3A_434, %xor3A_442 : vector<64x1024xi32>
    %shift_left3A_444 = arith.constant 29 : i32
    %shift_left3A_445 = vector.broadcast %shift_left3A_444 : i32 to vector<64x1024xi32>
    %shift_left3A_446 = arith.shli %xor3A_442, %shift_left3A_445 : vector<64x1024xi32>
    %shift_right_logical3A_447 = arith.constant 3 : i32
    %shift_right_logical3A_448 = vector.broadcast %shift_right_logical3A_447 : i32 to vector<64x1024xi32>
    %shift_right_logical3A_449 = arith.shrui %xor3A_442, %shift_right_logical3A_448 : vector<64x1024xi32>
    %or3A_450 = arith.ori %shift_left3A_446, %shift_right_logical3A_449 : vector<64x1024xi32>
    %xor3A_451 = arith.xori %or3A_450, %add3A_443 : vector<64x1024xi32>
    %add3A_452 = arith.addi %add3A_443, %xor3A_451 : vector<64x1024xi32>
    %shift_left3A_453 = arith.constant 16 : i32
    %shift_left3A_454 = vector.broadcast %shift_left3A_453 : i32 to vector<64x1024xi32>
    %shift_left3A_455 = arith.shli %xor3A_451, %shift_left3A_454 : vector<64x1024xi32>
    %shift_right_logical3A_456 = arith.constant 16 : i32
    %shift_right_logical3A_457 = vector.broadcast %shift_right_logical3A_456 : i32 to vector<64x1024xi32>
    %shift_right_logical3A_458 = arith.shrui %xor3A_451, %shift_right_logical3A_457 : vector<64x1024xi32>
    %or3A_459 = arith.ori %shift_left3A_455, %shift_right_logical3A_458 : vector<64x1024xi32>
    %xor3A_460 = arith.xori %or3A_459, %add3A_452 : vector<64x1024xi32>
    %add3A_461 = arith.addi %add3A_452, %xor3A_460 : vector<64x1024xi32>
    %shift_left3A_462 = arith.constant 24 : i32
    %shift_left3A_463 = vector.broadcast %shift_left3A_462 : i32 to vector<64x1024xi32>
    %shift_left3A_464 = arith.shli %xor3A_460, %shift_left3A_463 : vector<64x1024xi32>
    %shift_right_logical3A_465 = arith.constant 8 : i32
    %shift_right_logical3A_466 = vector.broadcast %shift_right_logical3A_465 : i32 to vector<64x1024xi32>
    %shift_right_logical3A_467 = arith.shrui %xor3A_460, %shift_right_logical3A_466 : vector<64x1024xi32>
    %or3A_468 = arith.ori %shift_left3A_464, %shift_right_logical3A_467 : vector<64x1024xi32>
    %xor3A_469 = arith.xori %or3A_468, %add3A_461 : vector<64x1024xi32>
    %add3A_470 = arith.constant 42 : i32
    %add3A_471 = vector.broadcast %add3A_470 : i32 to vector<64x1024xi32>
    %add3A_472 = arith.addi %add3A_461, %add3A_471 : vector<64x1024xi32>
    %add3A_473 = arith.constant 466689012 : i32
    %add3A_474 = vector.broadcast %add3A_473 : i32 to vector<64x1024xi32>
    %add3A_475 = arith.addi %xor3A_469, %add3A_474 : vector<64x1024xi32>
    %add3A_476 = arith.addi %add3A_472, %add3A_475 : vector<64x1024xi32>
    %shift_left3A_477 = arith.constant 13 : i32
    %shift_left3A_478 = vector.broadcast %shift_left3A_477 : i32 to vector<64x1024xi32>
    %shift_left3A_479 = arith.shli %add3A_475, %shift_left3A_478 : vector<64x1024xi32>
    %shift_right_logical3A_480 = arith.constant 19 : i32
    %shift_right_logical3A_481 = vector.broadcast %shift_right_logical3A_480 : i32 to vector<64x1024xi32>
    %shift_right_logical3A_482 = arith.shrui %add3A_475, %shift_right_logical3A_481 : vector<64x1024xi32>
    %or3A_483 = arith.ori %shift_left3A_479, %shift_right_logical3A_482 : vector<64x1024xi32>
    %xor3A_484 = arith.xori %or3A_483, %add3A_476 : vector<64x1024xi32>
    %add3A_485 = arith.addi %add3A_476, %xor3A_484 : vector<64x1024xi32>
    %shift_left3A_486 = arith.constant 15 : i32
    %shift_left3A_487 = vector.broadcast %shift_left3A_486 : i32 to vector<64x1024xi32>
    %shift_left3A_488 = arith.shli %xor3A_484, %shift_left3A_487 : vector<64x1024xi32>
    %shift_right_logical3A_489 = arith.constant 17 : i32
    %shift_right_logical3A_490 = vector.broadcast %shift_right_logical3A_489 : i32 to vector<64x1024xi32>
    %shift_right_logical3A_491 = arith.shrui %xor3A_484, %shift_right_logical3A_490 : vector<64x1024xi32>
    %or3A_492 = arith.ori %shift_left3A_488, %shift_right_logical3A_491 : vector<64x1024xi32>
    %xor3A_493 = arith.xori %or3A_492, %add3A_485 : vector<64x1024xi32>
    %add3A_494 = arith.addi %add3A_485, %xor3A_493 : vector<64x1024xi32>
    %shift_left3A_495 = arith.constant 26 : i32
    %shift_left3A_496 = vector.broadcast %shift_left3A_495 : i32 to vector<64x1024xi32>
    %shift_left3A_497 = arith.shli %xor3A_493, %shift_left3A_496 : vector<64x1024xi32>
    %shift_right_logical3A_498 = arith.constant 6 : i32
    %shift_right_logical3A_499 = vector.broadcast %shift_right_logical3A_498 : i32 to vector<64x1024xi32>
    %shift_right_logical3A_500 = arith.shrui %xor3A_493, %shift_right_logical3A_499 : vector<64x1024xi32>
    %or3A_501 = arith.ori %shift_left3A_497, %shift_right_logical3A_500 : vector<64x1024xi32>
    %xor3A_502 = arith.xori %or3A_501, %add3A_494 : vector<64x1024xi32>
    %add3A_503 = arith.addi %add3A_494, %xor3A_502 : vector<64x1024xi32>
    %shift_left3A_504 = arith.constant 6 : i32
    %shift_left3A_505 = vector.broadcast %shift_left3A_504 : i32 to vector<64x1024xi32>
    %shift_left3A_506 = arith.shli %xor3A_502, %shift_left3A_505 : vector<64x1024xi32>
    %shift_right_logical3A_507 = arith.constant 26 : i32
    %shift_right_logical3A_508 = vector.broadcast %shift_right_logical3A_507 : i32 to vector<64x1024xi32>
    %shift_right_logical3A_509 = arith.shrui %xor3A_502, %shift_right_logical3A_508 : vector<64x1024xi32>
    %or3A_510 = arith.ori %shift_left3A_506, %shift_right_logical3A_509 : vector<64x1024xi32>
    %xor3A_511 = arith.xori %or3A_510, %add3A_503 : vector<64x1024xi32>
    %add3A_512 = arith.constant 466689008 : i32
    %add3A_513 = vector.broadcast %add3A_512 : i32 to vector<64x1024xi32>
    %add3A_514 = arith.addi %add3A_503, %add3A_513 : vector<64x1024xi32>
    %add3A_515 = arith.constant 5 : i32
    %add3A_516 = vector.broadcast %add3A_515 : i32 to vector<64x1024xi32>
    %add3A_517 = arith.addi %xor3A_511, %add3A_516 : vector<64x1024xi32>
    %xor3A_518 = arith.xori %add3A_514, %add3A_517 : vector<64x1024xi32>
    %shift_right_logical3A_519 = arith.constant 9 : i32
    %shift_right_logical3A_520 = vector.broadcast %shift_right_logical3A_519 : i32 to vector<64x1024xi32>
    %shift_right_logical3A_521 = arith.shrui %xor3A_518, %shift_right_logical3A_520 : vector<64x1024xi32>
    %gt3A = arith.cmpi sgt, %shift_right_logical3A_521, %shift_right_logical3A_305 : vector<64x1024xi32>
    %select_n3A = arith.select %gt3A, %max3A_38, %max3A_16 : vector<64x1024xi1>, vector<64x1024xf32>
    %max3A_522 = arith.maxsi %shift_right_logical3A_521, %shift_right_logical3A_305 : vector<64x1024xi32>
    %add3A_523 = arith.constant 2 : i32
    %add3A_524 = vector.broadcast %add3A_523 : i32 to vector<64x1024xi32>
    %add3A_525 = arith.addi %add3A_96, %add3A_524 : vector<64x1024xi32>
    %shift_left3A_526 = arith.constant 13 : i32
    %shift_left3A_527 = vector.broadcast %shift_left3A_526 : i32 to vector<64x1024xi32>
    %shift_left3A_528 = arith.shli %add3A_525, %shift_left3A_527 : vector<64x1024xi32>
    %shift_right_logical3A_529 = arith.constant 19 : i32
    %shift_right_logical3A_530 = vector.broadcast %shift_right_logical3A_529 : i32 to vector<64x1024xi32>
    %shift_right_logical3A_531 = arith.shrui %add3A_525, %shift_right_logical3A_530 : vector<64x1024xi32>
    %or3A_532 = arith.ori %shift_left3A_528, %shift_right_logical3A_531 : vector<64x1024xi32>
    %xor3A_533 = arith.xori %or3A_532, %add3A_525 : vector<64x1024xi32>
    %add3A_534 = arith.addi %add3A_525, %xor3A_533 : vector<64x1024xi32>
    %shift_left3A_535 = arith.constant 15 : i32
    %shift_left3A_536 = vector.broadcast %shift_left3A_535 : i32 to vector<64x1024xi32>
    %shift_left3A_537 = arith.shli %xor3A_533, %shift_left3A_536 : vector<64x1024xi32>
    %shift_right_logical3A_538 = arith.constant 17 : i32
    %shift_right_logical3A_539 = vector.broadcast %shift_right_logical3A_538 : i32 to vector<64x1024xi32>
    %shift_right_logical3A_540 = arith.shrui %xor3A_533, %shift_right_logical3A_539 : vector<64x1024xi32>
    %or3A_541 = arith.ori %shift_left3A_537, %shift_right_logical3A_540 : vector<64x1024xi32>
    %xor3A_542 = arith.xori %or3A_541, %add3A_534 : vector<64x1024xi32>
    %add3A_543 = arith.addi %add3A_534, %xor3A_542 : vector<64x1024xi32>
    %shift_left3A_544 = arith.constant 26 : i32
    %shift_left3A_545 = vector.broadcast %shift_left3A_544 : i32 to vector<64x1024xi32>
    %shift_left3A_546 = arith.shli %xor3A_542, %shift_left3A_545 : vector<64x1024xi32>
    %shift_right_logical3A_547 = arith.constant 6 : i32
    %shift_right_logical3A_548 = vector.broadcast %shift_right_logical3A_547 : i32 to vector<64x1024xi32>
    %shift_right_logical3A_549 = arith.shrui %xor3A_542, %shift_right_logical3A_548 : vector<64x1024xi32>
    %or3A_550 = arith.ori %shift_left3A_546, %shift_right_logical3A_549 : vector<64x1024xi32>
    %xor3A_551 = arith.xori %or3A_550, %add3A_543 : vector<64x1024xi32>
    %add3A_552 = arith.addi %add3A_543, %xor3A_551 : vector<64x1024xi32>
    %shift_left3A_553 = arith.constant 6 : i32
    %shift_left3A_554 = vector.broadcast %shift_left3A_553 : i32 to vector<64x1024xi32>
    %shift_left3A_555 = arith.shli %xor3A_551, %shift_left3A_554 : vector<64x1024xi32>
    %shift_right_logical3A_556 = arith.constant 26 : i32
    %shift_right_logical3A_557 = vector.broadcast %shift_right_logical3A_556 : i32 to vector<64x1024xi32>
    %shift_right_logical3A_558 = arith.shrui %xor3A_551, %shift_right_logical3A_557 : vector<64x1024xi32>
    %or3A_559 = arith.ori %shift_left3A_555, %shift_right_logical3A_558 : vector<64x1024xi32>
    %xor3A_560 = arith.xori %or3A_559, %add3A_552 : vector<64x1024xi32>
    %add3A_561 = arith.constant 42 : i32
    %add3A_562 = vector.broadcast %add3A_561 : i32 to vector<64x1024xi32>
    %add3A_563 = arith.addi %add3A_552, %add3A_562 : vector<64x1024xi32>
    %add3A_564 = arith.constant 466689009 : i32
    %add3A_565 = vector.broadcast %add3A_564 : i32 to vector<64x1024xi32>
    %add3A_566 = arith.addi %xor3A_560, %add3A_565 : vector<64x1024xi32>
    %add3A_567 = arith.addi %add3A_563, %add3A_566 : vector<64x1024xi32>
    %shift_left3A_568 = arith.constant 17 : i32
    %shift_left3A_569 = vector.broadcast %shift_left3A_568 : i32 to vector<64x1024xi32>
    %shift_left3A_570 = arith.shli %add3A_566, %shift_left3A_569 : vector<64x1024xi32>
    %shift_right_logical3A_571 = arith.constant 15 : i32
    %shift_right_logical3A_572 = vector.broadcast %shift_right_logical3A_571 : i32 to vector<64x1024xi32>
    %shift_right_logical3A_573 = arith.shrui %add3A_566, %shift_right_logical3A_572 : vector<64x1024xi32>
    %or3A_574 = arith.ori %shift_left3A_570, %shift_right_logical3A_573 : vector<64x1024xi32>
    %xor3A_575 = arith.xori %or3A_574, %add3A_567 : vector<64x1024xi32>
    %add3A_576 = arith.addi %add3A_567, %xor3A_575 : vector<64x1024xi32>
    %shift_left3A_577 = arith.constant 29 : i32
    %shift_left3A_578 = vector.broadcast %shift_left3A_577 : i32 to vector<64x1024xi32>
    %shift_left3A_579 = arith.shli %xor3A_575, %shift_left3A_578 : vector<64x1024xi32>
    %shift_right_logical3A_580 = arith.constant 3 : i32
    %shift_right_logical3A_581 = vector.broadcast %shift_right_logical3A_580 : i32 to vector<64x1024xi32>
    %shift_right_logical3A_582 = arith.shrui %xor3A_575, %shift_right_logical3A_581 : vector<64x1024xi32>
    %or3A_583 = arith.ori %shift_left3A_579, %shift_right_logical3A_582 : vector<64x1024xi32>
    %xor3A_584 = arith.xori %or3A_583, %add3A_576 : vector<64x1024xi32>
    %add3A_585 = arith.addi %add3A_576, %xor3A_584 : vector<64x1024xi32>
    %shift_left3A_586 = arith.constant 16 : i32
    %shift_left3A_587 = vector.broadcast %shift_left3A_586 : i32 to vector<64x1024xi32>
    %shift_left3A_588 = arith.shli %xor3A_584, %shift_left3A_587 : vector<64x1024xi32>
    %shift_right_logical3A_589 = arith.constant 16 : i32
    %shift_right_logical3A_590 = vector.broadcast %shift_right_logical3A_589 : i32 to vector<64x1024xi32>
    %shift_right_logical3A_591 = arith.shrui %xor3A_584, %shift_right_logical3A_590 : vector<64x1024xi32>
    %or3A_592 = arith.ori %shift_left3A_588, %shift_right_logical3A_591 : vector<64x1024xi32>
    %xor3A_593 = arith.xori %or3A_592, %add3A_585 : vector<64x1024xi32>
    %add3A_594 = arith.addi %add3A_585, %xor3A_593 : vector<64x1024xi32>
    %shift_left3A_595 = arith.constant 24 : i32
    %shift_left3A_596 = vector.broadcast %shift_left3A_595 : i32 to vector<64x1024xi32>
    %shift_left3A_597 = arith.shli %xor3A_593, %shift_left3A_596 : vector<64x1024xi32>
    %shift_right_logical3A_598 = arith.constant 8 : i32
    %shift_right_logical3A_599 = vector.broadcast %shift_right_logical3A_598 : i32 to vector<64x1024xi32>
    %shift_right_logical3A_600 = arith.shrui %xor3A_593, %shift_right_logical3A_599 : vector<64x1024xi32>
    %or3A_601 = arith.ori %shift_left3A_597, %shift_right_logical3A_600 : vector<64x1024xi32>
    %xor3A_602 = arith.xori %or3A_601, %add3A_594 : vector<64x1024xi32>
    %add3A_603 = arith.constant 466689008 : i32
    %add3A_604 = vector.broadcast %add3A_603 : i32 to vector<64x1024xi32>
    %add3A_605 = arith.addi %add3A_594, %add3A_604 : vector<64x1024xi32>
    %add3A_606 = arith.constant 2 : i32
    %add3A_607 = vector.broadcast %add3A_606 : i32 to vector<64x1024xi32>
    %add3A_608 = arith.addi %xor3A_602, %add3A_607 : vector<64x1024xi32>
    %add3A_609 = arith.addi %add3A_605, %add3A_608 : vector<64x1024xi32>
    %shift_left3A_610 = arith.constant 13 : i32
    %shift_left3A_611 = vector.broadcast %shift_left3A_610 : i32 to vector<64x1024xi32>
    %shift_left3A_612 = arith.shli %add3A_608, %shift_left3A_611 : vector<64x1024xi32>
    %shift_right_logical3A_613 = arith.constant 19 : i32
    %shift_right_logical3A_614 = vector.broadcast %shift_right_logical3A_613 : i32 to vector<64x1024xi32>
    %shift_right_logical3A_615 = arith.shrui %add3A_608, %shift_right_logical3A_614 : vector<64x1024xi32>
    %or3A_616 = arith.ori %shift_left3A_612, %shift_right_logical3A_615 : vector<64x1024xi32>
    %xor3A_617 = arith.xori %or3A_616, %add3A_609 : vector<64x1024xi32>
    %add3A_618 = arith.addi %add3A_609, %xor3A_617 : vector<64x1024xi32>
    %shift_left3A_619 = arith.constant 15 : i32
    %shift_left3A_620 = vector.broadcast %shift_left3A_619 : i32 to vector<64x1024xi32>
    %shift_left3A_621 = arith.shli %xor3A_617, %shift_left3A_620 : vector<64x1024xi32>
    %shift_right_logical3A_622 = arith.constant 17 : i32
    %shift_right_logical3A_623 = vector.broadcast %shift_right_logical3A_622 : i32 to vector<64x1024xi32>
    %shift_right_logical3A_624 = arith.shrui %xor3A_617, %shift_right_logical3A_623 : vector<64x1024xi32>
    %or3A_625 = arith.ori %shift_left3A_621, %shift_right_logical3A_624 : vector<64x1024xi32>
    %xor3A_626 = arith.xori %or3A_625, %add3A_618 : vector<64x1024xi32>
    %add3A_627 = arith.addi %add3A_618, %xor3A_626 : vector<64x1024xi32>
    %shift_left3A_628 = arith.constant 26 : i32
    %shift_left3A_629 = vector.broadcast %shift_left3A_628 : i32 to vector<64x1024xi32>
    %shift_left3A_630 = arith.shli %xor3A_626, %shift_left3A_629 : vector<64x1024xi32>
    %shift_right_logical3A_631 = arith.constant 6 : i32
    %shift_right_logical3A_632 = vector.broadcast %shift_right_logical3A_631 : i32 to vector<64x1024xi32>
    %shift_right_logical3A_633 = arith.shrui %xor3A_626, %shift_right_logical3A_632 : vector<64x1024xi32>
    %or3A_634 = arith.ori %shift_left3A_630, %shift_right_logical3A_633 : vector<64x1024xi32>
    %xor3A_635 = arith.xori %or3A_634, %add3A_627 : vector<64x1024xi32>
    %add3A_636 = arith.addi %add3A_627, %xor3A_635 : vector<64x1024xi32>
    %shift_left3A_637 = arith.constant 6 : i32
    %shift_left3A_638 = vector.broadcast %shift_left3A_637 : i32 to vector<64x1024xi32>
    %shift_left3A_639 = arith.shli %xor3A_635, %shift_left3A_638 : vector<64x1024xi32>
    %shift_right_logical3A_640 = arith.constant 26 : i32
    %shift_right_logical3A_641 = vector.broadcast %shift_right_logical3A_640 : i32 to vector<64x1024xi32>
    %shift_right_logical3A_642 = arith.shrui %xor3A_635, %shift_right_logical3A_641 : vector<64x1024xi32>
    %or3A_643 = arith.ori %shift_left3A_639, %shift_right_logical3A_642 : vector<64x1024xi32>
    %xor3A_644 = arith.xori %or3A_643, %add3A_636 : vector<64x1024xi32>
    %add3A_645 = arith.constant 0 : i32
    %add3A_646 = vector.broadcast %add3A_645 : i32 to vector<64x1024xi32>
    %add3A_647 = arith.addi %add3A_636, %add3A_646 : vector<64x1024xi32>
    %add3A_648 = arith.constant 45 : i32
    %add3A_649 = vector.broadcast %add3A_648 : i32 to vector<64x1024xi32>
    %add3A_650 = arith.addi %xor3A_644, %add3A_649 : vector<64x1024xi32>
    %add3A_651 = arith.addi %add3A_647, %add3A_650 : vector<64x1024xi32>
    %shift_left3A_652 = arith.constant 17 : i32
    %shift_left3A_653 = vector.broadcast %shift_left3A_652 : i32 to vector<64x1024xi32>
    %shift_left3A_654 = arith.shli %add3A_650, %shift_left3A_653 : vector<64x1024xi32>
    %shift_right_logical3A_655 = arith.constant 15 : i32
    %shift_right_logical3A_656 = vector.broadcast %shift_right_logical3A_655 : i32 to vector<64x1024xi32>
    %shift_right_logical3A_657 = arith.shrui %add3A_650, %shift_right_logical3A_656 : vector<64x1024xi32>
    %or3A_658 = arith.ori %shift_left3A_654, %shift_right_logical3A_657 : vector<64x1024xi32>
    %xor3A_659 = arith.xori %or3A_658, %add3A_651 : vector<64x1024xi32>
    %add3A_660 = arith.addi %add3A_651, %xor3A_659 : vector<64x1024xi32>
    %shift_left3A_661 = arith.constant 29 : i32
    %shift_left3A_662 = vector.broadcast %shift_left3A_661 : i32 to vector<64x1024xi32>
    %shift_left3A_663 = arith.shli %xor3A_659, %shift_left3A_662 : vector<64x1024xi32>
    %shift_right_logical3A_664 = arith.constant 3 : i32
    %shift_right_logical3A_665 = vector.broadcast %shift_right_logical3A_664 : i32 to vector<64x1024xi32>
    %shift_right_logical3A_666 = arith.shrui %xor3A_659, %shift_right_logical3A_665 : vector<64x1024xi32>
    %or3A_667 = arith.ori %shift_left3A_663, %shift_right_logical3A_666 : vector<64x1024xi32>
    %xor3A_668 = arith.xori %or3A_667, %add3A_660 : vector<64x1024xi32>
    %add3A_669 = arith.addi %add3A_660, %xor3A_668 : vector<64x1024xi32>
    %shift_left3A_670 = arith.constant 16 : i32
    %shift_left3A_671 = vector.broadcast %shift_left3A_670 : i32 to vector<64x1024xi32>
    %shift_left3A_672 = arith.shli %xor3A_668, %shift_left3A_671 : vector<64x1024xi32>
    %shift_right_logical3A_673 = arith.constant 16 : i32
    %shift_right_logical3A_674 = vector.broadcast %shift_right_logical3A_673 : i32 to vector<64x1024xi32>
    %shift_right_logical3A_675 = arith.shrui %xor3A_668, %shift_right_logical3A_674 : vector<64x1024xi32>
    %or3A_676 = arith.ori %shift_left3A_672, %shift_right_logical3A_675 : vector<64x1024xi32>
    %xor3A_677 = arith.xori %or3A_676, %add3A_669 : vector<64x1024xi32>
    %add3A_678 = arith.addi %add3A_669, %xor3A_677 : vector<64x1024xi32>
    %shift_left3A_679 = arith.constant 24 : i32
    %shift_left3A_680 = vector.broadcast %shift_left3A_679 : i32 to vector<64x1024xi32>
    %shift_left3A_681 = arith.shli %xor3A_677, %shift_left3A_680 : vector<64x1024xi32>
    %shift_right_logical3A_682 = arith.constant 8 : i32
    %shift_right_logical3A_683 = vector.broadcast %shift_right_logical3A_682 : i32 to vector<64x1024xi32>
    %shift_right_logical3A_684 = arith.shrui %xor3A_677, %shift_right_logical3A_683 : vector<64x1024xi32>
    %or3A_685 = arith.ori %shift_left3A_681, %shift_right_logical3A_684 : vector<64x1024xi32>
    %xor3A_686 = arith.xori %or3A_685, %add3A_678 : vector<64x1024xi32>
    %add3A_687 = arith.constant 42 : i32
    %add3A_688 = vector.broadcast %add3A_687 : i32 to vector<64x1024xi32>
    %add3A_689 = arith.addi %add3A_678, %add3A_688 : vector<64x1024xi32>
    %add3A_690 = arith.constant 466689012 : i32
    %add3A_691 = vector.broadcast %add3A_690 : i32 to vector<64x1024xi32>
    %add3A_692 = arith.addi %xor3A_686, %add3A_691 : vector<64x1024xi32>
    %add3A_693 = arith.addi %add3A_689, %add3A_692 : vector<64x1024xi32>
    %shift_left3A_694 = arith.constant 13 : i32
    %shift_left3A_695 = vector.broadcast %shift_left3A_694 : i32 to vector<64x1024xi32>
    %shift_left3A_696 = arith.shli %add3A_692, %shift_left3A_695 : vector<64x1024xi32>
    %shift_right_logical3A_697 = arith.constant 19 : i32
    %shift_right_logical3A_698 = vector.broadcast %shift_right_logical3A_697 : i32 to vector<64x1024xi32>
    %shift_right_logical3A_699 = arith.shrui %add3A_692, %shift_right_logical3A_698 : vector<64x1024xi32>
    %or3A_700 = arith.ori %shift_left3A_696, %shift_right_logical3A_699 : vector<64x1024xi32>
    %xor3A_701 = arith.xori %or3A_700, %add3A_693 : vector<64x1024xi32>
    %add3A_702 = arith.addi %add3A_693, %xor3A_701 : vector<64x1024xi32>
    %shift_left3A_703 = arith.constant 15 : i32
    %shift_left3A_704 = vector.broadcast %shift_left3A_703 : i32 to vector<64x1024xi32>
    %shift_left3A_705 = arith.shli %xor3A_701, %shift_left3A_704 : vector<64x1024xi32>
    %shift_right_logical3A_706 = arith.constant 17 : i32
    %shift_right_logical3A_707 = vector.broadcast %shift_right_logical3A_706 : i32 to vector<64x1024xi32>
    %shift_right_logical3A_708 = arith.shrui %xor3A_701, %shift_right_logical3A_707 : vector<64x1024xi32>
    %or3A_709 = arith.ori %shift_left3A_705, %shift_right_logical3A_708 : vector<64x1024xi32>
    %xor3A_710 = arith.xori %or3A_709, %add3A_702 : vector<64x1024xi32>
    %add3A_711 = arith.addi %add3A_702, %xor3A_710 : vector<64x1024xi32>
    %shift_left3A_712 = arith.constant 26 : i32
    %shift_left3A_713 = vector.broadcast %shift_left3A_712 : i32 to vector<64x1024xi32>
    %shift_left3A_714 = arith.shli %xor3A_710, %shift_left3A_713 : vector<64x1024xi32>
    %shift_right_logical3A_715 = arith.constant 6 : i32
    %shift_right_logical3A_716 = vector.broadcast %shift_right_logical3A_715 : i32 to vector<64x1024xi32>
    %shift_right_logical3A_717 = arith.shrui %xor3A_710, %shift_right_logical3A_716 : vector<64x1024xi32>
    %or3A_718 = arith.ori %shift_left3A_714, %shift_right_logical3A_717 : vector<64x1024xi32>
    %xor3A_719 = arith.xori %or3A_718, %add3A_711 : vector<64x1024xi32>
    %add3A_720 = arith.addi %add3A_711, %xor3A_719 : vector<64x1024xi32>
    %shift_left3A_721 = arith.constant 6 : i32
    %shift_left3A_722 = vector.broadcast %shift_left3A_721 : i32 to vector<64x1024xi32>
    %shift_left3A_723 = arith.shli %xor3A_719, %shift_left3A_722 : vector<64x1024xi32>
    %shift_right_logical3A_724 = arith.constant 26 : i32
    %shift_right_logical3A_725 = vector.broadcast %shift_right_logical3A_724 : i32 to vector<64x1024xi32>
    %shift_right_logical3A_726 = arith.shrui %xor3A_719, %shift_right_logical3A_725 : vector<64x1024xi32>
    %or3A_727 = arith.ori %shift_left3A_723, %shift_right_logical3A_726 : vector<64x1024xi32>
    %xor3A_728 = arith.xori %or3A_727, %add3A_720 : vector<64x1024xi32>
    %add3A_729 = arith.constant 466689008 : i32
    %add3A_730 = vector.broadcast %add3A_729 : i32 to vector<64x1024xi32>
    %add3A_731 = arith.addi %add3A_720, %add3A_730 : vector<64x1024xi32>
    %add3A_732 = arith.constant 5 : i32
    %add3A_733 = vector.broadcast %add3A_732 : i32 to vector<64x1024xi32>
    %add3A_734 = arith.addi %xor3A_728, %add3A_733 : vector<64x1024xi32>
    %xor3A_735 = arith.xori %add3A_731, %add3A_734 : vector<64x1024xi32>
    %shift_right_logical3A_736 = arith.constant 9 : i32
    %shift_right_logical3A_737 = vector.broadcast %shift_right_logical3A_736 : i32 to vector<64x1024xi32>
    %shift_right_logical3A_738 = arith.shrui %xor3A_735, %shift_right_logical3A_737 : vector<64x1024xi32>
    %gt3A_739 = arith.cmpi sgt, %shift_right_logical3A_738, %max3A_522 : vector<64x1024xi32>
    %select_n3A_740 = arith.select %gt3A_739, %max3A_60, %select_n3A : vector<64x1024xi1>, vector<64x1024xf32>
    %max3A_741 = arith.maxsi %shift_right_logical3A_738, %max3A_522 : vector<64x1024xi32>
    %add3A_742 = arith.constant 3 : i32
    %add3A_743 = vector.broadcast %add3A_742 : i32 to vector<64x1024xi32>
    %add3A_744 = arith.addi %add3A_96, %add3A_743 : vector<64x1024xi32>
    %shift_left3A_745 = arith.constant 13 : i32
    %shift_left3A_746 = vector.broadcast %shift_left3A_745 : i32 to vector<64x1024xi32>
    %shift_left3A_747 = arith.shli %add3A_744, %shift_left3A_746 : vector<64x1024xi32>
    %shift_right_logical3A_748 = arith.constant 19 : i32
    %shift_right_logical3A_749 = vector.broadcast %shift_right_logical3A_748 : i32 to vector<64x1024xi32>
    %shift_right_logical3A_750 = arith.shrui %add3A_744, %shift_right_logical3A_749 : vector<64x1024xi32>
    %or3A_751 = arith.ori %shift_left3A_747, %shift_right_logical3A_750 : vector<64x1024xi32>
    %xor3A_752 = arith.xori %or3A_751, %add3A_744 : vector<64x1024xi32>
    %add3A_753 = arith.addi %add3A_744, %xor3A_752 : vector<64x1024xi32>
    %shift_left3A_754 = arith.constant 15 : i32
    %shift_left3A_755 = vector.broadcast %shift_left3A_754 : i32 to vector<64x1024xi32>
    %shift_left3A_756 = arith.shli %xor3A_752, %shift_left3A_755 : vector<64x1024xi32>
    %shift_right_logical3A_757 = arith.constant 17 : i32
    %shift_right_logical3A_758 = vector.broadcast %shift_right_logical3A_757 : i32 to vector<64x1024xi32>
    %shift_right_logical3A_759 = arith.shrui %xor3A_752, %shift_right_logical3A_758 : vector<64x1024xi32>
    %or3A_760 = arith.ori %shift_left3A_756, %shift_right_logical3A_759 : vector<64x1024xi32>
    %xor3A_761 = arith.xori %or3A_760, %add3A_753 : vector<64x1024xi32>
    %add3A_762 = arith.addi %add3A_753, %xor3A_761 : vector<64x1024xi32>
    %shift_left3A_763 = arith.constant 26 : i32
    %shift_left3A_764 = vector.broadcast %shift_left3A_763 : i32 to vector<64x1024xi32>
    %shift_left3A_765 = arith.shli %xor3A_761, %shift_left3A_764 : vector<64x1024xi32>
    %shift_right_logical3A_766 = arith.constant 6 : i32
    %shift_right_logical3A_767 = vector.broadcast %shift_right_logical3A_766 : i32 to vector<64x1024xi32>
    %shift_right_logical3A_768 = arith.shrui %xor3A_761, %shift_right_logical3A_767 : vector<64x1024xi32>
    %or3A_769 = arith.ori %shift_left3A_765, %shift_right_logical3A_768 : vector<64x1024xi32>
    %xor3A_770 = arith.xori %or3A_769, %add3A_762 : vector<64x1024xi32>
    %add3A_771 = arith.addi %add3A_762, %xor3A_770 : vector<64x1024xi32>
    %shift_left3A_772 = arith.constant 6 : i32
    %shift_left3A_773 = vector.broadcast %shift_left3A_772 : i32 to vector<64x1024xi32>
    %shift_left3A_774 = arith.shli %xor3A_770, %shift_left3A_773 : vector<64x1024xi32>
    %shift_right_logical3A_775 = arith.constant 26 : i32
    %shift_right_logical3A_776 = vector.broadcast %shift_right_logical3A_775 : i32 to vector<64x1024xi32>
    %shift_right_logical3A_777 = arith.shrui %xor3A_770, %shift_right_logical3A_776 : vector<64x1024xi32>
    %or3A_778 = arith.ori %shift_left3A_774, %shift_right_logical3A_777 : vector<64x1024xi32>
    %xor3A_779 = arith.xori %or3A_778, %add3A_771 : vector<64x1024xi32>
    %add3A_780 = arith.constant 42 : i32
    %add3A_781 = vector.broadcast %add3A_780 : i32 to vector<64x1024xi32>
    %add3A_782 = arith.addi %add3A_771, %add3A_781 : vector<64x1024xi32>
    %add3A_783 = arith.constant 466689009 : i32
    %add3A_784 = vector.broadcast %add3A_783 : i32 to vector<64x1024xi32>
    %add3A_785 = arith.addi %xor3A_779, %add3A_784 : vector<64x1024xi32>
    %add3A_786 = arith.addi %add3A_782, %add3A_785 : vector<64x1024xi32>
    %shift_left3A_787 = arith.constant 17 : i32
    %shift_left3A_788 = vector.broadcast %shift_left3A_787 : i32 to vector<64x1024xi32>
    %shift_left3A_789 = arith.shli %add3A_785, %shift_left3A_788 : vector<64x1024xi32>
    %shift_right_logical3A_790 = arith.constant 15 : i32
    %shift_right_logical3A_791 = vector.broadcast %shift_right_logical3A_790 : i32 to vector<64x1024xi32>
    %shift_right_logical3A_792 = arith.shrui %add3A_785, %shift_right_logical3A_791 : vector<64x1024xi32>
    %or3A_793 = arith.ori %shift_left3A_789, %shift_right_logical3A_792 : vector<64x1024xi32>
    %xor3A_794 = arith.xori %or3A_793, %add3A_786 : vector<64x1024xi32>
    %add3A_795 = arith.addi %add3A_786, %xor3A_794 : vector<64x1024xi32>
    %shift_left3A_796 = arith.constant 29 : i32
    %shift_left3A_797 = vector.broadcast %shift_left3A_796 : i32 to vector<64x1024xi32>
    %shift_left3A_798 = arith.shli %xor3A_794, %shift_left3A_797 : vector<64x1024xi32>
    %shift_right_logical3A_799 = arith.constant 3 : i32
    %shift_right_logical3A_800 = vector.broadcast %shift_right_logical3A_799 : i32 to vector<64x1024xi32>
    %shift_right_logical3A_801 = arith.shrui %xor3A_794, %shift_right_logical3A_800 : vector<64x1024xi32>
    %or3A_802 = arith.ori %shift_left3A_798, %shift_right_logical3A_801 : vector<64x1024xi32>
    %xor3A_803 = arith.xori %or3A_802, %add3A_795 : vector<64x1024xi32>
    %add3A_804 = arith.addi %add3A_795, %xor3A_803 : vector<64x1024xi32>
    %shift_left3A_805 = arith.constant 16 : i32
    %shift_left3A_806 = vector.broadcast %shift_left3A_805 : i32 to vector<64x1024xi32>
    %shift_left3A_807 = arith.shli %xor3A_803, %shift_left3A_806 : vector<64x1024xi32>
    %shift_right_logical3A_808 = arith.constant 16 : i32
    %shift_right_logical3A_809 = vector.broadcast %shift_right_logical3A_808 : i32 to vector<64x1024xi32>
    %shift_right_logical3A_810 = arith.shrui %xor3A_803, %shift_right_logical3A_809 : vector<64x1024xi32>
    %or3A_811 = arith.ori %shift_left3A_807, %shift_right_logical3A_810 : vector<64x1024xi32>
    %xor3A_812 = arith.xori %or3A_811, %add3A_804 : vector<64x1024xi32>
    %add3A_813 = arith.addi %add3A_804, %xor3A_812 : vector<64x1024xi32>
    %shift_left3A_814 = arith.constant 24 : i32
    %shift_left3A_815 = vector.broadcast %shift_left3A_814 : i32 to vector<64x1024xi32>
    %shift_left3A_816 = arith.shli %xor3A_812, %shift_left3A_815 : vector<64x1024xi32>
    %shift_right_logical3A_817 = arith.constant 8 : i32
    %shift_right_logical3A_818 = vector.broadcast %shift_right_logical3A_817 : i32 to vector<64x1024xi32>
    %shift_right_logical3A_819 = arith.shrui %xor3A_812, %shift_right_logical3A_818 : vector<64x1024xi32>
    %or3A_820 = arith.ori %shift_left3A_816, %shift_right_logical3A_819 : vector<64x1024xi32>
    %xor3A_821 = arith.xori %or3A_820, %add3A_813 : vector<64x1024xi32>
    %add3A_822 = arith.constant 466689008 : i32
    %add3A_823 = vector.broadcast %add3A_822 : i32 to vector<64x1024xi32>
    %add3A_824 = arith.addi %add3A_813, %add3A_823 : vector<64x1024xi32>
    %add3A_825 = arith.constant 2 : i32
    %add3A_826 = vector.broadcast %add3A_825 : i32 to vector<64x1024xi32>
    %add3A_827 = arith.addi %xor3A_821, %add3A_826 : vector<64x1024xi32>
    %add3A_828 = arith.addi %add3A_824, %add3A_827 : vector<64x1024xi32>
    %shift_left3A_829 = arith.constant 13 : i32
    %shift_left3A_830 = vector.broadcast %shift_left3A_829 : i32 to vector<64x1024xi32>
    %shift_left3A_831 = arith.shli %add3A_827, %shift_left3A_830 : vector<64x1024xi32>
    %shift_right_logical3A_832 = arith.constant 19 : i32
    %shift_right_logical3A_833 = vector.broadcast %shift_right_logical3A_832 : i32 to vector<64x1024xi32>
    %shift_right_logical3A_834 = arith.shrui %add3A_827, %shift_right_logical3A_833 : vector<64x1024xi32>
    %or3A_835 = arith.ori %shift_left3A_831, %shift_right_logical3A_834 : vector<64x1024xi32>
    %xor3A_836 = arith.xori %or3A_835, %add3A_828 : vector<64x1024xi32>
    %add3A_837 = arith.addi %add3A_828, %xor3A_836 : vector<64x1024xi32>
    %shift_left3A_838 = arith.constant 15 : i32
    %shift_left3A_839 = vector.broadcast %shift_left3A_838 : i32 to vector<64x1024xi32>
    %shift_left3A_840 = arith.shli %xor3A_836, %shift_left3A_839 : vector<64x1024xi32>
    %shift_right_logical3A_841 = arith.constant 17 : i32
    %shift_right_logical3A_842 = vector.broadcast %shift_right_logical3A_841 : i32 to vector<64x1024xi32>
    %shift_right_logical3A_843 = arith.shrui %xor3A_836, %shift_right_logical3A_842 : vector<64x1024xi32>
    %or3A_844 = arith.ori %shift_left3A_840, %shift_right_logical3A_843 : vector<64x1024xi32>
    %xor3A_845 = arith.xori %or3A_844, %add3A_837 : vector<64x1024xi32>
    %add3A_846 = arith.addi %add3A_837, %xor3A_845 : vector<64x1024xi32>
    %shift_left3A_847 = arith.constant 26 : i32
    %shift_left3A_848 = vector.broadcast %shift_left3A_847 : i32 to vector<64x1024xi32>
    %shift_left3A_849 = arith.shli %xor3A_845, %shift_left3A_848 : vector<64x1024xi32>
    %shift_right_logical3A_850 = arith.constant 6 : i32
    %shift_right_logical3A_851 = vector.broadcast %shift_right_logical3A_850 : i32 to vector<64x1024xi32>
    %shift_right_logical3A_852 = arith.shrui %xor3A_845, %shift_right_logical3A_851 : vector<64x1024xi32>
    %or3A_853 = arith.ori %shift_left3A_849, %shift_right_logical3A_852 : vector<64x1024xi32>
    %xor3A_854 = arith.xori %or3A_853, %add3A_846 : vector<64x1024xi32>
    %add3A_855 = arith.addi %add3A_846, %xor3A_854 : vector<64x1024xi32>
    %shift_left3A_856 = arith.constant 6 : i32
    %shift_left3A_857 = vector.broadcast %shift_left3A_856 : i32 to vector<64x1024xi32>
    %shift_left3A_858 = arith.shli %xor3A_854, %shift_left3A_857 : vector<64x1024xi32>
    %shift_right_logical3A_859 = arith.constant 26 : i32
    %shift_right_logical3A_860 = vector.broadcast %shift_right_logical3A_859 : i32 to vector<64x1024xi32>
    %shift_right_logical3A_861 = arith.shrui %xor3A_854, %shift_right_logical3A_860 : vector<64x1024xi32>
    %or3A_862 = arith.ori %shift_left3A_858, %shift_right_logical3A_861 : vector<64x1024xi32>
    %xor3A_863 = arith.xori %or3A_862, %add3A_855 : vector<64x1024xi32>
    %add3A_864 = arith.constant 0 : i32
    %add3A_865 = vector.broadcast %add3A_864 : i32 to vector<64x1024xi32>
    %add3A_866 = arith.addi %add3A_855, %add3A_865 : vector<64x1024xi32>
    %add3A_867 = arith.constant 45 : i32
    %add3A_868 = vector.broadcast %add3A_867 : i32 to vector<64x1024xi32>
    %add3A_869 = arith.addi %xor3A_863, %add3A_868 : vector<64x1024xi32>
    %add3A_870 = arith.addi %add3A_866, %add3A_869 : vector<64x1024xi32>
    %shift_left3A_871 = arith.constant 17 : i32
    %shift_left3A_872 = vector.broadcast %shift_left3A_871 : i32 to vector<64x1024xi32>
    %shift_left3A_873 = arith.shli %add3A_869, %shift_left3A_872 : vector<64x1024xi32>
    %shift_right_logical3A_874 = arith.constant 15 : i32
    %shift_right_logical3A_875 = vector.broadcast %shift_right_logical3A_874 : i32 to vector<64x1024xi32>
    %shift_right_logical3A_876 = arith.shrui %add3A_869, %shift_right_logical3A_875 : vector<64x1024xi32>
    %or3A_877 = arith.ori %shift_left3A_873, %shift_right_logical3A_876 : vector<64x1024xi32>
    %xor3A_878 = arith.xori %or3A_877, %add3A_870 : vector<64x1024xi32>
    %add3A_879 = arith.addi %add3A_870, %xor3A_878 : vector<64x1024xi32>
    %shift_left3A_880 = arith.constant 29 : i32
    %shift_left3A_881 = vector.broadcast %shift_left3A_880 : i32 to vector<64x1024xi32>
    %shift_left3A_882 = arith.shli %xor3A_878, %shift_left3A_881 : vector<64x1024xi32>
    %shift_right_logical3A_883 = arith.constant 3 : i32
    %shift_right_logical3A_884 = vector.broadcast %shift_right_logical3A_883 : i32 to vector<64x1024xi32>
    %shift_right_logical3A_885 = arith.shrui %xor3A_878, %shift_right_logical3A_884 : vector<64x1024xi32>
    %or3A_886 = arith.ori %shift_left3A_882, %shift_right_logical3A_885 : vector<64x1024xi32>
    %xor3A_887 = arith.xori %or3A_886, %add3A_879 : vector<64x1024xi32>
    %add3A_888 = arith.addi %add3A_879, %xor3A_887 : vector<64x1024xi32>
    %shift_left3A_889 = arith.constant 16 : i32
    %shift_left3A_890 = vector.broadcast %shift_left3A_889 : i32 to vector<64x1024xi32>
    %shift_left3A_891 = arith.shli %xor3A_887, %shift_left3A_890 : vector<64x1024xi32>
    %shift_right_logical3A_892 = arith.constant 16 : i32
    %shift_right_logical3A_893 = vector.broadcast %shift_right_logical3A_892 : i32 to vector<64x1024xi32>
    %shift_right_logical3A_894 = arith.shrui %xor3A_887, %shift_right_logical3A_893 : vector<64x1024xi32>
    %or3A_895 = arith.ori %shift_left3A_891, %shift_right_logical3A_894 : vector<64x1024xi32>
    %xor3A_896 = arith.xori %or3A_895, %add3A_888 : vector<64x1024xi32>
    %add3A_897 = arith.addi %add3A_888, %xor3A_896 : vector<64x1024xi32>
    %shift_left3A_898 = arith.constant 24 : i32
    %shift_left3A_899 = vector.broadcast %shift_left3A_898 : i32 to vector<64x1024xi32>
    %shift_left3A_900 = arith.shli %xor3A_896, %shift_left3A_899 : vector<64x1024xi32>
    %shift_right_logical3A_901 = arith.constant 8 : i32
    %shift_right_logical3A_902 = vector.broadcast %shift_right_logical3A_901 : i32 to vector<64x1024xi32>
    %shift_right_logical3A_903 = arith.shrui %xor3A_896, %shift_right_logical3A_902 : vector<64x1024xi32>
    %or3A_904 = arith.ori %shift_left3A_900, %shift_right_logical3A_903 : vector<64x1024xi32>
    %xor3A_905 = arith.xori %or3A_904, %add3A_897 : vector<64x1024xi32>
    %add3A_906 = arith.constant 42 : i32
    %add3A_907 = vector.broadcast %add3A_906 : i32 to vector<64x1024xi32>
    %add3A_908 = arith.addi %add3A_897, %add3A_907 : vector<64x1024xi32>
    %add3A_909 = arith.constant 466689012 : i32
    %add3A_910 = vector.broadcast %add3A_909 : i32 to vector<64x1024xi32>
    %add3A_911 = arith.addi %xor3A_905, %add3A_910 : vector<64x1024xi32>
    %add3A_912 = arith.addi %add3A_908, %add3A_911 : vector<64x1024xi32>
    %shift_left3A_913 = arith.constant 13 : i32
    %shift_left3A_914 = vector.broadcast %shift_left3A_913 : i32 to vector<64x1024xi32>
    %shift_left3A_915 = arith.shli %add3A_911, %shift_left3A_914 : vector<64x1024xi32>
    %shift_right_logical3A_916 = arith.constant 19 : i32
    %shift_right_logical3A_917 = vector.broadcast %shift_right_logical3A_916 : i32 to vector<64x1024xi32>
    %shift_right_logical3A_918 = arith.shrui %add3A_911, %shift_right_logical3A_917 : vector<64x1024xi32>
    %or3A_919 = arith.ori %shift_left3A_915, %shift_right_logical3A_918 : vector<64x1024xi32>
    %xor3A_920 = arith.xori %or3A_919, %add3A_912 : vector<64x1024xi32>
    %add3A_921 = arith.addi %add3A_912, %xor3A_920 : vector<64x1024xi32>
    %shift_left3A_922 = arith.constant 15 : i32
    %shift_left3A_923 = vector.broadcast %shift_left3A_922 : i32 to vector<64x1024xi32>
    %shift_left3A_924 = arith.shli %xor3A_920, %shift_left3A_923 : vector<64x1024xi32>
    %shift_right_logical3A_925 = arith.constant 17 : i32
    %shift_right_logical3A_926 = vector.broadcast %shift_right_logical3A_925 : i32 to vector<64x1024xi32>
    %shift_right_logical3A_927 = arith.shrui %xor3A_920, %shift_right_logical3A_926 : vector<64x1024xi32>
    %or3A_928 = arith.ori %shift_left3A_924, %shift_right_logical3A_927 : vector<64x1024xi32>
    %xor3A_929 = arith.xori %or3A_928, %add3A_921 : vector<64x1024xi32>
    %add3A_930 = arith.addi %add3A_921, %xor3A_929 : vector<64x1024xi32>
    %shift_left3A_931 = arith.constant 26 : i32
    %shift_left3A_932 = vector.broadcast %shift_left3A_931 : i32 to vector<64x1024xi32>
    %shift_left3A_933 = arith.shli %xor3A_929, %shift_left3A_932 : vector<64x1024xi32>
    %shift_right_logical3A_934 = arith.constant 6 : i32
    %shift_right_logical3A_935 = vector.broadcast %shift_right_logical3A_934 : i32 to vector<64x1024xi32>
    %shift_right_logical3A_936 = arith.shrui %xor3A_929, %shift_right_logical3A_935 : vector<64x1024xi32>
    %or3A_937 = arith.ori %shift_left3A_933, %shift_right_logical3A_936 : vector<64x1024xi32>
    %xor3A_938 = arith.xori %or3A_937, %add3A_930 : vector<64x1024xi32>
    %add3A_939 = arith.addi %add3A_930, %xor3A_938 : vector<64x1024xi32>
    %shift_left3A_940 = arith.constant 6 : i32
    %shift_left3A_941 = vector.broadcast %shift_left3A_940 : i32 to vector<64x1024xi32>
    %shift_left3A_942 = arith.shli %xor3A_938, %shift_left3A_941 : vector<64x1024xi32>
    %shift_right_logical3A_943 = arith.constant 26 : i32
    %shift_right_logical3A_944 = vector.broadcast %shift_right_logical3A_943 : i32 to vector<64x1024xi32>
    %shift_right_logical3A_945 = arith.shrui %xor3A_938, %shift_right_logical3A_944 : vector<64x1024xi32>
    %or3A_946 = arith.ori %shift_left3A_942, %shift_right_logical3A_945 : vector<64x1024xi32>
    %xor3A_947 = arith.xori %or3A_946, %add3A_939 : vector<64x1024xi32>
    %add3A_948 = arith.constant 466689008 : i32
    %add3A_949 = vector.broadcast %add3A_948 : i32 to vector<64x1024xi32>
    %add3A_950 = arith.addi %add3A_939, %add3A_949 : vector<64x1024xi32>
    %add3A_951 = arith.constant 5 : i32
    %add3A_952 = vector.broadcast %add3A_951 : i32 to vector<64x1024xi32>
    %add3A_953 = arith.addi %xor3A_947, %add3A_952 : vector<64x1024xi32>
    %xor3A_954 = arith.xori %add3A_950, %add3A_953 : vector<64x1024xi32>
    %shift_right_logical3A_955 = arith.constant 9 : i32
    %shift_right_logical3A_956 = vector.broadcast %shift_right_logical3A_955 : i32 to vector<64x1024xi32>
    %shift_right_logical3A_957 = arith.shrui %xor3A_954, %shift_right_logical3A_956 : vector<64x1024xi32>
    %gt3A_958 = arith.cmpi sgt, %shift_right_logical3A_957, %max3A_741 : vector<64x1024xi32>
    %select_n3A_959 = arith.select %gt3A_958, %max3A_82, %select_n3A_740 : vector<64x1024xi1>, vector<64x1024xf32>
    %swap3A = arith.constant 0 : index
    %swap3A_960 = arith.constant 0 : index
    %swap3A_961 = vector.load %arg4[%swap3A, %swap3A_960] : memref<64x1024xf32, #tpu.memory_space<vmem>>, vector<64x1024xf32>
    tpu.vector_store %arg4[%swap3A, %swap3A_960], %select_n3A_959 {strides = array<i32>} : memref<64x1024xf32, #tpu.memory_space<vmem>>, vector<64x1024xf32>,
    return
  }
  func.func @transform_0(%arg0: i32) -> (i32, i32, i32) {
    %c0_i32 = arith.constant 0 : i32
    %c0_i32_0 = arith.constant 0 : i32
    %c0_i32_1 = arith.constant 0 : i32
    return %c0_i32, %c0_i32_0, %arg0 : i32, i32, i32
  }
  func.func @transform_1(%arg0: i32) -> (i32, i32, i32) {
    %c0_i32 = arith.constant 0 : i32
    %c0_i32_0 = arith.constant 0 : i32
    %c0_i32_1 = arith.constant 0 : i32
    %c0_i32_2 = arith.constant 0 : i32
    return %c0_i32, %c0_i32_0, %c0_i32_1 : i32, i32, i32
  }
  func.func @transform_2(%arg0: i32) -> (i32, i32) {
    %c0_i32 = arith.constant 0 : i32
    %c0_i32_0 = arith.constant 0 : i32
    %c0_i32_1 = arith.constant 0 : i32
    return %c0_i32, %c0_i32_0 : i32, i32
  }
  func.func @transform_3(%arg0: i32) -> (i32, i32) {
    %c0_i32 = arith.constant 0 : i32
    %c0_i32_0 = arith.constant 0 : i32
    return %c0_i32, %arg0 : i32, i32
  }
}

</mosaic_0001>

<sc_bundles>
// kernel: kernel.5.cloned.1.call-start
scs
__scs_entry_jumppad:
0x0: {  	(pc) =	sbr.rel $0x88, $3  }
0x1: {  	(tag) =	ssettag $0x0;
	lr =	simm.s32 $0x1  }
0x2: {  	[smem:$0x3F9E] =	sst lr;
	_ =	strace $0xD0000000  }
0x3: {  	_ = 	snop  }
0x4: {  	_ = 	snop  }
0x5: {  	_ = 	snop  }
0x6: {  	_ = 	snop  }
0x7: {  	_ = 	snop  }
__scs_overlays_trampoline_lowered:
0x8: {  	[smem:$0x3FAD] =	sst s0  }
0x9: {  	[smem:$0x3FAE] =	sst s1  }
0xa: {  	[smem:$0x3FAF] =	sst s2  }
0xb: {  	[smem:$0x3FB0] =	sst s3  }
0xc: {  	[smem:$0x3FB1] =	sst s4  }
0xd: {  	[smem:$0x3FB2] =	sst s5  }
0xe: {  	[smem:$0x3FB3] =	sst s6  }
0xf: {  	[smem:$0x3FB4] =	sst s7  }
0x10: {  	[smem:$0x3FB5] =	sst s8  }
0x11: {  	[smem:$0x3FB6] =	sst s9;
	s0 =	simm.s32 @!p0 $0x0  }
0x12: {  	s1 =	sld [smem:$0x3F9C];
	s0 =	simm.s32 @p0 $0x1  }
0x13: {  	[smem:$0x3FB7] =	sst s0;
	s0 =	simm.s32 @!p1 $0x0  }
0x14: {  	s2 =	sld [smem:$0x3F9B];
	s0 =	simm.s32 @p1 $0x1  }
0x15: {  	[smem:$0x3FB8] =	sst s0;
	s0 =	simm.s32 @!p2 $0x0  }
0x16: {  	s3 =	sld [smem:$0x3FDB];
	s0 =	simm.s32 @p2 $0x1  }
0x17: {  	s4 =	simm.s32 $0x1BF5;
	[smem:$0x3FBA] =	sst s0  }
0x18: {  	s0 =	sld [smem:$0x3F9D];
	_ =	swait.ge [sflag:s4], $0x0  }
0x19: {  	s7 =	sld [smem:$0x3F9E]  }
0x1a: {  	s8 =	sadd.s32 $0xFFFFE003, lr  }
0x1b: {  	s9 =	sadd.s32 $0xFFFFFEF7, lr;
	s5 =	simm.s32 $0xFFFFFFFF;
	p2 =	slt.u32 s8, $0xFFFFF086  }
0x1c: {  	p1 =	slt.u32 s9, $0xF7A;
	s5 =	simm.s32 @!p2 $0x0  }
0x1d: {  	s5 =	simm.s32 @p1 $0x1;
	p0 =	seq.s32 s7, s2  }
0x1e: {  	s7 =	smul.u32 @!p0 $0xF7A, s2;
	p2 =	seq.s32 @!p0 s5, $0x0  }
0x1f: {  	s9 =	smul.u32 $0xF7A, s1;
	s8 =	simm.s32 @!p0 $0x1BF5;
	p2 =	por !p2, p0  }
0x20: {  	[sflag:s8] =	ssyncset.s32 @!p0 $0xFFFFF086;
	s6 =	sadd.s32 @!p0 s3, s7;
	s7 =	simm.s32 @!p0 $0x108  }
0x21: {  	s3 =	sadd.s32 s3, s9;
	s6 =	sadd.s32 @!p0 $0x88, s6;
	s7 =	simm.s32 @p2 $0x1082  }
0x22: {  	[simem:s7], [sflag:s8] =	dma.local @!p0 [hbm:s6], $0xF7A  }
0x23: {  	s9 =	sor.u32 $0xD0000000, s2;
	s6 =	simm.s32 $0x108;
	_ =	swait.ge @!p0 [sflag:s8], $0x0  }
0x24: {  	s3 =	sadd.s32 $0x88, s3;
	s6 =	simm.s32 @!p1 $0x1082;
	[sflag:s4] =	ssyncset.s32 $0xFFFFF086  }
0x25: {  	[simem:s6], [sflag:s4] =	dma.local [hbm:s3], $0xF7A  }
0x26: {  	[smem:$0x3F9E] =	sst s1;
	(tag) =	ssettag s2;
	_ =	strace s9  }
0x27: {  	s1 =	sld [smem:$0x3FAE]  }
0x28: {  	s2 =	sld [smem:$0x3FAF]  }
0x29: {  	s4 =	sld [smem:$0x3FB1]  }
0x2a: {  	p0 =	seq.s32 s5, $0x0;
	s5 =	sld [smem:$0x3FB2]  }
0x2b: {  	s6 =	sld [smem:$0x3FB3]  }
0x2c: {  	s7 =	sld [smem:$0x3FB4]  }
0x2d: {  	s3 =	simm.s32 $0x108;
	s8 =	sld [smem:$0x3FB5]  }
0x2e: {  	s3 =	simm.s32 @!p0 $0x1082;
	s9 =	sld [smem:$0x3FB6]  }
0x2f: {  	lr =	sadd.s32 s0, s3;
	s0 =	sld [smem:$0x3FAD]  }
0x30: {  	s3 =	sld [smem:$0x3FB0]  }
0x31: {  	[smem:$0x3FB9] =	sst s10  }
0x32: {  	s10 =	sld [smem:$0x3FB7];
	_ =	sdelay $0x3  }
0x33: {  	p0 =	seq.s32 s10, $0x1;
	s10 =	sld [smem:$0x3FB9];
	_ =	sdelay $0x3  }
0x34: {  	[smem:$0x3FB9] =	sst s10  }
0x35: {  	s10 =	sld [smem:$0x3FB8];
	_ =	sdelay $0x3  }
0x36: {  	p1 =	seq.s32 s10, $0x1;
	s10 =	sld [smem:$0x3FB9];
	_ =	sdelay $0x3  }
0x37: {  	[smem:$0x3FB9] =	sst s10  }
0x38: {  	s10 =	sld [smem:$0x3FBA]  }
0x39: {  	_ = 	snop;
	(pc) =	sbr.ind lr, $3  }
0x3a: {  	_ = 	snop  }
0x3b: {  	_ = 	snop  }
0x3c: {  	p2 =	seq.s32 s10, $0x1;
	s10 =	sld [smem:$0x3FB9]  }
0x3d: {  	_ =	shalt  }
0x3e: {  	_ =	shalt  }
0x3f: {  	_ =	shalt  }
0x40: {  	_ =	shalt  }
0x41: {  	_ =	shalt  }
0x42: {  	_ =	shalt  }
0x43: {  	_ =	shalt  }
0x44: {  	_ =	shalt  }
0x45: {  	_ =	shalt  }
0x46: {  	_ =	shalt  }
0x47: {  	_ =	shalt  }
0x48: {  	_ =	shalt  }
0x49: {  	_ =	shalt  }
0x4a: {  	_ =	shalt  }
0x4b: {  	_ =	shalt  }
0x4c: {  	_ =	shalt  }
0x4d: {  	_ =	shalt  }
0x4e: {  	_ =	shalt  }
0x4f: {  	_ =	shalt  }
0x50: {  	_ =	shalt  }
0x51: {  	_ =	shalt  }
0x52: {  	_ =	shalt  }
0x53: {  	_ =	shalt  }
0x54: {  	_ =	shalt  }
0x55: {  	_ =	shalt  }
0x56: {  	_ =	shalt  }
0x57: {  	_ =	shalt  }
0x58: {  	_ =	shalt  }
0x59: {  	_ =	shalt  }
0x5a: {  	_ =	shalt  }
0x5b: {  	_ =	shalt  }
0x5c: {  	_ =	shalt  }
0x5d: {  	_ =	shalt  }
0x5e: {  	_ =	shalt  }
0x5f: {  	_ =	shalt  }
0x60: {  	_ =	shalt  }
0x61: {  	_ =	shalt  }
0x62: {  	_ =	shalt  }
0x63: {  	_ =	shalt  }
0x64: {  	_ =	shalt  }
0x65: {  	_ =	shalt  }
0x66: {  	_ =	shalt  }
0x67: {  	_ =	shalt  }
0x68: {  	_ =	shalt  }
0x69: {  	_ =	shalt  }
0x6a: {  	_ =	shalt  }
0x6b: {  	_ =	shalt  }
0x6c: {  	_ =	shalt  }
0x6d: {  	_ =	shalt  }
0x6e: {  	_ =	shalt  }
0x6f: {  	_ =	shalt  }
0x70: {  	_ =	shalt  }
0x71: {  	_ =	shalt  }
0x72: {  	_ =	shalt  }
0x73: {  	_ =	shalt  }
0x74: {  	_ =	shalt  }
0x75: {  	_ =	shalt  }
0x76: {  	_ =	shalt  }
0x77: {  	_ =	shalt  }
0x78: {  	_ =	shalt  }
0x79: {  	_ =	shalt  }
0x7a: {  	_ =	shalt  }
0x7b: {  	_ =	shalt  }
0x7c: {  	_ =	shalt  }
0x7d: {  	_ =	shalt  }
0x7e: {  	_ =	shalt  }
0x7f: {  	_ =	shalt  }
0x80: {  	_ =	shalt  }
0x81: {  	_ =	shalt  }
0x82: {  	_ =	shalt  }
0x83: {  	_ =	shalt  }
0x84: {  	_ =	shalt  }
0x85: {  	_ =	shalt  }
0x86: {  	_ =	shalt  }
0x87: {  	_ =	shalt  }
.Lfunc_end0:
.L_simem_size_0:
called_computation_lowered:
.L_overlay_start_0:
0x88: {  	s2 =	sld [smem:$0x3FD9]  }
0x89: {  	s3 =	sld [smem:$0x3FFE];
	_ =	sdelay $0x1  }
0x8a: {  	s1 =	srdreg.scid  }
0x8b: {  	s0 =	sand.u32 $0x1, s1  }
0x8c: {  	s16 =	sshll.u32 s0, $0xA;
	s2 =	sadd.s32 s3, s2  }
0x8d: {  	s2 =	sadd.s32 s2, s16  }
0x8e: {  	[smem:$0x3FC5] =	sst s2  }
0x8f: {  	_ = 	snop  }
0x90: {  	(tm) =	ssettm $0x1  }
0x91: {  	s17 =	sld [smem:$0x3FFB];
	_ =	sdelay $0x3  }
0x92: {  	_ =	strace s17  }
0x93: {  	s2 =	sld [smem:$0x3FFC];
	_ =	sdelay $0x3  }
0x94: {  	_ =	strace s2  }
0x95: {  	s2 =	sld [smem:$0x3FFD];
	_ =	sdelay $0x3  }
0x96: {  	_ =	strace s2  }
0x97: {  	_ =	strace $0x8FFFFFFF  }
0x98: {  	s18 =	sld [smem:$0x3FDB];
	_ =	sdelay $0x1  }
0x99: {  	s19 =	simm.s32 $_scs_section_size  }
0x9a: {  	s4 =	simm.s32 $_size__tile_overlayer_lowered;
	s5 =	simm.s32 $_tile_overlayer_lowered  }
0x9b: {  	s22 =	simm.s32 $0x1BFF;
	s21 =	sshll.u32 s5, $0x1;
	s2 =	sadd.s32 s19, s18  }
0x9c: {  	s6 =	simm.s32 $0x0;
	s20 =	sshll.u32 s4, $0x1;
	s4 =	sadd.s32 s21, s2  }
0x9d: {  	[timem:s6], [sflag:s22] =	dma.local [hbm:s4], s20  }
0x9e: {  	_ =	swait.ge [sflag:s22], s20  }
0x9f: {  	s3 =	ssub.s32 $0x0, s20;
	[sflag:s22] =	ssyncset.done $0x0  }
0xa0: {  	[sflag:s22] =	ssyncadd.s32 s3;
	_ =	sdelay $0x1  }
0xa1: {  	s23 =	simm.s32 $0x1B8B  }
0xa2: {  	_ =	swait.ge [sflag:s23], $0x1  }
0xa3: {  	[sflag:s23] =	ssyncset.done $0x0  }
0xa4: {  	s25 =	simm.s32 $0x1B8E;
	s24 =	sld [smem:$0x3FFE];
	[sflag:s23] =	ssyncadd.s32 $0xFFFFFFFF  }
0xa5: {  	s26 =	simm.s32 $execute0_lowered;
	[smem:$0x3FD2] =	sst s25  }
0xa6: {  	s4 =	sshll.u32 s26, $0x1;
	_ =	strace $0x80000046;
	[dreg:$0x1] =	wrdreg $0xFFFFFFFF  }
0xa7: {  	s28 =	simm.s32 $_size_execute0_lowered;
	s2 =	sadd.s32 s2, s4;
	[dreg:$0x0] =	wrdreg $0x0  }
0xa8: {  	s4 =	sshll.u32 s28, $0x1;
	[dreg:$0x2] =	wrdreg s2  }
0xa9: {  	[dreg:$0x3] =	wrdreg s4  }
0xaa: {  	[dreg:$0x4] =	wrdreg $0xC0  }
0xab: {  	_ =	task [dreg:s6], $0x5FFFF  }
0xac: {  	[dreg:$0x1] =	wrdreg $0xFFFFFFFF  }
0xad: {  	[dreg:$0x0] =	wrdreg $0x60  }
0xae: {  	[dreg:$0x2] =	wrdreg s24  }
0xaf: {  	[dreg:$0x3] =	wrdreg $0x9  }
0xb0: {  	_ =	task.clear_ibuf [dreg:s6], $0x4FFFF;
	_ =	strace $0x90000046  }
0xb1: {  	s29 =	simm.s32 $0x9;
	_ =	strace $0x80000048  }
0xb2: {  	_ =	swait.ge [sflag:s29], $0x1  }
0xb3: {  	[sflag:s29] =	ssyncadd.s32 $0xFFFFFFFF  }
0xb4: {  	_ =	strace $0x90000048  }
0xb5: {  	_ =	sfence  }
0xb6: {  	s30 =	sld [smem:$0x0];
	_ =	sdelay $0x2  }
0xb7: {  	s31 =	sshll.u32 s1, $0xD;
	s1 =	sshrl.u32 s1, $0x2  }
0xb8: {  	s3 =	sand.u32 $0x4000, s31;
	s1 =	sadd.s32 s1, s30  }
0xb9: {  	s0 =	sor.u32 s3, s0;
	s1 =	sshll.u32 s1, $0x11  }
0xba: {  	s0 =	sor.u32 s1, s0  }
0xbb: {  	s0 =	sadd.s32 $0x8F2B, s0  }
0xbc: {  	[sflag:s0] =	ssyncadd.remote.s32 $0x1  }
0xbd: {  	_ =	sfence.sel $0xFFFF  }
0xbe: {  	[dreg:$0x0] =	wrdreg $0xFFFFFFFF;
	(pc) =	sbr.abs _section_cstart, $3  }
0xbf: {  	[dreg:$0x1] =	wrdreg $0xFFFFFFFF  }
0xc0: {  	_ =	task.clear_ibuf [dreg:s6], $0x2FFFF;
	_ =	strace $0x9FFFFFFF  }
0xc1: {  	(tm) =	ssettm $0x7FFFFFFF  }
tec
execute0_lowered:
.L_overlay_start_1:
0x0: {  	(tag) =	ssettag $0x1  }
0x1: {  	s3 =	rddreg [dreg:$0x0]  }
0x2: {  	s0 =	rddreg [dreg:$0x1];
	s4 =	srdreg.scid  }
0x3: {  	s2 =	simm.s32 $0x0;
	s1 =	stileid.u32;
	s8 =	simm.s32 $0x0  }
0x4: {  	s4 =	sand.u32 $0x1, s4;
	[smem:$0x7FF] =	sst s2;
	s5 =	sshll.u32 s1, $0x5  }
0x5: {  	s6 =	sshll.u32 s4, $0x4;
	_ =	strace $0x80000047;
	s5 =	sand.u32 $0x60, s5  }
0x6: {  	s4 =	ssub.s32 $0x2, s4;
	s6 =	sor.u32 s1, s6;
	s3 =	sadd.s32 s5, s3  }
0x7: {  	s7 =	sshrl.u32 s4, $0x1;
	s30 =	sshll.u32 s6, $0xA;
	s6 =	sshll.u32 s6, $0x3  }
0x8: {  	s4 =	ssub.s32 s4, s7;
	s7 =	simm.s32 $0x1;
	s5 =	sand.u32 $0x7000, s30  }
0x9: {  	v2 =	vlaneseq.u32;
	v3 =	vimm.s32 $0x0;
	s31 =	sor.u32 $0x4, s6;
	s4 =	smax.u32 s4, $0x1;
	s3 =	sadd.s32 s5, s3  }
0xa: {  	v2 =	vmul.u32 $0x100, v2;
	v0 =	vmov s6;
	s6 =	simm.s32 $0x400;
	s5 =	simm.s32 $0x100;
	v1 =	vmov s31;
	s3 =	sadd.s32 $0xE00, s3  }
.LBB2_1:
0xb: {  	s9 =	simm.s32 $0x3000  }
0xc: {  	v4 =	vmov s9  }
0xd: {  	v4 =	vshll.u32 v4, $0x8  }
0xe: {  	v4 =	vor.u32 v2, v4  }
0xf: {  	v4 =	vor.u32 v0, v4  }
0x10: {  	v5 =	vadd.s32 $0x2C, v4;
	v6 =	vadd.s32 $0x2D, v4  }
0x11: {  	v7 =	vadd.s32 $0x2A, v4;
	v4 =	vadd.s32 $0x2B, v4;
	v8 =	vshrl.u32 v6, $0x13  }
0x12: {  	v9 =	vshrl.u32 v5, $0x13;
	v10 =	vshll.u32 v5, $0xD;
	v11 =	vshll.u32 v6, $0xD  }
0x13: {  	v12 =	vshrl.u32 v7, $0x13;
	v13 =	vshll.u32 v7, $0xD;
	v14 =	vshrl.u32 v4, $0x13  }
0x14: {  	v15 =	vshll.u32 v4, $0xD;
	v9 =	vor.u32 v9, v10;
	v8 =	vor.u32 v8, v11  }
0x15: {  	v10 =	vor.u32 v12, v13;
	v11 =	vor.u32 v14, v15;
	v8 =	vxor.u32 v6, v8  }
0x16: {  	v10 =	vxor.u32 v7, v10;
	v11 =	vxor.u32 v4, v11;
	v9 =	vxor.u32 v5, v9  }
0x17: {  	v5 =	vadd.s32 v5, v9;
	v6 =	vadd.s32 v6, v8;
	v12 =	vshrl.u32 v8, $0x11  }
0x18: {  	v7 =	vadd.s32 v7, v10;
	v4 =	vadd.s32 v4, v11;
	v8 =	vshll.u32 v8, $0xF  }
0x19: {  	v13 =	vshrl.u32 v10, $0x11;
	v14 =	vshrl.u32 v9, $0x11;
	v9 =	vshll.u32 v9, $0xF  }
0x1a: {  	v10 =	vshll.u32 v10, $0xF;
	v15 =	vshrl.u32 v11, $0x11;
	v11 =	vshll.u32 v11, $0xF  }
0x1b: {  	v10 =	vor.u32 v13, v10;
	v9 =	vor.u32 v14, v9;
	v8 =	vor.u32 v12, v8  }
0x1c: {  	v11 =	vor.u32 v15, v11;
	v9 =	vxor.u32 v5, v9;
	v8 =	vxor.u32 v6, v8  }
0x1d: {  	v10 =	vxor.u32 v7, v10;
	v11 =	vxor.u32 v4, v11;
	v6 =	vadd.s32 v6, v8  }
0x1e: {  	v5 =	vadd.s32 v5, v9;
	v12 =	vshrl.u32 v8, $0x6;
	v8 =	vshll.u32 v8, $0x1A  }
0x1f: {  	v7 =	vadd.s32 v7, v10;
	v4 =	vadd.s32 v4, v11;
	v13 =	vshrl.u32 v9, $0x6  }
0x20: {  	v14 =	vshrl.u32 v10, $0x6;
	v10 =	vshll.u32 v10, $0x1A;
	v9 =	vshll.u32 v9, $0x1A  }
0x21: {  	v15 =	vshrl.u32 v11, $0x6;
	v11 =	vshll.u32 v11, $0x1A;
	v8 =	vor.u32 v12, v8  }
0x22: {  	v10 =	vor.u32 v14, v10;
	v11 =	vor.u32 v15, v11;
	v9 =	vor.u32 v13, v9  }
0x23: {  	v10 =	vxor.u32 v7, v10;
	v9 =	vxor.u32 v5, v9;
	v8 =	vxor.u32 v6, v8  }
0x24: {  	v11 =	vxor.u32 v4, v11;
	v5 =	vadd.s32 v5, v9;
	v6 =	vadd.s32 v6, v8  }
0x25: {  	v7 =	vadd.s32 v7, v10;
	v12 =	vshrl.u32 v8, $0x1A;
	v8 =	vshll.u32 v8, $0x6  }
0x26: {  	v4 =	vadd.s32 v4, v11;
	v13 =	vshrl.u32 v9, $0x1A;
	v9 =	vshll.u32 v9, $0x6  }
0x27: {  	v14 =	vshrl.u32 v10, $0x1A;
	v10 =	vshll.u32 v10, $0x6;
	v15 =	vshrl.u32 v11, $0x1A  }
0x28: {  	v11 =	vshll.u32 v11, $0x6;
	v9 =	vor.u32 v13, v9;
	v8 =	vor.u32 v12, v8  }
0x29: {  	v10 =	vor.u32 v14, v10;
	v11 =	vor.u32 v15, v11;
	v8 =	vxor.u32 v6, v8  }
0x2a: {  	v10 =	vxor.u32 v7, v10;
	v11 =	vxor.u32 v4, v11;
	v9 =	vxor.u32 v5, v9  }
0x2b: {  	v10 =	vadd.s32 $0x1BD11BF1, v10;
	v9 =	vadd.s32 $0x1BD11BF1, v9;
	v8 =	vadd.s32 $0x1BD11BF1, v8  }
0x2c: {  	v11 =	vadd.s32 $0x1BD11BF1, v11;
	v6 =	vadd.s32 v8, v6;
	v12 =	vshrl.u32 v8, $0xF  }
0x2d: {  	v5 =	vadd.s32 v9, v5;
	v13 =	vshrl.u32 v9, $0xF;
	v8 =	vshll.u32 v8, $0x11  }
0x2e: {  	v7 =	vadd.s32 v10, v7;
	v14 =	vshrl.u32 v10, $0xF;
	v9 =	vshll.u32 v9, $0x11  }
0x2f: {  	v10 =	vshll.u32 v10, $0x11;
	v4 =	vadd.s32 v11, v4;
	v15 =	vshrl.u32 v11, $0xF  }
0x30: {  	v11 =	vshll.u32 v11, $0x11;
	v6 =	vadd.s32 $0x2A, v6;
	v8 =	vor.u32 v12, v8  }
0x31: {  	v7 =	vadd.s32 $0x2A, v7;
	v5 =	vadd.s32 $0x2A, v5;
	v9 =	vor.u32 v13, v9  }
0x32: {  	v10 =	vor.u32 v14, v10;
	v4 =	vadd.s32 $0x2A, v4;
	v11 =	vor.u32 v15, v11  }
0x33: {  	v10 =	vxor.u32 v7, v10;
	v9 =	vxor.u32 v5, v9;
	v8 =	vxor.u32 v6, v8  }
0x34: {  	v11 =	vxor.u32 v4, v11;
	v5 =	vadd.s32 v5, v9;
	v6 =	vadd.s32 v6, v8  }
0x35: {  	v7 =	vadd.s32 v7, v10;
	v12 =	vshrl.u32 v8, $0x3;
	v8 =	vshll.u32 v8, $0x1D  }
0x36: {  	v4 =	vadd.s32 v4, v11;
	v13 =	vshrl.u32 v9, $0x3;
	v9 =	vshll.u32 v9, $0x1D  }
0x37: {  	v14 =	vshrl.u32 v10, $0x3;
	v10 =	vshll.u32 v10, $0x1D;
	v15 =	vshrl.u32 v11, $0x3  }
0x38: {  	v11 =	vshll.u32 v11, $0x1D;
	v9 =	vor.u32 v13, v9;
	v8 =	vor.u32 v12, v8  }
0x39: {  	v10 =	vor.u32 v14, v10;
	v11 =	vor.u32 v15, v11;
	v8 =	vxor.u32 v6, v8  }
0x3a: {  	v10 =	vxor.u32 v7, v10;
	v11 =	vxor.u32 v4, v11;
	v9 =	vxor.u32 v5, v9  }
0x3b: {  	v5 =	vadd.s32 v5, v9;
	v6 =	vadd.s32 v6, v8;
	v12 =	vshrl.u32 v8, $0x10  }
0x3c: {  	v7 =	vadd.s32 v7, v10;
	v4 =	vadd.s32 v4, v11;
	v8 =	vshll.u32 v8, $0x10  }
0x3d: {  	v13 =	vshrl.u32 v10, $0x10;
	v14 =	vshrl.u32 v9, $0x10;
	v9 =	vshll.u32 v9, $0x10  }
0x3e: {  	v10 =	vshll.u32 v10, $0x10;
	v15 =	vshrl.u32 v11, $0x10;
	v11 =	vshll.u32 v11, $0x10  }
0x3f: {  	v10 =	vor.u32 v13, v10;
	v9 =	vor.u32 v14, v9;
	v8 =	vor.u32 v12, v8  }
0x40: {  	v11 =	vor.u32 v15, v11;
	v9 =	vxor.u32 v5, v9;
	v8 =	vxor.u32 v6, v8  }
0x41: {  	v10 =	vxor.u32 v7, v10;
	v11 =	vxor.u32 v4, v11;
	v6 =	vadd.s32 v6, v8  }
0x42: {  	v5 =	vadd.s32 v5, v9;
	v12 =	vshrl.u32 v8, $0x8;
	v8 =	vshll.u32 v8, $0x18  }
0x43: {  	v7 =	vadd.s32 v7, v10;
	v4 =	vadd.s32 v4, v11;
	v13 =	vshrl.u32 v9, $0x8  }
0x44: {  	v14 =	vshrl.u32 v10, $0x8;
	v10 =	vshll.u32 v10, $0x18;
	v9 =	vshll.u32 v9, $0x18  }
0x45: {  	v15 =	vshrl.u32 v11, $0x8;
	v11 =	vshll.u32 v11, $0x18;
	v8 =	vor.u32 v12, v8  }
0x46: {  	v10 =	vor.u32 v14, v10;
	v11 =	vor.u32 v15, v11;
	v9 =	vor.u32 v13, v9  }
0x47: {  	v10 =	vxor.u32 v7, v10;
	v9 =	vxor.u32 v5, v9;
	v8 =	vxor.u32 v6, v8  }
0x48: {  	v11 =	vxor.u32 v4, v11;
	v9 =	vadd.s32 $0x2, v9;
	v8 =	vadd.s32 $0x2, v8  }
0x49: {  	v10 =	vadd.s32 $0x2, v10;
	v11 =	vadd.s32 $0x2, v11;
	v6 =	vadd.s32 v8, v6  }
0x4a: {  	v5 =	vadd.s32 v9, v5;
	v12 =	vshrl.u32 v8, $0x13;
	v8 =	vshll.u32 v8, $0xD  }
0x4b: {  	v7 =	vadd.s32 v10, v7;
	v13 =	vshrl.u32 v9, $0x13;
	v9 =	vshll.u32 v9, $0xD  }
0x4c: {  	v14 =	vshrl.u32 v10, $0x13;
	v10 =	vshll.u32 v10, $0xD;
	v4 =	vadd.s32 v11, v4  }
0x4d: {  	v15 =	vshrl.u32 v11, $0x13;
	v11 =	vshll.u32 v11, $0xD;
	v6 =	vadd.s32 $0x1BD11BF0, v6  }
0x4e: {  	v5 =	vadd.s32 $0x1BD11BF0, v5;
	v9 =	vor.u32 v13, v9;
	v8 =	vor.u32 v12, v8  }
0x4f: {  	v7 =	vadd.s32 $0x1BD11BF0, v7;
	v10 =	vor.u32 v14, v10;
	v4 =	vadd.s32 $0x1BD11BF0, v4  }
0x50: {  	v11 =	vor.u32 v15, v11;
	v9 =	vxor.u32 v5, v9;
	v8 =	vxor.u32 v6, v8  }
0x51: {  	v10 =	vxor.u32 v7, v10;
	v11 =	vxor.u32 v4, v11;
	v6 =	vadd.s32 v6, v8  }
0x52: {  	v5 =	vadd.s32 v5, v9;
	v12 =	vshrl.u32 v8, $0x11;
	v8 =	vshll.u32 v8, $0xF  }
0x53: {  	v7 =	vadd.s32 v7, v10;
	v4 =	vadd.s32 v4, v11;
	v13 =	vshrl.u32 v9, $0x11  }
0x54: {  	v14 =	vshrl.u32 v10, $0x11;
	v10 =	vshll.u32 v10, $0xF;
	v9 =	vshll.u32 v9, $0xF  }
0x55: {  	v15 =	vshrl.u32 v11, $0x11;
	v11 =	vshll.u32 v11, $0xF;
	v8 =	vor.u32 v12, v8  }
0x56: {  	v10 =	vor.u32 v14, v10;
	v11 =	vor.u32 v15, v11;
	v9 =	vor.u32 v13, v9  }
0x57: {  	v10 =	vxor.u32 v7, v10;
	v9 =	vxor.u32 v5, v9;
	v8 =	vxor.u32 v6, v8  }
0x58: {  	v11 =	vxor.u32 v4, v11;
	v5 =	vadd.s32 v5, v9;
	v6 =	vadd.s32 v6, v8  }
0x59: {  	v7 =	vadd.s32 v7, v10;
	v12 =	vshrl.u32 v8, $0x6;
	v8 =	vshll.u32 v8, $0x1A  }
0x5a: {  	v4 =	vadd.s32 v4, v11;
	v13 =	vshrl.u32 v9, $0x6;
	v9 =	vshll.u32 v9, $0x1A  }
0x5b: {  	v14 =	vshrl.u32 v10, $0x6;
	v10 =	vshll.u32 v10, $0x1A;
	v15 =	vshrl.u32 v11, $0x6  }
0x5c: {  	v11 =	vshll.u32 v11, $0x1A;
	v9 =	vor.u32 v13, v9;
	v8 =	vor.u32 v12, v8  }
0x5d: {  	v10 =	vor.u32 v14, v10;
	v11 =	vor.u32 v15, v11;
	v8 =	vxor.u32 v6, v8  }
0x5e: {  	v10 =	vxor.u32 v7, v10;
	v11 =	vxor.u32 v4, v11;
	v9 =	vxor.u32 v5, v9  }
0x5f: {  	v5 =	vadd.s32 v5, v9;
	v6 =	vadd.s32 v6, v8;
	v12 =	vshrl.u32 v8, $0x1A  }
0x60: {  	v7 =	vadd.s32 v7, v10;
	v4 =	vadd.s32 v4, v11;
	v8 =	vshll.u32 v8, $0x6  }
0x61: {  	v13 =	vshrl.u32 v10, $0x1A;
	v14 =	vshrl.u32 v9, $0x1A;
	v9 =	vshll.u32 v9, $0x6  }
0x62: {  	v10 =	vshll.u32 v10, $0x6;
	v15 =	vshrl.u32 v11, $0x1A;
	v11 =	vshll.u32 v11, $0x6  }
0x63: {  	v10 =	vor.u32 v13, v10;
	v9 =	vor.u32 v14, v9;
	v8 =	vor.u32 v12, v8  }
0x64: {  	v11 =	vor.u32 v15, v11;
	v9 =	vxor.u32 v5, v9;
	v8 =	vxor.u32 v6, v8  }
0x65: {  	v10 =	vxor.u32 v7, v10;
	v11 =	vxor.u32 v4, v11;
	v8 =	vadd.s32 $0x2D, v8  }
0x66: {  	v10 =	vadd.s32 $0x2D, v10;
	v11 =	vadd.s32 $0x2D, v11;
	v9 =	vadd.s32 $0x2D, v9  }
0x67: {  	v5 =	vadd.s32 v5, v9;
	v6 =	vadd.s32 v6, v8;
	v12 =	vshrl.u32 v8, $0xF  }
0x68: {  	v7 =	vadd.s32 v7, v10;
	v4 =	vadd.s32 v4, v11;
	v8 =	vshll.u32 v8, $0x11  }
0x69: {  	v13 =	vshrl.u32 v10, $0xF;
	v14 =	vshrl.u32 v9, $0xF;
	v9 =	vshll.u32 v9, $0x11  }
0x6a: {  	v10 =	vshll.u32 v10, $0x11;
	v15 =	vshrl.u32 v11, $0xF;
	v11 =	vshll.u32 v11, $0x11  }
0x6b: {  	v10 =	vor.u32 v13, v10;
	v9 =	vor.u32 v14, v9;
	v8 =	vor.u32 v12, v8  }
0x6c: {  	v11 =	vor.u32 v15, v11;
	v9 =	vxor.u32 v5, v9;
	v8 =	vxor.u32 v6, v8  }
0x6d: {  	v10 =	vxor.u32 v7, v10;
	v11 =	vxor.u32 v4, v11;
	v6 =	vadd.s32 v6, v8  }
0x6e: {  	v5 =	vadd.s32 v5, v9;
	v12 =	vshrl.u32 v8, $0x3;
	v8 =	vshll.u32 v8, $0x1D  }
0x6f: {  	v7 =	vadd.s32 v7, v10;
	v4 =	vadd.s32 v4, v11;
	v13 =	vshrl.u32 v9, $0x3  }
0x70: {  	v14 =	vshrl.u32 v10, $0x3;
	v10 =	vshll.u32 v10, $0x1D;
	v9 =	vshll.u32 v9, $0x1D  }
0x71: {  	v15 =	vshrl.u32 v11, $0x3;
	v11 =	vshll.u32 v11, $0x1D;
	v8 =	vor.u32 v12, v8  }
0x72: {  	v10 =	vor.u32 v14, v10;
	v11 =	vor.u32 v15, v11;
	v9 =	vor.u32 v13, v9  }
0x73: {  	v10 =	vxor.u32 v7, v10;
	v9 =	vxor.u32 v5, v9;
	v8 =	vxor.u32 v6, v8  }
0x74: {  	v11 =	vxor.u32 v4, v11;
	v5 =	vadd.s32 v5, v9;
	v6 =	vadd.s32 v6, v8  }
0x75: {  	v7 =	vadd.s32 v7, v10;
	v12 =	vshrl.u32 v8, $0x10;
	v8 =	vshll.u32 v8, $0x10  }
0x76: {  	v4 =	vadd.s32 v4, v11;
	v13 =	vshrl.u32 v9, $0x10;
	v9 =	vshll.u32 v9, $0x10  }
0x77: {  	v14 =	vshrl.u32 v10, $0x10;
	v10 =	vshll.u32 v10, $0x10;
	v15 =	vshrl.u32 v11, $0x10  }
0x78: {  	v11 =	vshll.u32 v11, $0x10;
	v9 =	vor.u32 v13, v9;
	v8 =	vor.u32 v12, v8  }
0x79: {  	v10 =	vor.u32 v14, v10;
	v11 =	vor.u32 v15, v11;
	v8 =	vxor.u32 v6, v8  }
0x7a: {  	v10 =	vxor.u32 v7, v10;
	v11 =	vxor.u32 v4, v11;
	v9 =	vxor.u32 v5, v9  }
0x7b: {  	v5 =	vadd.s32 v5, v9;
	v6 =	vadd.s32 v6, v8;
	v12 =	vshrl.u32 v8, $0x8  }
0x7c: {  	v7 =	vadd.s32 v7, v10;
	v4 =	vadd.s32 v4, v11;
	v8 =	vshll.u32 v8, $0x18  }
0x7d: {  	v13 =	vshrl.u32 v10, $0x8;
	v14 =	vshrl.u32 v9, $0x8;
	v9 =	vshll.u32 v9, $0x18  }
0x7e: {  	v10 =	vshll.u32 v10, $0x18;
	v15 =	vshrl.u32 v11, $0x8;
	v11 =	vshll.u32 v11, $0x18  }
0x7f: {  	v10 =	vor.u32 v13, v10;
	v9 =	vor.u32 v14, v9;
	v8 =	vor.u32 v12, v8  }
0x80: {  	v11 =	vor.u32 v15, v11;
	v9 =	vxor.u32 v5, v9;
	v8 =	vxor.u32 v6, v8  }
0x81: {  	v10 =	vxor.u32 v7, v10;
	v11 =	vxor.u32 v4, v11;
	v8 =	vadd.s32 $0x1BD11BF4, v8  }
0x82: {  	v10 =	vadd.s32 $0x1BD11BF4, v10;
	v11 =	vadd.s32 $0x1BD11BF4, v11;
	v9 =	vadd.s32 $0x1BD11BF4, v9  }
0x83: {  	v6 =	vadd.s32 v8, v6;
	v12 =	vshrl.u32 v8, $0x13;
	v8 =	vshll.u32 v8, $0xD  }
0x84: {  	v5 =	vadd.s32 v9, v5;
	v13 =	vshrl.u32 v9, $0x13;
	v9 =	vshll.u32 v9, $0xD  }
0x85: {  	v7 =	vadd.s32 v10, v7;
	v14 =	vshrl.u32 v10, $0x13;
	v10 =	vshll.u32 v10, $0xD  }
0x86: {  	v4 =	vadd.s32 v11, v4;
	v15 =	vshrl.u32 v11, $0x13;
	v11 =	vshll.u32 v11, $0xD  }
0x87: {  	v5 =	vadd.s32 $0x2A, v5;
	v6 =	vadd.s32 $0x2A, v6;
	v8 =	vor.u32 v12, v8  }
0x88: {  	v7 =	vadd.s32 $0x2A, v7;
	v10 =	vor.u32 v14, v10;
	v9 =	vor.u32 v13, v9  }
0x89: {  	v4 =	vadd.s32 $0x2A, v4;
	v11 =	vor.u32 v15, v11;
	v8 =	vxor.u32 v6, v8  }
0x8a: {  	v10 =	vxor.u32 v7, v10;
	v11 =	vxor.u32 v4, v11;
	v9 =	vxor.u32 v5, v9  }
0x8b: {  	v5 =	vadd.s32 v5, v9;
	v6 =	vadd.s32 v6, v8;
	v12 =	vshrl.u32 v8, $0x11  }
0x8c: {  	v7 =	vadd.s32 v7, v10;
	v4 =	vadd.s32 v4, v11;
	v8 =	vshll.u32 v8, $0xF  }
0x8d: {  	v13 =	vshrl.u32 v10, $0x11;
	v14 =	vshrl.u32 v9, $0x11;
	v9 =	vshll.u32 v9, $0xF  }
0x8e: {  	v10 =	vshll.u32 v10, $0xF;
	v15 =	vshrl.u32 v11, $0x11;
	v11 =	vshll.u32 v11, $0xF  }
0x8f: {  	v10 =	vor.u32 v13, v10;
	v9 =	vor.u32 v14, v9;
	v8 =	vor.u32 v12, v8  }
0x90: {  	v11 =	vor.u32 v15, v11;
	v9 =	vxor.u32 v5, v9;
	v8 =	vxor.u32 v6, v8  }
0x91: {  	v10 =	vxor.u32 v7, v10;
	v11 =	vxor.u32 v4, v11;
	v6 =	vadd.s32 v6, v8  }
0x92: {  	v5 =	vadd.s32 v5, v9;
	v12 =	vshrl.u32 v8, $0x6;
	v8 =	vshll.u32 v8, $0x1A  }
0x93: {  	v7 =	vadd.s32 v7, v10;
	v4 =	vadd.s32 v4, v11;
	v13 =	vshrl.u32 v9, $0x6  }
0x94: {  	v14 =	vshrl.u32 v10, $0x6;
	v10 =	vshll.u32 v10, $0x1A;
	v9 =	vshll.u32 v9, $0x1A  }
0x95: {  	v15 =	vshrl.u32 v11, $0x6;
	v11 =	vshll.u32 v11, $0x1A;
	v8 =	vor.u32 v12, v8  }
0x96: {  	v10 =	vor.u32 v14, v10;
	v11 =	vor.u32 v15, v11;
	v9 =	vor.u32 v13, v9  }
0x97: {  	v10 =	vxor.u32 v7, v10;
	v9 =	vxor.u32 v5, v9;
	v8 =	vxor.u32 v6, v8  }
0x98: {  	v11 =	vxor.u32 v4, v11;
	v5 =	vadd.s32 v5, v9;
	v6 =	vadd.s32 v6, v8  }
0x99: {  	v7 =	vadd.s32 v7, v10;
	v12 =	vshrl.u32 v8, $0x1A;
	v8 =	vshll.u32 v8, $0x6  }
0x9a: {  	v4 =	vadd.s32 v4, v11;
	v13 =	vshrl.u32 v9, $0x1A;
	v9 =	vshll.u32 v9, $0x6  }
0x9b: {  	v14 =	vshrl.u32 v10, $0x1A;
	v10 =	vshll.u32 v10, $0x6;
	v15 =	vshrl.u32 v11, $0x1A  }
0x9c: {  	v11 =	vshll.u32 v11, $0x6;
	v16 =	vadd.s32 $0x1BD11BF0, v5;
	v17 =	vadd.s32 $0x1BD11BF0, v6  }
0x9d: {  	v18 =	vadd.s32 $0x1BD11BF0, v7;
	v19 =	vadd.s32 $0x1BD11BF0, v4;
	v8 =	vor.u32 v12, v8  }
0x9e: {  	v10 =	vor.u32 v14, v10;
	v11 =	vor.u32 v15, v11;
	v9 =	vor.u32 v13, v9  }
0x9f: {  	v7 =	vxor.u32 v7, v10;
	v5 =	vxor.u32 v5, v9;
	v6 =	vxor.u32 v6, v8  }
0xa0: {  	v4 =	vxor.u32 v4, v11;
	v5 =	vadd.s32 $0x5, v5;
	v6 =	vadd.s32 $0x5, v6  }
0xa1: {  	v7 =	vadd.s32 $0x5, v7;
	v4 =	vadd.s32 $0x5, v4;
	v6 =	vxor.u32 v17, v6  }
0xa2: {  	v7 =	vxor.u32 v18, v7;
	v4 =	vxor.u32 v19, v4;
	v5 =	vxor.u32 v16, v5  }
0xa3: {  	s30 =	simm.s32 $0x3010;
	v7 =	vshrl.u32 v7, $0x9;
	v4 =	vshrl.u32 v4, $0x9;
	v6 =	vshrl.u32 v6, $0x9  }
0xa4: {  	vm0 =	vgt.u32 v4, v7;
	v4 =	vmax.u32 v4, v7;
	v7 =	vmov s30  }
0xa5: {  	v5 =	vshrl.u32 v5, $0x9;
	v8 =	vsel vm0, $0x1, v3;
	v7 =	vshll.u32 v7, $0x8  }
0xa6: {  	vm14 =	vgt.u32 v5, v4;
	v4 =	vmax.u32 v5, v4;
	v5 =	vor.u32 v2, v7  }
0xa7: {  	v7 =	vsel vm14, $0x2, v8;
	vm15 =	vgt.u32 v6, v4;
	v5 =	vor.u32 v0, v5  }
0xa8: {  	v4 =	vsel vm15, $0x3, v7;
	v6 =	vadd.s32 $0x2C, v5;
	v7 =	vadd.s32 $0x2D, v5  }
0xa9: {  	v8 =	vadd.s32 $0x2A, v5;
	v5 =	vadd.s32 $0x2B, v5;
	v9 =	vshrl.u32 v7, $0x13  }
0xaa: {  	v10 =	vshrl.u32 v6, $0x13;
	v11 =	vshll.u32 v6, $0xD;
	v12 =	vshll.u32 v7, $0xD  }
0xab: {  	v13 =	vshrl.u32 v8, $0x13;
	v14 =	vshll.u32 v8, $0xD;
	v15 =	vshrl.u32 v5, $0x13  }
0xac: {  	v16 =	vshll.u32 v5, $0xD;
	v10 =	vor.u32 v10, v11;
	v9 =	vor.u32 v9, v12  }
0xad: {  	v11 =	vor.u32 v13, v14;
	v12 =	vor.u32 v15, v16;
	v9 =	vxor.u32 v7, v9  }
0xae: {  	v11 =	vxor.u32 v8, v11;
	v12 =	vxor.u32 v5, v12;
	v10 =	vxor.u32 v6, v10  }
0xaf: {  	v6 =	vadd.s32 v6, v10;
	v7 =	vadd.s32 v7, v9;
	v13 =	vshrl.u32 v9, $0x11  }
0xb0: {  	v8 =	vadd.s32 v8, v11;
	v5 =	vadd.s32 v5, v12;
	v9 =	vshll.u32 v9, $0xF  }
0xb1: {  	v14 =	vshrl.u32 v11, $0x11;
	v15 =	vshrl.u32 v10, $0x11;
	v10 =	vshll.u32 v10, $0xF  }
0xb2: {  	v11 =	vshll.u32 v11, $0xF;
	v16 =	vshrl.u32 v12, $0x11;
	v12 =	vshll.u32 v12, $0xF  }
0xb3: {  	v11 =	vor.u32 v14, v11;
	v10 =	vor.u32 v15, v10;
	v9 =	vor.u32 v13, v9  }
0xb4: {  	v12 =	vor.u32 v16, v12;
	v10 =	vxor.u32 v6, v10;
	v9 =	vxor.u32 v7, v9  }
0xb5: {  	v11 =	vxor.u32 v8, v11;
	v12 =	vxor.u32 v5, v12;
	v7 =	vadd.s32 v7, v9  }
0xb6: {  	v6 =	vadd.s32 v6, v10;
	v13 =	vshrl.u32 v9, $0x6;
	v9 =	vshll.u32 v9, $0x1A  }
0xb7: {  	v8 =	vadd.s32 v8, v11;
	v5 =	vadd.s32 v5, v12;
	v14 =	vshrl.u32 v10, $0x6  }
0xb8: {  	v15 =	vshrl.u32 v11, $0x6;
	v11 =	vshll.u32 v11, $0x1A;
	v10 =	vshll.u32 v10, $0x1A  }
0xb9: {  	v16 =	vshrl.u32 v12, $0x6;
	v12 =	vshll.u32 v12, $0x1A;
	v9 =	vor.u32 v13, v9  }
0xba: {  	v11 =	vor.u32 v15, v11;
	v12 =	vor.u32 v16, v12;
	v10 =	vor.u32 v14, v10  }
0xbb: {  	v11 =	vxor.u32 v8, v11;
	v10 =	vxor.u32 v6, v10;
	v9 =	vxor.u32 v7, v9  }
0xbc: {  	v12 =	vxor.u32 v5, v12;
	v6 =	vadd.s32 v6, v10;
	v7 =	vadd.s32 v7, v9  }
0xbd: {  	v8 =	vadd.s32 v8, v11;
	v13 =	vshrl.u32 v9, $0x1A;
	v9 =	vshll.u32 v9, $0x6  }
0xbe: {  	v5 =	vadd.s32 v5, v12;
	v14 =	vshrl.u32 v10, $0x1A;
	v10 =	vshll.u32 v10, $0x6  }
0xbf: {  	v15 =	vshrl.u32 v11, $0x1A;
	v11 =	vshll.u32 v11, $0x6;
	v16 =	vshrl.u32 v12, $0x1A  }
0xc0: {  	v12 =	vshll.u32 v12, $0x6;
	v10 =	vor.u32 v14, v10;
	v9 =	vor.u32 v13, v9  }
0xc1: {  	v11 =	vor.u32 v15, v11;
	v12 =	vor.u32 v16, v12;
	v9 =	vxor.u32 v7, v9  }
0xc2: {  	v11 =	vxor.u32 v8, v11;
	v12 =	vxor.u32 v5, v12;
	v10 =	vxor.u32 v6, v10  }
0xc3: {  	v11 =	vadd.s32 $0x1BD11BF1, v11;
	v10 =	vadd.s32 $0x1BD11BF1, v10;
	v9 =	vadd.s32 $0x1BD11BF1, v9  }
0xc4: {  	v12 =	vadd.s32 $0x1BD11BF1, v12;
	v7 =	vadd.s32 v9, v7;
	v13 =	vshrl.u32 v9, $0xF  }
0xc5: {  	v6 =	vadd.s32 v10, v6;
	v14 =	vshrl.u32 v10, $0xF;
	v9 =	vshll.u32 v9, $0x11  }
0xc6: {  	v8 =	vadd.s32 v11, v8;
	v15 =	vshrl.u32 v11, $0xF;
	v10 =	vshll.u32 v10, $0x11  }
0xc7: {  	v11 =	vshll.u32 v11, $0x11;
	v5 =	vadd.s32 v12, v5;
	v16 =	vshrl.u32 v12, $0xF  }
0xc8: {  	v12 =	vshll.u32 v12, $0x11;
	v7 =	vadd.s32 $0x2A, v7;
	v9 =	vor.u32 v13, v9  }
0xc9: {  	v8 =	vadd.s32 $0x2A, v8;
	v6 =	vadd.s32 $0x2A, v6;
	v10 =	vor.u32 v14, v10  }
0xca: {  	v11 =	vor.u32 v15, v11;
	v5 =	vadd.s32 $0x2A, v5;
	v12 =	vor.u32 v16, v12  }
0xcb: {  	v11 =	vxor.u32 v8, v11;
	v10 =	vxor.u32 v6, v10;
	v9 =	vxor.u32 v7, v9  }
0xcc: {  	v12 =	vxor.u32 v5, v12;
	v6 =	vadd.s32 v6, v10;
	v7 =	vadd.s32 v7, v9  }
0xcd: {  	v8 =	vadd.s32 v8, v11;
	v13 =	vshrl.u32 v9, $0x3;
	v9 =	vshll.u32 v9, $0x1D  }
0xce: {  	v5 =	vadd.s32 v5, v12;
	v14 =	vshrl.u32 v10, $0x3;
	v10 =	vshll.u32 v10, $0x1D  }
0xcf: {  	v15 =	vshrl.u32 v11, $0x3;
	v11 =	vshll.u32 v11, $0x1D;
	v16 =	vshrl.u32 v12, $0x3  }
0xd0: {  	v12 =	vshll.u32 v12, $0x1D;
	v10 =	vor.u32 v14, v10;
	v9 =	vor.u32 v13, v9  }
0xd1: {  	v11 =	vor.u32 v15, v11;
	v12 =	vor.u32 v16, v12;
	v9 =	vxor.u32 v7, v9  }
0xd2: {  	v11 =	vxor.u32 v8, v11;
	v12 =	vxor.u32 v5, v12;
	v10 =	vxor.u32 v6, v10  }
0xd3: {  	v6 =	vadd.s32 v6, v10;
	v7 =	vadd.s32 v7, v9;
	v13 =	vshrl.u32 v9, $0x10  }
0xd4: {  	v8 =	vadd.s32 v8, v11;
	v5 =	vadd.s32 v5, v12;
	v9 =	vshll.u32 v9, $0x10  }
0xd5: {  	v14 =	vshrl.u32 v11, $0x10;
	v15 =	vshrl.u32 v10, $0x10;
	v10 =	vshll.u32 v10, $0x10  }
0xd6: {  	v11 =	vshll.u32 v11, $0x10;
	v16 =	vshrl.u32 v12, $0x10;
	v12 =	vshll.u32 v12, $0x10  }
0xd7: {  	v11 =	vor.u32 v14, v11;
	v10 =	vor.u32 v15, v10;
	v9 =	vor.u32 v13, v9  }
0xd8: {  	v12 =	vor.u32 v16, v12;
	v10 =	vxor.u32 v6, v10;
	v9 =	vxor.u32 v7, v9  }
0xd9: {  	v11 =	vxor.u32 v8, v11;
	v12 =	vxor.u32 v5, v12;
	v7 =	vadd.s32 v7, v9  }
0xda: {  	v6 =	vadd.s32 v6, v10;
	v13 =	vshrl.u32 v9, $0x8;
	v9 =	vshll.u32 v9, $0x18  }
0xdb: {  	v8 =	vadd.s32 v8, v11;
	v5 =	vadd.s32 v5, v12;
	v14 =	vshrl.u32 v10, $0x8  }
0xdc: {  	v15 =	vshrl.u32 v11, $0x8;
	v11 =	vshll.u32 v11, $0x18;
	v10 =	vshll.u32 v10, $0x18  }
0xdd: {  	v16 =	vshrl.u32 v12, $0x8;
	v12 =	vshll.u32 v12, $0x18;
	v9 =	vor.u32 v13, v9  }
0xde: {  	v11 =	vor.u32 v15, v11;
	v12 =	vor.u32 v16, v12;
	v10 =	vor.u32 v14, v10  }
0xdf: {  	v11 =	vxor.u32 v8, v11;
	v10 =	vxor.u32 v6, v10;
	v9 =	vxor.u32 v7, v9  }
0xe0: {  	v12 =	vxor.u32 v5, v12;
	v10 =	vadd.s32 $0x2, v10;
	v9 =	vadd.s32 $0x2, v9  }
0xe1: {  	v11 =	vadd.s32 $0x2, v11;
	v12 =	vadd.s32 $0x2, v12;
	v7 =	vadd.s32 v9, v7  }
0xe2: {  	v6 =	vadd.s32 v10, v6;
	v13 =	vshrl.u32 v9, $0x13;
	v9 =	vshll.u32 v9, $0xD  }
0xe3: {  	v8 =	vadd.s32 v11, v8;
	v14 =	vshrl.u32 v10, $0x13;
	v10 =	vshll.u32 v10, $0xD  }
0xe4: {  	v15 =	vshrl.u32 v11, $0x13;
	v11 =	vshll.u32 v11, $0xD;
	v5 =	vadd.s32 v12, v5  }
0xe5: {  	v16 =	vshrl.u32 v12, $0x13;
	v12 =	vshll.u32 v12, $0xD;
	v7 =	vadd.s32 $0x1BD11BF0, v7  }
0xe6: {  	v6 =	vadd.s32 $0x1BD11BF0, v6;
	v10 =	vor.u32 v14, v10;
	v9 =	vor.u32 v13, v9  }
0xe7: {  	v8 =	vadd.s32 $0x1BD11BF0, v8;
	v11 =	vor.u32 v15, v11;
	v5 =	vadd.s32 $0x1BD11BF0, v5  }
0xe8: {  	v12 =	vor.u32 v16, v12;
	v10 =	vxor.u32 v6, v10;
	v9 =	vxor.u32 v7, v9  }
0xe9: {  	v11 =	vxor.u32 v8, v11;
	v12 =	vxor.u32 v5, v12;
	v13 =	vadd.s32 v7, v9  }
0xea: {  	v6 =	vadd.s32 v6, v10;
	v7 =	vshrl.u32 v9, $0x11;
	v9 =	vshll.u32 v9, $0xF  }
0xeb: {  	v8 =	vadd.s32 v8, v11;
	v14 =	vadd.s32 v5, v12;
	v5 =	vshrl.u32 v10, $0x11  }
0xec: {  	v15 =	vshrl.u32 v11, $0x11;
	v11 =	vshll.u32 v11, $0xF;
	v10 =	vshll.u32 v10, $0xF  }
0xed: {  	v16 =	vshrl.u32 v12, $0x11;
	v12 =	vshll.u32 v12, $0xF;
	v7 =	vor.u32 v7, v9  }
0xee: {  	v9 =	vor.u32 v15, v11;
	v11 =	vor.u32 v16, v12;
	v5 =	vor.u32 v5, v10  }
0xef: {  	v15 =	vxor.u32 v8, v9;
	v16 =	vxor.u32 v6, v5;
	v12 =	vxor.u32 v13, v7  }
0xf0: {  	v9 =	vxor.u32 v14, v11;
	v7 =	vadd.s32 v6, v16;
	v5 =	vadd.s32 v13, v12  }
0xf1: {  	s31 =	sand.u32 $0x70, s2;
	s10 =	sand.u32 $0x1F00, s2;
	v6 =	vadd.s32 v8, v15;
	v10 =	vshrl.u32 v12, $0x6;
	v11 =	vshll.u32 v12, $0x1A  }
0xf2: {  	s10 =	sor.u32 s31, s10;
	v8 =	vadd.s32 v14, v9;
	v12 =	vshrl.u32 v16, $0x6;
	v13 =	vshll.u32 v16, $0x1A  }
0xf3: {  	s11 =	simm.s32 $0x20;
	s9 =	simm.s32 $0x10;
	[tilespmem:s10+$0x0] =	vst v4;
	s10 =	simm.s32 $0x0;
	v4 =	vshrl.u32 v15, $0x6;
	v14 =	vshll.u32 v15, $0x1A;
	v15 =	vshrl.u32 v9, $0x6  }
.LBB2_2:
0xf4: {  	p0 =	sne.s32 s11, $0xFF0;
	v9 =	vshll.u32 v9, $0x1A;
	v12 =	vor.u32 v12, v13;
	v10 =	vor.u32 v10, v11  }
0xf5: {  	v4 =	vor.u32 v4, v14;
	v9 =	vor.u32 v15, v9;
	v10 =	vxor.u32 v5, v10  }
0xf6: {  	v4 =	vxor.u32 v6, v4;
	v11 =	vxor.u32 v7, v12;
	v9 =	vxor.u32 v8, v9  }
0xf7: {  	v7 =	vadd.s32 v7, v11;
	v5 =	vadd.s32 v5, v10;
	v12 =	vshrl.u32 v10, $0x1A  }
0xf8: {  	v6 =	vadd.s32 v6, v4;
	v10 =	vshll.u32 v10, $0x6;
	v8 =	vadd.s32 v8, v9  }
0xf9: {  	v13 =	vshrl.u32 v4, $0x1A;
	v14 =	vshrl.u32 v11, $0x1A;
	v11 =	vshll.u32 v11, $0x6  }
0xfa: {  	v4 =	vshll.u32 v4, $0x6;
	v15 =	vshrl.u32 v9, $0x1A;
	v9 =	vshll.u32 v9, $0x6  }
0xfb: {  	v4 =	vor.u32 v13, v4;
	v11 =	vor.u32 v14, v11;
	v10 =	vor.u32 v12, v10  }
0xfc: {  	v9 =	vor.u32 v15, v9;
	v11 =	vxor.u32 v7, v11;
	v10 =	vxor.u32 v5, v10  }
0xfd: {  	v4 =	vxor.u32 v6, v4;
	v9 =	vxor.u32 v8, v9;
	v10 =	vadd.s32 $0x2D, v10  }
0xfe: {  	v4 =	vadd.s32 $0x2D, v4;
	v11 =	vadd.s32 $0x2D, v11;
	v9 =	vadd.s32 $0x2D, v9  }
0xff: {  	v7 =	vadd.s32 v7, v11;
	v5 =	vadd.s32 v5, v10;
	v12 =	vshrl.u32 v10, $0xF  }
0x100: {  	v6 =	vadd.s32 v6, v4;
	v10 =	vshll.u32 v10, $0x11;
	v8 =	vadd.s32 v8, v9  }
0x101: {  	v13 =	vshrl.u32 v4, $0xF;
	v14 =	vshrl.u32 v11, $0xF;
	v11 =	vshll.u32 v11, $0x11  }
0x102: {  	v4 =	vshll.u32 v4, $0x11;
	v15 =	vshrl.u32 v9, $0xF;
	v9 =	vshll.u32 v9, $0x11  }
0x103: {  	v4 =	vor.u32 v13, v4;
	v11 =	vor.u32 v14, v11;
	v10 =	vor.u32 v12, v10  }
0x104: {  	v9 =	vor.u32 v15, v9;
	v11 =	vxor.u32 v7, v11;
	v10 =	vxor.u32 v5, v10  }
0x105: {  	v4 =	vxor.u32 v6, v4;
	v9 =	vxor.u32 v8, v9;
	v5 =	vadd.s32 v5, v10  }
0x106: {  	v7 =	vadd.s32 v7, v11;
	v12 =	vshrl.u32 v10, $0x3;
	v10 =	vshll.u32 v10, $0x1D  }
0x107: {  	v6 =	vadd.s32 v6, v4;
	v13 =	vshrl.u32 v11, $0x3;
	v8 =	vadd.s32 v8, v9  }
0x108: {  	v14 =	vshrl.u32 v4, $0x3;
	v4 =	vshll.u32 v4, $0x1D;
	v11 =	vshll.u32 v11, $0x1D  }
0x109: {  	v15 =	vshrl.u32 v9, $0x3;
	v9 =	vshll.u32 v9, $0x1D;
	v10 =	vor.u32 v12, v10  }
0x10a: {  	v4 =	vor.u32 v14, v4;
	v11 =	vor.u32 v13, v11;
	v9 =	vor.u32 v15, v9  }
0x10b: {  	v4 =	vxor.u32 v6, v4;
	v11 =	vxor.u32 v7, v11;
	v10 =	vxor.u32 v5, v10  }
0x10c: {  	v9 =	vxor.u32 v8, v9;
	v7 =	vadd.s32 v7, v11;
	v5 =	vadd.s32 v5, v10  }
0x10d: {  	v6 =	vadd.s32 v6, v4;
	v12 =	vshrl.u32 v10, $0x10;
	v10 =	vshll.u32 v10, $0x10  }
0x10e: {  	v13 =	vshrl.u32 v11, $0x10;
	v11 =	vshll.u32 v11, $0x10;
	v8 =	vadd.s32 v8, v9  }
0x10f: {  	v14 =	vshrl.u32 v4, $0x10;
	v4 =	vshll.u32 v4, $0x10;
	v15 =	vshrl.u32 v9, $0x10  }
0x110: {  	v9 =	vshll.u32 v9, $0x10;
	v11 =	vor.u32 v13, v11;
	v10 =	vor.u32 v12, v10  }
0x111: {  	v4 =	vor.u32 v14, v4;
	v9 =	vor.u32 v15, v9;
	v10 =	vxor.u32 v5, v10  }
0x112: {  	v4 =	vxor.u32 v6, v4;
	v11 =	vxor.u32 v7, v11;
	v9 =	vxor.u32 v8, v9  }
0x113: {  	v7 =	vadd.s32 v7, v11;
	v5 =	vadd.s32 v5, v10;
	v12 =	vshrl.u32 v10, $0x8  }
0x114: {  	v6 =	vadd.s32 v6, v4;
	v10 =	vshll.u32 v10, $0x18;
	v8 =	vadd.s32 v8, v9  }
0x115: {  	v13 =	vshrl.u32 v4, $0x8;
	v14 =	vshrl.u32 v11, $0x8;
	v11 =	vshll.u32 v11, $0x18  }
0x116: {  	v4 =	vshll.u32 v4, $0x18;
	v15 =	vshrl.u32 v9, $0x8;
	v9 =	vshll.u32 v9, $0x18  }
0x117: {  	v4 =	vor.u32 v13, v4;
	v11 =	vor.u32 v14, v11;
	v10 =	vor.u32 v12, v10  }
0x118: {  	v9 =	vor.u32 v15, v9;
	v11 =	vxor.u32 v7, v11;
	v10 =	vxor.u32 v5, v10  }
0x119: {  	v4 =	vxor.u32 v6, v4;
	v9 =	vxor.u32 v8, v9;
	v10 =	vadd.s32 $0x1BD11BF4, v10  }
0x11a: {  	v4 =	vadd.s32 $0x1BD11BF4, v4;
	v11 =	vadd.s32 $0x1BD11BF4, v11;
	v9 =	vadd.s32 $0x1BD11BF4, v9  }
0x11b: {  	v5 =	vadd.s32 v10, v5;
	v12 =	vshrl.u32 v10, $0x13;
	v10 =	vshll.u32 v10, $0xD  }
0x11c: {  	v7 =	vadd.s32 v11, v7;
	v13 =	vshrl.u32 v11, $0x13;
	v11 =	vshll.u32 v11, $0xD  }
0x11d: {  	v6 =	vadd.s32 v4, v6;
	v14 =	vshrl.u32 v4, $0x13;
	v4 =	vshll.u32 v4, $0xD  }
0x11e: {  	v8 =	vadd.s32 v9, v8;
	v15 =	vshrl.u32 v9, $0x13;
	v9 =	vshll.u32 v9, $0xD  }
0x11f: {  	v7 =	vadd.s32 $0x2A, v7;
	v5 =	vadd.s32 $0x2A, v5;
	v10 =	vor.u32 v12, v10  }
0x120: {  	v6 =	vadd.s32 $0x2A, v6;
	v4 =	vor.u32 v14, v4;
	v11 =	vor.u32 v13, v11  }
0x121: {  	v8 =	vadd.s32 $0x2A, v8;
	v9 =	vor.u32 v15, v9;
	v10 =	vxor.u32 v5, v10  }
0x122: {  	v4 =	vxor.u32 v6, v4;
	v11 =	vxor.u32 v7, v11;
	v9 =	vxor.u32 v8, v9  }
0x123: {  	v7 =	vadd.s32 v7, v11;
	v5 =	vadd.s32 v5, v10;
	v12 =	vshrl.u32 v10, $0x11  }
0x124: {  	v6 =	vadd.s32 v6, v4;
	v10 =	vshll.u32 v10, $0xF;
	v8 =	vadd.s32 v8, v9  }
0x125: {  	v13 =	vshrl.u32 v4, $0x11;
	v14 =	vshrl.u32 v11, $0x11;
	v11 =	vshll.u32 v11, $0xF  }
0x126: {  	v4 =	vshll.u32 v4, $0xF;
	v15 =	vshrl.u32 v9, $0x11;
	v9 =	vshll.u32 v9, $0xF  }
0x127: {  	v4 =	vor.u32 v13, v4;
	v11 =	vor.u32 v14, v11;
	v10 =	vor.u32 v12, v10  }
0x128: {  	v9 =	vor.u32 v15, v9;
	v11 =	vxor.u32 v7, v11;
	v10 =	vxor.u32 v5, v10  }
0x129: {  	v4 =	vxor.u32 v6, v4;
	v9 =	vxor.u32 v8, v9;
	v5 =	vadd.s32 v5, v10  }
0x12a: {  	v7 =	vadd.s32 v7, v11;
	v12 =	vshrl.u32 v10, $0x6;
	v10 =	vshll.u32 v10, $0x1A  }
0x12b: {  	v6 =	vadd.s32 v6, v4;
	v13 =	vshrl.u32 v11, $0x6;
	v8 =	vadd.s32 v8, v9  }
0x12c: {  	v14 =	vshrl.u32 v4, $0x6;
	v4 =	vshll.u32 v4, $0x1A;
	v11 =	vshll.u32 v11, $0x1A  }
0x12d: {  	v15 =	vshrl.u32 v9, $0x6;
	v9 =	vshll.u32 v9, $0x1A;
	v10 =	vor.u32 v12, v10  }
0x12e: {  	v4 =	vor.u32 v14, v4;
	v11 =	vor.u32 v13, v11;
	v9 =	vor.u32 v15, v9  }
0x12f: {  	v4 =	vxor.u32 v6, v4;
	v11 =	vxor.u32 v7, v11;
	v10 =	vxor.u32 v5, v10  }
0x130: {  	v9 =	vxor.u32 v8, v9;
	v7 =	vadd.s32 v7, v11;
	v5 =	vadd.s32 v5, v10  }
0x131: {  	v6 =	vadd.s32 v6, v4;
	v12 =	vshrl.u32 v10, $0x1A;
	v10 =	vshll.u32 v10, $0x6  }
0x132: {  	v13 =	vshrl.u32 v11, $0x1A;
	v11 =	vshll.u32 v11, $0x6;
	v8 =	vadd.s32 v8, v9  }
0x133: {  	v14 =	vshrl.u32 v4, $0x1A;
	v4 =	vshll.u32 v4, $0x6;
	v15 =	vshrl.u32 v9, $0x1A  }
0x134: {  	v9 =	vshll.u32 v9, $0x6;
	v16 =	vadd.s32 $0x1BD11BF0, v7;
	v17 =	vadd.s32 $0x1BD11BF0, v5  }
0x135: {  	v18 =	vadd.s32 $0x1BD11BF0, v6;
	v10 =	vor.u32 v12, v10;
	v19 =	vadd.s32 $0x1BD11BF0, v8  }
0x136: {  	v4 =	vor.u32 v14, v4;
	v11 =	vor.u32 v13, v11;
	v9 =	vor.u32 v15, v9  }
0x137: {  	v4 =	vxor.u32 v6, v4;
	v6 =	vxor.u32 v7, v11;
	v5 =	vxor.u32 v5, v10  }
0x138: {  	v7 =	vxor.u32 v8, v9;
	v6 =	vadd.s32 $0x5, v6;
	v5 =	vadd.s32 $0x5, v5  }
0x139: {  	v4 =	vadd.s32 $0x5, v4;
	v7 =	vadd.s32 $0x5, v7;
	v5 =	vxor.u32 v17, v5  }
0x13a: {  	v4 =	vxor.u32 v18, v4;
	v6 =	vxor.u32 v16, v6;
	v7 =	vxor.u32 v19, v7  }
0x13b: {  	v4 =	vshrl.u32 v4, $0x9;
	v5 =	vshrl.u32 v5, $0x9;
	v7 =	vshrl.u32 v7, $0x9  }
0x13c: {  	v6 =	vshrl.u32 v6, $0x9;
	vm0 =	vgt.u32 v7, v4;
	v4 =	vmax.u32 v7, v4  }
0x13d: {  	s12 =	sadd.s32 $0x3000, s11;
	s10 =	sadd.s32 $0x20, s10;
	v7 =	vsel vm0, $0x1, v3;
	vm0 =	vgt.u32 v6, v4;
	v4 =	vmax.u32 v6, v4  }
0x13e: {  	s13 =	sand.u32 $0x1F00, s10;
	v6 =	vmov s12;
	s12 =	sand.u32 $0x70, s9;
	s9 =	smov.u32 s11;
	v7 =	vsel vm0, $0x2, v7;
	vm0 =	vgt.u32 v5, v4  }
0x13f: {  	v4 =	vshll.u32 v6, $0x8;
	s12 =	sor.u32 s12, s13;
	v5 =	vsel vm0, $0x3, v7  }
0x140: {  	v4 =	vor.u32 v2, v4;
	[tilespmem:s12+$0x0] =	vst v5  }
0x141: {  	v4 =	vor.u32 v0, v4  }
0x142: {  	v6 =	vadd.s32 $0x2D, v4;
	v5 =	vadd.s32 $0x2C, v4  }
0x143: {  	v7 =	vadd.s32 $0x2A, v4;
	v8 =	vshrl.u32 v6, $0x13;
	v4 =	vadd.s32 $0x2B, v4  }
0x144: {  	v11 =	vshll.u32 v6, $0xD;
	v9 =	vshrl.u32 v5, $0x13;
	v10 =	vshll.u32 v5, $0xD  }
0x145: {  	v12 =	vshrl.u32 v7, $0x13;
	v13 =	vshll.u32 v7, $0xD;
	v14 =	vshrl.u32 v4, $0x13  }
0x146: {  	v8 =	vor.u32 v8, v11;
	v15 =	vshll.u32 v4, $0xD;
	v9 =	vor.u32 v9, v10  }
0x147: {  	v8 =	vxor.u32 v6, v8;
	v10 =	vor.u32 v12, v13;
	v11 =	vor.u32 v14, v15  }
0x148: {  	v10 =	vxor.u32 v7, v10;
	v11 =	vxor.u32 v4, v11;
	v9 =	vxor.u32 v5, v9  }
0x149: {  	v6 =	vadd.s32 v6, v8;
	v12 =	vshrl.u32 v8, $0x11;
	v5 =	vadd.s32 v5, v9  }
0x14a: {  	v8 =	vshll.u32 v8, $0xF;
	v7 =	vadd.s32 v7, v10;
	v4 =	vadd.s32 v4, v11  }
0x14b: {  	v13 =	vshrl.u32 v10, $0x11;
	v14 =	vshrl.u32 v9, $0x11;
	v9 =	vshll.u32 v9, $0xF  }
0x14c: {  	v10 =	vshll.u32 v10, $0xF;
	v15 =	vshrl.u32 v11, $0x11;
	v11 =	vshll.u32 v11, $0xF  }
0x14d: {  	v8 =	vor.u32 v12, v8;
	v10 =	vor.u32 v13, v10;
	v9 =	vor.u32 v14, v9  }
0x14e: {  	v8 =	vxor.u32 v6, v8;
	v11 =	vor.u32 v15, v11;
	v9 =	vxor.u32 v5, v9  }
0x14f: {  	v6 =	vadd.s32 v6, v8;
	v10 =	vxor.u32 v7, v10;
	v11 =	vxor.u32 v4, v11  }
0x150: {  	v12 =	vshrl.u32 v8, $0x6;
	v8 =	vshll.u32 v8, $0x1A;
	v5 =	vadd.s32 v5, v9  }
0x151: {  	v7 =	vadd.s32 v7, v10;
	v4 =	vadd.s32 v4, v11;
	v13 =	vshrl.u32 v9, $0x6  }
0x152: {  	v14 =	vshrl.u32 v10, $0x6;
	v10 =	vshll.u32 v10, $0x1A;
	v9 =	vshll.u32 v9, $0x1A  }
0x153: {  	v8 =	vor.u32 v12, v8;
	v15 =	vshrl.u32 v11, $0x6;
	v11 =	vshll.u32 v11, $0x1A  }
0x154: {  	v10 =	vor.u32 v14, v10;
	v11 =	vor.u32 v15, v11;
	v9 =	vor.u32 v13, v9  }
0x155: {  	v8 =	vxor.u32 v6, v8;
	v10 =	vxor.u32 v7, v10;
	v9 =	vxor.u32 v5, v9  }
0x156: {  	v6 =	vadd.s32 v6, v8;
	v11 =	vxor.u32 v4, v11;
	v5 =	vadd.s32 v5, v9  }
0x157: {  	v12 =	vshrl.u32 v8, $0x1A;
	v8 =	vshll.u32 v8, $0x6;
	v7 =	vadd.s32 v7, v10  }
0x158: {  	v4 =	vadd.s32 v4, v11;
	v13 =	vshrl.u32 v9, $0x1A;
	v9 =	vshll.u32 v9, $0x6  }
0x159: {  	v14 =	vshrl.u32 v10, $0x1A;
	v10 =	vshll.u32 v10, $0x6;
	v15 =	vshrl.u32 v11, $0x1A  }
0x15a: {  	v8 =	vor.u32 v12, v8;
	v11 =	vshll.u32 v11, $0x6;
	v9 =	vor.u32 v13, v9  }
0x15b: {  	v8 =	vxor.u32 v6, v8;
	v10 =	vor.u32 v14, v10;
	v11 =	vor.u32 v15, v11  }
0x15c: {  	v10 =	vxor.u32 v7, v10;
	v11 =	vxor.u32 v4, v11;
	v9 =	vxor.u32 v5, v9  }
0x15d: {  	v8 =	vadd.s32 $0x1BD11BF1, v8;
	v10 =	vadd.s32 $0x1BD11BF1, v10;
	v9 =	vadd.s32 $0x1BD11BF1, v9  }
0x15e: {  	v6 =	vadd.s32 v8, v6;
	v12 =	vshrl.u32 v8, $0xF;
	v11 =	vadd.s32 $0x1BD11BF1, v11  }
0x15f: {  	v8 =	vshll.u32 v8, $0x11;
	v5 =	vadd.s32 v9, v5;
	v13 =	vshrl.u32 v9, $0xF  }
0x160: {  	v7 =	vadd.s32 v10, v7;
	v14 =	vshrl.u32 v10, $0xF;
	v9 =	vshll.u32 v9, $0x11  }
0x161: {  	v10 =	vshll.u32 v10, $0x11;
	v4 =	vadd.s32 v11, v4;
	v15 =	vshrl.u32 v11, $0xF  }
0x162: {  	v6 =	vadd.s32 $0x2A, v6;
	v8 =	vor.u32 v12, v8;
	v11 =	vshll.u32 v11, $0x11  }
0x163: {  	v7 =	vadd.s32 $0x2A, v7;
	v5 =	vadd.s32 $0x2A, v5;
	v9 =	vor.u32 v13, v9  }
0x164: {  	v10 =	vor.u32 v14, v10;
	v4 =	vadd.s32 $0x2A, v4;
	v11 =	vor.u32 v15, v11  }
0x165: {  	v8 =	vxor.u32 v6, v8;
	v10 =	vxor.u32 v7, v10;
	v9 =	vxor.u32 v5, v9  }
0x166: {  	v6 =	vadd.s32 v6, v8;
	v11 =	vxor.u32 v4, v11;
	v5 =	vadd.s32 v5, v9  }
0x167: {  	v12 =	vshrl.u32 v8, $0x3;
	v8 =	vshll.u32 v8, $0x1D;
	v7 =	vadd.s32 v7, v10  }
0x168: {  	v4 =	vadd.s32 v4, v11;
	v13 =	vshrl.u32 v9, $0x3;
	v9 =	vshll.u32 v9, $0x1D  }
0x169: {  	v14 =	vshrl.u32 v10, $0x3;
	v10 =	vshll.u32 v10, $0x1D;
	v15 =	vshrl.u32 v11, $0x3  }
0x16a: {  	v8 =	vor.u32 v12, v8;
	v11 =	vshll.u32 v11, $0x1D;
	v9 =	vor.u32 v13, v9  }
0x16b: {  	v8 =	vxor.u32 v6, v8;
	v10 =	vor.u32 v14, v10;
	v11 =	vor.u32 v15, v11  }
0x16c: {  	v10 =	vxor.u32 v7, v10;
	v11 =	vxor.u32 v4, v11;
	v9 =	vxor.u32 v5, v9  }
0x16d: {  	v6 =	vadd.s32 v6, v8;
	v12 =	vshrl.u32 v8, $0x10;
	v5 =	vadd.s32 v5, v9  }
0x16e: {  	v8 =	vshll.u32 v8, $0x10;
	v7 =	vadd.s32 v7, v10;
	v4 =	vadd.s32 v4, v11  }
0x16f: {  	v13 =	vshrl.u32 v10, $0x10;
	v14 =	vshrl.u32 v9, $0x10;
	v9 =	vshll.u32 v9, $0x10  }
0x170: {  	v10 =	vshll.u32 v10, $0x10;
	v15 =	vshrl.u32 v11, $0x10;
	v11 =	vshll.u32 v11, $0x10  }
0x171: {  	v8 =	vor.u32 v12, v8;
	v10 =	vor.u32 v13, v10;
	v9 =	vor.u32 v14, v9  }
0x172: {  	v8 =	vxor.u32 v6, v8;
	v11 =	vor.u32 v15, v11;
	v9 =	vxor.u32 v5, v9  }
0x173: {  	v6 =	vadd.s32 v6, v8;
	v10 =	vxor.u32 v7, v10;
	v11 =	vxor.u32 v4, v11  }
0x174: {  	v12 =	vshrl.u32 v8, $0x8;
	v8 =	vshll.u32 v8, $0x18;
	v5 =	vadd.s32 v5, v9  }
0x175: {  	v7 =	vadd.s32 v7, v10;
	v4 =	vadd.s32 v4, v11;
	v13 =	vshrl.u32 v9, $0x8  }
0x176: {  	v14 =	vshrl.u32 v10, $0x8;
	v10 =	vshll.u32 v10, $0x18;
	v9 =	vshll.u32 v9, $0x18  }
0x177: {  	v8 =	vor.u32 v12, v8;
	v15 =	vshrl.u32 v11, $0x8;
	v11 =	vshll.u32 v11, $0x18  }
0x178: {  	v10 =	vor.u32 v14, v10;
	v11 =	vor.u32 v15, v11;
	v9 =	vor.u32 v13, v9  }
0x179: {  	v8 =	vxor.u32 v6, v8;
	v10 =	vxor.u32 v7, v10;
	v9 =	vxor.u32 v5, v9  }
0x17a: {  	v8 =	vadd.s32 $0x2, v8;
	v11 =	vxor.u32 v4, v11;
	v9 =	vadd.s32 $0x2, v9  }
0x17b: {  	v6 =	vadd.s32 v8, v6;
	v10 =	vadd.s32 $0x2, v10;
	v11 =	vadd.s32 $0x2, v11  }
0x17c: {  	v12 =	vshrl.u32 v8, $0x13;
	v8 =	vshll.u32 v8, $0xD;
	v5 =	vadd.s32 v9, v5  }
0x17d: {  	v7 =	vadd.s32 v10, v7;
	v13 =	vshrl.u32 v9, $0x13;
	v9 =	vshll.u32 v9, $0xD  }
0x17e: {  	v14 =	vshrl.u32 v10, $0x13;
	v10 =	vshll.u32 v10, $0xD;
	v4 =	vadd.s32 v11, v4  }
0x17f: {  	v6 =	vadd.s32 $0x1BD11BF0, v6;
	v15 =	vshrl.u32 v11, $0x13;
	v11 =	vshll.u32 v11, $0xD  }
0x180: {  	v8 =	vor.u32 v12, v8;
	v5 =	vadd.s32 $0x1BD11BF0, v5;
	v9 =	vor.u32 v13, v9  }
0x181: {  	v7 =	vadd.s32 $0x1BD11BF0, v7;
	v10 =	vor.u32 v14, v10;
	v4 =	vadd.s32 $0x1BD11BF0, v4  }
0x182: {  	v8 =	vxor.u32 v6, v8;
	v11 =	vor.u32 v15, v11;
	v9 =	vxor.u32 v5, v9  }
0x183: {  	v6 =	vadd.s32 v6, v8;
	v10 =	vxor.u32 v7, v10;
	v11 =	vxor.u32 v4, v11  }
0x184: {  	v12 =	vshrl.u32 v8, $0x11;
	v8 =	vshll.u32 v8, $0xF;
	v5 =	vadd.s32 v5, v9  }
0x185: {  	v13 =	vadd.s32 v7, v10;
	v4 =	vadd.s32 v4, v11;
	v7 =	vshrl.u32 v9, $0x11  }
0x186: {  	v14 =	vshrl.u32 v10, $0x11;
	v10 =	vshll.u32 v10, $0xF;
	v9 =	vshll.u32 v9, $0xF  }
0x187: {  	v8 =	vor.u32 v12, v8;
	v15 =	vshrl.u32 v11, $0x11;
	v11 =	vshll.u32 v11, $0xF  }
0x188: {  	v10 =	vor.u32 v14, v10;
	v11 =	vor.u32 v15, v11;
	v7 =	vor.u32 v7, v9  }
.Ltmp0:
0x189: {  	v8 =	vxor.u32 v6, v8;
	v14 =	vxor.u32 v13, v10;
	v15 =	vxor.u32 v5, v7;
	(pc) =	sbr.rel @p0 .LBB2_2-.Ltmp0, $4  }
0x18a: {  	v9 =	vxor.u32 v4, v11;
	v7 =	vadd.s32 v5, v15;
	v5 =	vadd.s32 v6, v8  }
0x18b: {  	v10 =	vshrl.u32 v8, $0x6;
	v11 =	vshll.u32 v8, $0x1A;
	v6 =	vadd.s32 v13, v14  }
0x18c: {  	v8 =	vadd.s32 v4, v9;
	v12 =	vshrl.u32 v15, $0x6;
	v13 =	vshll.u32 v15, $0x1A  }
0x18d: {  	s11 =	sadd.s32 $0x10, s11;
	v4 =	vshrl.u32 v14, $0x6;
	v14 =	vshll.u32 v14, $0x1A;
	v15 =	vshrl.u32 v9, $0x6  }
0x18e: {  	v9 =	vshll.u32 v9, $0x1A;
	v12 =	vor.u32 v12, v13;
	v10 =	vor.u32 v10, v11  }
0x18f: {  	v4 =	vor.u32 v4, v14;
	v9 =	vor.u32 v15, v9;
	v10 =	vxor.u32 v5, v10  }
0x190: {  	v4 =	vxor.u32 v6, v4;
	v11 =	vxor.u32 v7, v12;
	v9 =	vxor.u32 v8, v9  }
0x191: {  	v7 =	vadd.s32 v7, v11;
	v5 =	vadd.s32 v5, v10;
	v12 =	vshrl.u32 v10, $0x1A  }
0x192: {  	v6 =	vadd.s32 v6, v4;
	v10 =	vshll.u32 v10, $0x6;
	v13 =	vshrl.u32 v4, $0x1A  }
0x193: {  	v14 =	vshrl.u32 v11, $0x1A;
	v11 =	vshll.u32 v11, $0x6;
	v4 =	vshll.u32 v4, $0x6  }
0x194: {  	v8 =	vadd.s32 v8, v9;
	v15 =	vshrl.u32 v9, $0x1A;
	v9 =	vshll.u32 v9, $0x6  }
0x195: {  	v4 =	vor.u32 v13, v4;
	v11 =	vor.u32 v14, v11;
	v10 =	vor.u32 v12, v10  }
0x196: {  	v9 =	vor.u32 v15, v9;
	v11 =	vxor.u32 v7, v11;
	v10 =	vxor.u32 v5, v10  }
0x197: {  	v4 =	vxor.u32 v6, v4;
	v9 =	vxor.u32 v8, v9;
	v10 =	vadd.s32 $0x2D, v10  }
0x198: {  	v4 =	vadd.s32 $0x2D, v4;
	v11 =	vadd.s32 $0x2D, v11;
	v9 =	vadd.s32 $0x2D, v9  }
0x199: {  	v7 =	vadd.s32 v7, v11;
	v5 =	vadd.s32 v5, v10;
	v12 =	vshrl.u32 v10, $0xF  }
0x19a: {  	v6 =	vadd.s32 v6, v4;
	v10 =	vshll.u32 v10, $0x11;
	v13 =	vshrl.u32 v4, $0xF  }
0x19b: {  	v14 =	vshrl.u32 v11, $0xF;
	v11 =	vshll.u32 v11, $0x11;
	v4 =	vshll.u32 v4, $0x11  }
0x19c: {  	v8 =	vadd.s32 v8, v9;
	v15 =	vshrl.u32 v9, $0xF;
	v9 =	vshll.u32 v9, $0x11  }
0x19d: {  	v4 =	vor.u32 v13, v4;
	v11 =	vor.u32 v14, v11;
	v10 =	vor.u32 v12, v10  }
0x19e: {  	v9 =	vor.u32 v15, v9;
	v11 =	vxor.u32 v7, v11;
	v10 =	vxor.u32 v5, v10  }
0x19f: {  	v4 =	vxor.u32 v6, v4;
	v9 =	vxor.u32 v8, v9;
	v5 =	vadd.s32 v5, v10  }
0x1a0: {  	v7 =	vadd.s32 v7, v11;
	v12 =	vshrl.u32 v10, $0x3;
	v10 =	vshll.u32 v10, $0x1D  }
0x1a1: {  	v6 =	vadd.s32 v6, v4;
	v13 =	vshrl.u32 v11, $0x3;
	v14 =	vshrl.u32 v4, $0x3  }
0x1a2: {  	v4 =	vshll.u32 v4, $0x1D;
	v11 =	vshll.u32 v11, $0x1D;
	v8 =	vadd.s32 v8, v9  }
0x1a3: {  	v15 =	vshrl.u32 v9, $0x3;
	v9 =	vshll.u32 v9, $0x1D;
	v10 =	vor.u32 v12, v10  }
0x1a4: {  	v4 =	vor.u32 v14, v4;
	v11 =	vor.u32 v13, v11;
	v9 =	vor.u32 v15, v9  }
0x1a5: {  	v4 =	vxor.u32 v6, v4;
	v11 =	vxor.u32 v7, v11;
	v10 =	vxor.u32 v5, v10  }
0x1a6: {  	v9 =	vxor.u32 v8, v9;
	v7 =	vadd.s32 v7, v11;
	v5 =	vadd.s32 v5, v10  }
0x1a7: {  	v6 =	vadd.s32 v6, v4;
	v12 =	vshrl.u32 v10, $0x10;
	v10 =	vshll.u32 v10, $0x10  }
0x1a8: {  	v13 =	vshrl.u32 v11, $0x10;
	v11 =	vshll.u32 v11, $0x10;
	v14 =	vshrl.u32 v4, $0x10  }
0x1a9: {  	v4 =	vshll.u32 v4, $0x10;
	v8 =	vadd.s32 v8, v9;
	v15 =	vshrl.u32 v9, $0x10  }
0x1aa: {  	v9 =	vshll.u32 v9, $0x10;
	v11 =	vor.u32 v13, v11;
	v10 =	vor.u32 v12, v10  }
0x1ab: {  	v4 =	vor.u32 v14, v4;
	v9 =	vor.u32 v15, v9;
	v10 =	vxor.u32 v5, v10  }
0x1ac: {  	v4 =	vxor.u32 v6, v4;
	v11 =	vxor.u32 v7, v11;
	v9 =	vxor.u32 v8, v9  }
0x1ad: {  	v7 =	vadd.s32 v7, v11;
	v5 =	vadd.s32 v5, v10;
	v12 =	vshrl.u32 v10, $0x8  }
0x1ae: {  	v6 =	vadd.s32 v6, v4;
	v10 =	vshll.u32 v10, $0x18;
	v13 =	vshrl.u32 v4, $0x8  }
0x1af: {  	v14 =	vshrl.u32 v11, $0x8;
	v11 =	vshll.u32 v11, $0x18;
	v4 =	vshll.u32 v4, $0x18  }
0x1b0: {  	v8 =	vadd.s32 v8, v9;
	v15 =	vshrl.u32 v9, $0x8;
	v9 =	vshll.u32 v9, $0x18  }
0x1b1: {  	v4 =	vor.u32 v13, v4;
	v11 =	vor.u32 v14, v11;
	v10 =	vor.u32 v12, v10  }
0x1b2: {  	v9 =	vor.u32 v15, v9;
	v11 =	vxor.u32 v7, v11;
	v10 =	vxor.u32 v5, v10  }
0x1b3: {  	v4 =	vxor.u32 v6, v4;
	v9 =	vxor.u32 v8, v9;
	v10 =	vadd.s32 $0x1BD11BF4, v10  }
0x1b4: {  	v4 =	vadd.s32 $0x1BD11BF4, v4;
	v11 =	vadd.s32 $0x1BD11BF4, v11;
	v9 =	vadd.s32 $0x1BD11BF4, v9  }
0x1b5: {  	v5 =	vadd.s32 v10, v5;
	v12 =	vshrl.u32 v10, $0x13;
	v10 =	vshll.u32 v10, $0xD  }
0x1b6: {  	v7 =	vadd.s32 v11, v7;
	v13 =	vshrl.u32 v11, $0x13;
	v11 =	vshll.u32 v11, $0xD  }
0x1b7: {  	v6 =	vadd.s32 v4, v6;
	v14 =	vshrl.u32 v4, $0x13;
	v4 =	vshll.u32 v4, $0xD  }
0x1b8: {  	v8 =	vadd.s32 v9, v8;
	v15 =	vshrl.u32 v9, $0x13;
	v9 =	vshll.u32 v9, $0xD  }
0x1b9: {  	v7 =	vadd.s32 $0x2A, v7;
	v5 =	vadd.s32 $0x2A, v5;
	v10 =	vor.u32 v12, v10  }
0x1ba: {  	v6 =	vadd.s32 $0x2A, v6;
	v4 =	vor.u32 v14, v4;
	v11 =	vor.u32 v13, v11  }
0x1bb: {  	v8 =	vadd.s32 $0x2A, v8;
	v9 =	vor.u32 v15, v9;
	v10 =	vxor.u32 v5, v10  }
0x1bc: {  	v4 =	vxor.u32 v6, v4;
	v11 =	vxor.u32 v7, v11;
	v9 =	vxor.u32 v8, v9  }
0x1bd: {  	v7 =	vadd.s32 v7, v11;
	v5 =	vadd.s32 v5, v10;
	v12 =	vshrl.u32 v10, $0x11  }
0x1be: {  	v6 =	vadd.s32 v6, v4;
	v10 =	vshll.u32 v10, $0xF;
	v13 =	vshrl.u32 v4, $0x11  }
0x1bf: {  	v14 =	vshrl.u32 v11, $0x11;
	v11 =	vshll.u32 v11, $0xF;
	v4 =	vshll.u32 v4, $0xF  }
0x1c0: {  	v8 =	vadd.s32 v8, v9;
	v15 =	vshrl.u32 v9, $0x11;
	v9 =	vshll.u32 v9, $0xF  }
0x1c1: {  	v4 =	vor.u32 v13, v4;
	v11 =	vor.u32 v14, v11;
	v10 =	vor.u32 v12, v10  }
0x1c2: {  	v9 =	vor.u32 v15, v9;
	v11 =	vxor.u32 v7, v11;
	v10 =	vxor.u32 v5, v10  }
0x1c3: {  	v4 =	vxor.u32 v6, v4;
	v9 =	vxor.u32 v8, v9;
	v5 =	vadd.s32 v5, v10  }
0x1c4: {  	v7 =	vadd.s32 v7, v11;
	v12 =	vshrl.u32 v10, $0x6;
	v10 =	vshll.u32 v10, $0x1A  }
0x1c5: {  	v6 =	vadd.s32 v6, v4;
	v13 =	vshrl.u32 v11, $0x6;
	v14 =	vshrl.u32 v4, $0x6  }
0x1c6: {  	v4 =	vshll.u32 v4, $0x1A;
	v11 =	vshll.u32 v11, $0x1A;
	v8 =	vadd.s32 v8, v9  }
0x1c7: {  	v15 =	vshrl.u32 v9, $0x6;
	v9 =	vshll.u32 v9, $0x1A;
	v10 =	vor.u32 v12, v10  }
0x1c8: {  	v4 =	vor.u32 v14, v4;
	v11 =	vor.u32 v13, v11;
	v9 =	vor.u32 v15, v9  }
0x1c9: {  	v4 =	vxor.u32 v6, v4;
	v11 =	vxor.u32 v7, v11;
	v10 =	vxor.u32 v5, v10  }
0x1ca: {  	v9 =	vxor.u32 v8, v9;
	v7 =	vadd.s32 v7, v11;
	v5 =	vadd.s32 v5, v10  }
0x1cb: {  	v6 =	vadd.s32 v6, v4;
	v12 =	vshrl.u32 v10, $0x1A;
	v10 =	vshll.u32 v10, $0x6  }
0x1cc: {  	v13 =	vshrl.u32 v11, $0x1A;
	v11 =	vshll.u32 v11, $0x6;
	v14 =	vshrl.u32 v4, $0x1A  }
0x1cd: {  	v4 =	vshll.u32 v4, $0x6;
	v8 =	vadd.s32 v8, v9;
	v15 =	vshrl.u32 v9, $0x1A  }
0x1ce: {  	v9 =	vshll.u32 v9, $0x6;
	v16 =	vadd.s32 $0x1BD11BF0, v7;
	v17 =	vadd.s32 $0x1BD11BF0, v5  }
0x1cf: {  	v18 =	vadd.s32 $0x1BD11BF0, v6;
	v10 =	vor.u32 v12, v10;
	v4 =	vor.u32 v14, v4  }
0x1d0: {  	v11 =	vor.u32 v13, v11;
	v19 =	vadd.s32 $0x1BD11BF0, v8;
	v9 =	vor.u32 v15, v9  }
0x1d1: {  	v4 =	vxor.u32 v6, v4;
	v6 =	vxor.u32 v7, v11;
	v5 =	vxor.u32 v5, v10  }
0x1d2: {  	v7 =	vxor.u32 v8, v9;
	v6 =	vadd.s32 $0x5, v6;
	v5 =	vadd.s32 $0x5, v5  }
0x1d3: {  	v4 =	vadd.s32 $0x5, v4;
	v7 =	vadd.s32 $0x5, v7;
	v5 =	vxor.u32 v17, v5  }
0x1d4: {  	v4 =	vxor.u32 v18, v4;
	v6 =	vxor.u32 v16, v6;
	v7 =	vxor.u32 v19, v7  }
0x1d5: {  	s11 =	simm.s32 $0x3000;
	v4 =	vshrl.u32 v4, $0x9;
	v5 =	vshrl.u32 v5, $0x9;
	v7 =	vshrl.u32 v7, $0x9  }
0x1d6: {  	vm0 =	vgt.u32 v7, v4;
	v4 =	vmax.u32 v7, v4;
	v7 =	vmov s11  }
0x1d7: {  	v6 =	vshrl.u32 v6, $0x9;
	v8 =	vsel vm0, $0x1, v3;
	v7 =	vshll.u32 v7, $0x8  }
0x1d8: {  	vm11 =	vgt.u32 v6, v4;
	v4 =	vmax.u32 v6, v4;
	v6 =	vor.u32 v2, v7  }
0x1d9: {  	v7 =	vsel vm11, $0x2, v8;
	vm12 =	vgt.u32 v5, v4;
	v5 =	vor.u32 v1, v6  }
0x1da: {  	v4 =	vsel vm12, $0x3, v7;
	v6 =	vadd.s32 $0x2C, v5;
	v7 =	vadd.s32 $0x2D, v5  }
0x1db: {  	v8 =	vadd.s32 $0x2A, v5;
	v5 =	vadd.s32 $0x2B, v5;
	v9 =	vshrl.u32 v7, $0x13  }
0x1dc: {  	v10 =	vshrl.u32 v6, $0x13;
	v11 =	vshll.u32 v6, $0xD;
	v12 =	vshll.u32 v7, $0xD  }
0x1dd: {  	v13 =	vshrl.u32 v8, $0x13;
	v14 =	vshll.u32 v8, $0xD;
	v15 =	vshrl.u32 v5, $0x13  }
0x1de: {  	v16 =	vshll.u32 v5, $0xD;
	v10 =	vor.u32 v10, v11;
	v9 =	vor.u32 v9, v12  }
0x1df: {  	v11 =	vor.u32 v13, v14;
	v12 =	vor.u32 v15, v16;
	v9 =	vxor.u32 v7, v9  }
0x1e0: {  	v11 =	vxor.u32 v8, v11;
	v12 =	vxor.u32 v5, v12;
	v10 =	vxor.u32 v6, v10  }
0x1e1: {  	v6 =	vadd.s32 v6, v10;
	v7 =	vadd.s32 v7, v9;
	v13 =	vshrl.u32 v9, $0x11  }
0x1e2: {  	v8 =	vadd.s32 v8, v11;
	v5 =	vadd.s32 v5, v12;
	v9 =	vshll.u32 v9, $0xF  }
0x1e3: {  	v14 =	vshrl.u32 v11, $0x11;
	v15 =	vshrl.u32 v10, $0x11;
	v10 =	vshll.u32 v10, $0xF  }
0x1e4: {  	v11 =	vshll.u32 v11, $0xF;
	v16 =	vshrl.u32 v12, $0x11;
	v12 =	vshll.u32 v12, $0xF  }
0x1e5: {  	v11 =	vor.u32 v14, v11;
	v10 =	vor.u32 v15, v10;
	v9 =	vor.u32 v13, v9  }
0x1e6: {  	v12 =	vor.u32 v16, v12;
	v10 =	vxor.u32 v6, v10;
	v9 =	vxor.u32 v7, v9  }
0x1e7: {  	v11 =	vxor.u32 v8, v11;
	v12 =	vxor.u32 v5, v12;
	v7 =	vadd.s32 v7, v9  }
0x1e8: {  	v6 =	vadd.s32 v6, v10;
	v13 =	vshrl.u32 v9, $0x6;
	v9 =	vshll.u32 v9, $0x1A  }
0x1e9: {  	v8 =	vadd.s32 v8, v11;
	v5 =	vadd.s32 v5, v12;
	v14 =	vshrl.u32 v10, $0x6  }
0x1ea: {  	v15 =	vshrl.u32 v11, $0x6;
	v11 =	vshll.u32 v11, $0x1A;
	v10 =	vshll.u32 v10, $0x1A  }
0x1eb: {  	v16 =	vshrl.u32 v12, $0x6;
	v12 =	vshll.u32 v12, $0x1A;
	v9 =	vor.u32 v13, v9  }
0x1ec: {  	v11 =	vor.u32 v15, v11;
	v12 =	vor.u32 v16, v12;
	v10 =	vor.u32 v14, v10  }
0x1ed: {  	v11 =	vxor.u32 v8, v11;
	v10 =	vxor.u32 v6, v10;
	v9 =	vxor.u32 v7, v9  }
0x1ee: {  	v12 =	vxor.u32 v5, v12;
	v6 =	vadd.s32 v6, v10;
	v7 =	vadd.s32 v7, v9  }
0x1ef: {  	v8 =	vadd.s32 v8, v11;
	v13 =	vshrl.u32 v9, $0x1A;
	v9 =	vshll.u32 v9, $0x6  }
0x1f0: {  	v5 =	vadd.s32 v5, v12;
	v14 =	vshrl.u32 v10, $0x1A;
	v10 =	vshll.u32 v10, $0x6  }
0x1f1: {  	v15 =	vshrl.u32 v11, $0x1A;
	v11 =	vshll.u32 v11, $0x6;
	v16 =	vshrl.u32 v12, $0x1A  }
0x1f2: {  	v12 =	vshll.u32 v12, $0x6;
	v10 =	vor.u32 v14, v10;
	v9 =	vor.u32 v13, v9  }
0x1f3: {  	v11 =	vor.u32 v15, v11;
	v12 =	vor.u32 v16, v12;
	v9 =	vxor.u32 v7, v9  }
0x1f4: {  	v11 =	vxor.u32 v8, v11;
	v12 =	vxor.u32 v5, v12;
	v10 =	vxor.u32 v6, v10  }
0x1f5: {  	v11 =	vadd.s32 $0x1BD11BF1, v11;
	v10 =	vadd.s32 $0x1BD11BF1, v10;
	v9 =	vadd.s32 $0x1BD11BF1, v9  }
0x1f6: {  	v12 =	vadd.s32 $0x1BD11BF1, v12;
	v7 =	vadd.s32 v9, v7;
	v13 =	vshrl.u32 v9, $0xF  }
0x1f7: {  	v6 =	vadd.s32 v10, v6;
	v14 =	vshrl.u32 v10, $0xF;
	v9 =	vshll.u32 v9, $0x11  }
0x1f8: {  	v8 =	vadd.s32 v11, v8;
	v15 =	vshrl.u32 v11, $0xF;
	v10 =	vshll.u32 v10, $0x11  }
0x1f9: {  	v11 =	vshll.u32 v11, $0x11;
	v5 =	vadd.s32 v12, v5;
	v16 =	vshrl.u32 v12, $0xF  }
0x1fa: {  	v12 =	vshll.u32 v12, $0x11;
	v7 =	vadd.s32 $0x2A, v7;
	v9 =	vor.u32 v13, v9  }
0x1fb: {  	v8 =	vadd.s32 $0x2A, v8;
	v6 =	vadd.s32 $0x2A, v6;
	v10 =	vor.u32 v14, v10  }
0x1fc: {  	v11 =	vor.u32 v15, v11;
	v5 =	vadd.s32 $0x2A, v5;
	v12 =	vor.u32 v16, v12  }
0x1fd: {  	v11 =	vxor.u32 v8, v11;
	v10 =	vxor.u32 v6, v10;
	v9 =	vxor.u32 v7, v9  }
0x1fe: {  	v12 =	vxor.u32 v5, v12;
	v6 =	vadd.s32 v6, v10;
	v7 =	vadd.s32 v7, v9  }
0x1ff: {  	v8 =	vadd.s32 v8, v11;
	v13 =	vshrl.u32 v9, $0x3;
	v9 =	vshll.u32 v9, $0x1D  }
0x200: {  	v5 =	vadd.s32 v5, v12;
	v14 =	vshrl.u32 v10, $0x3;
	v10 =	vshll.u32 v10, $0x1D  }
0x201: {  	v15 =	vshrl.u32 v11, $0x3;
	v11 =	vshll.u32 v11, $0x1D;
	v16 =	vshrl.u32 v12, $0x3  }
0x202: {  	v12 =	vshll.u32 v12, $0x1D;
	v10 =	vor.u32 v14, v10;
	v9 =	vor.u32 v13, v9  }
0x203: {  	v11 =	vor.u32 v15, v11;
	v12 =	vor.u32 v16, v12;
	v9 =	vxor.u32 v7, v9  }
0x204: {  	v11 =	vxor.u32 v8, v11;
	v12 =	vxor.u32 v5, v12;
	v10 =	vxor.u32 v6, v10  }
0x205: {  	v6 =	vadd.s32 v6, v10;
	v7 =	vadd.s32 v7, v9;
	v13 =	vshrl.u32 v9, $0x10  }
0x206: {  	v8 =	vadd.s32 v8, v11;
	v5 =	vadd.s32 v5, v12;
	v9 =	vshll.u32 v9, $0x10  }
0x207: {  	v14 =	vshrl.u32 v11, $0x10;
	v15 =	vshrl.u32 v10, $0x10;
	v10 =	vshll.u32 v10, $0x10  }
0x208: {  	v11 =	vshll.u32 v11, $0x10;
	v16 =	vshrl.u32 v12, $0x10;
	v12 =	vshll.u32 v12, $0x10  }
0x209: {  	v11 =	vor.u32 v14, v11;
	v10 =	vor.u32 v15, v10;
	v9 =	vor.u32 v13, v9  }
0x20a: {  	v12 =	vor.u32 v16, v12;
	v10 =	vxor.u32 v6, v10;
	v9 =	vxor.u32 v7, v9  }
0x20b: {  	v11 =	vxor.u32 v8, v11;
	v12 =	vxor.u32 v5, v12;
	v7 =	vadd.s32 v7, v9  }
0x20c: {  	v6 =	vadd.s32 v6, v10;
	v13 =	vshrl.u32 v9, $0x8;
	v9 =	vshll.u32 v9, $0x18  }
0x20d: {  	v8 =	vadd.s32 v8, v11;
	v5 =	vadd.s32 v5, v12;
	v14 =	vshrl.u32 v10, $0x8  }
0x20e: {  	v15 =	vshrl.u32 v11, $0x8;
	v11 =	vshll.u32 v11, $0x18;
	v10 =	vshll.u32 v10, $0x18  }
0x20f: {  	v16 =	vshrl.u32 v12, $0x8;
	v12 =	vshll.u32 v12, $0x18;
	v9 =	vor.u32 v13, v9  }
0x210: {  	v11 =	vor.u32 v15, v11;
	v12 =	vor.u32 v16, v12;
	v10 =	vor.u32 v14, v10  }
0x211: {  	v11 =	vxor.u32 v8, v11;
	v10 =	vxor.u32 v6, v10;
	v9 =	vxor.u32 v7, v9  }
0x212: {  	v12 =	vxor.u32 v5, v12;
	v10 =	vadd.s32 $0x2, v10;
	v9 =	vadd.s32 $0x2, v9  }
0x213: {  	v11 =	vadd.s32 $0x2, v11;
	v12 =	vadd.s32 $0x2, v12;
	v7 =	vadd.s32 v9, v7  }
0x214: {  	v6 =	vadd.s32 v10, v6;
	v13 =	vshrl.u32 v9, $0x13;
	v9 =	vshll.u32 v9, $0xD  }
0x215: {  	v8 =	vadd.s32 v11, v8;
	v14 =	vshrl.u32 v10, $0x13;
	v10 =	vshll.u32 v10, $0xD  }
0x216: {  	v15 =	vshrl.u32 v11, $0x13;
	v11 =	vshll.u32 v11, $0xD;
	v5 =	vadd.s32 v12, v5  }
0x217: {  	v16 =	vshrl.u32 v12, $0x13;
	v12 =	vshll.u32 v12, $0xD;
	v7 =	vadd.s32 $0x1BD11BF0, v7  }
0x218: {  	v6 =	vadd.s32 $0x1BD11BF0, v6;
	v10 =	vor.u32 v14, v10;
	v9 =	vor.u32 v13, v9  }
0x219: {  	v8 =	vadd.s32 $0x1BD11BF0, v8;
	v11 =	vor.u32 v15, v11;
	v5 =	vadd.s32 $0x1BD11BF0, v5  }
0x21a: {  	v12 =	vor.u32 v16, v12;
	v10 =	vxor.u32 v6, v10;
	v9 =	vxor.u32 v7, v9  }
0x21b: {  	v11 =	vxor.u32 v8, v11;
	v12 =	vxor.u32 v5, v12;
	v7 =	vadd.s32 v7, v9  }
0x21c: {  	v6 =	vadd.s32 v6, v10;
	v13 =	vshrl.u32 v9, $0x11;
	v9 =	vshll.u32 v9, $0xF  }
0x21d: {  	v8 =	vadd.s32 v8, v11;
	v5 =	vadd.s32 v5, v12;
	v14 =	vshrl.u32 v10, $0x11  }
0x21e: {  	v15 =	vshrl.u32 v11, $0x11;
	v11 =	vshll.u32 v11, $0xF;
	v10 =	vshll.u32 v10, $0xF  }
0x21f: {  	v16 =	vshrl.u32 v12, $0x11;
	v12 =	vshll.u32 v12, $0xF;
	v9 =	vor.u32 v13, v9  }
0x220: {  	v11 =	vor.u32 v15, v11;
	v12 =	vor.u32 v16, v12;
	v10 =	vor.u32 v14, v10  }
0x221: {  	v11 =	vxor.u32 v8, v11;
	v10 =	vxor.u32 v6, v10;
	v9 =	vxor.u32 v7, v9  }
0x222: {  	v12 =	vxor.u32 v5, v12;
	v6 =	vadd.s32 v6, v10;
	v7 =	vadd.s32 v7, v9  }
0x223: {  	v8 =	vadd.s32 v8, v11;
	v13 =	vshrl.u32 v9, $0x6;
	v9 =	vshll.u32 v9, $0x1A  }
0x224: {  	v5 =	vadd.s32 v5, v12;
	v14 =	vshrl.u32 v10, $0x6;
	v10 =	vshll.u32 v10, $0x1A  }
0x225: {  	v15 =	vshrl.u32 v11, $0x6;
	v11 =	vshll.u32 v11, $0x1A;
	v16 =	vshrl.u32 v12, $0x6  }
0x226: {  	v12 =	vshll.u32 v12, $0x1A;
	v10 =	vor.u32 v14, v10;
	v9 =	vor.u32 v13, v9  }
0x227: {  	v11 =	vor.u32 v15, v11;
	v12 =	vor.u32 v16, v12;
	v9 =	vxor.u32 v7, v9  }
0x228: {  	v11 =	vxor.u32 v8, v11;
	v12 =	vxor.u32 v5, v12;
	v10 =	vxor.u32 v6, v10  }
0x229: {  	v6 =	vadd.s32 v6, v10;
	v7 =	vadd.s32 v7, v9;
	v13 =	vshrl.u32 v9, $0x1A  }
0x22a: {  	v8 =	vadd.s32 v8, v11;
	v5 =	vadd.s32 v5, v12;
	v9 =	vshll.u32 v9, $0x6  }
0x22b: {  	v14 =	vshrl.u32 v11, $0x1A;
	v15 =	vshrl.u32 v10, $0x1A;
	v10 =	vshll.u32 v10, $0x6  }
0x22c: {  	v11 =	vshll.u32 v11, $0x6;
	v16 =	vshrl.u32 v12, $0x1A;
	v12 =	vshll.u32 v12, $0x6  }
0x22d: {  	v11 =	vor.u32 v14, v11;
	v10 =	vor.u32 v15, v10;
	v9 =	vor.u32 v13, v9  }
0x22e: {  	v12 =	vor.u32 v16, v12;
	v10 =	vxor.u32 v6, v10;
	v9 =	vxor.u32 v7, v9  }
0x22f: {  	v11 =	vxor.u32 v8, v11;
	v12 =	vxor.u32 v5, v12;
	v9 =	vadd.s32 $0x2D, v9  }
0x230: {  	v11 =	vadd.s32 $0x2D, v11;
	v12 =	vadd.s32 $0x2D, v12;
	v10 =	vadd.s32 $0x2D, v10  }
0x231: {  	v6 =	vadd.s32 v6, v10;
	v7 =	vadd.s32 v7, v9;
	v13 =	vshrl.u32 v9, $0xF  }
0x232: {  	v8 =	vadd.s32 v8, v11;
	v5 =	vadd.s32 v5, v12;
	v9 =	vshll.u32 v9, $0x11  }
0x233: {  	v14 =	vshrl.u32 v11, $0xF;
	v15 =	vshrl.u32 v10, $0xF;
	v10 =	vshll.u32 v10, $0x11  }
0x234: {  	v11 =	vshll.u32 v11, $0x11;
	v16 =	vshrl.u32 v12, $0xF;
	v12 =	vshll.u32 v12, $0x11  }
0x235: {  	v11 =	vor.u32 v14, v11;
	v10 =	vor.u32 v15, v10;
	v9 =	vor.u32 v13, v9  }
0x236: {  	v12 =	vor.u32 v16, v12;
	v10 =	vxor.u32 v6, v10;
	v9 =	vxor.u32 v7, v9  }
0x237: {  	v11 =	vxor.u32 v8, v11;
	v12 =	vxor.u32 v5, v12;
	v7 =	vadd.s32 v7, v9  }
0x238: {  	v6 =	vadd.s32 v6, v10;
	v13 =	vshrl.u32 v9, $0x3;
	v9 =	vshll.u32 v9, $0x1D  }
0x239: {  	v8 =	vadd.s32 v8, v11;
	v5 =	vadd.s32 v5, v12;
	v14 =	vshrl.u32 v10, $0x3  }
0x23a: {  	v15 =	vshrl.u32 v11, $0x3;
	v11 =	vshll.u32 v11, $0x1D;
	v10 =	vshll.u32 v10, $0x1D  }
0x23b: {  	v16 =	vshrl.u32 v12, $0x3;
	v12 =	vshll.u32 v12, $0x1D;
	v9 =	vor.u32 v13, v9  }
0x23c: {  	v11 =	vor.u32 v15, v11;
	v12 =	vor.u32 v16, v12;
	v10 =	vor.u32 v14, v10  }
0x23d: {  	v11 =	vxor.u32 v8, v11;
	v10 =	vxor.u32 v6, v10;
	v9 =	vxor.u32 v7, v9  }
0x23e: {  	v12 =	vxor.u32 v5, v12;
	v6 =	vadd.s32 v6, v10;
	v7 =	vadd.s32 v7, v9  }
0x23f: {  	v8 =	vadd.s32 v8, v11;
	v13 =	vshrl.u32 v9, $0x10;
	v9 =	vshll.u32 v9, $0x10  }
0x240: {  	v5 =	vadd.s32 v5, v12;
	v14 =	vshrl.u32 v10, $0x10;
	v10 =	vshll.u32 v10, $0x10  }
0x241: {  	v15 =	vshrl.u32 v11, $0x10;
	v11 =	vshll.u32 v11, $0x10;
	v16 =	vshrl.u32 v12, $0x10  }
0x242: {  	v12 =	vshll.u32 v12, $0x10;
	v10 =	vor.u32 v14, v10;
	v9 =	vor.u32 v13, v9  }
0x243: {  	v11 =	vor.u32 v15, v11;
	v12 =	vor.u32 v16, v12;
	v9 =	vxor.u32 v7, v9  }
0x244: {  	v11 =	vxor.u32 v8, v11;
	v12 =	vxor.u32 v5, v12;
	v10 =	vxor.u32 v6, v10  }
0x245: {  	v6 =	vadd.s32 v6, v10;
	v7 =	vadd.s32 v7, v9;
	v13 =	vshrl.u32 v9, $0x8  }
0x246: {  	v8 =	vadd.s32 v8, v11;
	v5 =	vadd.s32 v5, v12;
	v9 =	vshll.u32 v9, $0x18  }
0x247: {  	v14 =	vshrl.u32 v11, $0x8;
	v15 =	vshrl.u32 v10, $0x8;
	v10 =	vshll.u32 v10, $0x18  }
0x248: {  	v11 =	vshll.u32 v11, $0x18;
	v16 =	vshrl.u32 v12, $0x8;
	v12 =	vshll.u32 v12, $0x18  }
0x249: {  	v11 =	vor.u32 v14, v11;
	v10 =	vor.u32 v15, v10;
	v9 =	vor.u32 v13, v9  }
0x24a: {  	v12 =	vor.u32 v16, v12;
	v10 =	vxor.u32 v6, v10;
	v9 =	vxor.u32 v7, v9  }
0x24b: {  	v11 =	vxor.u32 v8, v11;
	v12 =	vxor.u32 v5, v12;
	v9 =	vadd.s32 $0x1BD11BF4, v9  }
0x24c: {  	v11 =	vadd.s32 $0x1BD11BF4, v11;
	v12 =	vadd.s32 $0x1BD11BF4, v12;
	v10 =	vadd.s32 $0x1BD11BF4, v10  }
0x24d: {  	v7 =	vadd.s32 v9, v7;
	v13 =	vshrl.u32 v9, $0x13;
	v9 =	vshll.u32 v9, $0xD  }
0x24e: {  	v6 =	vadd.s32 v10, v6;
	v14 =	vshrl.u32 v10, $0x13;
	v10 =	vshll.u32 v10, $0xD  }
0x24f: {  	v8 =	vadd.s32 v11, v8;
	v15 =	vshrl.u32 v11, $0x13;
	v11 =	vshll.u32 v11, $0xD  }
0x250: {  	v5 =	vadd.s32 v12, v5;
	v16 =	vshrl.u32 v12, $0x13;
	v12 =	vshll.u32 v12, $0xD  }
0x251: {  	v6 =	vadd.s32 $0x2A, v6;
	v7 =	vadd.s32 $0x2A, v7;
	v9 =	vor.u32 v13, v9  }
0x252: {  	v8 =	vadd.s32 $0x2A, v8;
	v11 =	vor.u32 v15, v11;
	v10 =	vor.u32 v14, v10  }
0x253: {  	v5 =	vadd.s32 $0x2A, v5;
	v12 =	vor.u32 v16, v12;
	v9 =	vxor.u32 v7, v9  }
0x254: {  	v11 =	vxor.u32 v8, v11;
	v12 =	vxor.u32 v5, v12;
	v10 =	vxor.u32 v6, v10  }
0x255: {  	v6 =	vadd.s32 v6, v10;
	v7 =	vadd.s32 v7, v9;
	v13 =	vshrl.u32 v9, $0x11  }
0x256: {  	v8 =	vadd.s32 v8, v11;
	v5 =	vadd.s32 v5, v12;
	v9 =	vshll.u32 v9, $0xF  }
0x257: {  	v14 =	vshrl.u32 v11, $0x11;
	v15 =	vshrl.u32 v10, $0x11;
	v10 =	vshll.u32 v10, $0xF  }
0x258: {  	v11 =	vshll.u32 v11, $0xF;
	v16 =	vshrl.u32 v12, $0x11;
	v12 =	vshll.u32 v12, $0xF  }
0x259: {  	v11 =	vor.u32 v14, v11;
	v10 =	vor.u32 v15, v10;
	v9 =	vor.u32 v13, v9  }
0x25a: {  	v12 =	vor.u32 v16, v12;
	v10 =	vxor.u32 v6, v10;
	v9 =	vxor.u32 v7, v9  }
0x25b: {  	v11 =	vxor.u32 v8, v11;
	v12 =	vxor.u32 v5, v12;
	v7 =	vadd.s32 v7, v9  }
0x25c: {  	v6 =	vadd.s32 v6, v10;
	v13 =	vshrl.u32 v9, $0x6;
	v9 =	vshll.u32 v9, $0x1A  }
0x25d: {  	v8 =	vadd.s32 v8, v11;
	v5 =	vadd.s32 v5, v12;
	v14 =	vshrl.u32 v10, $0x6  }
0x25e: {  	v15 =	vshrl.u32 v11, $0x6;
	v11 =	vshll.u32 v11, $0x1A;
	v10 =	vshll.u32 v10, $0x1A  }
0x25f: {  	v16 =	vshrl.u32 v12, $0x6;
	v12 =	vshll.u32 v12, $0x1A;
	v9 =	vor.u32 v13, v9  }
0x260: {  	v11 =	vor.u32 v15, v11;
	v12 =	vor.u32 v16, v12;
	v10 =	vor.u32 v14, v10  }
0x261: {  	v11 =	vxor.u32 v8, v11;
	v10 =	vxor.u32 v6, v10;
	v9 =	vxor.u32 v7, v9  }
0x262: {  	v12 =	vxor.u32 v5, v12;
	v6 =	vadd.s32 v6, v10;
	v7 =	vadd.s32 v7, v9  }
0x263: {  	v8 =	vadd.s32 v8, v11;
	v13 =	vshrl.u32 v9, $0x1A;
	v9 =	vshll.u32 v9, $0x6  }
0x264: {  	v5 =	vadd.s32 v5, v12;
	v14 =	vshrl.u32 v10, $0x1A;
	v10 =	vshll.u32 v10, $0x6  }
0x265: {  	v15 =	vshrl.u32 v11, $0x1A;
	v11 =	vshll.u32 v11, $0x6;
	v16 =	vshrl.u32 v12, $0x1A  }
0x266: {  	v12 =	vshll.u32 v12, $0x6;
	v17 =	vadd.s32 $0x1BD11BF0, v6;
	v62 =	vadd.s32 $0x1BD11BF0, v7  }
0x267: {  	v63 =	vadd.s32 $0x1BD11BF0, v8;
	v9 =	vor.u32 v13, v9;
	v13 =	vadd.s32 $0x1BD11BF0, v5  }
0x268: {  	v11 =	vor.u32 v15, v11;
	v12 =	vor.u32 v16, v12;
	v10 =	vor.u32 v14, v10  }
0x269: {  	v8 =	vxor.u32 v8, v11;
	v6 =	vxor.u32 v6, v10;
	v7 =	vxor.u32 v7, v9  }
0x26a: {  	v5 =	vxor.u32 v5, v12;
	v6 =	vadd.s32 $0x5, v6;
	v7 =	vadd.s32 $0x5, v7  }
0x26b: {  	v8 =	vadd.s32 $0x5, v8;
	v5 =	vadd.s32 $0x5, v5;
	v7 =	vxor.u32 v62, v7  }
0x26c: {  	v8 =	vxor.u32 v63, v8;
	v5 =	vxor.u32 v13, v5;
	v6 =	vxor.u32 v17, v6  }
0x26d: {  	s29 =	simm.s32 $0x3010;
	v8 =	vshrl.u32 v8, $0x9;
	v5 =	vshrl.u32 v5, $0x9;
	v7 =	vshrl.u32 v7, $0x9  }
0x26e: {  	vm13 =	vgt.u32 v5, v8;
	v5 =	vmax.u32 v5, v8;
	v8 =	vmov s29  }
0x26f: {  	v6 =	vshrl.u32 v6, $0x9;
	v9 =	vsel vm13, $0x1, v3;
	v8 =	vshll.u32 v8, $0x8  }
0x270: {  	vm14 =	vgt.u32 v6, v5;
	v5 =	vmax.u32 v6, v5;
	v6 =	vor.u32 v2, v8  }
0x271: {  	v8 =	vsel vm14, $0x2, v9;
	vm15 =	vgt.u32 v7, v5;
	v6 =	vor.u32 v1, v6  }
0x272: {  	v5 =	vsel vm15, $0x3, v8;
	v7 =	vadd.s32 $0x2C, v6;
	v8 =	vadd.s32 $0x2D, v6  }
0x273: {  	v9 =	vadd.s32 $0x2A, v6;
	v6 =	vadd.s32 $0x2B, v6;
	v10 =	vshrl.u32 v8, $0x13  }
0x274: {  	v11 =	vshrl.u32 v7, $0x13;
	v12 =	vshll.u32 v7, $0xD;
	v13 =	vshll.u32 v8, $0xD  }
0x275: {  	v14 =	vshrl.u32 v9, $0x13;
	v15 =	vshll.u32 v9, $0xD;
	v16 =	vshrl.u32 v6, $0x13  }
0x276: {  	v17 =	vshll.u32 v6, $0xD;
	v11 =	vor.u32 v11, v12;
	v10 =	vor.u32 v10, v13  }
0x277: {  	v12 =	vor.u32 v14, v15;
	v13 =	vor.u32 v16, v17;
	v10 =	vxor.u32 v8, v10  }
0x278: {  	v12 =	vxor.u32 v9, v12;
	v13 =	vxor.u32 v6, v13;
	v11 =	vxor.u32 v7, v11  }
0x279: {  	v7 =	vadd.s32 v7, v11;
	v8 =	vadd.s32 v8, v10;
	v14 =	vshrl.u32 v10, $0x11  }
0x27a: {  	v9 =	vadd.s32 v9, v12;
	v6 =	vadd.s32 v6, v13;
	v10 =	vshll.u32 v10, $0xF  }
0x27b: {  	v15 =	vshrl.u32 v12, $0x11;
	v16 =	vshrl.u32 v11, $0x11;
	v11 =	vshll.u32 v11, $0xF  }
0x27c: {  	v12 =	vshll.u32 v12, $0xF;
	v17 =	vshrl.u32 v13, $0x11;
	v13 =	vshll.u32 v13, $0xF  }
0x27d: {  	v12 =	vor.u32 v15, v12;
	v11 =	vor.u32 v16, v11;
	v10 =	vor.u32 v14, v10  }
0x27e: {  	v13 =	vor.u32 v17, v13;
	v11 =	vxor.u32 v7, v11;
	v10 =	vxor.u32 v8, v10  }
0x27f: {  	v12 =	vxor.u32 v9, v12;
	v13 =	vxor.u32 v6, v13;
	v8 =	vadd.s32 v8, v10  }
0x280: {  	v7 =	vadd.s32 v7, v11;
	v14 =	vshrl.u32 v10, $0x6;
	v10 =	vshll.u32 v10, $0x1A  }
0x281: {  	v9 =	vadd.s32 v9, v12;
	v6 =	vadd.s32 v6, v13;
	v15 =	vshrl.u32 v11, $0x6  }
0x282: {  	v16 =	vshrl.u32 v12, $0x6;
	v12 =	vshll.u32 v12, $0x1A;
	v11 =	vshll.u32 v11, $0x1A  }
0x283: {  	v17 =	vshrl.u32 v13, $0x6;
	v13 =	vshll.u32 v13, $0x1A;
	v10 =	vor.u32 v14, v10  }
0x284: {  	v12 =	vor.u32 v16, v12;
	v13 =	vor.u32 v17, v13;
	v11 =	vor.u32 v15, v11  }
0x285: {  	v12 =	vxor.u32 v9, v12;
	v11 =	vxor.u32 v7, v11;
	v10 =	vxor.u32 v8, v10  }
0x286: {  	v13 =	vxor.u32 v6, v13;
	v7 =	vadd.s32 v7, v11;
	v8 =	vadd.s32 v8, v10  }
0x287: {  	v9 =	vadd.s32 v9, v12;
	v14 =	vshrl.u32 v10, $0x1A;
	v10 =	vshll.u32 v10, $0x6  }
0x288: {  	v6 =	vadd.s32 v6, v13;
	v15 =	vshrl.u32 v11, $0x1A;
	v11 =	vshll.u32 v11, $0x6  }
0x289: {  	v16 =	vshrl.u32 v12, $0x1A;
	v12 =	vshll.u32 v12, $0x6;
	v17 =	vshrl.u32 v13, $0x1A  }
0x28a: {  	v13 =	vshll.u32 v13, $0x6;
	v11 =	vor.u32 v15, v11;
	v10 =	vor.u32 v14, v10  }
0x28b: {  	v12 =	vor.u32 v16, v12;
	v13 =	vor.u32 v17, v13;
	v10 =	vxor.u32 v8, v10  }
0x28c: {  	v12 =	vxor.u32 v9, v12;
	v13 =	vxor.u32 v6, v13;
	v11 =	vxor.u32 v7, v11  }
0x28d: {  	v12 =	vadd.s32 $0x1BD11BF1, v12;
	v11 =	vadd.s32 $0x1BD11BF1, v11;
	v10 =	vadd.s32 $0x1BD11BF1, v10  }
0x28e: {  	v13 =	vadd.s32 $0x1BD11BF1, v13;
	v8 =	vadd.s32 v10, v8;
	v14 =	vshrl.u32 v10, $0xF  }
0x28f: {  	v7 =	vadd.s32 v11, v7;
	v15 =	vshrl.u32 v11, $0xF;
	v10 =	vshll.u32 v10, $0x11  }
0x290: {  	v9 =	vadd.s32 v12, v9;
	v16 =	vshrl.u32 v12, $0xF;
	v11 =	vshll.u32 v11, $0x11  }
0x291: {  	v12 =	vshll.u32 v12, $0x11;
	v6 =	vadd.s32 v13, v6;
	v17 =	vshrl.u32 v13, $0xF  }
0x292: {  	v13 =	vshll.u32 v13, $0x11;
	v8 =	vadd.s32 $0x2A, v8;
	v10 =	vor.u32 v14, v10  }
0x293: {  	v9 =	vadd.s32 $0x2A, v9;
	v7 =	vadd.s32 $0x2A, v7;
	v11 =	vor.u32 v15, v11  }
0x294: {  	v12 =	vor.u32 v16, v12;
	v6 =	vadd.s32 $0x2A, v6;
	v13 =	vor.u32 v17, v13  }
0x295: {  	v12 =	vxor.u32 v9, v12;
	v11 =	vxor.u32 v7, v11;
	v10 =	vxor.u32 v8, v10  }
0x296: {  	v13 =	vxor.u32 v6, v13;
	v7 =	vadd.s32 v7, v11;
	v8 =	vadd.s32 v8, v10  }
0x297: {  	v9 =	vadd.s32 v9, v12;
	v14 =	vshrl.u32 v10, $0x3;
	v10 =	vshll.u32 v10, $0x1D  }
0x298: {  	v6 =	vadd.s32 v6, v13;
	v15 =	vshrl.u32 v11, $0x3;
	v11 =	vshll.u32 v11, $0x1D  }
0x299: {  	v16 =	vshrl.u32 v12, $0x3;
	v12 =	vshll.u32 v12, $0x1D;
	v17 =	vshrl.u32 v13, $0x3  }
0x29a: {  	v13 =	vshll.u32 v13, $0x1D;
	v11 =	vor.u32 v15, v11;
	v10 =	vor.u32 v14, v10  }
0x29b: {  	v12 =	vor.u32 v16, v12;
	v13 =	vor.u32 v17, v13;
	v10 =	vxor.u32 v8, v10  }
0x29c: {  	v12 =	vxor.u32 v9, v12;
	v13 =	vxor.u32 v6, v13;
	v11 =	vxor.u32 v7, v11  }
0x29d: {  	v7 =	vadd.s32 v7, v11;
	v8 =	vadd.s32 v8, v10;
	v14 =	vshrl.u32 v10, $0x10  }
0x29e: {  	v9 =	vadd.s32 v9, v12;
	v6 =	vadd.s32 v6, v13;
	v10 =	vshll.u32 v10, $0x10  }
0x29f: {  	v15 =	vshrl.u32 v12, $0x10;
	v16 =	vshrl.u32 v11, $0x10;
	v11 =	vshll.u32 v11, $0x10  }
0x2a0: {  	v12 =	vshll.u32 v12, $0x10;
	v17 =	vshrl.u32 v13, $0x10;
	v13 =	vshll.u32 v13, $0x10  }
0x2a1: {  	v12 =	vor.u32 v15, v12;
	v11 =	vor.u32 v16, v11;
	v10 =	vor.u32 v14, v10  }
0x2a2: {  	v13 =	vor.u32 v17, v13;
	v11 =	vxor.u32 v7, v11;
	v10 =	vxor.u32 v8, v10  }
0x2a3: {  	v12 =	vxor.u32 v9, v12;
	v13 =	vxor.u32 v6, v13;
	v8 =	vadd.s32 v8, v10  }
0x2a4: {  	v7 =	vadd.s32 v7, v11;
	v14 =	vshrl.u32 v10, $0x8;
	v10 =	vshll.u32 v10, $0x18  }
0x2a5: {  	v9 =	vadd.s32 v9, v12;
	v6 =	vadd.s32 v6, v13;
	v15 =	vshrl.u32 v11, $0x8  }
0x2a6: {  	v16 =	vshrl.u32 v12, $0x8;
	v12 =	vshll.u32 v12, $0x18;
	v11 =	vshll.u32 v11, $0x18  }
0x2a7: {  	v17 =	vshrl.u32 v13, $0x8;
	v13 =	vshll.u32 v13, $0x18;
	v10 =	vor.u32 v14, v10  }
0x2a8: {  	v12 =	vor.u32 v16, v12;
	v13 =	vor.u32 v17, v13;
	v11 =	vor.u32 v15, v11  }
0x2a9: {  	v12 =	vxor.u32 v9, v12;
	v11 =	vxor.u32 v7, v11;
	v10 =	vxor.u32 v8, v10  }
0x2aa: {  	v13 =	vxor.u32 v6, v13;
	v11 =	vadd.s32 $0x2, v11;
	v10 =	vadd.s32 $0x2, v10  }
0x2ab: {  	v12 =	vadd.s32 $0x2, v12;
	v13 =	vadd.s32 $0x2, v13;
	v8 =	vadd.s32 v10, v8  }
0x2ac: {  	v7 =	vadd.s32 v11, v7;
	v14 =	vshrl.u32 v10, $0x13;
	v10 =	vshll.u32 v10, $0xD  }
0x2ad: {  	v9 =	vadd.s32 v12, v9;
	v15 =	vshrl.u32 v11, $0x13;
	v11 =	vshll.u32 v11, $0xD  }
0x2ae: {  	v16 =	vshrl.u32 v12, $0x13;
	v12 =	vshll.u32 v12, $0xD;
	v6 =	vadd.s32 v13, v6  }
0x2af: {  	v17 =	vshrl.u32 v13, $0x13;
	v13 =	vshll.u32 v13, $0xD;
	v8 =	vadd.s32 $0x1BD11BF0, v8  }
0x2b0: {  	v7 =	vadd.s32 $0x1BD11BF0, v7;
	v11 =	vor.u32 v15, v11;
	v10 =	vor.u32 v14, v10  }
0x2b1: {  	v9 =	vadd.s32 $0x1BD11BF0, v9;
	v12 =	vor.u32 v16, v12;
	v6 =	vadd.s32 $0x1BD11BF0, v6  }
0x2b2: {  	v13 =	vor.u32 v17, v13;
	v11 =	vxor.u32 v7, v11;
	v10 =	vxor.u32 v8, v10  }
0x2b3: {  	v12 =	vxor.u32 v9, v12;
	v13 =	vxor.u32 v6, v13;
	v8 =	vadd.s32 v8, v10  }
0x2b4: {  	v7 =	vadd.s32 v7, v11;
	v14 =	vshrl.u32 v10, $0x11;
	v10 =	vshll.u32 v10, $0xF  }
0x2b5: {  	v15 =	vadd.s32 v9, v12;
	v16 =	vadd.s32 v6, v13;
	v6 =	vshrl.u32 v11, $0x11  }
0x2b6: {  	v9 =	vshrl.u32 v12, $0x11;
	v12 =	vshll.u32 v12, $0xF;
	v11 =	vshll.u32 v11, $0xF  }
0x2b7: {  	v17 =	vshrl.u32 v13, $0x11;
	v13 =	vshll.u32 v13, $0xF;
	v10 =	vor.u32 v14, v10  }
0x2b8: {  	v9 =	vor.u32 v9, v12;
	v12 =	vor.u32 v17, v13;
	v6 =	vor.u32 v6, v11  }
0x2b9: {  	s10 =	sadd.s32 $0x20, s10;
	v14 =	vxor.u32 v15, v9;
	v13 =	vxor.u32 v7, v6;
	v11 =	vxor.u32 v8, v10  }
0x2ba: {  	s30 =	sand.u32 $0x70, s9;
	s9 =	simm.s32 $0x0;
	s10 =	sand.u32 $0x1F00, s10;
	v9 =	vxor.u32 v16, v12;
	v7 =	vadd.s32 v7, v13;
	v6 =	vadd.s32 v8, v11  }
0x2bb: {  	s31 =	sand.u32 $0x70, s9;
	s12 =	sand.u32 $0x1F00, s9;
	s10 =	sor.u32 s30, s10;
	v8 =	vadd.s32 v15, v14;
	v10 =	vshrl.u32 v11, $0x6;
	v11 =	vshll.u32 v11, $0x1A  }
0x2bc: {  	s11 =	sor.u32 s31, s12;
	[tilespmem:s10+$0x0] =	vst v4;
	v4 =	vadd.s32 v16, v9;
	v12 =	vshrl.u32 v13, $0x6;
	v13 =	vshll.u32 v13, $0x1A  }
0x2bd: {  	s10 =	simm.s32 $0x10;
	[tilespmem:s11+$0x80] =	vst v5;
	s11 =	simm.s32 $0x20;
	v5 =	vshrl.u32 v14, $0x6;
	v14 =	vshll.u32 v14, $0x1A;
	v15 =	vshrl.u32 v9, $0x6  }
.LBB2_4:
0x2be: {  	p0 =	sne.s32 s11, $0xFF0;
	v9 =	vshll.u32 v9, $0x1A;
	v12 =	vor.u32 v12, v13;
	v10 =	vor.u32 v10, v11  }
0x2bf: {  	v5 =	vor.u32 v5, v14;
	v9 =	vor.u32 v15, v9;
	v10 =	vxor.u32 v6, v10  }
0x2c0: {  	v5 =	vxor.u32 v8, v5;
	v11 =	vxor.u32 v7, v12;
	v9 =	vxor.u32 v4, v9  }
0x2c1: {  	v7 =	vadd.s32 v7, v11;
	v6 =	vadd.s32 v6, v10;
	v12 =	vshrl.u32 v10, $0x1A  }
0x2c2: {  	v8 =	vadd.s32 v8, v5;
	v10 =	vshll.u32 v10, $0x6;
	v4 =	vadd.s32 v4, v9  }
0x2c3: {  	v13 =	vshrl.u32 v5, $0x1A;
	v14 =	vshrl.u32 v11, $0x1A;
	v11 =	vshll.u32 v11, $0x6  }
0x2c4: {  	v5 =	vshll.u32 v5, $0x6;
	v15 =	vshrl.u32 v9, $0x1A;
	v9 =	vshll.u32 v9, $0x6  }
0x2c5: {  	v5 =	vor.u32 v13, v5;
	v11 =	vor.u32 v14, v11;
	v10 =	vor.u32 v12, v10  }
0x2c6: {  	v9 =	vor.u32 v15, v9;
	v11 =	vxor.u32 v7, v11;
	v10 =	vxor.u32 v6, v10  }
0x2c7: {  	v5 =	vxor.u32 v8, v5;
	v9 =	vxor.u32 v4, v9;
	v10 =	vadd.s32 $0x2D, v10  }
0x2c8: {  	v5 =	vadd.s32 $0x2D, v5;
	v11 =	vadd.s32 $0x2D, v11;
	v9 =	vadd.s32 $0x2D, v9  }
0x2c9: {  	v7 =	vadd.s32 v7, v11;
	v6 =	vadd.s32 v6, v10;
	v12 =	vshrl.u32 v10, $0xF  }
0x2ca: {  	v8 =	vadd.s32 v8, v5;
	v10 =	vshll.u32 v10, $0x11;
	v4 =	vadd.s32 v4, v9  }
0x2cb: {  	v13 =	vshrl.u32 v5, $0xF;
	v14 =	vshrl.u32 v11, $0xF;
	v11 =	vshll.u32 v11, $0x11  }
0x2cc: {  	v5 =	vshll.u32 v5, $0x11;
	v15 =	vshrl.u32 v9, $0xF;
	v9 =	vshll.u32 v9, $0x11  }
0x2cd: {  	v5 =	vor.u32 v13, v5;
	v11 =	vor.u32 v14, v11;
	v10 =	vor.u32 v12, v10  }
0x2ce: {  	v9 =	vor.u32 v15, v9;
	v11 =	vxor.u32 v7, v11;
	v10 =	vxor.u32 v6, v10  }
0x2cf: {  	v5 =	vxor.u32 v8, v5;
	v9 =	vxor.u32 v4, v9;
	v6 =	vadd.s32 v6, v10  }
0x2d0: {  	v7 =	vadd.s32 v7, v11;
	v12 =	vshrl.u32 v10, $0x3;
	v10 =	vshll.u32 v10, $0x1D  }
0x2d1: {  	v8 =	vadd.s32 v8, v5;
	v13 =	vshrl.u32 v11, $0x3;
	v4 =	vadd.s32 v4, v9  }
0x2d2: {  	v14 =	vshrl.u32 v5, $0x3;
	v5 =	vshll.u32 v5, $0x1D;
	v11 =	vshll.u32 v11, $0x1D  }
0x2d3: {  	v15 =	vshrl.u32 v9, $0x3;
	v9 =	vshll.u32 v9, $0x1D;
	v10 =	vor.u32 v12, v10  }
0x2d4: {  	v5 =	vor.u32 v14, v5;
	v11 =	vor.u32 v13, v11;
	v9 =	vor.u32 v15, v9  }
0x2d5: {  	v5 =	vxor.u32 v8, v5;
	v11 =	vxor.u32 v7, v11;
	v10 =	vxor.u32 v6, v10  }
0x2d6: {  	v9 =	vxor.u32 v4, v9;
	v7 =	vadd.s32 v7, v11;
	v6 =	vadd.s32 v6, v10  }
0x2d7: {  	v8 =	vadd.s32 v8, v5;
	v12 =	vshrl.u32 v10, $0x10;
	v10 =	vshll.u32 v10, $0x10  }
0x2d8: {  	v13 =	vshrl.u32 v11, $0x10;
	v11 =	vshll.u32 v11, $0x10;
	v4 =	vadd.s32 v4, v9  }
0x2d9: {  	v14 =	vshrl.u32 v5, $0x10;
	v5 =	vshll.u32 v5, $0x10;
	v15 =	vshrl.u32 v9, $0x10  }
0x2da: {  	v9 =	vshll.u32 v9, $0x10;
	v11 =	vor.u32 v13, v11;
	v10 =	vor.u32 v12, v10  }
0x2db: {  	v5 =	vor.u32 v14, v5;
	v9 =	vor.u32 v15, v9;
	v10 =	vxor.u32 v6, v10  }
0x2dc: {  	v5 =	vxor.u32 v8, v5;
	v11 =	vxor.u32 v7, v11;
	v9 =	vxor.u32 v4, v9  }
0x2dd: {  	v7 =	vadd.s32 v7, v11;
	v6 =	vadd.s32 v6, v10;
	v12 =	vshrl.u32 v10, $0x8  }
0x2de: {  	v8 =	vadd.s32 v8, v5;
	v10 =	vshll.u32 v10, $0x18;
	v4 =	vadd.s32 v4, v9  }
0x2df: {  	v13 =	vshrl.u32 v5, $0x8;
	v14 =	vshrl.u32 v11, $0x8;
	v11 =	vshll.u32 v11, $0x18  }
0x2e0: {  	v5 =	vshll.u32 v5, $0x18;
	v15 =	vshrl.u32 v9, $0x8;
	v9 =	vshll.u32 v9, $0x18  }
0x2e1: {  	v5 =	vor.u32 v13, v5;
	v11 =	vor.u32 v14, v11;
	v10 =	vor.u32 v12, v10  }
0x2e2: {  	v9 =	vor.u32 v15, v9;
	v11 =	vxor.u32 v7, v11;
	v10 =	vxor.u32 v6, v10  }
0x2e3: {  	v5 =	vxor.u32 v8, v5;
	v9 =	vxor.u32 v4, v9;
	v10 =	vadd.s32 $0x1BD11BF4, v10  }
0x2e4: {  	v5 =	vadd.s32 $0x1BD11BF4, v5;
	v11 =	vadd.s32 $0x1BD11BF4, v11;
	v9 =	vadd.s32 $0x1BD11BF4, v9  }
0x2e5: {  	v6 =	vadd.s32 v10, v6;
	v12 =	vshrl.u32 v10, $0x13;
	v10 =	vshll.u32 v10, $0xD  }
0x2e6: {  	v7 =	vadd.s32 v11, v7;
	v13 =	vshrl.u32 v11, $0x13;
	v11 =	vshll.u32 v11, $0xD  }
0x2e7: {  	v8 =	vadd.s32 v5, v8;
	v14 =	vshrl.u32 v5, $0x13;
	v5 =	vshll.u32 v5, $0xD  }
0x2e8: {  	v4 =	vadd.s32 v9, v4;
	v15 =	vshrl.u32 v9, $0x13;
	v9 =	vshll.u32 v9, $0xD  }
0x2e9: {  	v7 =	vadd.s32 $0x2A, v7;
	v6 =	vadd.s32 $0x2A, v6;
	v10 =	vor.u32 v12, v10  }
0x2ea: {  	v8 =	vadd.s32 $0x2A, v8;
	v5 =	vor.u32 v14, v5;
	v11 =	vor.u32 v13, v11  }
0x2eb: {  	v4 =	vadd.s32 $0x2A, v4;
	v9 =	vor.u32 v15, v9;
	v10 =	vxor.u32 v6, v10  }
0x2ec: {  	v5 =	vxor.u32 v8, v5;
	v11 =	vxor.u32 v7, v11;
	v9 =	vxor.u32 v4, v9  }
0x2ed: {  	v7 =	vadd.s32 v7, v11;
	v6 =	vadd.s32 v6, v10;
	v12 =	vshrl.u32 v10, $0x11  }
0x2ee: {  	v8 =	vadd.s32 v8, v5;
	v10 =	vshll.u32 v10, $0xF;
	v4 =	vadd.s32 v4, v9  }
0x2ef: {  	v13 =	vshrl.u32 v5, $0x11;
	v14 =	vshrl.u32 v11, $0x11;
	v11 =	vshll.u32 v11, $0xF  }
0x2f0: {  	v5 =	vshll.u32 v5, $0xF;
	v15 =	vshrl.u32 v9, $0x11;
	v9 =	vshll.u32 v9, $0xF  }
0x2f1: {  	v5 =	vor.u32 v13, v5;
	v11 =	vor.u32 v14, v11;
	v10 =	vor.u32 v12, v10  }
0x2f2: {  	v9 =	vor.u32 v15, v9;
	v11 =	vxor.u32 v7, v11;
	v10 =	vxor.u32 v6, v10  }
0x2f3: {  	v5 =	vxor.u32 v8, v5;
	v9 =	vxor.u32 v4, v9;
	v6 =	vadd.s32 v6, v10  }
0x2f4: {  	v7 =	vadd.s32 v7, v11;
	v12 =	vshrl.u32 v10, $0x6;
	v10 =	vshll.u32 v10, $0x1A  }
0x2f5: {  	v8 =	vadd.s32 v8, v5;
	v13 =	vshrl.u32 v11, $0x6;
	v4 =	vadd.s32 v4, v9  }
0x2f6: {  	v14 =	vshrl.u32 v5, $0x6;
	v5 =	vshll.u32 v5, $0x1A;
	v11 =	vshll.u32 v11, $0x1A  }
0x2f7: {  	v15 =	vshrl.u32 v9, $0x6;
	v9 =	vshll.u32 v9, $0x1A;
	v10 =	vor.u32 v12, v10  }
0x2f8: {  	v5 =	vor.u32 v14, v5;
	v11 =	vor.u32 v13, v11;
	v9 =	vor.u32 v15, v9  }
0x2f9: {  	v5 =	vxor.u32 v8, v5;
	v11 =	vxor.u32 v7, v11;
	v10 =	vxor.u32 v6, v10  }
0x2fa: {  	v9 =	vxor.u32 v4, v9;
	v7 =	vadd.s32 v7, v11;
	v6 =	vadd.s32 v6, v10  }
0x2fb: {  	v8 =	vadd.s32 v8, v5;
	v12 =	vshrl.u32 v10, $0x1A;
	v10 =	vshll.u32 v10, $0x6  }
0x2fc: {  	v13 =	vshrl.u32 v11, $0x1A;
	v11 =	vshll.u32 v11, $0x6;
	v4 =	vadd.s32 v4, v9  }
0x2fd: {  	v14 =	vshrl.u32 v5, $0x1A;
	v5 =	vshll.u32 v5, $0x6;
	v15 =	vshrl.u32 v9, $0x1A  }
0x2fe: {  	v9 =	vshll.u32 v9, $0x6;
	v16 =	vadd.s32 $0x1BD11BF0, v7;
	v17 =	vadd.s32 $0x1BD11BF0, v6  }
0x2ff: {  	v18 =	vadd.s32 $0x1BD11BF0, v8;
	v10 =	vor.u32 v12, v10;
	v19 =	vadd.s32 $0x1BD11BF0, v4  }
0x300: {  	v5 =	vor.u32 v14, v5;
	v11 =	vor.u32 v13, v11;
	v9 =	vor.u32 v15, v9  }
0x301: {  	v5 =	vxor.u32 v8, v5;
	v7 =	vxor.u32 v7, v11;
	v6 =	vxor.u32 v6, v10  }
0x302: {  	v4 =	vxor.u32 v4, v9;
	v7 =	vadd.s32 $0x5, v7;
	v6 =	vadd.s32 $0x5, v6  }
0x303: {  	v5 =	vadd.s32 $0x5, v5;
	v4 =	vadd.s32 $0x5, v4;
	v6 =	vxor.u32 v17, v6  }
0x304: {  	v5 =	vxor.u32 v18, v5;
	v7 =	vxor.u32 v16, v7;
	v4 =	vxor.u32 v19, v4  }
0x305: {  	v5 =	vshrl.u32 v5, $0x9;
	v6 =	vshrl.u32 v6, $0x9;
	v4 =	vshrl.u32 v4, $0x9  }
0x306: {  	vm0 =	vgt.u32 v4, v5;
	v4 =	vmax.u32 v4, v5;
	v5 =	vshrl.u32 v7, $0x9  }
0x307: {  	s12 =	sadd.s32 $0x3000, s11;
	s9 =	sadd.s32 $0x20, s9;
	v7 =	vsel vm0, $0x1, v3;
	vm0 =	vgt.u32 v5, v4;
	v4 =	vmax.u32 v5, v4  }
0x308: {  	s13 =	sand.u32 $0x1F00, s9;
	v5 =	vmov s12;
	s12 =	sand.u32 $0x70, s10;
	s10 =	smov.u32 s11;
	v7 =	vsel vm0, $0x2, v7;
	vm0 =	vgt.u32 v6, v4  }
0x309: {  	v4 =	vshll.u32 v5, $0x8;
	s12 =	sor.u32 s12, s13;
	v5 =	vsel vm0, $0x3, v7  }
0x30a: {  	v4 =	vor.u32 v2, v4;
	[tilespmem:s12+$0x80] =	vst v5  }
0x30b: {  	v4 =	vor.u32 v1, v4  }
0x30c: {  	v6 =	vadd.s32 $0x2D, v4;
	v5 =	vadd.s32 $0x2C, v4  }
0x30d: {  	v7 =	vadd.s32 $0x2A, v4;
	v8 =	vshrl.u32 v6, $0x13;
	v4 =	vadd.s32 $0x2B, v4  }
0x30e: {  	v11 =	vshll.u32 v6, $0xD;
	v9 =	vshrl.u32 v5, $0x13;
	v10 =	vshll.u32 v5, $0xD  }
0x30f: {  	v12 =	vshrl.u32 v7, $0x13;
	v13 =	vshll.u32 v7, $0xD;
	v14 =	vshrl.u32 v4, $0x13  }
0x310: {  	v8 =	vor.u32 v8, v11;
	v15 =	vshll.u32 v4, $0xD;
	v9 =	vor.u32 v9, v10  }
0x311: {  	v8 =	vxor.u32 v6, v8;
	v10 =	vor.u32 v12, v13;
	v11 =	vor.u32 v14, v15  }
0x312: {  	v10 =	vxor.u32 v7, v10;
	v11 =	vxor.u32 v4, v11;
	v9 =	vxor.u32 v5, v9  }
0x313: {  	v6 =	vadd.s32 v6, v8;
	v12 =	vshrl.u32 v8, $0x11;
	v5 =	vadd.s32 v5, v9  }
0x314: {  	v8 =	vshll.u32 v8, $0xF;
	v7 =	vadd.s32 v7, v10;
	v4 =	vadd.s32 v4, v11  }
0x315: {  	v13 =	vshrl.u32 v10, $0x11;
	v14 =	vshrl.u32 v9, $0x11;
	v9 =	vshll.u32 v9, $0xF  }
0x316: {  	v10 =	vshll.u32 v10, $0xF;
	v15 =	vshrl.u32 v11, $0x11;
	v11 =	vshll.u32 v11, $0xF  }
0x317: {  	v8 =	vor.u32 v12, v8;
	v10 =	vor.u32 v13, v10;
	v9 =	vor.u32 v14, v9  }
0x318: {  	v8 =	vxor.u32 v6, v8;
	v11 =	vor.u32 v15, v11;
	v9 =	vxor.u32 v5, v9  }
0x319: {  	v6 =	vadd.s32 v6, v8;
	v10 =	vxor.u32 v7, v10;
	v11 =	vxor.u32 v4, v11  }
0x31a: {  	v12 =	vshrl.u32 v8, $0x6;
	v8 =	vshll.u32 v8, $0x1A;
	v5 =	vadd.s32 v5, v9  }
0x31b: {  	v7 =	vadd.s32 v7, v10;
	v4 =	vadd.s32 v4, v11;
	v13 =	vshrl.u32 v9, $0x6  }
0x31c: {  	v14 =	vshrl.u32 v10, $0x6;
	v10 =	vshll.u32 v10, $0x1A;
	v9 =	vshll.u32 v9, $0x1A  }
0x31d: {  	v8 =	vor.u32 v12, v8;
	v15 =	vshrl.u32 v11, $0x6;
	v11 =	vshll.u32 v11, $0x1A  }
0x31e: {  	v10 =	vor.u32 v14, v10;
	v11 =	vor.u32 v15, v11;
	v9 =	vor.u32 v13, v9  }
0x31f: {  	v8 =	vxor.u32 v6, v8;
	v10 =	vxor.u32 v7, v10;
	v9 =	vxor.u32 v5, v9  }
0x320: {  	v6 =	vadd.s32 v6, v8;
	v11 =	vxor.u32 v4, v11;
	v5 =	vadd.s32 v5, v9  }
0x321: {  	v12 =	vshrl.u32 v8, $0x1A;
	v8 =	vshll.u32 v8, $0x6;
	v7 =	vadd.s32 v7, v10  }
0x322: {  	v4 =	vadd.s32 v4, v11;
	v13 =	vshrl.u32 v9, $0x1A;
	v9 =	vshll.u32 v9, $0x6  }
0x323: {  	v14 =	vshrl.u32 v10, $0x1A;
	v10 =	vshll.u32 v10, $0x6;
	v15 =	vshrl.u32 v11, $0x1A  }
0x324: {  	v8 =	vor.u32 v12, v8;
	v11 =	vshll.u32 v11, $0x6;
	v9 =	vor.u32 v13, v9  }
0x325: {  	v8 =	vxor.u32 v6, v8;
	v10 =	vor.u32 v14, v10;
	v11 =	vor.u32 v15, v11  }
0x326: {  	v10 =	vxor.u32 v7, v10;
	v11 =	vxor.u32 v4, v11;
	v9 =	vxor.u32 v5, v9  }
0x327: {  	v8 =	vadd.s32 $0x1BD11BF1, v8;
	v10 =	vadd.s32 $0x1BD11BF1, v10;
	v9 =	vadd.s32 $0x1BD11BF1, v9  }
0x328: {  	v6 =	vadd.s32 v8, v6;
	v12 =	vshrl.u32 v8, $0xF;
	v11 =	vadd.s32 $0x1BD11BF1, v11  }
0x329: {  	v8 =	vshll.u32 v8, $0x11;
	v5 =	vadd.s32 v9, v5;
	v13 =	vshrl.u32 v9, $0xF  }
0x32a: {  	v7 =	vadd.s32 v10, v7;
	v14 =	vshrl.u32 v10, $0xF;
	v9 =	vshll.u32 v9, $0x11  }
0x32b: {  	v10 =	vshll.u32 v10, $0x11;
	v4 =	vadd.s32 v11, v4;
	v15 =	vshrl.u32 v11, $0xF  }
0x32c: {  	v6 =	vadd.s32 $0x2A, v6;
	v8 =	vor.u32 v12, v8;
	v11 =	vshll.u32 v11, $0x11  }
0x32d: {  	v7 =	vadd.s32 $0x2A, v7;
	v5 =	vadd.s32 $0x2A, v5;
	v9 =	vor.u32 v13, v9  }
0x32e: {  	v10 =	vor.u32 v14, v10;
	v4 =	vadd.s32 $0x2A, v4;
	v11 =	vor.u32 v15, v11  }
0x32f: {  	v8 =	vxor.u32 v6, v8;
	v10 =	vxor.u32 v7, v10;
	v9 =	vxor.u32 v5, v9  }
0x330: {  	v6 =	vadd.s32 v6, v8;
	v11 =	vxor.u32 v4, v11;
	v5 =	vadd.s32 v5, v9  }
0x331: {  	v12 =	vshrl.u32 v8, $0x3;
	v8 =	vshll.u32 v8, $0x1D;
	v7 =	vadd.s32 v7, v10  }
0x332: {  	v4 =	vadd.s32 v4, v11;
	v13 =	vshrl.u32 v9, $0x3;
	v9 =	vshll.u32 v9, $0x1D  }
0x333: {  	v14 =	vshrl.u32 v10, $0x3;
	v10 =	vshll.u32 v10, $0x1D;
	v15 =	vshrl.u32 v11, $0x3  }
0x334: {  	v8 =	vor.u32 v12, v8;
	v11 =	vshll.u32 v11, $0x1D;
	v9 =	vor.u32 v13, v9  }
0x335: {  	v8 =	vxor.u32 v6, v8;
	v10 =	vor.u32 v14, v10;
	v11 =	vor.u32 v15, v11  }
0x336: {  	v10 =	vxor.u32 v7, v10;
	v11 =	vxor.u32 v4, v11;
	v9 =	vxor.u32 v5, v9  }
0x337: {  	v6 =	vadd.s32 v6, v8;
	v12 =	vshrl.u32 v8, $0x10;
	v5 =	vadd.s32 v5, v9  }
0x338: {  	v8 =	vshll.u32 v8, $0x10;
	v7 =	vadd.s32 v7, v10;
	v4 =	vadd.s32 v4, v11  }
0x339: {  	v13 =	vshrl.u32 v10, $0x10;
	v14 =	vshrl.u32 v9, $0x10;
	v9 =	vshll.u32 v9, $0x10  }
0x33a: {  	v10 =	vshll.u32 v10, $0x10;
	v15 =	vshrl.u32 v11, $0x10;
	v11 =	vshll.u32 v11, $0x10  }
0x33b: {  	v8 =	vor.u32 v12, v8;
	v10 =	vor.u32 v13, v10;
	v9 =	vor.u32 v14, v9  }
0x33c: {  	v8 =	vxor.u32 v6, v8;
	v11 =	vor.u32 v15, v11;
	v9 =	vxor.u32 v5, v9  }
0x33d: {  	v6 =	vadd.s32 v6, v8;
	v10 =	vxor.u32 v7, v10;
	v11 =	vxor.u32 v4, v11  }
0x33e: {  	v12 =	vshrl.u32 v8, $0x8;
	v8 =	vshll.u32 v8, $0x18;
	v5 =	vadd.s32 v5, v9  }
0x33f: {  	v7 =	vadd.s32 v7, v10;
	v4 =	vadd.s32 v4, v11;
	v13 =	vshrl.u32 v9, $0x8  }
0x340: {  	v14 =	vshrl.u32 v10, $0x8;
	v10 =	vshll.u32 v10, $0x18;
	v9 =	vshll.u32 v9, $0x18  }
0x341: {  	v8 =	vor.u32 v12, v8;
	v15 =	vshrl.u32 v11, $0x8;
	v11 =	vshll.u32 v11, $0x18  }
0x342: {  	v10 =	vor.u32 v14, v10;
	v11 =	vor.u32 v15, v11;
	v9 =	vor.u32 v13, v9  }
0x343: {  	v8 =	vxor.u32 v6, v8;
	v10 =	vxor.u32 v7, v10;
	v9 =	vxor.u32 v5, v9  }
0x344: {  	v8 =	vadd.s32 $0x2, v8;
	v11 =	vxor.u32 v4, v11;
	v9 =	vadd.s32 $0x2, v9  }
0x345: {  	v6 =	vadd.s32 v8, v6;
	v10 =	vadd.s32 $0x2, v10;
	v11 =	vadd.s32 $0x2, v11  }
0x346: {  	v12 =	vshrl.u32 v8, $0x13;
	v8 =	vshll.u32 v8, $0xD;
	v5 =	vadd.s32 v9, v5  }
0x347: {  	v7 =	vadd.s32 v10, v7;
	v13 =	vshrl.u32 v9, $0x13;
	v9 =	vshll.u32 v9, $0xD  }
0x348: {  	v14 =	vshrl.u32 v10, $0x13;
	v10 =	vshll.u32 v10, $0xD;
	v4 =	vadd.s32 v11, v4  }
0x349: {  	v6 =	vadd.s32 $0x1BD11BF0, v6;
	v15 =	vshrl.u32 v11, $0x13;
	v11 =	vshll.u32 v11, $0xD  }
0x34a: {  	v8 =	vor.u32 v12, v8;
	v5 =	vadd.s32 $0x1BD11BF0, v5;
	v9 =	vor.u32 v13, v9  }
0x34b: {  	v7 =	vadd.s32 $0x1BD11BF0, v7;
	v10 =	vor.u32 v14, v10;
	v4 =	vadd.s32 $0x1BD11BF0, v4  }
0x34c: {  	v8 =	vxor.u32 v6, v8;
	v11 =	vor.u32 v15, v11;
	v9 =	vxor.u32 v5, v9  }
0x34d: {  	v6 =	vadd.s32 v6, v8;
	v10 =	vxor.u32 v7, v10;
	v11 =	vxor.u32 v4, v11  }
0x34e: {  	v12 =	vshrl.u32 v8, $0x11;
	v8 =	vshll.u32 v8, $0xF;
	v5 =	vadd.s32 v5, v9  }
0x34f: {  	v13 =	vadd.s32 v7, v10;
	v4 =	vadd.s32 v4, v11;
	v7 =	vshrl.u32 v9, $0x11  }
0x350: {  	v14 =	vshrl.u32 v10, $0x11;
	v10 =	vshll.u32 v10, $0xF;
	v9 =	vshll.u32 v9, $0xF  }
0x351: {  	v8 =	vor.u32 v12, v8;
	v15 =	vshrl.u32 v11, $0x11;
	v11 =	vshll.u32 v11, $0xF  }
0x352: {  	v10 =	vor.u32 v14, v10;
	v11 =	vor.u32 v15, v11;
	v7 =	vor.u32 v7, v9  }
.Ltmp1:
0x353: {  	v12 =	vxor.u32 v6, v8;
	v14 =	vxor.u32 v13, v10;
	v15 =	vxor.u32 v5, v7;
	(pc) =	sbr.rel @p0 .LBB2_4-.Ltmp1, $4  }
0x354: {  	v6 =	vadd.s32 v6, v12;
	v9 =	vxor.u32 v4, v11;
	v7 =	vadd.s32 v5, v15  }
0x355: {  	v10 =	vshrl.u32 v12, $0x6;
	v11 =	vshll.u32 v12, $0x1A;
	v8 =	vadd.s32 v13, v14  }
0x356: {  	v4 =	vadd.s32 v4, v9;
	v12 =	vshrl.u32 v15, $0x6;
	v13 =	vshll.u32 v15, $0x1A  }
0x357: {  	s11 =	sadd.s32 $0x10, s11;
	v5 =	vshrl.u32 v14, $0x6;
	v14 =	vshll.u32 v14, $0x1A;
	v15 =	vshrl.u32 v9, $0x6  }
0x358: {  	v9 =	vshll.u32 v9, $0x1A;
	v12 =	vor.u32 v12, v13;
	v10 =	vor.u32 v10, v11  }
0x359: {  	v5 =	vor.u32 v5, v14;
	v9 =	vor.u32 v15, v9;
	v10 =	vxor.u32 v6, v10  }
0x35a: {  	v5 =	vxor.u32 v8, v5;
	v26 =	vxor.u32 v7, v12;
	v9 =	vxor.u32 v4, v9  }
0x35b: {  	v7 =	vadd.s32 v7, v26;
	v6 =	vadd.s32 v6, v10;
	v27 =	vshrl.u32 v10, $0x1A  }
0x35c: {  	v8 =	vadd.s32 v8, v5;
	v10 =	vshll.u32 v10, $0x6;
	v28 =	vshrl.u32 v5, $0x1A  }
0x35d: {  	v29 =	vshrl.u32 v26, $0x1A;
	v11 =	vshll.u32 v26, $0x6;
	v5 =	vshll.u32 v5, $0x6  }
0x35e: {  	v4 =	vadd.s32 v4, v9;
	v30 =	vshrl.u32 v9, $0x1A;
	v9 =	vshll.u32 v9, $0x6  }
0x35f: {  	v5 =	vor.u32 v28, v5;
	v11 =	vor.u32 v29, v11;
	v10 =	vor.u32 v27, v10  }
0x360: {  	v9 =	vor.u32 v30, v9;
	v11 =	vxor.u32 v7, v11;
	v10 =	vxor.u32 v6, v10  }
0x361: {  	v5 =	vxor.u32 v8, v5;
	v9 =	vxor.u32 v4, v9;
	v10 =	vadd.s32 $0x2D, v10  }
0x362: {  	v5 =	vadd.s32 $0x2D, v5;
	v11 =	vadd.s32 $0x2D, v11;
	v9 =	vadd.s32 $0x2D, v9  }
0x363: {  	v7 =	vadd.s32 v7, v11;
	v6 =	vadd.s32 v6, v10;
	v31 =	vshrl.u32 v10, $0xF  }
0x364: {  	v8 =	vadd.s32 v8, v5;
	v10 =	vshll.u32 v10, $0x11;
	v32 =	vshrl.u32 v5, $0xF  }
0x365: {  	v33 =	vshrl.u32 v11, $0xF;
	v11 =	vshll.u32 v11, $0x11;
	v5 =	vshll.u32 v5, $0x11  }
0x366: {  	v4 =	vadd.s32 v4, v9;
	v34 =	vshrl.u32 v9, $0xF;
	v9 =	vshll.u32 v9, $0x11  }
0x367: {  	v5 =	vor.u32 v32, v5;
	v11 =	vor.u32 v33, v11;
	v10 =	vor.u32 v31, v10  }
0x368: {  	v9 =	vor.u32 v34, v9;
	v11 =	vxor.u32 v7, v11;
	v10 =	vxor.u32 v6, v10  }
0x369: {  	v5 =	vxor.u32 v8, v5;
	v9 =	vxor.u32 v4, v9;
	v6 =	vadd.s32 v6, v10  }
0x36a: {  	v7 =	vadd.s32 v7, v11;
	v35 =	vshrl.u32 v10, $0x3;
	v10 =	vshll.u32 v10, $0x1D  }
0x36b: {  	v8 =	vadd.s32 v8, v5;
	v36 =	vshrl.u32 v11, $0x3;
	v37 =	vshrl.u32 v5, $0x3  }
0x36c: {  	v5 =	vshll.u32 v5, $0x1D;
	v11 =	vshll.u32 v11, $0x1D;
	v4 =	vadd.s32 v4, v9  }
0x36d: {  	v38 =	vshrl.u32 v9, $0x3;
	v9 =	vshll.u32 v9, $0x1D;
	v10 =	vor.u32 v35, v10  }
0x36e: {  	v5 =	vor.u32 v37, v5;
	v11 =	vor.u32 v36, v11;
	v9 =	vor.u32 v38, v9  }
0x36f: {  	v5 =	vxor.u32 v8, v5;
	v11 =	vxor.u32 v7, v11;
	v10 =	vxor.u32 v6, v10  }
0x370: {  	v9 =	vxor.u32 v4, v9;
	v7 =	vadd.s32 v7, v11;
	v6 =	vadd.s32 v6, v10  }
0x371: {  	v8 =	vadd.s32 v8, v5;
	v39 =	vshrl.u32 v10, $0x10;
	v10 =	vshll.u32 v10, $0x10  }
0x372: {  	v40 =	vshrl.u32 v11, $0x10;
	v11 =	vshll.u32 v11, $0x10;
	v41 =	vshrl.u32 v5, $0x10  }
0x373: {  	v5 =	vshll.u32 v5, $0x10;
	v4 =	vadd.s32 v4, v9;
	v42 =	vshrl.u32 v9, $0x10  }
0x374: {  	v9 =	vshll.u32 v9, $0x10;
	v11 =	vor.u32 v40, v11;
	v10 =	vor.u32 v39, v10  }
0x375: {  	v5 =	vor.u32 v41, v5;
	v9 =	vor.u32 v42, v9;
	v10 =	vxor.u32 v6, v10  }
0x376: {  	v5 =	vxor.u32 v8, v5;
	v11 =	vxor.u32 v7, v11;
	v9 =	vxor.u32 v4, v9  }
0x377: {  	v7 =	vadd.s32 v7, v11;
	v6 =	vadd.s32 v6, v10;
	v43 =	vshrl.u32 v10, $0x8  }
0x378: {  	v8 =	vadd.s32 v8, v5;
	v10 =	vshll.u32 v10, $0x18;
	v44 =	vshrl.u32 v5, $0x8  }
0x379: {  	v45 =	vshrl.u32 v11, $0x8;
	v11 =	vshll.u32 v11, $0x18;
	v5 =	vshll.u32 v5, $0x18  }
0x37a: {  	v4 =	vadd.s32 v4, v9;
	v46 =	vshrl.u32 v9, $0x8;
	v9 =	vshll.u32 v9, $0x18  }
0x37b: {  	v5 =	vor.u32 v44, v5;
	v11 =	vor.u32 v45, v11;
	v10 =	vor.u32 v43, v10  }
0x37c: {  	v9 =	vor.u32 v46, v9;
	v11 =	vxor.u32 v7, v11;
	v10 =	vxor.u32 v6, v10  }
0x37d: {  	v5 =	vxor.u32 v8, v5;
	v9 =	vxor.u32 v4, v9;
	v10 =	vadd.s32 $0x1BD11BF4, v10  }
0x37e: {  	v5 =	vadd.s32 $0x1BD11BF4, v5;
	v11 =	vadd.s32 $0x1BD11BF4, v11;
	v9 =	vadd.s32 $0x1BD11BF4, v9  }
0x37f: {  	v6 =	vadd.s32 v10, v6;
	v47 =	vshrl.u32 v10, $0x13;
	v10 =	vshll.u32 v10, $0xD  }
0x380: {  	v7 =	vadd.s32 v11, v7;
	v48 =	vshrl.u32 v11, $0x13;
	v11 =	vshll.u32 v11, $0xD  }
0x381: {  	v8 =	vadd.s32 v5, v8;
	v49 =	vshrl.u32 v5, $0x13;
	v5 =	vshll.u32 v5, $0xD  }
0x382: {  	v4 =	vadd.s32 v9, v4;
	v50 =	vshrl.u32 v9, $0x13;
	v9 =	vshll.u32 v9, $0xD  }
0x383: {  	v7 =	vadd.s32 $0x2A, v7;
	v6 =	vadd.s32 $0x2A, v6;
	v10 =	vor.u32 v47, v10  }
0x384: {  	v8 =	vadd.s32 $0x2A, v8;
	v5 =	vor.u32 v49, v5;
	v11 =	vor.u32 v48, v11  }
0x385: {  	v4 =	vadd.s32 $0x2A, v4;
	v9 =	vor.u32 v50, v9;
	v10 =	vxor.u32 v6, v10  }
0x386: {  	v5 =	vxor.u32 v8, v5;
	v11 =	vxor.u32 v7, v11;
	v9 =	vxor.u32 v4, v9  }
0x387: {  	v7 =	vadd.s32 v7, v11;
	v6 =	vadd.s32 v6, v10;
	v51 =	vshrl.u32 v10, $0x11  }
0x388: {  	v8 =	vadd.s32 v8, v5;
	v10 =	vshll.u32 v10, $0xF;
	v52 =	vshrl.u32 v5, $0x11  }
0x389: {  	v53 =	vshrl.u32 v11, $0x11;
	v11 =	vshll.u32 v11, $0xF;
	v5 =	vshll.u32 v5, $0xF  }
0x38a: {  	v4 =	vadd.s32 v4, v9;
	v54 =	vshrl.u32 v9, $0x11;
	v9 =	vshll.u32 v9, $0xF  }
0x38b: {  	v5 =	vor.u32 v52, v5;
	v11 =	vor.u32 v53, v11;
	v10 =	vor.u32 v51, v10  }
0x38c: {  	v9 =	vor.u32 v54, v9;
	v11 =	vxor.u32 v7, v11;
	v10 =	vxor.u32 v6, v10  }
0x38d: {  	v5 =	vxor.u32 v8, v5;
	v9 =	vxor.u32 v4, v9;
	v6 =	vadd.s32 v6, v10  }
0x38e: {  	v7 =	vadd.s32 v7, v11;
	v55 =	vshrl.u32 v10, $0x6;
	v10 =	vshll.u32 v10, $0x1A  }
0x38f: {  	v8 =	vadd.s32 v8, v5;
	v56 =	vshrl.u32 v11, $0x6;
	v57 =	vshrl.u32 v5, $0x6  }
0x390: {  	v5 =	vshll.u32 v5, $0x1A;
	v11 =	vshll.u32 v11, $0x1A;
	v4 =	vadd.s32 v4, v9  }
0x391: {  	v58 =	vshrl.u32 v9, $0x6;
	v9 =	vshll.u32 v9, $0x1A;
	v10 =	vor.u32 v55, v10  }
0x392: {  	v5 =	vor.u32 v57, v5;
	v11 =	vor.u32 v56, v11;
	v9 =	vor.u32 v58, v9  }
0x393: {  	v5 =	vxor.u32 v8, v5;
	v11 =	vxor.u32 v7, v11;
	v10 =	vxor.u32 v6, v10  }
0x394: {  	v9 =	vxor.u32 v4, v9;
	v7 =	vadd.s32 v7, v11;
	v6 =	vadd.s32 v6, v10  }
0x395: {  	v8 =	vadd.s32 v8, v5;
	v59 =	vshrl.u32 v10, $0x1A;
	v10 =	vshll.u32 v10, $0x6  }
0x396: {  	v60 =	vshrl.u32 v11, $0x1A;
	v11 =	vshll.u32 v11, $0x6;
	v61 =	vshrl.u32 v5, $0x1A  }
0x397: {  	v5 =	vshll.u32 v5, $0x6;
	v4 =	vadd.s32 v4, v9;
	v62 =	vshrl.u32 v9, $0x1A  }
0x398: {  	v9 =	vshll.u32 v9, $0x6;
	v16 =	vadd.s32 $0x1BD11BF0, v7;
	v17 =	vadd.s32 $0x1BD11BF0, v6  }
0x399: {  	v18 =	vadd.s32 $0x1BD11BF0, v8;
	v10 =	vor.u32 v59, v10;
	v5 =	vor.u32 v61, v5  }
0x39a: {  	v11 =	vor.u32 v60, v11;
	v19 =	vadd.s32 $0x1BD11BF0, v4;
	v9 =	vor.u32 v62, v9  }
0x39b: {  	v5 =	vxor.u32 v8, v5;
	v7 =	vxor.u32 v7, v11;
	v6 =	vxor.u32 v6, v10  }
0x39c: {  	v4 =	vxor.u32 v4, v9;
	v7 =	vadd.s32 $0x5, v7;
	v6 =	vadd.s32 $0x5, v6  }
0x39d: {  	v5 =	vadd.s32 $0x5, v5;
	v4 =	vadd.s32 $0x5, v4;
	v6 =	vxor.u32 v17, v6  }
0x39e: {  	v5 =	vxor.u32 v18, v5;
	v7 =	vxor.u32 v16, v7;
	v4 =	vxor.u32 v19, v4  }
0x39f: {  	v5 =	vshrl.u32 v5, $0x9;
	v6 =	vshrl.u32 v6, $0x9;
	v4 =	vshrl.u32 v4, $0x9  }
0x3a0: {  	vm0 =	vgt.u32 v4, v5;
	v4 =	vmax.u32 v4, v5;
	v5 =	vshrl.u32 v7, $0x9  }
0x3a1: {  	s9 =	sadd.s32 $0x20, s9;
	v63 =	vsel vm0, $0x1, v3;
	vm14 =	vgt.u32 v5, v4;
	v4 =	vmax.u32 v5, v4  }
0x3a2: {  	s10 =	sand.u32 $0x70, s10;
	s8 =	sadd.s32 $0x1, s8;
	s9 =	sand.u32 $0x1F00, s9;
	v5 =	vsel vm14, $0x2, v63;
	vm15 =	vgt.u32 v6, v4  }
0x3a3: {  	p0 =	sne.s32 s8, s4;
	s9 =	sor.u32 s10, s9;
	v4 =	vsel vm15, $0x3, v5  }
.Ltmp2:
0x3a4: {  	[tilespmem:s9+$0x80] =	vst v4;
	(pc) =	sbr.rel @p0 .LBB2_1-.Ltmp2, $4  }
0x3a5: {  	[hbm4b:s3+s5] =	stream.strided.scatter [tilespmem:s2], [sflag:$0x1], $0x2000, s6, s5, $0x38;
	[tilespmem:$0x2000] =	vst v63  }
0x3a6: {  	_ =	swait.ge [sflag:s7], $0x2000  }
0x3a7: {  	[sflag:s7] =	ssyncset.done $0x0  }
0x3a8: {  	[sflag:s7] =	ssyncadd.s32 $0xFFFFE000  }
0x3a9: {  	_ =	sfence.sel $0x180000  }
0x3aa: {  	[bflag:$0x0] =	sbarrier.arrive $0xFFFF  }
0x3ab: {  	p0 =	sne.s32 s1, $0x0;
	_ =	strace $0x90000047  }
0x3ac: {  	s0 =	sadd.s32 @!p0 $0x100000, s0;
	[bflag:$0x2] =	sbarrier.arrive $0xFFFF  }
0x3ad: {  	[sflag:s0] =	ssyncadd.tile.s32 @!p0 $0x1;
	_ =	shalt  }
.Lfunc_end2:
_tile_overlayer_lowered:
.L_overlay_start_2:
0x3ae: {  	(tag) =	ssettag $0x2  }
0x3af: {  	s0 =	rddreg [dreg:$0x0];
	s2 =	stileid.u32  }
0x3b0: {  	s1 =	rddreg [dreg:$0x1];
	p0 =	sne.s32 s2, $0x0  }
0x3b1: {  	s3 =	rddreg [dreg:$0x2];
	[bflag:$0x3] =	sbarrier.arrive $0xFFFF;
	s2 =	simm.s32 @!p0 $0x1C01  }
0x3b2: {  	[timem:s3], [sflag:s2] =	dma.local @!p0 [hbm:s0], s1  }
0x3b3: {  	s0 =	simm.s32 @!p0 $0x1  }
0x3b4: {  	_ =	swait.ge @!p0 [sflag:s0], s1  }
0x3b5: {  	s1 =	ssub.s32 @!p0 $0x0, s1;
	[sflag:s0] =	ssyncset.done @!p0 $0x0  }
0x3b6: {  	[sflag:s0] =	ssyncadd.s32 @!p0 s1  }
0x3b7: {  	[bflag:$0x3] =	sbarrier.arrive $0xFFFF  }
0x3b8: {  	_ =	shalt  }

</sc_bundles>
